<compile_context>
chip_gen: v7x
topology: tpu7x:2x2x1
jax: 0.10.2.dev20260603
libtpu: 0.0.44.dev20260713+nightly
codegen_flags: <defaults>
</compile_context>

<pallas_src>
import functools

import jax
import jax.numpy as jnp
from jax import lax
from jax.experimental import pallas as pl
from jax.experimental.pallas import tpu as pltpu
from jax.experimental.pallas import tpu_sc as plsc

DIM = 128
HDIM = DIM // 2
EDIM = 16
NN = 10000
NE = 320000

NC = 2
NS = 16
NW = NC * NS
CHUNK = 64
NCHT = NE // CHUNK
MAXCH = (NCHT + NW - 1) // NW
RPT = 624
RTAIL = NN - NS * RPT
SRCW = 2 * DIM
DSTW = DIM
EGW = HDIM
PACK = DIM // EDIM
NER = NE // PACK

_F32 = jnp.float32
_U32 = jnp.uint32


def _sigmoid(x):
    return 1.0 / (1.0 + jnp.exp(-x))


def _pk(lo, hi):
    ulo = lax.bitcast_convert_type(lo, _U32)
    uhi = lax.bitcast_convert_type(hi, _U32)
    r = _U32(0x8000)
    return (((ulo + r) >> _U32(16)) | ((uhi + r) & _U32(0xFFFF0000)))


_BN = 2000


def _node_pre_body(h_ref, wls_ref, bls_ref, whs_ref, bhs_ref,
                   wld_ref, bld_ref, whd_ref, bhd_ref, src_ref, dst_ref):
    h = h_ref[...]
    lo_s = jnp.dot(h, wls_ref[...], preferred_element_type=_F32) + bls_ref[...]
    hi_s = jnp.dot(h, whs_ref[...], preferred_element_type=_F32) + bhs_ref[...]
    lo_d = jnp.dot(h, wld_ref[...], preferred_element_type=_F32) + bld_ref[...]
    hi_d = jnp.dot(h, whd_ref[...], preferred_element_type=_F32) + bhd_ref[...]
    src_ref[...] = _pk(lo_s, hi_s)
    dst_ref[...] = _pk(lo_d, hi_d)


_node_pre = pl.pallas_call(
    _node_pre_body,
    grid=(NN // _BN,),
    in_specs=[
        pl.BlockSpec((_BN, DIM), lambda i: (i, 0)),
        pl.BlockSpec((DIM, SRCW), lambda i: (0, 0)),
        pl.BlockSpec((1, SRCW), lambda i: (0, 0)),
        pl.BlockSpec((DIM, SRCW), lambda i: (0, 0)),
        pl.BlockSpec((1, SRCW), lambda i: (0, 0)),
        pl.BlockSpec((DIM, DSTW), lambda i: (0, 0)),
        pl.BlockSpec((1, DSTW), lambda i: (0, 0)),
        pl.BlockSpec((DIM, DSTW), lambda i: (0, 0)),
        pl.BlockSpec((1, DSTW), lambda i: (0, 0)),
    ],
    out_specs=[
        pl.BlockSpec((_BN, SRCW), lambda i: (i, 0)),
        pl.BlockSpec((_BN, DSTW), lambda i: (i, 0)),
    ],
    out_shape=[
        jax.ShapeDtypeStruct((NN, SRCW), _U32),
        jax.ShapeDtypeStruct((NN, DSTW), _U32),
    ],
)


_BE = 8000


def _eg_body(e_ref, wl_ref, bl_ref, wh_ref, bh_ref, o_ref):
    e = e_ref[...]
    lo = jnp.dot(e, wl_ref[...], preferred_element_type=_F32) + bl_ref[...]
    hi = jnp.dot(e, wh_ref[...], preferred_element_type=_F32) + bh_ref[...]
    o_ref[...] = _pk(lo, hi)


_eg_pre = pl.pallas_call(
    _eg_body,
    grid=(NE // _BE,),
    in_specs=[
        pl.BlockSpec((_BE, EDIM), lambda i: (i, 0)),
        pl.BlockSpec((EDIM, EGW), lambda i: (0, 0)),
        pl.BlockSpec((1, EGW), lambda i: (0, 0)),
        pl.BlockSpec((EDIM, EGW), lambda i: (0, 0)),
        pl.BlockSpec((1, EGW), lambda i: (0, 0)),
    ],
    out_specs=pl.BlockSpec((_BE, EGW), lambda i: (i, 0)),
    out_shape=jax.ShapeDtypeStruct((NE, EGW), _U32),
)


_sc_mesh = plsc.VectorSubcoreMesh(core_axis_name="c", subcore_axis_name="s")


HALF = CHUNK // 2
RING = 8
RINGE = RING * CHUNK
IDXPAD = 2 * RINGE


@functools.partial(
    pl.kernel,
    mesh=_sc_mesh,
    compiler_params=pltpu.CompilerParams(needs_layout_passes=False),
    out_type=[
        jax.ShapeDtypeStruct((NC, NN, DIM), _F32),
        jax.ShapeDtypeStruct((NER, DIM), _F32),
    ],
    scratch_types=[
        pltpu.VMEM((2 * RINGE,), jnp.int32),
        pltpu.VMEM((2 * RINGE,), jnp.int32),
        pltpu.VMEM((2, HALF), jnp.int32),
        pltpu.VMEM((2, HALF), jnp.int32),
        pltpu.VMEM((2, HALF, SRCW), _U32),
        pltpu.VMEM((2, HALF, DSTW), _U32),
        pltpu.VMEM((2, HALF, EGW), _U32),
        pltpu.VMEM((2, HALF, DIM), _F32),
        pltpu.VMEM((CHUNK // PACK, DIM), _F32),
        pltpu.VMEM_SHARED((NN, DIM), _F32),
        pltpu.SemaphoreType.DMA,
        pltpu.SemaphoreType.DMA,
        pltpu.SemaphoreType.DMA,
        pltpu.SemaphoreType.DMA,
        pltpu.SemaphoreType.DMA,
        pltpu.SemaphoreType.DMA,
    ],
)
def _sc_edge(src_tab, dst_tab, eg, src_idx, dst_idx, agg_out, s16_out,
             sring, dring, sidx2, didx2, sbuf2, dbuf2, egbuf2, mbuf2,
             s16buf, aggsh, sem_s0, sem_s1, sem_d0, sem_d1, sem_e0, sem_e1):
    cid = lax.axis_index("c")
    sid = lax.axis_index("s")
    wid = cid * NS + sid

    sems = ((sem_s0, sem_d0, sem_e0), (sem_s1, sem_d1, sem_e1))

    def _unlo(w):
        return plsc.bitcast(w << _U32(16), _F32)

    def _unhi(w):
        return plsc.bitcast(w & _U32(0xFFFF0000), _F32)

    zero16 = jnp.zeros((16,), _F32)

    @plsc.parallel_loop(0, HALF, unroll=4)
    def _zrow(i):
        for j in range(DIM // 16):
            mbuf2[0, i, pl.ds(j * 16, 16)] = zero16

    rbase = sid * RPT
    for z in range(RPT // HALF):
        pltpu.sync_copy(mbuf2.at[0], aggsh.at[pl.ds(rbase + z * HALF, HALF)])
    _ztail = RPT - (RPT // HALF) * HALF
    pltpu.sync_copy(mbuf2.at[0, pl.ds(0, _ztail)],
                    aggsh.at[pl.ds(rbase + RPT - _ztail, _ztail)])

    @pl.when(sid == 0)
    def _zero_tail():
        pltpu.sync_copy(mbuf2.at[0, pl.ds(0, RTAIL)],
                        aggsh.at[pl.ds(NS * RPT, RTAIL)])

    plsc.subcore_barrier()

    start = wid * (MAXCH - 1) + jnp.minimum(wid, NCHT - NW * (MAXCH - 1))
    nch = jnp.where(wid < NCHT - NW * (MAXCH - 1), MAXCH, MAXCH - 1)

    def _fill(p, tv, hv):
        pos = (((tv // RING) % 2) * RING + tv % RING) * CHUNK + hv * HALF
        for kk in range(HALF // 16):
            sidx2[p, pl.ds(kk * 16, 16)] = sring[pl.ds(pos + kk * 16, 16)]
            didx2[p, pl.ds(kk * 16, 16)] = dring[pl.ds(pos + kk * 16, 16)]

    def _issue(p, ci, hv):
        eb = ci * CHUNK + hv * HALF
        pltpu.async_copy(src_tab.at[sidx2.at[p]], sbuf2.at[p], sems[p][0])
        pltpu.async_copy(dst_tab.at[didx2.at[p]], dbuf2.at[p], sems[p][1])
        pltpu.async_copy(eg.at[pl.ds(eb, HALF)], egbuf2.at[p], sems[p][2])

    def _wait(p):
        pltpu.make_async_copy(src_tab.at[sidx2.at[p]], sbuf2.at[p],
                              sems[p][0]).wait()
        pltpu.make_async_copy(dst_tab.at[didx2.at[p]], dbuf2.at[p],
                              sems[p][1]).wait()
        pltpu.make_async_copy(eg.at[pl.ds(0, HALF)], egbuf2.at[p],
                              sems[p][2]).wait()

    def _compute(p):
        @plsc.parallel_loop(0, HALF, unroll=4)
        def _row(i):
            for jj in range(4):
                ws_a = sbuf2[p, i, pl.ds(jj * 16, 16)]
                ws_b = sbuf2[p, i, pl.ds((jj + 4) * 16, 16)]
                wd = dbuf2[p, i, pl.ds(jj * 16, 16)]
                we = egbuf2[p, i, pl.ds(jj * 16, 16)]
                za = _unlo(ws_a) + _unlo(wd) + _unlo(we)
                zb = _unlo(ws_b) + _unhi(wd) + _unhi(we)
                mbuf2[p, i, pl.ds(jj * 16, 16)] = (
                    _unhi(ws_a) / (1.0 + jnp.exp(-za)))
                mbuf2[p, i, pl.ds((jj + 4) * 16, 16)] = (
                    _unhi(ws_b) / (1.0 + jnp.exp(-zb)))
            wy = sbuf2[p, i, pl.ds(DIM, 16)]
            wyd = dbuf2[p, i, pl.ds(HDIM, 16)]
            s16buf[p * (HALF // PACK) + i // PACK,
                   pl.ds((i % PACK) * EDIM, EDIM)] = _unlo(wy) + _unlo(wyd)

        pltpu.sync_copy(mbuf2.at[p], aggsh.at[didx2.at[p]], add=True)

    rb0 = start * CHUNK
    pltpu.sync_copy(src_idx.at[pl.ds(rb0, RINGE)], sring.at[pl.ds(0, RINGE)])
    pltpu.sync_copy(dst_idx.at[pl.ds(rb0, RINGE)], dring.at[pl.ds(0, RINGE)])
    _fill(0, 0, 0)
    _issue(0, start, 0)

    def _chunk(t, carry):
        ci = start + t

        @pl.when(t % RING == 0)
        def _refill():
            w1 = t // RING + 1
            rb = (start + w1 * RING) * CHUNK
            ro = (w1 % 2) * RINGE
            pltpu.sync_copy(src_idx.at[pl.ds(rb, RINGE)],
                            sring.at[pl.ds(ro, RINGE)])
            pltpu.sync_copy(dst_idx.at[pl.ds(rb, RINGE)],
                            dring.at[pl.ds(ro, RINGE)])

        valid = t < nch

        @pl.when(valid)
        def _half_b_issue():
            _fill(1, t, 1)
            _issue(1, ci, 1)

        @pl.when(valid)
        def _half_a_run():
            _wait(0)
            _compute(0)

        @pl.when(t + 1 < nch)
        def _half_a_next():
            _fill(0, t + 1, 0)
            _issue(0, ci + 1, 0)

        @pl.when(valid)
        def _half_b_run():
            _wait(1)
            _compute(1)
            pltpu.sync_copy(s16buf,
                            s16_out.at[pl.ds(ci * (CHUNK // PACK),
                                             CHUNK // PACK)])

        return carry

    lax.fori_loop(0, MAXCH, _chunk, 0)

    plsc.subcore_barrier()
    pltpu.sync_copy(aggsh.at[pl.ds(rbase, RPT)],
                    agg_out.at[cid, pl.ds(rbase, RPT)])

    @pl.when(sid == 0)
    def _write_tail():
        pltpu.sync_copy(aggsh.at[pl.ds(NS * RPT, RTAIL)],
                        agg_out.at[cid, pl.ds(NS * RPT, RTAIL)])


def _node_post_body(h_ref, a0_ref, a1_ref, w1h_ref, w1a_ref, b1_ref,
                    w2_ref, b2_ref, g_ref, bn_ref, o_ref):
    h = h_ref[...]
    agg = a0_ref[0] + a1_ref[0]
    t = (jnp.dot(h, w1h_ref[...], preferred_element_type=_F32)
         + jnp.dot(agg, w1a_ref[...], preferred_element_type=_F32)
         + b1_ref[...])
    t = t * _sigmoid(t)
    nu = jnp.dot(t, w2_ref[...], preferred_element_type=_F32) + b2_ref[...]
    x = h + nu
    mu = jnp.mean(x, axis=1, keepdims=True)
    d = x - mu
    var = jnp.mean(d * d, axis=1, keepdims=True)
    o_ref[...] = d * lax.rsqrt(var + 1e-5) * g_ref[...] + bn_ref[...]


_node_post = pl.pallas_call(
    _node_post_body,
    grid=(NN // _BN,),
    in_specs=[
        pl.BlockSpec((_BN, DIM), lambda i: (i, 0)),
        pl.BlockSpec((1, _BN, DIM), lambda i: (0, i, 0)),
        pl.BlockSpec((1, _BN, DIM), lambda i: (1, i, 0)),
        pl.BlockSpec((DIM, DIM), lambda i: (0, 0)),
        pl.BlockSpec((DIM, DIM), lambda i: (0, 0)),
        pl.BlockSpec((1, DIM), lambda i: (0, 0)),
        pl.BlockSpec((DIM, DIM), lambda i: (0, 0)),
        pl.BlockSpec((1, DIM), lambda i: (0, 0)),
        pl.BlockSpec((1, DIM), lambda i: (0, 0)),
        pl.BlockSpec((1, DIM), lambda i: (0, 0)),
    ],
    out_specs=pl.BlockSpec((_BN, DIM), lambda i: (i, 0)),
    out_shape=jax.ShapeDtypeStruct((NN, DIM), _F32),
)


_BEP = 8000


def _edge_post_body(e_ref, s_ref, w1_ref, b1_ref, w2_ref, b2_ref,
                    gm_ref, g_ref, bn_ref, o_ref):
    eb = e_ref[...]
    t1 = (jnp.dot(eb, w1_ref[...], preferred_element_type=_F32)
          + s_ref[...] + b1_ref[...])
    t = t1 * _sigmoid(t1)
    eu = jnp.dot(t, w2_ref[...], preferred_element_type=_F32) + b2_ref[...]
    x = eb + eu
    mu = jnp.dot(x, gm_ref[...], preferred_element_type=_F32)
    d = x - mu
    var = jnp.dot(d * d, gm_ref[...], preferred_element_type=_F32)
    o_ref[...] = d * lax.rsqrt(var + 1e-5) * g_ref[...] + bn_ref[...]


_edge_post = pl.pallas_call(
    _edge_post_body,
    grid=(NER // _BEP,),
    in_specs=[
        pl.BlockSpec((_BEP, DIM), lambda i: (i, 0)),
        pl.BlockSpec((_BEP, DIM), lambda i: (i, 0)),
        pl.BlockSpec((DIM, DIM), lambda i: (0, 0)),
        pl.BlockSpec((1, DIM), lambda i: (0, 0)),
        pl.BlockSpec((DIM, DIM), lambda i: (0, 0)),
        pl.BlockSpec((1, DIM), lambda i: (0, 0)),
        pl.BlockSpec((DIM, DIM), lambda i: (0, 0)),
        pl.BlockSpec((1, DIM), lambda i: (0, 0)),
        pl.BlockSpec((1, DIM), lambda i: (0, 0)),
    ],
    out_specs=pl.BlockSpec((_BEP, DIM), lambda i: (i, 0)),
    out_shape=jax.ShapeDtypeStruct((NER, DIM), _F32),
)


def kernel(h, e, edge_index, params):
    p = params
    src = jnp.pad(edge_index[0].astype(jnp.int32), (0, IDXPAD))
    dst = jnp.pad(edge_index[1].astype(jnp.int32), (0, IDXPAD))

    wys = p['eu_W1'][:, EDIM:EDIM + DIM].T
    wyd = p['eu_W1'][:, EDIM + DIM:].T
    z48 = jnp.zeros((DIM, SRCW - DIM - EDIM), _F32)
    wls = jnp.concatenate([p['src_W'].T, p['msg_W'].T @ wys, z48], axis=1)
    bls = jnp.concatenate([p['src_b'], p['msg_b'] @ wys,
                           jnp.zeros((SRCW - DIM - EDIM,), _F32)])[None, :]
    whs = jnp.concatenate([p['msg_W'].T, jnp.zeros((DIM, SRCW - DIM), _F32)],
                          axis=1)
    bhs = jnp.concatenate([p['msg_b'],
                           jnp.zeros((SRCW - DIM,), _F32)])[None, :]
    zd = jnp.zeros((DIM, DSTW - HDIM - EDIM), _F32)
    wld = jnp.concatenate([p['dst_W'].T[:, :HDIM], p['msg_W'].T @ wyd, zd],
                          axis=1)
    bld = jnp.concatenate([p['dst_b'][:HDIM], p['msg_b'] @ wyd,
                           jnp.zeros((DSTW - HDIM - EDIM,), _F32)])[None, :]
    whd = jnp.concatenate([p['dst_W'].T[:, HDIM:],
                           jnp.zeros((DIM, DSTW - HDIM), _F32)], axis=1)
    bhd = jnp.concatenate([p['dst_b'][HDIM:],
                           jnp.zeros((DSTW - HDIM,), _F32)])[None, :]
    wle = p['eg_W'].T[:, :HDIM]
    ble = p['eg_b'][:HDIM][None, :]
    whe = p['eg_W'].T[:, HDIM:]
    bhe = p['eg_b'][HDIM:][None, :]

    eye8 = jnp.eye(PACK, dtype=_F32)
    w1bd = jnp.kron(eye8, p['eu_W1'][:, :EDIM].T)
    w2bd = jnp.kron(eye8, p['eu_W2'].T)
    gmat = jnp.kron(eye8, jnp.full((EDIM, EDIM), 1.0 / EDIM, _F32))
    b1t = jnp.tile(p['eu_b1'], PACK)[None, :]
    b2t = jnp.tile(p['eu_b2'], PACK)[None, :]
    egt = jnp.tile(p['en_g'], PACK)[None, :]
    ebt = jnp.tile(p['en_b'], PACK)[None, :]

    src_tab, dst_tab = _node_pre(h, wls, bls, whs, bhs, wld, bld, whd, bhd)
    eg = _eg_pre(e, wle, ble, whe, bhe)
    agg2, s16 = _sc_edge(src_tab, dst_tab, eg, src, dst)

    h_new = _node_post(h, agg2, agg2,
                       p['nu_W1'][:, :DIM].T, p['nu_W1'][:, DIM:].T,
                       p['nu_b1'][None, :], p['nu_W2'].T,
                       p['nu_b2'][None, :], p['nn_g'][None, :],
                       p['nn_b'][None, :])
    e_new = _edge_post(e.reshape(NER, DIM), s16,
                       w1bd, b1t, w2bd, b2t, gmat, egt, ebt)
    return (h_new, e_new.reshape(NE, EDIM))

# --- scband reference (transcript-rebuilt; emitter-appended) ---
"""Pipeline reference for scband-edge-gated-graph-conv-31490700214962 (READ-ONLY COPY).

The authoritative reference and input builder live on the scoring server;
editing this copy changes nothing except your own understanding.
"""

import jax, jax.numpy as jnp
import numpy as np

DIM = 128
EDGE_DIM = 16
N = 10000
E = 320000


def _lin(x, W, b):
    return x @ W.T + b


def _silu(x):
    return x * jax.nn.sigmoid(x)


def _ln(x, g, b, eps=1e-5):
    mu = jnp.mean(x, axis=-1, keepdims=True)
    var = jnp.var(x, axis=-1, keepdims=True)
    return (x - mu) / jnp.sqrt(var + eps) * g + b


def setup_inputs(seed: int = 0) -> dict:
    key = jax.random.key(seed)
    ks = jax.random.split(key, 24)
    h = jax.random.normal(ks[0], (N, DIM), dtype=jnp.float32)
    e = jax.random.normal(ks[1], (E, EDGE_DIM), dtype=jnp.float32)
    edge_index = jax.random.randint(ks[2], (2, E), 0, N)

    def w(k, out_f, in_f):
        return jax.random.normal(k, (out_f, in_f), dtype=jnp.float32) / np.sqrt(in_f)

    def b(k, out_f):
        return jax.random.normal(k, (out_f,), dtype=jnp.float32) * 0.01

    params = {
        'src_W': w(ks[3], DIM, DIM), 'src_b': b(ks[4], DIM),
        'dst_W': w(ks[5], DIM, DIM), 'dst_b': b(ks[6], DIM),
        'eg_W': w(ks[7], DIM, EDGE_DIM), 'eg_b': b(ks[8], DIM),
        'msg_W': w(ks[9], DIM, DIM), 'msg_b': b(ks[10], DIM),
        'nu_W1': w(ks[11], DIM, 2 * DIM), 'nu_b1': b(ks[12], DIM),
        'nu_W2': w(ks[13], DIM, DIM), 'nu_b2': b(ks[14], DIM),
        'eu_W1': w(ks[15], EDGE_DIM, EDGE_DIM + 2 * DIM), 'eu_b1': b(ks[16], EDGE_DIM),
        'eu_W2': w(ks[17], EDGE_DIM, EDGE_DIM), 'eu_b2': b(ks[18], EDGE_DIM),
        'nn_g': jnp.ones((DIM,), jnp.float32), 'nn_b': jnp.zeros((DIM,), jnp.float32),
        'en_g': jnp.ones((EDGE_DIM,), jnp.float32), 'en_b': jnp.zeros((EDGE_DIM,), jnp.float32),
    }
    return {'h': h, 'e': e, 'edge_index': edge_index, 'params': params}


def reference(h, e, edge_index, params):
    src = edge_index[0]
    dst = edge_index[1]
    h_src = jnp.take(h, src, axis=0)
    h_dst = jnp.take(h, dst, axis=0)
    gate_logits = (_lin(h_src, params['src_W'], params['src_b'])
                   + _lin(h_dst, params['dst_W'], params['dst_b'])
                   + _lin(e, params['eg_W'], params['eg_b']))
    src_msg = _lin(h_src, params['msg_W'], params['msg_b'])
    gate = jax.nn.sigmoid(gate_logits)
    m = gate * src_msg
    agg = jax.ops.segment_sum(m, dst, num_segments=h.shape[0])
    nu_in = jnp.concatenate([h, agg], axis=-1)
    nu = _lin(_silu(_lin(nu_in, params['nu_W1'], params['nu_b1'])), params['nu_W2'], params['nu_b2'])
    h_new = _ln(h + nu, params['nn_g'], params['nn_b'])
    dst_msg = _lin(h_dst, params['msg_W'], params['msg_b'])
    e_input = jnp.concatenate([e, src_msg, dst_msg], axis=-1)
    eu = _lin(_silu(_lin(e_input, params['eu_W1'], params['eu_b1'])), params['eu_W2'], params['eu_b2'])
    e_new = _ln(e + eu, params['en_g'], params['en_b'])
    return (h_new, e_new)

if __name__ == "__main__":
    import jax
    _d = setup_inputs()
    print(jax.jit(kernel)(*tuple(_d.values())))

</pallas_src>

<mosaic_0001>
#map = affine_map<(d0, d1) -> (0, 0)>
#map1 = affine_map<(d0, d1) -> (0)>
#map2 = affine_map<(d0, d1) -> (0, 0, 0)>
module attributes {stable_mosaic.version = 14 : i64} {
  func.func @_sc_edge(%arg0: i32, %arg1: i32, %arg2: memref<10000x256xi32, #tpu.memory_space<hbm>>, %arg3: memref<10000x128xi32, #tpu.memory_space<hbm>>, %arg4: memref<320000x64xi32, #tpu.memory_space<hbm>>, %arg5: memref<321024xi32, #tpu.memory_space<hbm>>, %arg6: memref<321024xi32, #tpu.memory_space<hbm>>, %arg7: memref<2x10000x128xf32, #tpu.memory_space<hbm>>, %arg8: memref<40000x128xf32, #tpu.memory_space<hbm>>, %arg9: memref<1024xi32, #tpu.memory_space<vmem>>, %arg10: memref<1024xi32, #tpu.memory_space<vmem>>, %arg11: memref<2x32xi32, #tpu.memory_space<vmem>>, %arg12: memref<2x32xi32, #tpu.memory_space<vmem>>, %arg13: memref<2x32x256xi32, #tpu.memory_space<vmem>>, %arg14: memref<2x32x128xi32, #tpu.memory_space<vmem>>, %arg15: memref<2x32x64xi32, #tpu.memory_space<vmem>>, %arg16: memref<2x32x128xf32, #tpu.memory_space<vmem>>, %arg17: memref<8x128xf32, #tpu.memory_space<vmem>>, %arg18: memref<10000x128xf32, #tpu.memory_space<vmem_shared>>, %arg19: memref<!tpu.dma_semaphore, #tpu.memory_space<semaphore_mem>>, %arg20: memref<!tpu.dma_semaphore, #tpu.memory_space<semaphore_mem>>, %arg21: memref<!tpu.dma_semaphore, #tpu.memory_space<semaphore_mem>>, %arg22: memref<!tpu.dma_semaphore, #tpu.memory_space<semaphore_mem>>, %arg23: memref<!tpu.dma_semaphore, #tpu.memory_space<semaphore_mem>>, %arg24: memref<!tpu.dma_semaphore, #tpu.memory_space<semaphore_mem>>) attributes {dimension_semantics = [#tpu.dimension_semantics<core_parallel>, #tpu.dimension_semantics<subcore_parallel>], iteration_bounds = array<i64: 2, 16>, scalar_prefetch = 0 : i64, scratch_operands = 16 : i64, tpu.core_type = #tpu.core_type<sc_vector_subcore>, window_params = [{transform_indices = #map}, {transform_indices = #map}, {transform_indices = #map}, {transform_indices = #map1}, {transform_indices = #map1}, {transform_indices = #map2}, {transform_indices = #map}]} {
    %mul3A = arith.constant 16 : i32
    %mul3A_0 = arith.muli %arg0, %mul3A : i32
    %add3A = arith.addi %mul3A_0, %arg1 : i32
    %broadcast_in_dim3A = arith.constant 0.000000e+00 : f32
    %broadcast_in_dim3A_1 = vector.broadcast %broadcast_in_dim3A : f32 to vector<16xf32>
    %parallel_loop3A = arith.constant 0 : i32
    %parallel_loop3A_2 = arith.constant 32 : i32
    %parallel_loop3A_3 = arith.constant 1 : i32
    scf.for %parallel_loop3A_149 = %parallel_loop3A to %parallel_loop3A_2 step %parallel_loop3A_3  : i32 {
      %parallel_loop3A_150 = arith.constant 0 : i32
      %parallel_loop3A_151 = arith.index_cast %parallel_loop3A_150 : i32 to index
      %parallel_loop3A_152 = arith.index_cast %parallel_loop3A_149 : i32 to index
      %parallel_loop3A_153 = arith.constant 0 : index
      %parallel_loop3A_154 = tpu.vector_load %arg16[%parallel_loop3A_151, %parallel_loop3A_152, %parallel_loop3A_153] {strides = array<i32>} : memref<2x32x128xf32, #tpu.memory_space<vmem>>, vector<16xf32>,
      tpu.vector_store %arg16[%parallel_loop3A_151, %parallel_loop3A_152, %parallel_loop3A_153], %broadcast_in_dim3A_1 {strides = array<i32>} : memref<2x32x128xf32, #tpu.memory_space<vmem>>, vector<16xf32>,
      %parallel_loop3A_155 = arith.constant 0 : i32
      %parallel_loop3A_156 = arith.index_cast %parallel_loop3A_155 : i32 to index
      %parallel_loop3A_157 = arith.index_cast %parallel_loop3A_149 : i32 to index
      %parallel_loop3A_158 = arith.constant 16 : index
      %parallel_loop3A_159 = tpu.vector_load %arg16[%parallel_loop3A_156, %parallel_loop3A_157, %parallel_loop3A_158] {strides = array<i32>} : memref<2x32x128xf32, #tpu.memory_space<vmem>>, vector<16xf32>,
      tpu.vector_store %arg16[%parallel_loop3A_156, %parallel_loop3A_157, %parallel_loop3A_158], %broadcast_in_dim3A_1 {strides = array<i32>} : memref<2x32x128xf32, #tpu.memory_space<vmem>>, vector<16xf32>,
      %parallel_loop3A_160 = arith.constant 0 : i32
      %parallel_loop3A_161 = arith.index_cast %parallel_loop3A_160 : i32 to index
      %parallel_loop3A_162 = arith.index_cast %parallel_loop3A_149 : i32 to index
      %parallel_loop3A_163 = arith.constant 32 : index
      %parallel_loop3A_164 = tpu.vector_load %arg16[%parallel_loop3A_161, %parallel_loop3A_162, %parallel_loop3A_163] {strides = array<i32>} : memref<2x32x128xf32, #tpu.memory_space<vmem>>, vector<16xf32>,
      tpu.vector_store %arg16[%parallel_loop3A_161, %parallel_loop3A_162, %parallel_loop3A_163], %broadcast_in_dim3A_1 {strides = array<i32>} : memref<2x32x128xf32, #tpu.memory_space<vmem>>, vector<16xf32>,
      %parallel_loop3A_165 = arith.constant 0 : i32
      %parallel_loop3A_166 = arith.index_cast %parallel_loop3A_165 : i32 to index
      %parallel_loop3A_167 = arith.index_cast %parallel_loop3A_149 : i32 to index
      %parallel_loop3A_168 = arith.constant 48 : index
      %parallel_loop3A_169 = tpu.vector_load %arg16[%parallel_loop3A_166, %parallel_loop3A_167, %parallel_loop3A_168] {strides = array<i32>} : memref<2x32x128xf32, #tpu.memory_space<vmem>>, vector<16xf32>,
      tpu.vector_store %arg16[%parallel_loop3A_166, %parallel_loop3A_167, %parallel_loop3A_168], %broadcast_in_dim3A_1 {strides = array<i32>} : memref<2x32x128xf32, #tpu.memory_space<vmem>>, vector<16xf32>,
      %parallel_loop3A_170 = arith.constant 0 : i32
      %parallel_loop3A_171 = arith.index_cast %parallel_loop3A_170 : i32 to index
      %parallel_loop3A_172 = arith.index_cast %parallel_loop3A_149 : i32 to index
      %parallel_loop3A_173 = arith.constant 64 : index
      %parallel_loop3A_174 = tpu.vector_load %arg16[%parallel_loop3A_171, %parallel_loop3A_172, %parallel_loop3A_173] {strides = array<i32>} : memref<2x32x128xf32, #tpu.memory_space<vmem>>, vector<16xf32>,
      tpu.vector_store %arg16[%parallel_loop3A_171, %parallel_loop3A_172, %parallel_loop3A_173], %broadcast_in_dim3A_1 {strides = array<i32>} : memref<2x32x128xf32, #tpu.memory_space<vmem>>, vector<16xf32>,
      %parallel_loop3A_175 = arith.constant 0 : i32
      %parallel_loop3A_176 = arith.index_cast %parallel_loop3A_175 : i32 to index
      %parallel_loop3A_177 = arith.index_cast %parallel_loop3A_149 : i32 to index
      %parallel_loop3A_178 = arith.constant 80 : index
      %parallel_loop3A_179 = tpu.vector_load %arg16[%parallel_loop3A_176, %parallel_loop3A_177, %parallel_loop3A_178] {strides = array<i32>} : memref<2x32x128xf32, #tpu.memory_space<vmem>>, vector<16xf32>,
      tpu.vector_store %arg16[%parallel_loop3A_176, %parallel_loop3A_177, %parallel_loop3A_178], %broadcast_in_dim3A_1 {strides = array<i32>} : memref<2x32x128xf32, #tpu.memory_space<vmem>>, vector<16xf32>,
      %parallel_loop3A_180 = arith.constant 0 : i32
      %parallel_loop3A_181 = arith.index_cast %parallel_loop3A_180 : i32 to index
      %parallel_loop3A_182 = arith.index_cast %parallel_loop3A_149 : i32 to index
      %parallel_loop3A_183 = arith.constant 96 : index
      %parallel_loop3A_184 = tpu.vector_load %arg16[%parallel_loop3A_181, %parallel_loop3A_182, %parallel_loop3A_183] {strides = array<i32>} : memref<2x32x128xf32, #tpu.memory_space<vmem>>, vector<16xf32>,
      tpu.vector_store %arg16[%parallel_loop3A_181, %parallel_loop3A_182, %parallel_loop3A_183], %broadcast_in_dim3A_1 {strides = array<i32>} : memref<2x32x128xf32, #tpu.memory_space<vmem>>, vector<16xf32>,
      %parallel_loop3A_185 = arith.constant 0 : i32
      %parallel_loop3A_186 = arith.index_cast %parallel_loop3A_185 : i32 to index
      %parallel_loop3A_187 = arith.index_cast %parallel_loop3A_149 : i32 to index
      %parallel_loop3A_188 = arith.constant 112 : index
      %parallel_loop3A_189 = tpu.vector_load %arg16[%parallel_loop3A_186, %parallel_loop3A_187, %parallel_loop3A_188] {strides = array<i32>} : memref<2x32x128xf32, #tpu.memory_space<vmem>>, vector<16xf32>,
      tpu.vector_store %arg16[%parallel_loop3A_186, %parallel_loop3A_187, %parallel_loop3A_188], %broadcast_in_dim3A_1 {strides = array<i32>} : memref<2x32x128xf32, #tpu.memory_space<vmem>>, vector<16xf32>,
    } {sc.loop_unroll_factor = 4 : i64, sc.parallel_access}
    %mul3A_4 = arith.constant 624 : i32
    %mul3A_5 = arith.muli %arg1, %mul3A_4 : i32
    %add3A_6 = arith.constant 0 : i32
    %add3A_7 = arith.addi %mul3A_5, %add3A_6 : i32
    %run_scoped3A = arith.constant 0 : i32
    "tpu.region"() ({
      %run_scoped3A_149 = tpu.sem_alloc : memref<!tpu.dma_semaphore, #tpu.memory_space<semaphore_mem>>
      %dma_start3A_150 = arith.constant 0 : i32
      %dma_start3A_151 = arith.constant 0 : i32
      %dma_start3A_152 = tpu.memref_slice %arg16[%run_scoped3A, %dma_start3A_150, %dma_start3A_151] : memref<2x32x128xf32, #tpu.memory_space<vmem>> -> memref<1x32x128xf32, #tpu.memory_space<vmem>>
      %dma_start3A_153 = tpu.memref_squeeze %dma_start3A_152 : memref<1x32x128xf32, #tpu.memory_space<vmem>> -> memref<32x128xf32, #tpu.memory_space<vmem>>
      %dma_start3A_154 = arith.constant 0 : i32
      %dma_start3A_155 = tpu.memref_slice %arg18[%add3A_7, %dma_start3A_154] : memref<10000x128xf32, #tpu.memory_space<vmem_shared>> -> memref<32x128xf32, #tpu.memory_space<vmem_shared>>
      %dma_start3A_156 = arith.constant 0 : i32
      %dma_start3A_157 = tpu.memref_slice %arg18[%add3A_7, %dma_start3A_156] : memref<10000x128xf32, #tpu.memory_space<vmem_shared>> -> memref<32x128xf32, #tpu.memory_space<vmem_shared>>
      %dma_start3A_158 = arith.constant 0 : i32
      %dma_start3A_159 = arith.constant 0 : i32
      %dma_start3A_160 = tpu.memref_slice %arg16[%run_scoped3A, %dma_start3A_158, %dma_start3A_159] : memref<2x32x128xf32, #tpu.memory_space<vmem>> -> memref<1x32x128xf32, #tpu.memory_space<vmem>>
      %dma_start3A_161 = tpu.memref_squeeze %dma_start3A_160 : memref<1x32x128xf32, #tpu.memory_space<vmem>> -> memref<32x128xf32, #tpu.memory_space<vmem>>
      tpu.enqueue_dma source(%dma_start3A_161 : memref<32x128xf32, #tpu.memory_space<vmem>>) target(%dma_start3A_157 : memref<32x128xf32, #tpu.memory_space<vmem_shared>>) target_semaphore(%run_scoped3A_149 : memref<!tpu.dma_semaphore, #tpu.memory_space<semaphore_mem>>)
      %dma_wait3A = arith.constant 0 : i32
      %dma_wait3A_162 = arith.constant 0 : i32
      %dma_wait3A_163 = tpu.memref_slice %arg16[%run_scoped3A, %dma_wait3A, %dma_wait3A_162] : memref<2x32x128xf32, #tpu.memory_space<vmem>> -> memref<1x32x128xf32, #tpu.memory_space<vmem>>
      %dma_wait3A_164 = tpu.memref_squeeze %dma_wait3A_163 : memref<1x32x128xf32, #tpu.memory_space<vmem>> -> memref<32x128xf32, #tpu.memory_space<vmem>>
      %dma_wait3A_165 = arith.constant 0 : i32
      %dma_wait3A_166 = tpu.memref_slice %arg18[%add3A_7, %dma_wait3A_165] : memref<10000x128xf32, #tpu.memory_space<vmem_shared>> -> memref<32x128xf32, #tpu.memory_space<vmem_shared>>
      %dma_wait3A_167 = arith.constant 0 : i32
      %dma_wait3A_168 = tpu.memref_slice %arg18[%add3A_7, %dma_wait3A_167] : memref<10000x128xf32, #tpu.memory_space<vmem_shared>> -> memref<32x128xf32, #tpu.memory_space<vmem_shared>>
      %dma_wait3A_169 = arith.constant 0 : i32
      %dma_wait3A_170 = arith.constant 0 : i32
      %dma_wait3A_171 = tpu.memref_slice %arg16[%run_scoped3A, %dma_wait3A_169, %dma_wait3A_170] : memref<2x32x128xf32, #tpu.memory_space<vmem>> -> memref<1x32x128xf32, #tpu.memory_space<vmem>>
      %dma_wait3A_172 = tpu.memref_squeeze %dma_wait3A_171 : memref<1x32x128xf32, #tpu.memory_space<vmem>> -> memref<32x128xf32, #tpu.memory_space<vmem>>
      tpu.wait_dma2 semaphore(%run_scoped3A_149 : memref<!tpu.dma_semaphore, #tpu.memory_space<semaphore_mem>>) src(%dma_wait3A_172 : memref<32x128xf32, #tpu.memory_space<vmem>>) dst(%dma_wait3A_168 : memref<32x128xf32, #tpu.memory_space<vmem_shared>>)
      tpu.yield
    }) : () -> ()
    %add3A_8 = arith.constant 32 : i32
    %add3A_9 = arith.addi %mul3A_5, %add3A_8 : i32
    %run_scoped3A_10 = arith.constant 0 : i32
    "tpu.region"() ({
      %run_scoped3A_149 = tpu.sem_alloc : memref<!tpu.dma_semaphore, #tpu.memory_space<semaphore_mem>>
      %dma_start3A_150 = arith.constant 0 : i32
      %dma_start3A_151 = arith.constant 0 : i32
      %dma_start3A_152 = tpu.memref_slice %arg16[%run_scoped3A_10, %dma_start3A_150, %dma_start3A_151] : memref<2x32x128xf32, #tpu.memory_space<vmem>> -> memref<1x32x128xf32, #tpu.memory_space<vmem>>
      %dma_start3A_153 = tpu.memref_squeeze %dma_start3A_152 : memref<1x32x128xf32, #tpu.memory_space<vmem>> -> memref<32x128xf32, #tpu.memory_space<vmem>>
      %dma_start3A_154 = arith.constant 0 : i32
      %dma_start3A_155 = tpu.memref_slice %arg18[%add3A_9, %dma_start3A_154] : memref<10000x128xf32, #tpu.memory_space<vmem_shared>> -> memref<32x128xf32, #tpu.memory_space<vmem_shared>>
      %dma_start3A_156 = arith.constant 0 : i32
      %dma_start3A_157 = tpu.memref_slice %arg18[%add3A_9, %dma_start3A_156] : memref<10000x128xf32, #tpu.memory_space<vmem_shared>> -> memref<32x128xf32, #tpu.memory_space<vmem_shared>>
      %dma_start3A_158 = arith.constant 0 : i32
      %dma_start3A_159 = arith.constant 0 : i32
      %dma_start3A_160 = tpu.memref_slice %arg16[%run_scoped3A_10, %dma_start3A_158, %dma_start3A_159] : memref<2x32x128xf32, #tpu.memory_space<vmem>> -> memref<1x32x128xf32, #tpu.memory_space<vmem>>
      %dma_start3A_161 = tpu.memref_squeeze %dma_start3A_160 : memref<1x32x128xf32, #tpu.memory_space<vmem>> -> memref<32x128xf32, #tpu.memory_space<vmem>>
      tpu.enqueue_dma source(%dma_start3A_161 : memref<32x128xf32, #tpu.memory_space<vmem>>) target(%dma_start3A_157 : memref<32x128xf32, #tpu.memory_space<vmem_shared>>) target_semaphore(%run_scoped3A_149 : memref<!tpu.dma_semaphore, #tpu.memory_space<semaphore_mem>>)
      %dma_wait3A = arith.constant 0 : i32
      %dma_wait3A_162 = arith.constant 0 : i32
      %dma_wait3A_163 = tpu.memref_slice %arg16[%run_scoped3A_10, %dma_wait3A, %dma_wait3A_162] : memref<2x32x128xf32, #tpu.memory_space<vmem>> -> memref<1x32x128xf32, #tpu.memory_space<vmem>>
      %dma_wait3A_164 = tpu.memref_squeeze %dma_wait3A_163 : memref<1x32x128xf32, #tpu.memory_space<vmem>> -> memref<32x128xf32, #tpu.memory_space<vmem>>
      %dma_wait3A_165 = arith.constant 0 : i32
      %dma_wait3A_166 = tpu.memref_slice %arg18[%add3A_9, %dma_wait3A_165] : memref<10000x128xf32, #tpu.memory_space<vmem_shared>> -> memref<32x128xf32, #tpu.memory_space<vmem_shared>>
      %dma_wait3A_167 = arith.constant 0 : i32
      %dma_wait3A_168 = tpu.memref_slice %arg18[%add3A_9, %dma_wait3A_167] : memref<10000x128xf32, #tpu.memory_space<vmem_shared>> -> memref<32x128xf32, #tpu.memory_space<vmem_shared>>
      %dma_wait3A_169 = arith.constant 0 : i32
      %dma_wait3A_170 = arith.constant 0 : i32
      %dma_wait3A_171 = tpu.memref_slice %arg16[%run_scoped3A_10, %dma_wait3A_169, %dma_wait3A_170] : memref<2x32x128xf32, #tpu.memory_space<vmem>> -> memref<1x32x128xf32, #tpu.memory_space<vmem>>
      %dma_wait3A_172 = tpu.memref_squeeze %dma_wait3A_171 : memref<1x32x128xf32, #tpu.memory_space<vmem>> -> memref<32x128xf32, #tpu.memory_space<vmem>>
      tpu.wait_dma2 semaphore(%run_scoped3A_149 : memref<!tpu.dma_semaphore, #tpu.memory_space<semaphore_mem>>) src(%dma_wait3A_172 : memref<32x128xf32, #tpu.memory_space<vmem>>) dst(%dma_wait3A_168 : memref<32x128xf32, #tpu.memory_space<vmem_shared>>)
      tpu.yield
    }) : () -> ()
    %add3A_11 = arith.constant 64 : i32
    %add3A_12 = arith.addi %mul3A_5, %add3A_11 : i32
    %run_scoped3A_13 = arith.constant 0 : i32
    "tpu.region"() ({
      %run_scoped3A_149 = tpu.sem_alloc : memref<!tpu.dma_semaphore, #tpu.memory_space<semaphore_mem>>
      %dma_start3A_150 = arith.constant 0 : i32
      %dma_start3A_151 = arith.constant 0 : i32
      %dma_start3A_152 = tpu.memref_slice %arg16[%run_scoped3A_13, %dma_start3A_150, %dma_start3A_151] : memref<2x32x128xf32, #tpu.memory_space<vmem>> -> memref<1x32x128xf32, #tpu.memory_space<vmem>>
      %dma_start3A_153 = tpu.memref_squeeze %dma_start3A_152 : memref<1x32x128xf32, #tpu.memory_space<vmem>> -> memref<32x128xf32, #tpu.memory_space<vmem>>
      %dma_start3A_154 = arith.constant 0 : i32
      %dma_start3A_155 = tpu.memref_slice %arg18[%add3A_12, %dma_start3A_154] : memref<10000x128xf32, #tpu.memory_space<vmem_shared>> -> memref<32x128xf32, #tpu.memory_space<vmem_shared>>
      %dma_start3A_156 = arith.constant 0 : i32
      %dma_start3A_157 = tpu.memref_slice %arg18[%add3A_12, %dma_start3A_156] : memref<10000x128xf32, #tpu.memory_space<vmem_shared>> -> memref<32x128xf32, #tpu.memory_space<vmem_shared>>
      %dma_start3A_158 = arith.constant 0 : i32
      %dma_start3A_159 = arith.constant 0 : i32
      %dma_start3A_160 = tpu.memref_slice %arg16[%run_scoped3A_13, %dma_start3A_158, %dma_start3A_159] : memref<2x32x128xf32, #tpu.memory_space<vmem>> -> memref<1x32x128xf32, #tpu.memory_space<vmem>>
      %dma_start3A_161 = tpu.memref_squeeze %dma_start3A_160 : memref<1x32x128xf32, #tpu.memory_space<vmem>> -> memref<32x128xf32, #tpu.memory_space<vmem>>
      tpu.enqueue_dma source(%dma_start3A_161 : memref<32x128xf32, #tpu.memory_space<vmem>>) target(%dma_start3A_157 : memref<32x128xf32, #tpu.memory_space<vmem_shared>>) target_semaphore(%run_scoped3A_149 : memref<!tpu.dma_semaphore, #tpu.memory_space<semaphore_mem>>)
      %dma_wait3A = arith.constant 0 : i32
      %dma_wait3A_162 = arith.constant 0 : i32
      %dma_wait3A_163 = tpu.memref_slice %arg16[%run_scoped3A_13, %dma_wait3A, %dma_wait3A_162] : memref<2x32x128xf32, #tpu.memory_space<vmem>> -> memref<1x32x128xf32, #tpu.memory_space<vmem>>
      %dma_wait3A_164 = tpu.memref_squeeze %dma_wait3A_163 : memref<1x32x128xf32, #tpu.memory_space<vmem>> -> memref<32x128xf32, #tpu.memory_space<vmem>>
      %dma_wait3A_165 = arith.constant 0 : i32
      %dma_wait3A_166 = tpu.memref_slice %arg18[%add3A_12, %dma_wait3A_165] : memref<10000x128xf32, #tpu.memory_space<vmem_shared>> -> memref<32x128xf32, #tpu.memory_space<vmem_shared>>
      %dma_wait3A_167 = arith.constant 0 : i32
      %dma_wait3A_168 = tpu.memref_slice %arg18[%add3A_12, %dma_wait3A_167] : memref<10000x128xf32, #tpu.memory_space<vmem_shared>> -> memref<32x128xf32, #tpu.memory_space<vmem_shared>>
      %dma_wait3A_169 = arith.constant 0 : i32
      %dma_wait3A_170 = arith.constant 0 : i32
      %dma_wait3A_171 = tpu.memref_slice %arg16[%run_scoped3A_13, %dma_wait3A_169, %dma_wait3A_170] : memref<2x32x128xf32, #tpu.memory_space<vmem>> -> memref<1x32x128xf32, #tpu.memory_space<vmem>>
      %dma_wait3A_172 = tpu.memref_squeeze %dma_wait3A_171 : memref<1x32x128xf32, #tpu.memory_space<vmem>> -> memref<32x128xf32, #tpu.memory_space<vmem>>
      tpu.wait_dma2 semaphore(%run_scoped3A_149 : memref<!tpu.dma_semaphore, #tpu.memory_space<semaphore_mem>>) src(%dma_wait3A_172 : memref<32x128xf32, #tpu.memory_space<vmem>>) dst(%dma_wait3A_168 : memref<32x128xf32, #tpu.memory_space<vmem_shared>>)
      tpu.yield
    }) : () -> ()
    %add3A_14 = arith.constant 96 : i32
    %add3A_15 = arith.addi %mul3A_5, %add3A_14 : i32
    %run_scoped3A_16 = arith.constant 0 : i32
    "tpu.region"() ({
      %run_scoped3A_149 = tpu.sem_alloc : memref<!tpu.dma_semaphore, #tpu.memory_space<semaphore_mem>>
      %dma_start3A_150 = arith.constant 0 : i32
      %dma_start3A_151 = arith.constant 0 : i32
      %dma_start3A_152 = tpu.memref_slice %arg16[%run_scoped3A_16, %dma_start3A_150, %dma_start3A_151] : memref<2x32x128xf32, #tpu.memory_space<vmem>> -> memref<1x32x128xf32, #tpu.memory_space<vmem>>
      %dma_start3A_153 = tpu.memref_squeeze %dma_start3A_152 : memref<1x32x128xf32, #tpu.memory_space<vmem>> -> memref<32x128xf32, #tpu.memory_space<vmem>>
      %dma_start3A_154 = arith.constant 0 : i32
      %dma_start3A_155 = tpu.memref_slice %arg18[%add3A_15, %dma_start3A_154] : memref<10000x128xf32, #tpu.memory_space<vmem_shared>> -> memref<32x128xf32, #tpu.memory_space<vmem_shared>>
      %dma_start3A_156 = arith.constant 0 : i32
      %dma_start3A_157 = tpu.memref_slice %arg18[%add3A_15, %dma_start3A_156] : memref<10000x128xf32, #tpu.memory_space<vmem_shared>> -> memref<32x128xf32, #tpu.memory_space<vmem_shared>>
      %dma_start3A_158 = arith.constant 0 : i32
      %dma_start3A_159 = arith.constant 0 : i32
      %dma_start3A_160 = tpu.memref_slice %arg16[%run_scoped3A_16, %dma_start3A_158, %dma_start3A_159] : memref<2x32x128xf32, #tpu.memory_space<vmem>> -> memref<1x32x128xf32, #tpu.memory_space<vmem>>
      %dma_start3A_161 = tpu.memref_squeeze %dma_start3A_160 : memref<1x32x128xf32, #tpu.memory_space<vmem>> -> memref<32x128xf32, #tpu.memory_space<vmem>>
      tpu.enqueue_dma source(%dma_start3A_161 : memref<32x128xf32, #tpu.memory_space<vmem>>) target(%dma_start3A_157 : memref<32x128xf32, #tpu.memory_space<vmem_shared>>) target_semaphore(%run_scoped3A_149 : memref<!tpu.dma_semaphore, #tpu.memory_space<semaphore_mem>>)
      %dma_wait3A = arith.constant 0 : i32
      %dma_wait3A_162 = arith.constant 0 : i32
      %dma_wait3A_163 = tpu.memref_slice %arg16[%run_scoped3A_16, %dma_wait3A, %dma_wait3A_162] : memref<2x32x128xf32, #tpu.memory_space<vmem>> -> memref<1x32x128xf32, #tpu.memory_space<vmem>>
      %dma_wait3A_164 = tpu.memref_squeeze %dma_wait3A_163 : memref<1x32x128xf32, #tpu.memory_space<vmem>> -> memref<32x128xf32, #tpu.memory_space<vmem>>
      %dma_wait3A_165 = arith.constant 0 : i32
      %dma_wait3A_166 = tpu.memref_slice %arg18[%add3A_15, %dma_wait3A_165] : memref<10000x128xf32, #tpu.memory_space<vmem_shared>> -> memref<32x128xf32, #tpu.memory_space<vmem_shared>>
      %dma_wait3A_167 = arith.constant 0 : i32
      %dma_wait3A_168 = tpu.memref_slice %arg18[%add3A_15, %dma_wait3A_167] : memref<10000x128xf32, #tpu.memory_space<vmem_shared>> -> memref<32x128xf32, #tpu.memory_space<vmem_shared>>
      %dma_wait3A_169 = arith.constant 0 : i32
      %dma_wait3A_170 = arith.constant 0 : i32
      %dma_wait3A_171 = tpu.memref_slice %arg16[%run_scoped3A_16, %dma_wait3A_169, %dma_wait3A_170] : memref<2x32x128xf32, #tpu.memory_space<vmem>> -> memref<1x32x128xf32, #tpu.memory_space<vmem>>
      %dma_wait3A_172 = tpu.memref_squeeze %dma_wait3A_171 : memref<1x32x128xf32, #tpu.memory_space<vmem>> -> memref<32x128xf32, #tpu.memory_space<vmem>>
      tpu.wait_dma2 semaphore(%run_scoped3A_149 : memref<!tpu.dma_semaphore, #tpu.memory_space<semaphore_mem>>) src(%dma_wait3A_172 : memref<32x128xf32, #tpu.memory_space<vmem>>) dst(%dma_wait3A_168 : memref<32x128xf32, #tpu.memory_space<vmem_shared>>)
      tpu.yield
    }) : () -> ()
    %add3A_17 = arith.constant 128 : i32
    %add3A_18 = arith.addi %mul3A_5, %add3A_17 : i32
    %run_scoped3A_19 = arith.constant 0 : i32
    "tpu.region"() ({
      %run_scoped3A_149 = tpu.sem_alloc : memref<!tpu.dma_semaphore, #tpu.memory_space<semaphore_mem>>
      %dma_start3A_150 = arith.constant 0 : i32
      %dma_start3A_151 = arith.constant 0 : i32
      %dma_start3A_152 = tpu.memref_slice %arg16[%run_scoped3A_19, %dma_start3A_150, %dma_start3A_151] : memref<2x32x128xf32, #tpu.memory_space<vmem>> -> memref<1x32x128xf32, #tpu.memory_space<vmem>>
      %dma_start3A_153 = tpu.memref_squeeze %dma_start3A_152 : memref<1x32x128xf32, #tpu.memory_space<vmem>> -> memref<32x128xf32, #tpu.memory_space<vmem>>
      %dma_start3A_154 = arith.constant 0 : i32
      %dma_start3A_155 = tpu.memref_slice %arg18[%add3A_18, %dma_start3A_154] : memref<10000x128xf32, #tpu.memory_space<vmem_shared>> -> memref<32x128xf32, #tpu.memory_space<vmem_shared>>
      %dma_start3A_156 = arith.constant 0 : i32
      %dma_start3A_157 = tpu.memref_slice %arg18[%add3A_18, %dma_start3A_156] : memref<10000x128xf32, #tpu.memory_space<vmem_shared>> -> memref<32x128xf32, #tpu.memory_space<vmem_shared>>
      %dma_start3A_158 = arith.constant 0 : i32
      %dma_start3A_159 = arith.constant 0 : i32
      %dma_start3A_160 = tpu.memref_slice %arg16[%run_scoped3A_19, %dma_start3A_158, %dma_start3A_159] : memref<2x32x128xf32, #tpu.memory_space<vmem>> -> memref<1x32x128xf32, #tpu.memory_space<vmem>>
      %dma_start3A_161 = tpu.memref_squeeze %dma_start3A_160 : memref<1x32x128xf32, #tpu.memory_space<vmem>> -> memref<32x128xf32, #tpu.memory_space<vmem>>
      tpu.enqueue_dma source(%dma_start3A_161 : memref<32x128xf32, #tpu.memory_space<vmem>>) target(%dma_start3A_157 : memref<32x128xf32, #tpu.memory_space<vmem_shared>>) target_semaphore(%run_scoped3A_149 : memref<!tpu.dma_semaphore, #tpu.memory_space<semaphore_mem>>)
      %dma_wait3A = arith.constant 0 : i32
      %dma_wait3A_162 = arith.constant 0 : i32
      %dma_wait3A_163 = tpu.memref_slice %arg16[%run_scoped3A_19, %dma_wait3A, %dma_wait3A_162] : memref<2x32x128xf32, #tpu.memory_space<vmem>> -> memref<1x32x128xf32, #tpu.memory_space<vmem>>
      %dma_wait3A_164 = tpu.memref_squeeze %dma_wait3A_163 : memref<1x32x128xf32, #tpu.memory_space<vmem>> -> memref<32x128xf32, #tpu.memory_space<vmem>>
      %dma_wait3A_165 = arith.constant 0 : i32
      %dma_wait3A_166 = tpu.memref_slice %arg18[%add3A_18, %dma_wait3A_165] : memref<10000x128xf32, #tpu.memory_space<vmem_shared>> -> memref<32x128xf32, #tpu.memory_space<vmem_shared>>
      %dma_wait3A_167 = arith.constant 0 : i32
      %dma_wait3A_168 = tpu.memref_slice %arg18[%add3A_18, %dma_wait3A_167] : memref<10000x128xf32, #tpu.memory_space<vmem_shared>> -> memref<32x128xf32, #tpu.memory_space<vmem_shared>>
      %dma_wait3A_169 = arith.constant 0 : i32
      %dma_wait3A_170 = arith.constant 0 : i32
      %dma_wait3A_171 = tpu.memref_slice %arg16[%run_scoped3A_19, %dma_wait3A_169, %dma_wait3A_170] : memref<2x32x128xf32, #tpu.memory_space<vmem>> -> memref<1x32x128xf32, #tpu.memory_space<vmem>>
      %dma_wait3A_172 = tpu.memref_squeeze %dma_wait3A_171 : memref<1x32x128xf32, #tpu.memory_space<vmem>> -> memref<32x128xf32, #tpu.memory_space<vmem>>
      tpu.wait_dma2 semaphore(%run_scoped3A_149 : memref<!tpu.dma_semaphore, #tpu.memory_space<semaphore_mem>>) src(%dma_wait3A_172 : memref<32x128xf32, #tpu.memory_space<vmem>>) dst(%dma_wait3A_168 : memref<32x128xf32, #tpu.memory_space<vmem_shared>>)
      tpu.yield
    }) : () -> ()
    %add3A_20 = arith.constant 160 : i32
    %add3A_21 = arith.addi %mul3A_5, %add3A_20 : i32
    %run_scoped3A_22 = arith.constant 0 : i32
    "tpu.region"() ({
      %run_scoped3A_149 = tpu.sem_alloc : memref<!tpu.dma_semaphore, #tpu.memory_space<semaphore_mem>>
      %dma_start3A_150 = arith.constant 0 : i32
      %dma_start3A_151 = arith.constant 0 : i32
      %dma_start3A_152 = tpu.memref_slice %arg16[%run_scoped3A_22, %dma_start3A_150, %dma_start3A_151] : memref<2x32x128xf32, #tpu.memory_space<vmem>> -> memref<1x32x128xf32, #tpu.memory_space<vmem>>
      %dma_start3A_153 = tpu.memref_squeeze %dma_start3A_152 : memref<1x32x128xf32, #tpu.memory_space<vmem>> -> memref<32x128xf32, #tpu.memory_space<vmem>>
      %dma_start3A_154 = arith.constant 0 : i32
      %dma_start3A_155 = tpu.memref_slice %arg18[%add3A_21, %dma_start3A_154] : memref<10000x128xf32, #tpu.memory_space<vmem_shared>> -> memref<32x128xf32, #tpu.memory_space<vmem_shared>>
      %dma_start3A_156 = arith.constant 0 : i32
      %dma_start3A_157 = tpu.memref_slice %arg18[%add3A_21, %dma_start3A_156] : memref<10000x128xf32, #tpu.memory_space<vmem_shared>> -> memref<32x128xf32, #tpu.memory_space<vmem_shared>>
      %dma_start3A_158 = arith.constant 0 : i32
      %dma_start3A_159 = arith.constant 0 : i32
      %dma_start3A_160 = tpu.memref_slice %arg16[%run_scoped3A_22, %dma_start3A_158, %dma_start3A_159] : memref<2x32x128xf32, #tpu.memory_space<vmem>> -> memref<1x32x128xf32, #tpu.memory_space<vmem>>
      %dma_start3A_161 = tpu.memref_squeeze %dma_start3A_160 : memref<1x32x128xf32, #tpu.memory_space<vmem>> -> memref<32x128xf32, #tpu.memory_space<vmem>>
      tpu.enqueue_dma source(%dma_start3A_161 : memref<32x128xf32, #tpu.memory_space<vmem>>) target(%dma_start3A_157 : memref<32x128xf32, #tpu.memory_space<vmem_shared>>) target_semaphore(%run_scoped3A_149 : memref<!tpu.dma_semaphore, #tpu.memory_space<semaphore_mem>>)
      %dma_wait3A = arith.constant 0 : i32
      %dma_wait3A_162 = arith.constant 0 : i32
      %dma_wait3A_163 = tpu.memref_slice %arg16[%run_scoped3A_22, %dma_wait3A, %dma_wait3A_162] : memref<2x32x128xf32, #tpu.memory_space<vmem>> -> memref<1x32x128xf32, #tpu.memory_space<vmem>>
      %dma_wait3A_164 = tpu.memref_squeeze %dma_wait3A_163 : memref<1x32x128xf32, #tpu.memory_space<vmem>> -> memref<32x128xf32, #tpu.memory_space<vmem>>
      %dma_wait3A_165 = arith.constant 0 : i32
      %dma_wait3A_166 = tpu.memref_slice %arg18[%add3A_21, %dma_wait3A_165] : memref<10000x128xf32, #tpu.memory_space<vmem_shared>> -> memref<32x128xf32, #tpu.memory_space<vmem_shared>>
      %dma_wait3A_167 = arith.constant 0 : i32
      %dma_wait3A_168 = tpu.memref_slice %arg18[%add3A_21, %dma_wait3A_167] : memref<10000x128xf32, #tpu.memory_space<vmem_shared>> -> memref<32x128xf32, #tpu.memory_space<vmem_shared>>
      %dma_wait3A_169 = arith.constant 0 : i32
      %dma_wait3A_170 = arith.constant 0 : i32
      %dma_wait3A_171 = tpu.memref_slice %arg16[%run_scoped3A_22, %dma_wait3A_169, %dma_wait3A_170] : memref<2x32x128xf32, #tpu.memory_space<vmem>> -> memref<1x32x128xf32, #tpu.memory_space<vmem>>
      %dma_wait3A_172 = tpu.memref_squeeze %dma_wait3A_171 : memref<1x32x128xf32, #tpu.memory_space<vmem>> -> memref<32x128xf32, #tpu.memory_space<vmem>>
      tpu.wait_dma2 semaphore(%run_scoped3A_149 : memref<!tpu.dma_semaphore, #tpu.memory_space<semaphore_mem>>) src(%dma_wait3A_172 : memref<32x128xf32, #tpu.memory_space<vmem>>) dst(%dma_wait3A_168 : memref<32x128xf32, #tpu.memory_space<vmem_shared>>)
      tpu.yield
    }) : () -> ()
    %add3A_23 = arith.constant 192 : i32
    %add3A_24 = arith.addi %mul3A_5, %add3A_23 : i32
    %run_scoped3A_25 = arith.constant 0 : i32
    "tpu.region"() ({
      %run_scoped3A_149 = tpu.sem_alloc : memref<!tpu.dma_semaphore, #tpu.memory_space<semaphore_mem>>
      %dma_start3A_150 = arith.constant 0 : i32
      %dma_start3A_151 = arith.constant 0 : i32
      %dma_start3A_152 = tpu.memref_slice %arg16[%run_scoped3A_25, %dma_start3A_150, %dma_start3A_151] : memref<2x32x128xf32, #tpu.memory_space<vmem>> -> memref<1x32x128xf32, #tpu.memory_space<vmem>>
      %dma_start3A_153 = tpu.memref_squeeze %dma_start3A_152 : memref<1x32x128xf32, #tpu.memory_space<vmem>> -> memref<32x128xf32, #tpu.memory_space<vmem>>
      %dma_start3A_154 = arith.constant 0 : i32
      %dma_start3A_155 = tpu.memref_slice %arg18[%add3A_24, %dma_start3A_154] : memref<10000x128xf32, #tpu.memory_space<vmem_shared>> -> memref<32x128xf32, #tpu.memory_space<vmem_shared>>
      %dma_start3A_156 = arith.constant 0 : i32
      %dma_start3A_157 = tpu.memref_slice %arg18[%add3A_24, %dma_start3A_156] : memref<10000x128xf32, #tpu.memory_space<vmem_shared>> -> memref<32x128xf32, #tpu.memory_space<vmem_shared>>
      %dma_start3A_158 = arith.constant 0 : i32
      %dma_start3A_159 = arith.constant 0 : i32
      %dma_start3A_160 = tpu.memref_slice %arg16[%run_scoped3A_25, %dma_start3A_158, %dma_start3A_159] : memref<2x32x128xf32, #tpu.memory_space<vmem>> -> memref<1x32x128xf32, #tpu.memory_space<vmem>>
      %dma_start3A_161 = tpu.memref_squeeze %dma_start3A_160 : memref<1x32x128xf32, #tpu.memory_space<vmem>> -> memref<32x128xf32, #tpu.memory_space<vmem>>
      tpu.enqueue_dma source(%dma_start3A_161 : memref<32x128xf32, #tpu.memory_space<vmem>>) target(%dma_start3A_157 : memref<32x128xf32, #tpu.memory_space<vmem_shared>>) target_semaphore(%run_scoped3A_149 : memref<!tpu.dma_semaphore, #tpu.memory_space<semaphore_mem>>)
      %dma_wait3A = arith.constant 0 : i32
      %dma_wait3A_162 = arith.constant 0 : i32
      %dma_wait3A_163 = tpu.memref_slice %arg16[%run_scoped3A_25, %dma_wait3A, %dma_wait3A_162] : memref<2x32x128xf32, #tpu.memory_space<vmem>> -> memref<1x32x128xf32, #tpu.memory_space<vmem>>
      %dma_wait3A_164 = tpu.memref_squeeze %dma_wait3A_163 : memref<1x32x128xf32, #tpu.memory_space<vmem>> -> memref<32x128xf32, #tpu.memory_space<vmem>>
      %dma_wait3A_165 = arith.constant 0 : i32
      %dma_wait3A_166 = tpu.memref_slice %arg18[%add3A_24, %dma_wait3A_165] : memref<10000x128xf32, #tpu.memory_space<vmem_shared>> -> memref<32x128xf32, #tpu.memory_space<vmem_shared>>
      %dma_wait3A_167 = arith.constant 0 : i32
      %dma_wait3A_168 = tpu.memref_slice %arg18[%add3A_24, %dma_wait3A_167] : memref<10000x128xf32, #tpu.memory_space<vmem_shared>> -> memref<32x128xf32, #tpu.memory_space<vmem_shared>>
      %dma_wait3A_169 = arith.constant 0 : i32
      %dma_wait3A_170 = arith.constant 0 : i32
      %dma_wait3A_171 = tpu.memref_slice %arg16[%run_scoped3A_25, %dma_wait3A_169, %dma_wait3A_170] : memref<2x32x128xf32, #tpu.memory_space<vmem>> -> memref<1x32x128xf32, #tpu.memory_space<vmem>>
      %dma_wait3A_172 = tpu.memref_squeeze %dma_wait3A_171 : memref<1x32x128xf32, #tpu.memory_space<vmem>> -> memref<32x128xf32, #tpu.memory_space<vmem>>
      tpu.wait_dma2 semaphore(%run_scoped3A_149 : memref<!tpu.dma_semaphore, #tpu.memory_space<semaphore_mem>>) src(%dma_wait3A_172 : memref<32x128xf32, #tpu.memory_space<vmem>>) dst(%dma_wait3A_168 : memref<32x128xf32, #tpu.memory_space<vmem_shared>>)
      tpu.yield
    }) : () -> ()
    %add3A_26 = arith.constant 224 : i32
    %add3A_27 = arith.addi %mul3A_5, %add3A_26 : i32
    %run_scoped3A_28 = arith.constant 0 : i32
    "tpu.region"() ({
      %run_scoped3A_149 = tpu.sem_alloc : memref<!tpu.dma_semaphore, #tpu.memory_space<semaphore_mem>>
      %dma_start3A_150 = arith.constant 0 : i32
      %dma_start3A_151 = arith.constant 0 : i32
      %dma_start3A_152 = tpu.memref_slice %arg16[%run_scoped3A_28, %dma_start3A_150, %dma_start3A_151] : memref<2x32x128xf32, #tpu.memory_space<vmem>> -> memref<1x32x128xf32, #tpu.memory_space<vmem>>
      %dma_start3A_153 = tpu.memref_squeeze %dma_start3A_152 : memref<1x32x128xf32, #tpu.memory_space<vmem>> -> memref<32x128xf32, #tpu.memory_space<vmem>>
      %dma_start3A_154 = arith.constant 0 : i32
      %dma_start3A_155 = tpu.memref_slice %arg18[%add3A_27, %dma_start3A_154] : memref<10000x128xf32, #tpu.memory_space<vmem_shared>> -> memref<32x128xf32, #tpu.memory_space<vmem_shared>>
      %dma_start3A_156 = arith.constant 0 : i32
      %dma_start3A_157 = tpu.memref_slice %arg18[%add3A_27, %dma_start3A_156] : memref<10000x128xf32, #tpu.memory_space<vmem_shared>> -> memref<32x128xf32, #tpu.memory_space<vmem_shared>>
      %dma_start3A_158 = arith.constant 0 : i32
      %dma_start3A_159 = arith.constant 0 : i32
      %dma_start3A_160 = tpu.memref_slice %arg16[%run_scoped3A_28, %dma_start3A_158, %dma_start3A_159] : memref<2x32x128xf32, #tpu.memory_space<vmem>> -> memref<1x32x128xf32, #tpu.memory_space<vmem>>
      %dma_start3A_161 = tpu.memref_squeeze %dma_start3A_160 : memref<1x32x128xf32, #tpu.memory_space<vmem>> -> memref<32x128xf32, #tpu.memory_space<vmem>>
      tpu.enqueue_dma source(%dma_start3A_161 : memref<32x128xf32, #tpu.memory_space<vmem>>) target(%dma_start3A_157 : memref<32x128xf32, #tpu.memory_space<vmem_shared>>) target_semaphore(%run_scoped3A_149 : memref<!tpu.dma_semaphore, #tpu.memory_space<semaphore_mem>>)
      %dma_wait3A = arith.constant 0 : i32
      %dma_wait3A_162 = arith.constant 0 : i32
      %dma_wait3A_163 = tpu.memref_slice %arg16[%run_scoped3A_28, %dma_wait3A, %dma_wait3A_162] : memref<2x32x128xf32, #tpu.memory_space<vmem>> -> memref<1x32x128xf32, #tpu.memory_space<vmem>>
      %dma_wait3A_164 = tpu.memref_squeeze %dma_wait3A_163 : memref<1x32x128xf32, #tpu.memory_space<vmem>> -> memref<32x128xf32, #tpu.memory_space<vmem>>
      %dma_wait3A_165 = arith.constant 0 : i32
      %dma_wait3A_166 = tpu.memref_slice %arg18[%add3A_27, %dma_wait3A_165] : memref<10000x128xf32, #tpu.memory_space<vmem_shared>> -> memref<32x128xf32, #tpu.memory_space<vmem_shared>>
      %dma_wait3A_167 = arith.constant 0 : i32
      %dma_wait3A_168 = tpu.memref_slice %arg18[%add3A_27, %dma_wait3A_167] : memref<10000x128xf32, #tpu.memory_space<vmem_shared>> -> memref<32x128xf32, #tpu.memory_space<vmem_shared>>
      %dma_wait3A_169 = arith.constant 0 : i32
      %dma_wait3A_170 = arith.constant 0 : i32
      %dma_wait3A_171 = tpu.memref_slice %arg16[%run_scoped3A_28, %dma_wait3A_169, %dma_wait3A_170] : memref<2x32x128xf32, #tpu.memory_space<vmem>> -> memref<1x32x128xf32, #tpu.memory_space<vmem>>
      %dma_wait3A_172 = tpu.memref_squeeze %dma_wait3A_171 : memref<1x32x128xf32, #tpu.memory_space<vmem>> -> memref<32x128xf32, #tpu.memory_space<vmem>>
      tpu.wait_dma2 semaphore(%run_scoped3A_149 : memref<!tpu.dma_semaphore, #tpu.memory_space<semaphore_mem>>) src(%dma_wait3A_172 : memref<32x128xf32, #tpu.memory_space<vmem>>) dst(%dma_wait3A_168 : memref<32x128xf32, #tpu.memory_space<vmem_shared>>)
      tpu.yield
    }) : () -> ()
    %add3A_29 = arith.constant 256 : i32
    %add3A_30 = arith.addi %mul3A_5, %add3A_29 : i32
    %run_scoped3A_31 = arith.constant 0 : i32
    "tpu.region"() ({
      %run_scoped3A_149 = tpu.sem_alloc : memref<!tpu.dma_semaphore, #tpu.memory_space<semaphore_mem>>
      %dma_start3A_150 = arith.constant 0 : i32
      %dma_start3A_151 = arith.constant 0 : i32
      %dma_start3A_152 = tpu.memref_slice %arg16[%run_scoped3A_31, %dma_start3A_150, %dma_start3A_151] : memref<2x32x128xf32, #tpu.memory_space<vmem>> -> memref<1x32x128xf32, #tpu.memory_space<vmem>>
      %dma_start3A_153 = tpu.memref_squeeze %dma_start3A_152 : memref<1x32x128xf32, #tpu.memory_space<vmem>> -> memref<32x128xf32, #tpu.memory_space<vmem>>
      %dma_start3A_154 = arith.constant 0 : i32
      %dma_start3A_155 = tpu.memref_slice %arg18[%add3A_30, %dma_start3A_154] : memref<10000x128xf32, #tpu.memory_space<vmem_shared>> -> memref<32x128xf32, #tpu.memory_space<vmem_shared>>
      %dma_start3A_156 = arith.constant 0 : i32
      %dma_start3A_157 = tpu.memref_slice %arg18[%add3A_30, %dma_start3A_156] : memref<10000x128xf32, #tpu.memory_space<vmem_shared>> -> memref<32x128xf32, #tpu.memory_space<vmem_shared>>
      %dma_start3A_158 = arith.constant 0 : i32
      %dma_start3A_159 = arith.constant 0 : i32
      %dma_start3A_160 = tpu.memref_slice %arg16[%run_scoped3A_31, %dma_start3A_158, %dma_start3A_159] : memref<2x32x128xf32, #tpu.memory_space<vmem>> -> memref<1x32x128xf32, #tpu.memory_space<vmem>>
      %dma_start3A_161 = tpu.memref_squeeze %dma_start3A_160 : memref<1x32x128xf32, #tpu.memory_space<vmem>> -> memref<32x128xf32, #tpu.memory_space<vmem>>
      tpu.enqueue_dma source(%dma_start3A_161 : memref<32x128xf32, #tpu.memory_space<vmem>>) target(%dma_start3A_157 : memref<32x128xf32, #tpu.memory_space<vmem_shared>>) target_semaphore(%run_scoped3A_149 : memref<!tpu.dma_semaphore, #tpu.memory_space<semaphore_mem>>)
      %dma_wait3A = arith.constant 0 : i32
      %dma_wait3A_162 = arith.constant 0 : i32
      %dma_wait3A_163 = tpu.memref_slice %arg16[%run_scoped3A_31, %dma_wait3A, %dma_wait3A_162] : memref<2x32x128xf32, #tpu.memory_space<vmem>> -> memref<1x32x128xf32, #tpu.memory_space<vmem>>
      %dma_wait3A_164 = tpu.memref_squeeze %dma_wait3A_163 : memref<1x32x128xf32, #tpu.memory_space<vmem>> -> memref<32x128xf32, #tpu.memory_space<vmem>>
      %dma_wait3A_165 = arith.constant 0 : i32
      %dma_wait3A_166 = tpu.memref_slice %arg18[%add3A_30, %dma_wait3A_165] : memref<10000x128xf32, #tpu.memory_space<vmem_shared>> -> memref<32x128xf32, #tpu.memory_space<vmem_shared>>
      %dma_wait3A_167 = arith.constant 0 : i32
      %dma_wait3A_168 = tpu.memref_slice %arg18[%add3A_30, %dma_wait3A_167] : memref<10000x128xf32, #tpu.memory_space<vmem_shared>> -> memref<32x128xf32, #tpu.memory_space<vmem_shared>>
      %dma_wait3A_169 = arith.constant 0 : i32
      %dma_wait3A_170 = arith.constant 0 : i32
      %dma_wait3A_171 = tpu.memref_slice %arg16[%run_scoped3A_31, %dma_wait3A_169, %dma_wait3A_170] : memref<2x32x128xf32, #tpu.memory_space<vmem>> -> memref<1x32x128xf32, #tpu.memory_space<vmem>>
      %dma_wait3A_172 = tpu.memref_squeeze %dma_wait3A_171 : memref<1x32x128xf32, #tpu.memory_space<vmem>> -> memref<32x128xf32, #tpu.memory_space<vmem>>
      tpu.wait_dma2 semaphore(%run_scoped3A_149 : memref<!tpu.dma_semaphore, #tpu.memory_space<semaphore_mem>>) src(%dma_wait3A_172 : memref<32x128xf32, #tpu.memory_space<vmem>>) dst(%dma_wait3A_168 : memref<32x128xf32, #tpu.memory_space<vmem_shared>>)
      tpu.yield
    }) : () -> ()
    %add3A_32 = arith.constant 288 : i32
    %add3A_33 = arith.addi %mul3A_5, %add3A_32 : i32
    %run_scoped3A_34 = arith.constant 0 : i32
    "tpu.region"() ({
      %run_scoped3A_149 = tpu.sem_alloc : memref<!tpu.dma_semaphore, #tpu.memory_space<semaphore_mem>>
      %dma_start3A_150 = arith.constant 0 : i32
      %dma_start3A_151 = arith.constant 0 : i32
      %dma_start3A_152 = tpu.memref_slice %arg16[%run_scoped3A_34, %dma_start3A_150, %dma_start3A_151] : memref<2x32x128xf32, #tpu.memory_space<vmem>> -> memref<1x32x128xf32, #tpu.memory_space<vmem>>
      %dma_start3A_153 = tpu.memref_squeeze %dma_start3A_152 : memref<1x32x128xf32, #tpu.memory_space<vmem>> -> memref<32x128xf32, #tpu.memory_space<vmem>>
      %dma_start3A_154 = arith.constant 0 : i32
      %dma_start3A_155 = tpu.memref_slice %arg18[%add3A_33, %dma_start3A_154] : memref<10000x128xf32, #tpu.memory_space<vmem_shared>> -> memref<32x128xf32, #tpu.memory_space<vmem_shared>>
      %dma_start3A_156 = arith.constant 0 : i32
      %dma_start3A_157 = tpu.memref_slice %arg18[%add3A_33, %dma_start3A_156] : memref<10000x128xf32, #tpu.memory_space<vmem_shared>> -> memref<32x128xf32, #tpu.memory_space<vmem_shared>>
      %dma_start3A_158 = arith.constant 0 : i32
      %dma_start3A_159 = arith.constant 0 : i32
      %dma_start3A_160 = tpu.memref_slice %arg16[%run_scoped3A_34, %dma_start3A_158, %dma_start3A_159] : memref<2x32x128xf32, #tpu.memory_space<vmem>> -> memref<1x32x128xf32, #tpu.memory_space<vmem>>
      %dma_start3A_161 = tpu.memref_squeeze %dma_start3A_160 : memref<1x32x128xf32, #tpu.memory_space<vmem>> -> memref<32x128xf32, #tpu.memory_space<vmem>>
      tpu.enqueue_dma source(%dma_start3A_161 : memref<32x128xf32, #tpu.memory_space<vmem>>) target(%dma_start3A_157 : memref<32x128xf32, #tpu.memory_space<vmem_shared>>) target_semaphore(%run_scoped3A_149 : memref<!tpu.dma_semaphore, #tpu.memory_space<semaphore_mem>>)
      %dma_wait3A = arith.constant 0 : i32
      %dma_wait3A_162 = arith.constant 0 : i32
      %dma_wait3A_163 = tpu.memref_slice %arg16[%run_scoped3A_34, %dma_wait3A, %dma_wait3A_162] : memref<2x32x128xf32, #tpu.memory_space<vmem>> -> memref<1x32x128xf32, #tpu.memory_space<vmem>>
      %dma_wait3A_164 = tpu.memref_squeeze %dma_wait3A_163 : memref<1x32x128xf32, #tpu.memory_space<vmem>> -> memref<32x128xf32, #tpu.memory_space<vmem>>
      %dma_wait3A_165 = arith.constant 0 : i32
      %dma_wait3A_166 = tpu.memref_slice %arg18[%add3A_33, %dma_wait3A_165] : memref<10000x128xf32, #tpu.memory_space<vmem_shared>> -> memref<32x128xf32, #tpu.memory_space<vmem_shared>>
      %dma_wait3A_167 = arith.constant 0 : i32
      %dma_wait3A_168 = tpu.memref_slice %arg18[%add3A_33, %dma_wait3A_167] : memref<10000x128xf32, #tpu.memory_space<vmem_shared>> -> memref<32x128xf32, #tpu.memory_space<vmem_shared>>
      %dma_wait3A_169 = arith.constant 0 : i32
      %dma_wait3A_170 = arith.constant 0 : i32
      %dma_wait3A_171 = tpu.memref_slice %arg16[%run_scoped3A_34, %dma_wait3A_169, %dma_wait3A_170] : memref<2x32x128xf32, #tpu.memory_space<vmem>> -> memref<1x32x128xf32, #tpu.memory_space<vmem>>
      %dma_wait3A_172 = tpu.memref_squeeze %dma_wait3A_171 : memref<1x32x128xf32, #tpu.memory_space<vmem>> -> memref<32x128xf32, #tpu.memory_space<vmem>>
      tpu.wait_dma2 semaphore(%run_scoped3A_149 : memref<!tpu.dma_semaphore, #tpu.memory_space<semaphore_mem>>) src(%dma_wait3A_172 : memref<32x128xf32, #tpu.memory_space<vmem>>) dst(%dma_wait3A_168 : memref<32x128xf32, #tpu.memory_space<vmem_shared>>)
      tpu.yield
    }) : () -> ()
    %add3A_35 = arith.constant 320 : i32
    %add3A_36 = arith.addi %mul3A_5, %add3A_35 : i32
    %run_scoped3A_37 = arith.constant 0 : i32
    "tpu.region"() ({
      %run_scoped3A_149 = tpu.sem_alloc : memref<!tpu.dma_semaphore, #tpu.memory_space<semaphore_mem>>
      %dma_start3A_150 = arith.constant 0 : i32
      %dma_start3A_151 = arith.constant 0 : i32
      %dma_start3A_152 = tpu.memref_slice %arg16[%run_scoped3A_37, %dma_start3A_150, %dma_start3A_151] : memref<2x32x128xf32, #tpu.memory_space<vmem>> -> memref<1x32x128xf32, #tpu.memory_space<vmem>>
      %dma_start3A_153 = tpu.memref_squeeze %dma_start3A_152 : memref<1x32x128xf32, #tpu.memory_space<vmem>> -> memref<32x128xf32, #tpu.memory_space<vmem>>
      %dma_start3A_154 = arith.constant 0 : i32
      %dma_start3A_155 = tpu.memref_slice %arg18[%add3A_36, %dma_start3A_154] : memref<10000x128xf32, #tpu.memory_space<vmem_shared>> -> memref<32x128xf32, #tpu.memory_space<vmem_shared>>
      %dma_start3A_156 = arith.constant 0 : i32
      %dma_start3A_157 = tpu.memref_slice %arg18[%add3A_36, %dma_start3A_156] : memref<10000x128xf32, #tpu.memory_space<vmem_shared>> -> memref<32x128xf32, #tpu.memory_space<vmem_shared>>
      %dma_start3A_158 = arith.constant 0 : i32
      %dma_start3A_159 = arith.constant 0 : i32
      %dma_start3A_160 = tpu.memref_slice %arg16[%run_scoped3A_37, %dma_start3A_158, %dma_start3A_159] : memref<2x32x128xf32, #tpu.memory_space<vmem>> -> memref<1x32x128xf32, #tpu.memory_space<vmem>>
      %dma_start3A_161 = tpu.memref_squeeze %dma_start3A_160 : memref<1x32x128xf32, #tpu.memory_space<vmem>> -> memref<32x128xf32, #tpu.memory_space<vmem>>
      tpu.enqueue_dma source(%dma_start3A_161 : memref<32x128xf32, #tpu.memory_space<vmem>>) target(%dma_start3A_157 : memref<32x128xf32, #tpu.memory_space<vmem_shared>>) target_semaphore(%run_scoped3A_149 : memref<!tpu.dma_semaphore, #tpu.memory_space<semaphore_mem>>)
      %dma_wait3A = arith.constant 0 : i32
      %dma_wait3A_162 = arith.constant 0 : i32
      %dma_wait3A_163 = tpu.memref_slice %arg16[%run_scoped3A_37, %dma_wait3A, %dma_wait3A_162] : memref<2x32x128xf32, #tpu.memory_space<vmem>> -> memref<1x32x128xf32, #tpu.memory_space<vmem>>
      %dma_wait3A_164 = tpu.memref_squeeze %dma_wait3A_163 : memref<1x32x128xf32, #tpu.memory_space<vmem>> -> memref<32x128xf32, #tpu.memory_space<vmem>>
      %dma_wait3A_165 = arith.constant 0 : i32
      %dma_wait3A_166 = tpu.memref_slice %arg18[%add3A_36, %dma_wait3A_165] : memref<10000x128xf32, #tpu.memory_space<vmem_shared>> -> memref<32x128xf32, #tpu.memory_space<vmem_shared>>
      %dma_wait3A_167 = arith.constant 0 : i32
      %dma_wait3A_168 = tpu.memref_slice %arg18[%add3A_36, %dma_wait3A_167] : memref<10000x128xf32, #tpu.memory_space<vmem_shared>> -> memref<32x128xf32, #tpu.memory_space<vmem_shared>>
      %dma_wait3A_169 = arith.constant 0 : i32
      %dma_wait3A_170 = arith.constant 0 : i32
      %dma_wait3A_171 = tpu.memref_slice %arg16[%run_scoped3A_37, %dma_wait3A_169, %dma_wait3A_170] : memref<2x32x128xf32, #tpu.memory_space<vmem>> -> memref<1x32x128xf32, #tpu.memory_space<vmem>>
      %dma_wait3A_172 = tpu.memref_squeeze %dma_wait3A_171 : memref<1x32x128xf32, #tpu.memory_space<vmem>> -> memref<32x128xf32, #tpu.memory_space<vmem>>
      tpu.wait_dma2 semaphore(%run_scoped3A_149 : memref<!tpu.dma_semaphore, #tpu.memory_space<semaphore_mem>>) src(%dma_wait3A_172 : memref<32x128xf32, #tpu.memory_space<vmem>>) dst(%dma_wait3A_168 : memref<32x128xf32, #tpu.memory_space<vmem_shared>>)
      tpu.yield
    }) : () -> ()
    %add3A_38 = arith.constant 352 : i32
    %add3A_39 = arith.addi %mul3A_5, %add3A_38 : i32
    %run_scoped3A_40 = arith.constant 0 : i32
    "tpu.region"() ({
      %run_scoped3A_149 = tpu.sem_alloc : memref<!tpu.dma_semaphore, #tpu.memory_space<semaphore_mem>>
      %dma_start3A_150 = arith.constant 0 : i32
      %dma_start3A_151 = arith.constant 0 : i32
      %dma_start3A_152 = tpu.memref_slice %arg16[%run_scoped3A_40, %dma_start3A_150, %dma_start3A_151] : memref<2x32x128xf32, #tpu.memory_space<vmem>> -> memref<1x32x128xf32, #tpu.memory_space<vmem>>
      %dma_start3A_153 = tpu.memref_squeeze %dma_start3A_152 : memref<1x32x128xf32, #tpu.memory_space<vmem>> -> memref<32x128xf32, #tpu.memory_space<vmem>>
      %dma_start3A_154 = arith.constant 0 : i32
      %dma_start3A_155 = tpu.memref_slice %arg18[%add3A_39, %dma_start3A_154] : memref<10000x128xf32, #tpu.memory_space<vmem_shared>> -> memref<32x128xf32, #tpu.memory_space<vmem_shared>>
      %dma_start3A_156 = arith.constant 0 : i32
      %dma_start3A_157 = tpu.memref_slice %arg18[%add3A_39, %dma_start3A_156] : memref<10000x128xf32, #tpu.memory_space<vmem_shared>> -> memref<32x128xf32, #tpu.memory_space<vmem_shared>>
      %dma_start3A_158 = arith.constant 0 : i32
      %dma_start3A_159 = arith.constant 0 : i32
      %dma_start3A_160 = tpu.memref_slice %arg16[%run_scoped3A_40, %dma_start3A_158, %dma_start3A_159] : memref<2x32x128xf32, #tpu.memory_space<vmem>> -> memref<1x32x128xf32, #tpu.memory_space<vmem>>
      %dma_start3A_161 = tpu.memref_squeeze %dma_start3A_160 : memref<1x32x128xf32, #tpu.memory_space<vmem>> -> memref<32x128xf32, #tpu.memory_space<vmem>>
      tpu.enqueue_dma source(%dma_start3A_161 : memref<32x128xf32, #tpu.memory_space<vmem>>) target(%dma_start3A_157 : memref<32x128xf32, #tpu.memory_space<vmem_shared>>) target_semaphore(%run_scoped3A_149 : memref<!tpu.dma_semaphore, #tpu.memory_space<semaphore_mem>>)
      %dma_wait3A = arith.constant 0 : i32
      %dma_wait3A_162 = arith.constant 0 : i32
      %dma_wait3A_163 = tpu.memref_slice %arg16[%run_scoped3A_40, %dma_wait3A, %dma_wait3A_162] : memref<2x32x128xf32, #tpu.memory_space<vmem>> -> memref<1x32x128xf32, #tpu.memory_space<vmem>>
      %dma_wait3A_164 = tpu.memref_squeeze %dma_wait3A_163 : memref<1x32x128xf32, #tpu.memory_space<vmem>> -> memref<32x128xf32, #tpu.memory_space<vmem>>
      %dma_wait3A_165 = arith.constant 0 : i32
      %dma_wait3A_166 = tpu.memref_slice %arg18[%add3A_39, %dma_wait3A_165] : memref<10000x128xf32, #tpu.memory_space<vmem_shared>> -> memref<32x128xf32, #tpu.memory_space<vmem_shared>>
      %dma_wait3A_167 = arith.constant 0 : i32
      %dma_wait3A_168 = tpu.memref_slice %arg18[%add3A_39, %dma_wait3A_167] : memref<10000x128xf32, #tpu.memory_space<vmem_shared>> -> memref<32x128xf32, #tpu.memory_space<vmem_shared>>
      %dma_wait3A_169 = arith.constant 0 : i32
      %dma_wait3A_170 = arith.constant 0 : i32
      %dma_wait3A_171 = tpu.memref_slice %arg16[%run_scoped3A_40, %dma_wait3A_169, %dma_wait3A_170] : memref<2x32x128xf32, #tpu.memory_space<vmem>> -> memref<1x32x128xf32, #tpu.memory_space<vmem>>
      %dma_wait3A_172 = tpu.memref_squeeze %dma_wait3A_171 : memref<1x32x128xf32, #tpu.memory_space<vmem>> -> memref<32x128xf32, #tpu.memory_space<vmem>>
      tpu.wait_dma2 semaphore(%run_scoped3A_149 : memref<!tpu.dma_semaphore, #tpu.memory_space<semaphore_mem>>) src(%dma_wait3A_172 : memref<32x128xf32, #tpu.memory_space<vmem>>) dst(%dma_wait3A_168 : memref<32x128xf32, #tpu.memory_space<vmem_shared>>)
      tpu.yield
    }) : () -> ()
    %add3A_41 = arith.constant 384 : i32
    %add3A_42 = arith.addi %mul3A_5, %add3A_41 : i32
    %run_scoped3A_43 = arith.constant 0 : i32
    "tpu.region"() ({
      %run_scoped3A_149 = tpu.sem_alloc : memref<!tpu.dma_semaphore, #tpu.memory_space<semaphore_mem>>
      %dma_start3A_150 = arith.constant 0 : i32
      %dma_start3A_151 = arith.constant 0 : i32
      %dma_start3A_152 = tpu.memref_slice %arg16[%run_scoped3A_43, %dma_start3A_150, %dma_start3A_151] : memref<2x32x128xf32, #tpu.memory_space<vmem>> -> memref<1x32x128xf32, #tpu.memory_space<vmem>>
      %dma_start3A_153 = tpu.memref_squeeze %dma_start3A_152 : memref<1x32x128xf32, #tpu.memory_space<vmem>> -> memref<32x128xf32, #tpu.memory_space<vmem>>
      %dma_start3A_154 = arith.constant 0 : i32
      %dma_start3A_155 = tpu.memref_slice %arg18[%add3A_42, %dma_start3A_154] : memref<10000x128xf32, #tpu.memory_space<vmem_shared>> -> memref<32x128xf32, #tpu.memory_space<vmem_shared>>
      %dma_start3A_156 = arith.constant 0 : i32
      %dma_start3A_157 = tpu.memref_slice %arg18[%add3A_42, %dma_start3A_156] : memref<10000x128xf32, #tpu.memory_space<vmem_shared>> -> memref<32x128xf32, #tpu.memory_space<vmem_shared>>
      %dma_start3A_158 = arith.constant 0 : i32
      %dma_start3A_159 = arith.constant 0 : i32
      %dma_start3A_160 = tpu.memref_slice %arg16[%run_scoped3A_43, %dma_start3A_158, %dma_start3A_159] : memref<2x32x128xf32, #tpu.memory_space<vmem>> -> memref<1x32x128xf32, #tpu.memory_space<vmem>>
      %dma_start3A_161 = tpu.memref_squeeze %dma_start3A_160 : memref<1x32x128xf32, #tpu.memory_space<vmem>> -> memref<32x128xf32, #tpu.memory_space<vmem>>
      tpu.enqueue_dma source(%dma_start3A_161 : memref<32x128xf32, #tpu.memory_space<vmem>>) target(%dma_start3A_157 : memref<32x128xf32, #tpu.memory_space<vmem_shared>>) target_semaphore(%run_scoped3A_149 : memref<!tpu.dma_semaphore, #tpu.memory_space<semaphore_mem>>)
      %dma_wait3A = arith.constant 0 : i32
      %dma_wait3A_162 = arith.constant 0 : i32
      %dma_wait3A_163 = tpu.memref_slice %arg16[%run_scoped3A_43, %dma_wait3A, %dma_wait3A_162] : memref<2x32x128xf32, #tpu.memory_space<vmem>> -> memref<1x32x128xf32, #tpu.memory_space<vmem>>
      %dma_wait3A_164 = tpu.memref_squeeze %dma_wait3A_163 : memref<1x32x128xf32, #tpu.memory_space<vmem>> -> memref<32x128xf32, #tpu.memory_space<vmem>>
      %dma_wait3A_165 = arith.constant 0 : i32
      %dma_wait3A_166 = tpu.memref_slice %arg18[%add3A_42, %dma_wait3A_165] : memref<10000x128xf32, #tpu.memory_space<vmem_shared>> -> memref<32x128xf32, #tpu.memory_space<vmem_shared>>
      %dma_wait3A_167 = arith.constant 0 : i32
      %dma_wait3A_168 = tpu.memref_slice %arg18[%add3A_42, %dma_wait3A_167] : memref<10000x128xf32, #tpu.memory_space<vmem_shared>> -> memref<32x128xf32, #tpu.memory_space<vmem_shared>>
      %dma_wait3A_169 = arith.constant 0 : i32
      %dma_wait3A_170 = arith.constant 0 : i32
      %dma_wait3A_171 = tpu.memref_slice %arg16[%run_scoped3A_43, %dma_wait3A_169, %dma_wait3A_170] : memref<2x32x128xf32, #tpu.memory_space<vmem>> -> memref<1x32x128xf32, #tpu.memory_space<vmem>>
      %dma_wait3A_172 = tpu.memref_squeeze %dma_wait3A_171 : memref<1x32x128xf32, #tpu.memory_space<vmem>> -> memref<32x128xf32, #tpu.memory_space<vmem>>
      tpu.wait_dma2 semaphore(%run_scoped3A_149 : memref<!tpu.dma_semaphore, #tpu.memory_space<semaphore_mem>>) src(%dma_wait3A_172 : memref<32x128xf32, #tpu.memory_space<vmem>>) dst(%dma_wait3A_168 : memref<32x128xf32, #tpu.memory_space<vmem_shared>>)
      tpu.yield
    }) : () -> ()
    %add3A_44 = arith.constant 416 : i32
    %add3A_45 = arith.addi %mul3A_5, %add3A_44 : i32
    %run_scoped3A_46 = arith.constant 0 : i32
    "tpu.region"() ({
      %run_scoped3A_149 = tpu.sem_alloc : memref<!tpu.dma_semaphore, #tpu.memory_space<semaphore_mem>>
      %dma_start3A_150 = arith.constant 0 : i32
      %dma_start3A_151 = arith.constant 0 : i32
      %dma_start3A_152 = tpu.memref_slice %arg16[%run_scoped3A_46, %dma_start3A_150, %dma_start3A_151] : memref<2x32x128xf32, #tpu.memory_space<vmem>> -> memref<1x32x128xf32, #tpu.memory_space<vmem>>
      %dma_start3A_153 = tpu.memref_squeeze %dma_start3A_152 : memref<1x32x128xf32, #tpu.memory_space<vmem>> -> memref<32x128xf32, #tpu.memory_space<vmem>>
      %dma_start3A_154 = arith.constant 0 : i32
      %dma_start3A_155 = tpu.memref_slice %arg18[%add3A_45, %dma_start3A_154] : memref<10000x128xf32, #tpu.memory_space<vmem_shared>> -> memref<32x128xf32, #tpu.memory_space<vmem_shared>>
      %dma_start3A_156 = arith.constant 0 : i32
      %dma_start3A_157 = tpu.memref_slice %arg18[%add3A_45, %dma_start3A_156] : memref<10000x128xf32, #tpu.memory_space<vmem_shared>> -> memref<32x128xf32, #tpu.memory_space<vmem_shared>>
      %dma_start3A_158 = arith.constant 0 : i32
      %dma_start3A_159 = arith.constant 0 : i32
      %dma_start3A_160 = tpu.memref_slice %arg16[%run_scoped3A_46, %dma_start3A_158, %dma_start3A_159] : memref<2x32x128xf32, #tpu.memory_space<vmem>> -> memref<1x32x128xf32, #tpu.memory_space<vmem>>
      %dma_start3A_161 = tpu.memref_squeeze %dma_start3A_160 : memref<1x32x128xf32, #tpu.memory_space<vmem>> -> memref<32x128xf32, #tpu.memory_space<vmem>>
      tpu.enqueue_dma source(%dma_start3A_161 : memref<32x128xf32, #tpu.memory_space<vmem>>) target(%dma_start3A_157 : memref<32x128xf32, #tpu.memory_space<vmem_shared>>) target_semaphore(%run_scoped3A_149 : memref<!tpu.dma_semaphore, #tpu.memory_space<semaphore_mem>>)
      %dma_wait3A = arith.constant 0 : i32
      %dma_wait3A_162 = arith.constant 0 : i32
      %dma_wait3A_163 = tpu.memref_slice %arg16[%run_scoped3A_46, %dma_wait3A, %dma_wait3A_162] : memref<2x32x128xf32, #tpu.memory_space<vmem>> -> memref<1x32x128xf32, #tpu.memory_space<vmem>>
      %dma_wait3A_164 = tpu.memref_squeeze %dma_wait3A_163 : memref<1x32x128xf32, #tpu.memory_space<vmem>> -> memref<32x128xf32, #tpu.memory_space<vmem>>
      %dma_wait3A_165 = arith.constant 0 : i32
      %dma_wait3A_166 = tpu.memref_slice %arg18[%add3A_45, %dma_wait3A_165] : memref<10000x128xf32, #tpu.memory_space<vmem_shared>> -> memref<32x128xf32, #tpu.memory_space<vmem_shared>>
      %dma_wait3A_167 = arith.constant 0 : i32
      %dma_wait3A_168 = tpu.memref_slice %arg18[%add3A_45, %dma_wait3A_167] : memref<10000x128xf32, #tpu.memory_space<vmem_shared>> -> memref<32x128xf32, #tpu.memory_space<vmem_shared>>
      %dma_wait3A_169 = arith.constant 0 : i32
      %dma_wait3A_170 = arith.constant 0 : i32
      %dma_wait3A_171 = tpu.memref_slice %arg16[%run_scoped3A_46, %dma_wait3A_169, %dma_wait3A_170] : memref<2x32x128xf32, #tpu.memory_space<vmem>> -> memref<1x32x128xf32, #tpu.memory_space<vmem>>
      %dma_wait3A_172 = tpu.memref_squeeze %dma_wait3A_171 : memref<1x32x128xf32, #tpu.memory_space<vmem>> -> memref<32x128xf32, #tpu.memory_space<vmem>>
      tpu.wait_dma2 semaphore(%run_scoped3A_149 : memref<!tpu.dma_semaphore, #tpu.memory_space<semaphore_mem>>) src(%dma_wait3A_172 : memref<32x128xf32, #tpu.memory_space<vmem>>) dst(%dma_wait3A_168 : memref<32x128xf32, #tpu.memory_space<vmem_shared>>)
      tpu.yield
    }) : () -> ()
    %add3A_47 = arith.constant 448 : i32
    %add3A_48 = arith.addi %mul3A_5, %add3A_47 : i32
    %run_scoped3A_49 = arith.constant 0 : i32
    "tpu.region"() ({
      %run_scoped3A_149 = tpu.sem_alloc : memref<!tpu.dma_semaphore, #tpu.memory_space<semaphore_mem>>
      %dma_start3A_150 = arith.constant 0 : i32
      %dma_start3A_151 = arith.constant 0 : i32
      %dma_start3A_152 = tpu.memref_slice %arg16[%run_scoped3A_49, %dma_start3A_150, %dma_start3A_151] : memref<2x32x128xf32, #tpu.memory_space<vmem>> -> memref<1x32x128xf32, #tpu.memory_space<vmem>>
      %dma_start3A_153 = tpu.memref_squeeze %dma_start3A_152 : memref<1x32x128xf32, #tpu.memory_space<vmem>> -> memref<32x128xf32, #tpu.memory_space<vmem>>
      %dma_start3A_154 = arith.constant 0 : i32
      %dma_start3A_155 = tpu.memref_slice %arg18[%add3A_48, %dma_start3A_154] : memref<10000x128xf32, #tpu.memory_space<vmem_shared>> -> memref<32x128xf32, #tpu.memory_space<vmem_shared>>
      %dma_start3A_156 = arith.constant 0 : i32
      %dma_start3A_157 = tpu.memref_slice %arg18[%add3A_48, %dma_start3A_156] : memref<10000x128xf32, #tpu.memory_space<vmem_shared>> -> memref<32x128xf32, #tpu.memory_space<vmem_shared>>
      %dma_start3A_158 = arith.constant 0 : i32
      %dma_start3A_159 = arith.constant 0 : i32
      %dma_start3A_160 = tpu.memref_slice %arg16[%run_scoped3A_49, %dma_start3A_158, %dma_start3A_159] : memref<2x32x128xf32, #tpu.memory_space<vmem>> -> memref<1x32x128xf32, #tpu.memory_space<vmem>>
      %dma_start3A_161 = tpu.memref_squeeze %dma_start3A_160 : memref<1x32x128xf32, #tpu.memory_space<vmem>> -> memref<32x128xf32, #tpu.memory_space<vmem>>
      tpu.enqueue_dma source(%dma_start3A_161 : memref<32x128xf32, #tpu.memory_space<vmem>>) target(%dma_start3A_157 : memref<32x128xf32, #tpu.memory_space<vmem_shared>>) target_semaphore(%run_scoped3A_149 : memref<!tpu.dma_semaphore, #tpu.memory_space<semaphore_mem>>)
      %dma_wait3A = arith.constant 0 : i32
      %dma_wait3A_162 = arith.constant 0 : i32
      %dma_wait3A_163 = tpu.memref_slice %arg16[%run_scoped3A_49, %dma_wait3A, %dma_wait3A_162] : memref<2x32x128xf32, #tpu.memory_space<vmem>> -> memref<1x32x128xf32, #tpu.memory_space<vmem>>
      %dma_wait3A_164 = tpu.memref_squeeze %dma_wait3A_163 : memref<1x32x128xf32, #tpu.memory_space<vmem>> -> memref<32x128xf32, #tpu.memory_space<vmem>>
      %dma_wait3A_165 = arith.constant 0 : i32
      %dma_wait3A_166 = tpu.memref_slice %arg18[%add3A_48, %dma_wait3A_165] : memref<10000x128xf32, #tpu.memory_space<vmem_shared>> -> memref<32x128xf32, #tpu.memory_space<vmem_shared>>
      %dma_wait3A_167 = arith.constant 0 : i32
      %dma_wait3A_168 = tpu.memref_slice %arg18[%add3A_48, %dma_wait3A_167] : memref<10000x128xf32, #tpu.memory_space<vmem_shared>> -> memref<32x128xf32, #tpu.memory_space<vmem_shared>>
      %dma_wait3A_169 = arith.constant 0 : i32
      %dma_wait3A_170 = arith.constant 0 : i32
      %dma_wait3A_171 = tpu.memref_slice %arg16[%run_scoped3A_49, %dma_wait3A_169, %dma_wait3A_170] : memref<2x32x128xf32, #tpu.memory_space<vmem>> -> memref<1x32x128xf32, #tpu.memory_space<vmem>>
      %dma_wait3A_172 = tpu.memref_squeeze %dma_wait3A_171 : memref<1x32x128xf32, #tpu.memory_space<vmem>> -> memref<32x128xf32, #tpu.memory_space<vmem>>
      tpu.wait_dma2 semaphore(%run_scoped3A_149 : memref<!tpu.dma_semaphore, #tpu.memory_space<semaphore_mem>>) src(%dma_wait3A_172 : memref<32x128xf32, #tpu.memory_space<vmem>>) dst(%dma_wait3A_168 : memref<32x128xf32, #tpu.memory_space<vmem_shared>>)
      tpu.yield
    }) : () -> ()
    %add3A_50 = arith.constant 480 : i32
    %add3A_51 = arith.addi %mul3A_5, %add3A_50 : i32
    %run_scoped3A_52 = arith.constant 0 : i32
    "tpu.region"() ({
      %run_scoped3A_149 = tpu.sem_alloc : memref<!tpu.dma_semaphore, #tpu.memory_space<semaphore_mem>>
      %dma_start3A_150 = arith.constant 0 : i32
      %dma_start3A_151 = arith.constant 0 : i32
      %dma_start3A_152 = tpu.memref_slice %arg16[%run_scoped3A_52, %dma_start3A_150, %dma_start3A_151] : memref<2x32x128xf32, #tpu.memory_space<vmem>> -> memref<1x32x128xf32, #tpu.memory_space<vmem>>
      %dma_start3A_153 = tpu.memref_squeeze %dma_start3A_152 : memref<1x32x128xf32, #tpu.memory_space<vmem>> -> memref<32x128xf32, #tpu.memory_space<vmem>>
      %dma_start3A_154 = arith.constant 0 : i32
      %dma_start3A_155 = tpu.memref_slice %arg18[%add3A_51, %dma_start3A_154] : memref<10000x128xf32, #tpu.memory_space<vmem_shared>> -> memref<32x128xf32, #tpu.memory_space<vmem_shared>>
      %dma_start3A_156 = arith.constant 0 : i32
      %dma_start3A_157 = tpu.memref_slice %arg18[%add3A_51, %dma_start3A_156] : memref<10000x128xf32, #tpu.memory_space<vmem_shared>> -> memref<32x128xf32, #tpu.memory_space<vmem_shared>>
      %dma_start3A_158 = arith.constant 0 : i32
      %dma_start3A_159 = arith.constant 0 : i32
      %dma_start3A_160 = tpu.memref_slice %arg16[%run_scoped3A_52, %dma_start3A_158, %dma_start3A_159] : memref<2x32x128xf32, #tpu.memory_space<vmem>> -> memref<1x32x128xf32, #tpu.memory_space<vmem>>
      %dma_start3A_161 = tpu.memref_squeeze %dma_start3A_160 : memref<1x32x128xf32, #tpu.memory_space<vmem>> -> memref<32x128xf32, #tpu.memory_space<vmem>>
      tpu.enqueue_dma source(%dma_start3A_161 : memref<32x128xf32, #tpu.memory_space<vmem>>) target(%dma_start3A_157 : memref<32x128xf32, #tpu.memory_space<vmem_shared>>) target_semaphore(%run_scoped3A_149 : memref<!tpu.dma_semaphore, #tpu.memory_space<semaphore_mem>>)
      %dma_wait3A = arith.constant 0 : i32
      %dma_wait3A_162 = arith.constant 0 : i32
      %dma_wait3A_163 = tpu.memref_slice %arg16[%run_scoped3A_52, %dma_wait3A, %dma_wait3A_162] : memref<2x32x128xf32, #tpu.memory_space<vmem>> -> memref<1x32x128xf32, #tpu.memory_space<vmem>>
      %dma_wait3A_164 = tpu.memref_squeeze %dma_wait3A_163 : memref<1x32x128xf32, #tpu.memory_space<vmem>> -> memref<32x128xf32, #tpu.memory_space<vmem>>
      %dma_wait3A_165 = arith.constant 0 : i32
      %dma_wait3A_166 = tpu.memref_slice %arg18[%add3A_51, %dma_wait3A_165] : memref<10000x128xf32, #tpu.memory_space<vmem_shared>> -> memref<32x128xf32, #tpu.memory_space<vmem_shared>>
      %dma_wait3A_167 = arith.constant 0 : i32
      %dma_wait3A_168 = tpu.memref_slice %arg18[%add3A_51, %dma_wait3A_167] : memref<10000x128xf32, #tpu.memory_space<vmem_shared>> -> memref<32x128xf32, #tpu.memory_space<vmem_shared>>
      %dma_wait3A_169 = arith.constant 0 : i32
      %dma_wait3A_170 = arith.constant 0 : i32
      %dma_wait3A_171 = tpu.memref_slice %arg16[%run_scoped3A_52, %dma_wait3A_169, %dma_wait3A_170] : memref<2x32x128xf32, #tpu.memory_space<vmem>> -> memref<1x32x128xf32, #tpu.memory_space<vmem>>
      %dma_wait3A_172 = tpu.memref_squeeze %dma_wait3A_171 : memref<1x32x128xf32, #tpu.memory_space<vmem>> -> memref<32x128xf32, #tpu.memory_space<vmem>>
      tpu.wait_dma2 semaphore(%run_scoped3A_149 : memref<!tpu.dma_semaphore, #tpu.memory_space<semaphore_mem>>) src(%dma_wait3A_172 : memref<32x128xf32, #tpu.memory_space<vmem>>) dst(%dma_wait3A_168 : memref<32x128xf32, #tpu.memory_space<vmem_shared>>)
      tpu.yield
    }) : () -> ()
    %add3A_53 = arith.constant 512 : i32
    %add3A_54 = arith.addi %mul3A_5, %add3A_53 : i32
    %run_scoped3A_55 = arith.constant 0 : i32
    "tpu.region"() ({
      %run_scoped3A_149 = tpu.sem_alloc : memref<!tpu.dma_semaphore, #tpu.memory_space<semaphore_mem>>
      %dma_start3A_150 = arith.constant 0 : i32
      %dma_start3A_151 = arith.constant 0 : i32
      %dma_start3A_152 = tpu.memref_slice %arg16[%run_scoped3A_55, %dma_start3A_150, %dma_start3A_151] : memref<2x32x128xf32, #tpu.memory_space<vmem>> -> memref<1x32x128xf32, #tpu.memory_space<vmem>>
      %dma_start3A_153 = tpu.memref_squeeze %dma_start3A_152 : memref<1x32x128xf32, #tpu.memory_space<vmem>> -> memref<32x128xf32, #tpu.memory_space<vmem>>
      %dma_start3A_154 = arith.constant 0 : i32
      %dma_start3A_155 = tpu.memref_slice %arg18[%add3A_54, %dma_start3A_154] : memref<10000x128xf32, #tpu.memory_space<vmem_shared>> -> memref<32x128xf32, #tpu.memory_space<vmem_shared>>
      %dma_start3A_156 = arith.constant 0 : i32
      %dma_start3A_157 = tpu.memref_slice %arg18[%add3A_54, %dma_start3A_156] : memref<10000x128xf32, #tpu.memory_space<vmem_shared>> -> memref<32x128xf32, #tpu.memory_space<vmem_shared>>
      %dma_start3A_158 = arith.constant 0 : i32
      %dma_start3A_159 = arith.constant 0 : i32
      %dma_start3A_160 = tpu.memref_slice %arg16[%run_scoped3A_55, %dma_start3A_158, %dma_start3A_159] : memref<2x32x128xf32, #tpu.memory_space<vmem>> -> memref<1x32x128xf32, #tpu.memory_space<vmem>>
      %dma_start3A_161 = tpu.memref_squeeze %dma_start3A_160 : memref<1x32x128xf32, #tpu.memory_space<vmem>> -> memref<32x128xf32, #tpu.memory_space<vmem>>
      tpu.enqueue_dma source(%dma_start3A_161 : memref<32x128xf32, #tpu.memory_space<vmem>>) target(%dma_start3A_157 : memref<32x128xf32, #tpu.memory_space<vmem_shared>>) target_semaphore(%run_scoped3A_149 : memref<!tpu.dma_semaphore, #tpu.memory_space<semaphore_mem>>)
      %dma_wait3A = arith.constant 0 : i32
      %dma_wait3A_162 = arith.constant 0 : i32
      %dma_wait3A_163 = tpu.memref_slice %arg16[%run_scoped3A_55, %dma_wait3A, %dma_wait3A_162] : memref<2x32x128xf32, #tpu.memory_space<vmem>> -> memref<1x32x128xf32, #tpu.memory_space<vmem>>
      %dma_wait3A_164 = tpu.memref_squeeze %dma_wait3A_163 : memref<1x32x128xf32, #tpu.memory_space<vmem>> -> memref<32x128xf32, #tpu.memory_space<vmem>>
      %dma_wait3A_165 = arith.constant 0 : i32
      %dma_wait3A_166 = tpu.memref_slice %arg18[%add3A_54, %dma_wait3A_165] : memref<10000x128xf32, #tpu.memory_space<vmem_shared>> -> memref<32x128xf32, #tpu.memory_space<vmem_shared>>
      %dma_wait3A_167 = arith.constant 0 : i32
      %dma_wait3A_168 = tpu.memref_slice %arg18[%add3A_54, %dma_wait3A_167] : memref<10000x128xf32, #tpu.memory_space<vmem_shared>> -> memref<32x128xf32, #tpu.memory_space<vmem_shared>>
      %dma_wait3A_169 = arith.constant 0 : i32
      %dma_wait3A_170 = arith.constant 0 : i32
      %dma_wait3A_171 = tpu.memref_slice %arg16[%run_scoped3A_55, %dma_wait3A_169, %dma_wait3A_170] : memref<2x32x128xf32, #tpu.memory_space<vmem>> -> memref<1x32x128xf32, #tpu.memory_space<vmem>>
      %dma_wait3A_172 = tpu.memref_squeeze %dma_wait3A_171 : memref<1x32x128xf32, #tpu.memory_space<vmem>> -> memref<32x128xf32, #tpu.memory_space<vmem>>
      tpu.wait_dma2 semaphore(%run_scoped3A_149 : memref<!tpu.dma_semaphore, #tpu.memory_space<semaphore_mem>>) src(%dma_wait3A_172 : memref<32x128xf32, #tpu.memory_space<vmem>>) dst(%dma_wait3A_168 : memref<32x128xf32, #tpu.memory_space<vmem_shared>>)
      tpu.yield
    }) : () -> ()
    %add3A_56 = arith.constant 544 : i32
    %add3A_57 = arith.addi %mul3A_5, %add3A_56 : i32
    %run_scoped3A_58 = arith.constant 0 : i32
    "tpu.region"() ({
      %run_scoped3A_149 = tpu.sem_alloc : memref<!tpu.dma_semaphore, #tpu.memory_space<semaphore_mem>>
      %dma_start3A_150 = arith.constant 0 : i32
      %dma_start3A_151 = arith.constant 0 : i32
      %dma_start3A_152 = tpu.memref_slice %arg16[%run_scoped3A_58, %dma_start3A_150, %dma_start3A_151] : memref<2x32x128xf32, #tpu.memory_space<vmem>> -> memref<1x32x128xf32, #tpu.memory_space<vmem>>
      %dma_start3A_153 = tpu.memref_squeeze %dma_start3A_152 : memref<1x32x128xf32, #tpu.memory_space<vmem>> -> memref<32x128xf32, #tpu.memory_space<vmem>>
      %dma_start3A_154 = arith.constant 0 : i32
      %dma_start3A_155 = tpu.memref_slice %arg18[%add3A_57, %dma_start3A_154] : memref<10000x128xf32, #tpu.memory_space<vmem_shared>> -> memref<32x128xf32, #tpu.memory_space<vmem_shared>>
      %dma_start3A_156 = arith.constant 0 : i32
      %dma_start3A_157 = tpu.memref_slice %arg18[%add3A_57, %dma_start3A_156] : memref<10000x128xf32, #tpu.memory_space<vmem_shared>> -> memref<32x128xf32, #tpu.memory_space<vmem_shared>>
      %dma_start3A_158 = arith.constant 0 : i32
      %dma_start3A_159 = arith.constant 0 : i32
      %dma_start3A_160 = tpu.memref_slice %arg16[%run_scoped3A_58, %dma_start3A_158, %dma_start3A_159] : memref<2x32x128xf32, #tpu.memory_space<vmem>> -> memref<1x32x128xf32, #tpu.memory_space<vmem>>
      %dma_start3A_161 = tpu.memref_squeeze %dma_start3A_160 : memref<1x32x128xf32, #tpu.memory_space<vmem>> -> memref<32x128xf32, #tpu.memory_space<vmem>>
      tpu.enqueue_dma source(%dma_start3A_161 : memref<32x128xf32, #tpu.memory_space<vmem>>) target(%dma_start3A_157 : memref<32x128xf32, #tpu.memory_space<vmem_shared>>) target_semaphore(%run_scoped3A_149 : memref<!tpu.dma_semaphore, #tpu.memory_space<semaphore_mem>>)
      %dma_wait3A = arith.constant 0 : i32
      %dma_wait3A_162 = arith.constant 0 : i32
      %dma_wait3A_163 = tpu.memref_slice %arg16[%run_scoped3A_58, %dma_wait3A, %dma_wait3A_162] : memref<2x32x128xf32, #tpu.memory_space<vmem>> -> memref<1x32x128xf32, #tpu.memory_space<vmem>>
      %dma_wait3A_164 = tpu.memref_squeeze %dma_wait3A_163 : memref<1x32x128xf32, #tpu.memory_space<vmem>> -> memref<32x128xf32, #tpu.memory_space<vmem>>
      %dma_wait3A_165 = arith.constant 0 : i32
      %dma_wait3A_166 = tpu.memref_slice %arg18[%add3A_57, %dma_wait3A_165] : memref<10000x128xf32, #tpu.memory_space<vmem_shared>> -> memref<32x128xf32, #tpu.memory_space<vmem_shared>>
      %dma_wait3A_167 = arith.constant 0 : i32
      %dma_wait3A_168 = tpu.memref_slice %arg18[%add3A_57, %dma_wait3A_167] : memref<10000x128xf32, #tpu.memory_space<vmem_shared>> -> memref<32x128xf32, #tpu.memory_space<vmem_shared>>
      %dma_wait3A_169 = arith.constant 0 : i32
      %dma_wait3A_170 = arith.constant 0 : i32
      %dma_wait3A_171 = tpu.memref_slice %arg16[%run_scoped3A_58, %dma_wait3A_169, %dma_wait3A_170] : memref<2x32x128xf32, #tpu.memory_space<vmem>> -> memref<1x32x128xf32, #tpu.memory_space<vmem>>
      %dma_wait3A_172 = tpu.memref_squeeze %dma_wait3A_171 : memref<1x32x128xf32, #tpu.memory_space<vmem>> -> memref<32x128xf32, #tpu.memory_space<vmem>>
      tpu.wait_dma2 semaphore(%run_scoped3A_149 : memref<!tpu.dma_semaphore, #tpu.memory_space<semaphore_mem>>) src(%dma_wait3A_172 : memref<32x128xf32, #tpu.memory_space<vmem>>) dst(%dma_wait3A_168 : memref<32x128xf32, #tpu.memory_space<vmem_shared>>)
      tpu.yield
    }) : () -> ()
    %add3A_59 = arith.constant 576 : i32
    %add3A_60 = arith.addi %mul3A_5, %add3A_59 : i32
    %run_scoped3A_61 = arith.constant 0 : i32
    "tpu.region"() ({
      %run_scoped3A_149 = tpu.sem_alloc : memref<!tpu.dma_semaphore, #tpu.memory_space<semaphore_mem>>
      %dma_start3A_150 = arith.constant 0 : i32
      %dma_start3A_151 = arith.constant 0 : i32
      %dma_start3A_152 = tpu.memref_slice %arg16[%run_scoped3A_61, %dma_start3A_150, %dma_start3A_151] : memref<2x32x128xf32, #tpu.memory_space<vmem>> -> memref<1x32x128xf32, #tpu.memory_space<vmem>>
      %dma_start3A_153 = tpu.memref_squeeze %dma_start3A_152 : memref<1x32x128xf32, #tpu.memory_space<vmem>> -> memref<32x128xf32, #tpu.memory_space<vmem>>
      %dma_start3A_154 = arith.constant 0 : i32
      %dma_start3A_155 = tpu.memref_slice %arg18[%add3A_60, %dma_start3A_154] : memref<10000x128xf32, #tpu.memory_space<vmem_shared>> -> memref<32x128xf32, #tpu.memory_space<vmem_shared>>
      %dma_start3A_156 = arith.constant 0 : i32
      %dma_start3A_157 = tpu.memref_slice %arg18[%add3A_60, %dma_start3A_156] : memref<10000x128xf32, #tpu.memory_space<vmem_shared>> -> memref<32x128xf32, #tpu.memory_space<vmem_shared>>
      %dma_start3A_158 = arith.constant 0 : i32
      %dma_start3A_159 = arith.constant 0 : i32
      %dma_start3A_160 = tpu.memref_slice %arg16[%run_scoped3A_61, %dma_start3A_158, %dma_start3A_159] : memref<2x32x128xf32, #tpu.memory_space<vmem>> -> memref<1x32x128xf32, #tpu.memory_space<vmem>>
      %dma_start3A_161 = tpu.memref_squeeze %dma_start3A_160 : memref<1x32x128xf32, #tpu.memory_space<vmem>> -> memref<32x128xf32, #tpu.memory_space<vmem>>
      tpu.enqueue_dma source(%dma_start3A_161 : memref<32x128xf32, #tpu.memory_space<vmem>>) target(%dma_start3A_157 : memref<32x128xf32, #tpu.memory_space<vmem_shared>>) target_semaphore(%run_scoped3A_149 : memref<!tpu.dma_semaphore, #tpu.memory_space<semaphore_mem>>)
      %dma_wait3A = arith.constant 0 : i32
      %dma_wait3A_162 = arith.constant 0 : i32
      %dma_wait3A_163 = tpu.memref_slice %arg16[%run_scoped3A_61, %dma_wait3A, %dma_wait3A_162] : memref<2x32x128xf32, #tpu.memory_space<vmem>> -> memref<1x32x128xf32, #tpu.memory_space<vmem>>
      %dma_wait3A_164 = tpu.memref_squeeze %dma_wait3A_163 : memref<1x32x128xf32, #tpu.memory_space<vmem>> -> memref<32x128xf32, #tpu.memory_space<vmem>>
      %dma_wait3A_165 = arith.constant 0 : i32
      %dma_wait3A_166 = tpu.memref_slice %arg18[%add3A_60, %dma_wait3A_165] : memref<10000x128xf32, #tpu.memory_space<vmem_shared>> -> memref<32x128xf32, #tpu.memory_space<vmem_shared>>
      %dma_wait3A_167 = arith.constant 0 : i32
      %dma_wait3A_168 = tpu.memref_slice %arg18[%add3A_60, %dma_wait3A_167] : memref<10000x128xf32, #tpu.memory_space<vmem_shared>> -> memref<32x128xf32, #tpu.memory_space<vmem_shared>>
      %dma_wait3A_169 = arith.constant 0 : i32
      %dma_wait3A_170 = arith.constant 0 : i32
      %dma_wait3A_171 = tpu.memref_slice %arg16[%run_scoped3A_61, %dma_wait3A_169, %dma_wait3A_170] : memref<2x32x128xf32, #tpu.memory_space<vmem>> -> memref<1x32x128xf32, #tpu.memory_space<vmem>>
      %dma_wait3A_172 = tpu.memref_squeeze %dma_wait3A_171 : memref<1x32x128xf32, #tpu.memory_space<vmem>> -> memref<32x128xf32, #tpu.memory_space<vmem>>
      tpu.wait_dma2 semaphore(%run_scoped3A_149 : memref<!tpu.dma_semaphore, #tpu.memory_space<semaphore_mem>>) src(%dma_wait3A_172 : memref<32x128xf32, #tpu.memory_space<vmem>>) dst(%dma_wait3A_168 : memref<32x128xf32, #tpu.memory_space<vmem_shared>>)
      tpu.yield
    }) : () -> ()
    %add3A_62 = arith.constant 624 : i32
    %add3A_63 = arith.addi %mul3A_5, %add3A_62 : i32
    %sub3A = arith.constant 16 : i32
    %sub3A_64 = arith.subi %add3A_63, %sub3A : i32
    %run_scoped3A_65 = arith.constant 0 : i32
    "tpu.region"() ({
      %run_scoped3A_149 = tpu.sem_alloc : memref<!tpu.dma_semaphore, #tpu.memory_space<semaphore_mem>>
      %dma_start3A_150 = arith.constant 0 : i32
      %dma_start3A_151 = arith.constant 0 : i32
      %dma_start3A_152 = tpu.memref_slice %arg16[%run_scoped3A_65, %dma_start3A_150, %dma_start3A_151] : memref<2x32x128xf32, #tpu.memory_space<vmem>> -> memref<1x16x128xf32, #tpu.memory_space<vmem>>
      %dma_start3A_153 = tpu.memref_squeeze %dma_start3A_152 : memref<1x16x128xf32, #tpu.memory_space<vmem>> -> memref<16x128xf32, #tpu.memory_space<vmem>>
      %dma_start3A_154 = arith.constant 0 : i32
      %dma_start3A_155 = tpu.memref_slice %arg18[%sub3A_64, %dma_start3A_154] : memref<10000x128xf32, #tpu.memory_space<vmem_shared>> -> memref<16x128xf32, #tpu.memory_space<vmem_shared>>
      %dma_start3A_156 = arith.constant 0 : i32
      %dma_start3A_157 = tpu.memref_slice %arg18[%sub3A_64, %dma_start3A_156] : memref<10000x128xf32, #tpu.memory_space<vmem_shared>> -> memref<16x128xf32, #tpu.memory_space<vmem_shared>>
      %dma_start3A_158 = arith.constant 0 : i32
      %dma_start3A_159 = arith.constant 0 : i32
      %dma_start3A_160 = tpu.memref_slice %arg16[%run_scoped3A_65, %dma_start3A_158, %dma_start3A_159] : memref<2x32x128xf32, #tpu.memory_space<vmem>> -> memref<1x16x128xf32, #tpu.memory_space<vmem>>
      %dma_start3A_161 = tpu.memref_squeeze %dma_start3A_160 : memref<1x16x128xf32, #tpu.memory_space<vmem>> -> memref<16x128xf32, #tpu.memory_space<vmem>>
      tpu.enqueue_dma source(%dma_start3A_161 : memref<16x128xf32, #tpu.memory_space<vmem>>) target(%dma_start3A_157 : memref<16x128xf32, #tpu.memory_space<vmem_shared>>) target_semaphore(%run_scoped3A_149 : memref<!tpu.dma_semaphore, #tpu.memory_space<semaphore_mem>>)
      %dma_wait3A = arith.constant 0 : i32
      %dma_wait3A_162 = arith.constant 0 : i32
      %dma_wait3A_163 = tpu.memref_slice %arg16[%run_scoped3A_65, %dma_wait3A, %dma_wait3A_162] : memref<2x32x128xf32, #tpu.memory_space<vmem>> -> memref<1x16x128xf32, #tpu.memory_space<vmem>>
      %dma_wait3A_164 = tpu.memref_squeeze %dma_wait3A_163 : memref<1x16x128xf32, #tpu.memory_space<vmem>> -> memref<16x128xf32, #tpu.memory_space<vmem>>
      %dma_wait3A_165 = arith.constant 0 : i32
      %dma_wait3A_166 = tpu.memref_slice %arg18[%sub3A_64, %dma_wait3A_165] : memref<10000x128xf32, #tpu.memory_space<vmem_shared>> -> memref<16x128xf32, #tpu.memory_space<vmem_shared>>
      %dma_wait3A_167 = arith.constant 0 : i32
      %dma_wait3A_168 = tpu.memref_slice %arg18[%sub3A_64, %dma_wait3A_167] : memref<10000x128xf32, #tpu.memory_space<vmem_shared>> -> memref<16x128xf32, #tpu.memory_space<vmem_shared>>
      %dma_wait3A_169 = arith.constant 0 : i32
      %dma_wait3A_170 = arith.constant 0 : i32
      %dma_wait3A_171 = tpu.memref_slice %arg16[%run_scoped3A_65, %dma_wait3A_169, %dma_wait3A_170] : memref<2x32x128xf32, #tpu.memory_space<vmem>> -> memref<1x16x128xf32, #tpu.memory_space<vmem>>
      %dma_wait3A_172 = tpu.memref_squeeze %dma_wait3A_171 : memref<1x16x128xf32, #tpu.memory_space<vmem>> -> memref<16x128xf32, #tpu.memory_space<vmem>>
      tpu.wait_dma2 semaphore(%run_scoped3A_149 : memref<!tpu.dma_semaphore, #tpu.memory_space<semaphore_mem>>) src(%dma_wait3A_172 : memref<16x128xf32, #tpu.memory_space<vmem>>) dst(%dma_wait3A_168 : memref<16x128xf32, #tpu.memory_space<vmem_shared>>)
      tpu.yield
    }) : () -> ()
    %eq3A = arith.constant 0 : i32
    %eq3A_66 = arith.cmpi eq, %arg1, %eq3A : i32
    %convert_element_type3A = arith.extui %eq3A_66 : i1 to i32
    %cond3A = arith.constant 0 : i32
    %cond3A_67 = arith.cmpi ne, %convert_element_type3A, %cond3A : i32
    scf.if %cond3A_67 {
      %run_scoped3A_149 = arith.constant 0 : i32
      "tpu.region"() ({
        %run_scoped3A_150 = tpu.sem_alloc : memref<!tpu.dma_semaphore, #tpu.memory_space<semaphore_mem>>
        %dma_start3A_151 = arith.constant 0 : i32
        %dma_start3A_152 = arith.constant 0 : i32
        %dma_start3A_153 = tpu.memref_slice %arg16[%run_scoped3A_149, %dma_start3A_151, %dma_start3A_152] : memref<2x32x128xf32, #tpu.memory_space<vmem>> -> memref<1x16x128xf32, #tpu.memory_space<vmem>>
        %dma_start3A_154 = tpu.memref_squeeze %dma_start3A_153 : memref<1x16x128xf32, #tpu.memory_space<vmem>> -> memref<16x128xf32, #tpu.memory_space<vmem>>
        %dma_start3A_155 = arith.constant 9984 : i32
        %dma_start3A_156 = arith.constant 0 : i32
        %dma_start3A_157 = tpu.memref_slice %arg18[%dma_start3A_155, %dma_start3A_156] : memref<10000x128xf32, #tpu.memory_space<vmem_shared>> -> memref<16x128xf32, #tpu.memory_space<vmem_shared>>
        %dma_start3A_158 = arith.constant 9984 : i32
        %dma_start3A_159 = arith.constant 0 : i32
        %dma_start3A_160 = tpu.memref_slice %arg18[%dma_start3A_158, %dma_start3A_159] : memref<10000x128xf32, #tpu.memory_space<vmem_shared>> -> memref<16x128xf32, #tpu.memory_space<vmem_shared>>
        %dma_start3A_161 = arith.constant 0 : i32
        %dma_start3A_162 = arith.constant 0 : i32
        %dma_start3A_163 = tpu.memref_slice %arg16[%run_scoped3A_149, %dma_start3A_161, %dma_start3A_162] : memref<2x32x128xf32, #tpu.memory_space<vmem>> -> memref<1x16x128xf32, #tpu.memory_space<vmem>>
        %dma_start3A_164 = tpu.memref_squeeze %dma_start3A_163 : memref<1x16x128xf32, #tpu.memory_space<vmem>> -> memref<16x128xf32, #tpu.memory_space<vmem>>
        tpu.enqueue_dma source(%dma_start3A_164 : memref<16x128xf32, #tpu.memory_space<vmem>>) target(%dma_start3A_160 : memref<16x128xf32, #tpu.memory_space<vmem_shared>>) target_semaphore(%run_scoped3A_150 : memref<!tpu.dma_semaphore, #tpu.memory_space<semaphore_mem>>)
        %dma_wait3A = arith.constant 0 : i32
        %dma_wait3A_165 = arith.constant 0 : i32
        %dma_wait3A_166 = tpu.memref_slice %arg16[%run_scoped3A_149, %dma_wait3A, %dma_wait3A_165] : memref<2x32x128xf32, #tpu.memory_space<vmem>> -> memref<1x16x128xf32, #tpu.memory_space<vmem>>
        %dma_wait3A_167 = tpu.memref_squeeze %dma_wait3A_166 : memref<1x16x128xf32, #tpu.memory_space<vmem>> -> memref<16x128xf32, #tpu.memory_space<vmem>>
        %dma_wait3A_168 = arith.constant 9984 : i32
        %dma_wait3A_169 = arith.constant 0 : i32
        %dma_wait3A_170 = tpu.memref_slice %arg18[%dma_wait3A_168, %dma_wait3A_169] : memref<10000x128xf32, #tpu.memory_space<vmem_shared>> -> memref<16x128xf32, #tpu.memory_space<vmem_shared>>
        %dma_wait3A_171 = arith.constant 9984 : i32
        %dma_wait3A_172 = arith.constant 0 : i32
        %dma_wait3A_173 = tpu.memref_slice %arg18[%dma_wait3A_171, %dma_wait3A_172] : memref<10000x128xf32, #tpu.memory_space<vmem_shared>> -> memref<16x128xf32, #tpu.memory_space<vmem_shared>>
        %dma_wait3A_174 = arith.constant 0 : i32
        %dma_wait3A_175 = arith.constant 0 : i32
        %dma_wait3A_176 = tpu.memref_slice %arg16[%run_scoped3A_149, %dma_wait3A_174, %dma_wait3A_175] : memref<2x32x128xf32, #tpu.memory_space<vmem>> -> memref<1x16x128xf32, #tpu.memory_space<vmem>>
        %dma_wait3A_177 = tpu.memref_squeeze %dma_wait3A_176 : memref<1x16x128xf32, #tpu.memory_space<vmem>> -> memref<16x128xf32, #tpu.memory_space<vmem>>
        tpu.wait_dma2 semaphore(%run_scoped3A_150 : memref<!tpu.dma_semaphore, #tpu.memory_space<semaphore_mem>>) src(%dma_wait3A_177 : memref<16x128xf32, #tpu.memory_space<vmem>>) dst(%dma_wait3A_173 : memref<16x128xf32, #tpu.memory_space<vmem_shared>>)
        tpu.yield
      }) : () -> ()
    } else {
    }
    %barrier3A = arith.constant 0 : index
    tpu.barrier barrier_id(%barrier3A)
    %mul3A_68 = arith.constant 156 : i32
    %mul3A_69 = arith.muli %add3A, %mul3A_68 : i32
    %min3A = arith.constant 8 : i32
    %min3A_70 = arith.minsi %add3A, %min3A : i32
    %add3A_71 = arith.addi %mul3A_69, %min3A_70 : i32
    %lt3A = arith.constant 8 : i32
    %lt3A_72 = arith.cmpi slt, %add3A, %lt3A : i32
    %jit3A = arith.constant 157 : i32
    %jit3A_73 = arith.constant 156 : i32
    %select_n3A = arith.select %lt3A_72, %jit3A, %jit3A_73 : i32
    %mul3A_74 = arith.constant 64 : i32
    %mul3A_75 = arith.muli %add3A_71, %mul3A_74 : i32
    "tpu.region"() ({
      %run_scoped3A_149 = tpu.sem_alloc : memref<!tpu.dma_semaphore, #tpu.memory_space<semaphore_mem>>
      %dma_start3A_150 = arith.constant 0 : i32
      %dma_start3A_151 = tpu.memref_slice %arg9[%dma_start3A_150] : memref<1024xi32, #tpu.memory_space<vmem>> -> memref<512xi32, #tpu.memory_space<vmem>>
      %dma_start3A_152 = tpu.memref_slice %arg5[%mul3A_75] : memref<321024xi32, #tpu.memory_space<hbm>> -> memref<512xi32, #tpu.memory_space<hbm>>
      %dma_start3A_153 = arith.constant 0 : i32
      %dma_start3A_154 = tpu.memref_slice %arg9[%dma_start3A_153] : memref<1024xi32, #tpu.memory_space<vmem>> -> memref<512xi32, #tpu.memory_space<vmem>>
      %dma_start3A_155 = tpu.memref_slice %arg5[%mul3A_75] : memref<321024xi32, #tpu.memory_space<hbm>> -> memref<512xi32, #tpu.memory_space<hbm>>
      tpu.enqueue_dma source(%dma_start3A_155 : memref<512xi32, #tpu.memory_space<hbm>>) target(%dma_start3A_154 : memref<512xi32, #tpu.memory_space<vmem>>) target_semaphore(%run_scoped3A_149 : memref<!tpu.dma_semaphore, #tpu.memory_space<semaphore_mem>>)
      %dma_wait3A = arith.constant 0 : i32
      %dma_wait3A_156 = tpu.memref_slice %arg9[%dma_wait3A] : memref<1024xi32, #tpu.memory_space<vmem>> -> memref<512xi32, #tpu.memory_space<vmem>>
      %dma_wait3A_157 = tpu.memref_slice %arg5[%mul3A_75] : memref<321024xi32, #tpu.memory_space<hbm>> -> memref<512xi32, #tpu.memory_space<hbm>>
      %dma_wait3A_158 = arith.constant 0 : i32
      %dma_wait3A_159 = tpu.memref_slice %arg9[%dma_wait3A_158] : memref<1024xi32, #tpu.memory_space<vmem>> -> memref<512xi32, #tpu.memory_space<vmem>>
      %dma_wait3A_160 = tpu.memref_slice %arg5[%mul3A_75] : memref<321024xi32, #tpu.memory_space<hbm>> -> memref<512xi32, #tpu.memory_space<hbm>>
      tpu.wait_dma2 semaphore(%run_scoped3A_149 : memref<!tpu.dma_semaphore, #tpu.memory_space<semaphore_mem>>) src(%dma_wait3A_160 : memref<512xi32, #tpu.memory_space<hbm>>) dst(%dma_wait3A_159 : memref<512xi32, #tpu.memory_space<vmem>>)
      tpu.yield
    }) : () -> ()
    "tpu.region"() ({
      %run_scoped3A_149 = tpu.sem_alloc : memref<!tpu.dma_semaphore, #tpu.memory_space<semaphore_mem>>
      %dma_start3A_150 = arith.constant 0 : i32
      %dma_start3A_151 = tpu.memref_slice %arg10[%dma_start3A_150] : memref<1024xi32, #tpu.memory_space<vmem>> -> memref<512xi32, #tpu.memory_space<vmem>>
      %dma_start3A_152 = tpu.memref_slice %arg6[%mul3A_75] : memref<321024xi32, #tpu.memory_space<hbm>> -> memref<512xi32, #tpu.memory_space<hbm>>
      %dma_start3A_153 = arith.constant 0 : i32
      %dma_start3A_154 = tpu.memref_slice %arg10[%dma_start3A_153] : memref<1024xi32, #tpu.memory_space<vmem>> -> memref<512xi32, #tpu.memory_space<vmem>>
      %dma_start3A_155 = tpu.memref_slice %arg6[%mul3A_75] : memref<321024xi32, #tpu.memory_space<hbm>> -> memref<512xi32, #tpu.memory_space<hbm>>
      tpu.enqueue_dma source(%dma_start3A_155 : memref<512xi32, #tpu.memory_space<hbm>>) target(%dma_start3A_154 : memref<512xi32, #tpu.memory_space<vmem>>) target_semaphore(%run_scoped3A_149 : memref<!tpu.dma_semaphore, #tpu.memory_space<semaphore_mem>>)
      %dma_wait3A = arith.constant 0 : i32
      %dma_wait3A_156 = tpu.memref_slice %arg10[%dma_wait3A] : memref<1024xi32, #tpu.memory_space<vmem>> -> memref<512xi32, #tpu.memory_space<vmem>>
      %dma_wait3A_157 = tpu.memref_slice %arg6[%mul3A_75] : memref<321024xi32, #tpu.memory_space<hbm>> -> memref<512xi32, #tpu.memory_space<hbm>>
      %dma_wait3A_158 = arith.constant 0 : i32
      %dma_wait3A_159 = tpu.memref_slice %arg10[%dma_wait3A_158] : memref<1024xi32, #tpu.memory_space<vmem>> -> memref<512xi32, #tpu.memory_space<vmem>>
      %dma_wait3A_160 = tpu.memref_slice %arg6[%mul3A_75] : memref<321024xi32, #tpu.memory_space<hbm>> -> memref<512xi32, #tpu.memory_space<hbm>>
      tpu.wait_dma2 semaphore(%run_scoped3A_149 : memref<!tpu.dma_semaphore, #tpu.memory_space<semaphore_mem>>) src(%dma_wait3A_160 : memref<512xi32, #tpu.memory_space<hbm>>) dst(%dma_wait3A_159 : memref<512xi32, #tpu.memory_space<vmem>>)
      tpu.yield
    }) : () -> ()
    %get3A = arith.constant 0 : index
    %get3A_76 = tpu.vector_load %arg9[%get3A] {strides = array<i32>} : memref<1024xi32, #tpu.memory_space<vmem>>, vector<16xi32>,
    %swap3A = arith.constant 0 : i32
    %swap3A_77 = arith.index_cast %swap3A : i32 to index
    %swap3A_78 = arith.constant 0 : index
    %swap3A_79 = tpu.vector_load %arg11[%swap3A_77, %swap3A_78] {strides = array<i32>} : memref<2x32xi32, #tpu.memory_space<vmem>>, vector<16xi32>,
    tpu.vector_store %arg11[%swap3A_77, %swap3A_78], %get3A_76 {strides = array<i32>} : memref<2x32xi32, #tpu.memory_space<vmem>>, vector<16xi32>,
    %get3A_80 = arith.constant 0 : index
    %get3A_81 = tpu.vector_load %arg10[%get3A_80] {strides = array<i32>} : memref<1024xi32, #tpu.memory_space<vmem>>, vector<16xi32>,
    %swap3A_82 = arith.constant 0 : i32
    %swap3A_83 = arith.index_cast %swap3A_82 : i32 to index
    %swap3A_84 = arith.constant 0 : index
    %swap3A_85 = tpu.vector_load %arg12[%swap3A_83, %swap3A_84] {strides = array<i32>} : memref<2x32xi32, #tpu.memory_space<vmem>>, vector<16xi32>,
    tpu.vector_store %arg12[%swap3A_83, %swap3A_84], %get3A_81 {strides = array<i32>} : memref<2x32xi32, #tpu.memory_space<vmem>>, vector<16xi32>,
    %get3A_86 = arith.constant 16 : index
    %get3A_87 = tpu.vector_load %arg9[%get3A_86] {strides = array<i32>} : memref<1024xi32, #tpu.memory_space<vmem>>, vector<16xi32>,
    %swap3A_88 = arith.constant 0 : i32
    %swap3A_89 = arith.index_cast %swap3A_88 : i32 to index
    %swap3A_90 = arith.constant 16 : index
    %swap3A_91 = tpu.vector_load %arg11[%swap3A_89, %swap3A_90] {strides = array<i32>} : memref<2x32xi32, #tpu.memory_space<vmem>>, vector<16xi32>,
    tpu.vector_store %arg11[%swap3A_89, %swap3A_90], %get3A_87 {strides = array<i32>} : memref<2x32xi32, #tpu.memory_space<vmem>>, vector<16xi32>,
    %get3A_92 = arith.constant 16 : index
    %get3A_93 = tpu.vector_load %arg10[%get3A_92] {strides = array<i32>} : memref<1024xi32, #tpu.memory_space<vmem>>, vector<16xi32>,
    %swap3A_94 = arith.constant 0 : i32
    %swap3A_95 = arith.index_cast %swap3A_94 : i32 to index
    %swap3A_96 = arith.constant 16 : index
    %swap3A_97 = tpu.vector_load %arg12[%swap3A_95, %swap3A_96] {strides = array<i32>} : memref<2x32xi32, #tpu.memory_space<vmem>>, vector<16xi32>,
    tpu.vector_store %arg12[%swap3A_95, %swap3A_96], %get3A_93 {strides = array<i32>} : memref<2x32xi32, #tpu.memory_space<vmem>>, vector<16xi32>,
    %mul3A_98 = arith.constant 64 : i32
    %mul3A_99 = arith.muli %add3A_71, %mul3A_98 : i32
    %add3A_100 = arith.constant 0 : i32
    %add3A_101 = arith.addi %mul3A_99, %add3A_100 : i32
    %dma_start3A = arith.constant 0 : i32
    %dma_start3A_102 = arith.constant 0 : i32
    %dma_start3A_103 = arith.constant 0 : i32
    %dma_start3A_104 = arith.constant 0 : i32
    %dma_start3A_105 = tpu.memref_slice %arg13[%dma_start3A_102, %dma_start3A_103, %dma_start3A_104] : memref<2x32x256xi32, #tpu.memory_space<vmem>> -> memref<1x32x256xi32, #tpu.memory_space<vmem>>
    %dma_start3A_106 = tpu.memref_squeeze %dma_start3A_105 : memref<1x32x256xi32, #tpu.memory_space<vmem>> -> memref<32x256xi32, #tpu.memory_space<vmem>>
    %dma_start3A_107 = arith.constant 0 : i32
    %dma_start3A_108 = tpu.memref_slice %arg11[%dma_start3A, %dma_start3A_107] : memref<2x32xi32, #tpu.memory_space<vmem>> -> memref<1x32xi32, #tpu.memory_space<vmem>>
    %dma_start3A_109 = tpu.memref_squeeze %dma_start3A_108 : memref<1x32xi32, #tpu.memory_space<vmem>> -> memref<32xi32, #tpu.memory_space<vmem>>
    %dma_start3A_110 = arith.constant 0 : i32
    %dma_start3A_111 = arith.constant 0 : i32
    %dma_start3A_112 = tpu.memref_slice %arg2[%dma_start3A_110, %dma_start3A_111] : memref<10000x256xi32, #tpu.memory_space<hbm>> -> memref<10000x256xi32, #tpu.memory_space<hbm>>
    tpu.enqueue_indirect_dma source(%dma_start3A_112 : memref<10000x256xi32, #tpu.memory_space<hbm>>) target(%dma_start3A_106 : memref<32x256xi32, #tpu.memory_space<vmem>>) offsets(%dma_start3A_109 : memref<32xi32, #tpu.memory_space<vmem>>) semaphore(%arg19 : memref<!tpu.dma_semaphore, #tpu.memory_space<semaphore_mem>>)
    %dma_start3A_113 = arith.constant 0 : i32
    %dma_start3A_114 = arith.constant 0 : i32
    %dma_start3A_115 = arith.constant 0 : i32
    %dma_start3A_116 = arith.constant 0 : i32
    %dma_start3A_117 = tpu.memref_slice %arg14[%dma_start3A_114, %dma_start3A_115, %dma_start3A_116] : memref<2x32x128xi32, #tpu.memory_space<vmem>> -> memref<1x32x128xi32, #tpu.memory_space<vmem>>
    %dma_start3A_118 = tpu.memref_squeeze %dma_start3A_117 : memref<1x32x128xi32, #tpu.memory_space<vmem>> -> memref<32x128xi32, #tpu.memory_space<vmem>>
    %dma_start3A_119 = arith.constant 0 : i32
    %dma_start3A_120 = tpu.memref_slice %arg12[%dma_start3A_113, %dma_start3A_119] : memref<2x32xi32, #tpu.memory_space<vmem>> -> memref<1x32xi32, #tpu.memory_space<vmem>>
    %dma_start3A_121 = tpu.memref_squeeze %dma_start3A_120 : memref<1x32xi32, #tpu.memory_space<vmem>> -> memref<32xi32, #tpu.memory_space<vmem>>
    %dma_start3A_122 = arith.constant 0 : i32
    %dma_start3A_123 = arith.constant 0 : i32
    %dma_start3A_124 = tpu.memref_slice %arg3[%dma_start3A_122, %dma_start3A_123] : memref<10000x128xi32, #tpu.memory_space<hbm>> -> memref<10000x128xi32, #tpu.memory_space<hbm>>
    tpu.enqueue_indirect_dma source(%dma_start3A_124 : memref<10000x128xi32, #tpu.memory_space<hbm>>) target(%dma_start3A_118 : memref<32x128xi32, #tpu.memory_space<vmem>>) offsets(%dma_start3A_121 : memref<32xi32, #tpu.memory_space<vmem>>) semaphore(%arg21 : memref<!tpu.dma_semaphore, #tpu.memory_space<semaphore_mem>>)
    %dma_start3A_125 = arith.constant 0 : i32
    %dma_start3A_126 = arith.constant 0 : i32
    %dma_start3A_127 = arith.constant 0 : i32
    %dma_start3A_128 = tpu.memref_slice %arg15[%dma_start3A_125, %dma_start3A_126, %dma_start3A_127] : memref<2x32x64xi32, #tpu.memory_space<vmem>> -> memref<1x32x64xi32, #tpu.memory_space<vmem>>
    %dma_start3A_129 = tpu.memref_squeeze %dma_start3A_128 : memref<1x32x64xi32, #tpu.memory_space<vmem>> -> memref<32x64xi32, #tpu.memory_space<vmem>>
    %dma_start3A_130 = arith.constant 0 : i32
    %dma_start3A_131 = tpu.memref_slice %arg4[%add3A_101, %dma_start3A_130] : memref<320000x64xi32, #tpu.memory_space<hbm>> -> memref<32x64xi32, #tpu.memory_space<hbm>>
    %dma_start3A_132 = arith.constant 0 : i32
    %dma_start3A_133 = arith.constant 0 : i32
    %dma_start3A_134 = tpu.memref_slice %arg15[%dma_start3A_125, %dma_start3A_132, %dma_start3A_133] : memref<2x32x64xi32, #tpu.memory_space<vmem>> -> memref<1x32x64xi32, #tpu.memory_space<vmem>>
    %dma_start3A_135 = tpu.memref_squeeze %dma_start3A_134 : memref<1x32x64xi32, #tpu.memory_space<vmem>> -> memref<32x64xi32, #tpu.memory_space<vmem>>
    %dma_start3A_136 = arith.constant 0 : i32
    %dma_start3A_137 = tpu.memref_slice %arg4[%add3A_101, %dma_start3A_136] : memref<320000x64xi32, #tpu.memory_space<hbm>> -> memref<32x64xi32, #tpu.memory_space<hbm>>
    tpu.enqueue_dma source(%dma_start3A_137 : memref<32x64xi32, #tpu.memory_space<hbm>>) target(%dma_start3A_135 : memref<32x64xi32, #tpu.memory_space<vmem>>) target_semaphore(%arg23 : memref<!tpu.dma_semaphore, #tpu.memory_space<semaphore_mem>>)
    %scan3A = arith.constant 0 : i32
    %scan3A_138 = arith.constant 0 : i32
    %scan3A_139 = arith.constant 157 : i32
    %scan3A_140 = arith.addi %scan3A_138, %scan3A_139 : i32
    %scan3A_141 = arith.constant 1 : i32
    scf.for %scan3A_149 = %scan3A_138 to %scan3A_140 step %scan3A_141  : i32 {
      %add3A_150 = arith.addi %add3A_71, %scan3A_149 : i32
      %jit3A_151 = arith.constant 8 : i32
      %eq3A_152 = arith.constant 0 : i32
      %eq3A_153 = arith.cmpi eq, %jit3A_151, %eq3A_152 : i32
      %jit3A_154 = arith.constant 1 : i32
      %select_n3A_155 = arith.select %eq3A_153, %jit3A_154, %jit3A_151 : i32
      %rem3A = arith.remsi %scan3A_149, %select_n3A_155 : i32
      %ne3A = arith.constant 0 : i32
      %ne3A_156 = arith.cmpi ne, %rem3A, %ne3A : i32
      %lt3A_157 = arith.constant 0 : i32
      %lt3A_158 = arith.cmpi slt, %rem3A, %lt3A_157 : i32
      %lt3A_159 = arith.constant 0 : i32
      %lt3A_160 = arith.cmpi slt, %select_n3A_155, %lt3A_159 : i32
      %ne3A_161 = arith.xori %lt3A_158, %lt3A_160 : i1
      %and3A = arith.andi %ne3A_161, %ne3A_156 : i1
      %add3A_162 = arith.addi %rem3A, %select_n3A_155 : i32
      %select_n3A_163 = arith.select %and3A, %add3A_162, %rem3A : i32
      %eq3A_164 = arith.constant 0 : i32
      %eq3A_165 = arith.cmpi eq, %select_n3A_163, %eq3A_164 : i32
      %convert_element_type3A_166 = arith.extui %eq3A_165 : i1 to i32
      %cond3A_167 = arith.constant 0 : i32
      %cond3A_168 = arith.cmpi ne, %convert_element_type3A_166, %cond3A_167 : i32
      scf.if %cond3A_168 {
        %jit3A_185 = arith.constant 8 : i32
        %div3A = arith.divsi %scan3A_149, %jit3A_185 : i32
        %sign3A = arith.constant 0 : i32
        %sign3A_186 = arith.cmpi sgt, %scan3A_149, %sign3A : i32
        %sign3A_187 = arith.extui %sign3A_186 : i1 to i32
        %sign3A_188 = arith.constant 0 : i32
        %sign3A_189 = arith.cmpi slt, %scan3A_149, %sign3A_188 : i32
        %sign3A_190 = arith.extui %sign3A_189 : i1 to i32
        %sign3A_191 = arith.subi %sign3A_187, %sign3A_190 : i32
        %sign3A_192 = arith.constant 0 : i32
        %sign3A_193 = arith.cmpi sgt, %jit3A_185, %sign3A_192 : i32
        %sign3A_194 = arith.extui %sign3A_193 : i1 to i32
        %sign3A_195 = arith.constant 0 : i32
        %sign3A_196 = arith.cmpi slt, %jit3A_185, %sign3A_195 : i32
        %sign3A_197 = arith.extui %sign3A_196 : i1 to i32
        %sign3A_198 = arith.subi %sign3A_194, %sign3A_197 : i32
        %ne3A_199 = arith.cmpi ne, %sign3A_191, %sign3A_198 : i32
        %rem3A_200 = arith.remsi %scan3A_149, %jit3A_185 : i32
        %ne3A_201 = arith.constant 0 : i32
        %ne3A_202 = arith.cmpi ne, %rem3A_200, %ne3A_201 : i32
        %and3A_203 = arith.andi %ne3A_199, %ne3A_202 : i1
        %sub3A_204 = arith.constant 1 : i32
        %sub3A_205 = arith.subi %div3A, %sub3A_204 : i32
        %select_n3A_206 = arith.select %and3A_203, %sub3A_205, %div3A : i32
        %add3A_207 = arith.constant 1 : i32
        %add3A_208 = arith.addi %select_n3A_206, %add3A_207 : i32
        %mul3A_209 = arith.constant 8 : i32
        %mul3A_210 = arith.muli %add3A_208, %mul3A_209 : i32
        %add3A_211 = arith.addi %add3A_71, %mul3A_210 : i32
        %mul3A_212 = arith.constant 64 : i32
        %mul3A_213 = arith.muli %add3A_211, %mul3A_212 : i32
        %jit3A_214 = arith.constant 2 : i32
        %eq3A_215 = arith.constant 0 : i32
        %eq3A_216 = arith.cmpi eq, %jit3A_214, %eq3A_215 : i32
        %jit3A_217 = arith.constant 1 : i32
        %select_n3A_218 = arith.select %eq3A_216, %jit3A_217, %jit3A_214 : i32
        %rem3A_219 = arith.remsi %add3A_208, %select_n3A_218 : i32
        %ne3A_220 = arith.constant 0 : i32
        %ne3A_221 = arith.cmpi ne, %rem3A_219, %ne3A_220 : i32
        %lt3A_222 = arith.constant 0 : i32
        %lt3A_223 = arith.cmpi slt, %rem3A_219, %lt3A_222 : i32
        %lt3A_224 = arith.constant 0 : i32
        %lt3A_225 = arith.cmpi slt, %select_n3A_218, %lt3A_224 : i32
        %ne3A_226 = arith.xori %lt3A_223, %lt3A_225 : i1
        %and3A_227 = arith.andi %ne3A_226, %ne3A_221 : i1
        %add3A_228 = arith.addi %rem3A_219, %select_n3A_218 : i32
        %select_n3A_229 = arith.select %and3A_227, %add3A_228, %rem3A_219 : i32
        %mul3A_230 = arith.constant 512 : i32
        %mul3A_231 = arith.muli %select_n3A_229, %mul3A_230 : i32
        "tpu.region"() ({
          %run_scoped3A_232 = tpu.sem_alloc : memref<!tpu.dma_semaphore, #tpu.memory_space<semaphore_mem>>
          %dma_start3A_233 = tpu.memref_slice %arg9[%mul3A_231] : memref<1024xi32, #tpu.memory_space<vmem>> -> memref<512xi32, #tpu.memory_space<vmem>>
          %dma_start3A_234 = tpu.memref_slice %arg5[%mul3A_213] : memref<321024xi32, #tpu.memory_space<hbm>> -> memref<512xi32, #tpu.memory_space<hbm>>
          %dma_start3A_235 = tpu.memref_slice %arg9[%mul3A_231] : memref<1024xi32, #tpu.memory_space<vmem>> -> memref<512xi32, #tpu.memory_space<vmem>>
          %dma_start3A_236 = tpu.memref_slice %arg5[%mul3A_213] : memref<321024xi32, #tpu.memory_space<hbm>> -> memref<512xi32, #tpu.memory_space<hbm>>
          tpu.enqueue_dma source(%dma_start3A_236 : memref<512xi32, #tpu.memory_space<hbm>>) target(%dma_start3A_235 : memref<512xi32, #tpu.memory_space<vmem>>) target_semaphore(%run_scoped3A_232 : memref<!tpu.dma_semaphore, #tpu.memory_space<semaphore_mem>>)
          %dma_wait3A = tpu.memref_slice %arg9[%mul3A_231] : memref<1024xi32, #tpu.memory_space<vmem>> -> memref<512xi32, #tpu.memory_space<vmem>>
          %dma_wait3A_237 = tpu.memref_slice %arg5[%mul3A_213] : memref<321024xi32, #tpu.memory_space<hbm>> -> memref<512xi32, #tpu.memory_space<hbm>>
          %dma_wait3A_238 = tpu.memref_slice %arg9[%mul3A_231] : memref<1024xi32, #tpu.memory_space<vmem>> -> memref<512xi32, #tpu.memory_space<vmem>>
          %dma_wait3A_239 = tpu.memref_slice %arg5[%mul3A_213] : memref<321024xi32, #tpu.memory_space<hbm>> -> memref<512xi32, #tpu.memory_space<hbm>>
          tpu.wait_dma2 semaphore(%run_scoped3A_232 : memref<!tpu.dma_semaphore, #tpu.memory_space<semaphore_mem>>) src(%dma_wait3A_239 : memref<512xi32, #tpu.memory_space<hbm>>) dst(%dma_wait3A_238 : memref<512xi32, #tpu.memory_space<vmem>>)
          tpu.yield
        }) : () -> ()
        "tpu.region"() ({
          %run_scoped3A_232 = tpu.sem_alloc : memref<!tpu.dma_semaphore, #tpu.memory_space<semaphore_mem>>
          %dma_start3A_233 = tpu.memref_slice %arg10[%mul3A_231] : memref<1024xi32, #tpu.memory_space<vmem>> -> memref<512xi32, #tpu.memory_space<vmem>>
          %dma_start3A_234 = tpu.memref_slice %arg6[%mul3A_213] : memref<321024xi32, #tpu.memory_space<hbm>> -> memref<512xi32, #tpu.memory_space<hbm>>
          %dma_start3A_235 = tpu.memref_slice %arg10[%mul3A_231] : memref<1024xi32, #tpu.memory_space<vmem>> -> memref<512xi32, #tpu.memory_space<vmem>>
          %dma_start3A_236 = tpu.memref_slice %arg6[%mul3A_213] : memref<321024xi32, #tpu.memory_space<hbm>> -> memref<512xi32, #tpu.memory_space<hbm>>
          tpu.enqueue_dma source(%dma_start3A_236 : memref<512xi32, #tpu.memory_space<hbm>>) target(%dma_start3A_235 : memref<512xi32, #tpu.memory_space<vmem>>) target_semaphore(%run_scoped3A_232 : memref<!tpu.dma_semaphore, #tpu.memory_space<semaphore_mem>>)
          %dma_wait3A = tpu.memref_slice %arg10[%mul3A_231] : memref<1024xi32, #tpu.memory_space<vmem>> -> memref<512xi32, #tpu.memory_space<vmem>>
          %dma_wait3A_237 = tpu.memref_slice %arg6[%mul3A_213] : memref<321024xi32, #tpu.memory_space<hbm>> -> memref<512xi32, #tpu.memory_space<hbm>>
          %dma_wait3A_238 = tpu.memref_slice %arg10[%mul3A_231] : memref<1024xi32, #tpu.memory_space<vmem>> -> memref<512xi32, #tpu.memory_space<vmem>>
          %dma_wait3A_239 = tpu.memref_slice %arg6[%mul3A_213] : memref<321024xi32, #tpu.memory_space<hbm>> -> memref<512xi32, #tpu.memory_space<hbm>>
          tpu.wait_dma2 semaphore(%run_scoped3A_232 : memref<!tpu.dma_semaphore, #tpu.memory_space<semaphore_mem>>) src(%dma_wait3A_239 : memref<512xi32, #tpu.memory_space<hbm>>) dst(%dma_wait3A_238 : memref<512xi32, #tpu.memory_space<vmem>>)
          tpu.yield
        }) : () -> ()
      } else {
      }
      %lt3A_169 = arith.cmpi slt, %scan3A_149, %select_n3A : i32
      %convert_element_type3A_170 = arith.extui %lt3A_169 : i1 to i32
      %cond3A_171 = arith.constant 0 : i32
      %cond3A_172 = arith.cmpi ne, %convert_element_type3A_170, %cond3A_171 : i32
      scf.if %cond3A_172 {
        %jit3A_185 = arith.constant 8 : i32
        %div3A = arith.divsi %scan3A_149, %jit3A_185 : i32
        %sign3A = arith.constant 0 : i32
        %sign3A_186 = arith.cmpi sgt, %scan3A_149, %sign3A : i32
        %sign3A_187 = arith.extui %sign3A_186 : i1 to i32
        %sign3A_188 = arith.constant 0 : i32
        %sign3A_189 = arith.cmpi slt, %scan3A_149, %sign3A_188 : i32
        %sign3A_190 = arith.extui %sign3A_189 : i1 to i32
        %sign3A_191 = arith.subi %sign3A_187, %sign3A_190 : i32
        %sign3A_192 = arith.constant 0 : i32
        %sign3A_193 = arith.cmpi sgt, %jit3A_185, %sign3A_192 : i32
        %sign3A_194 = arith.extui %sign3A_193 : i1 to i32
        %sign3A_195 = arith.constant 0 : i32
        %sign3A_196 = arith.cmpi slt, %jit3A_185, %sign3A_195 : i32
        %sign3A_197 = arith.extui %sign3A_196 : i1 to i32
        %sign3A_198 = arith.subi %sign3A_194, %sign3A_197 : i32
        %ne3A_199 = arith.cmpi ne, %sign3A_191, %sign3A_198 : i32
        %rem3A_200 = arith.remsi %scan3A_149, %jit3A_185 : i32
        %ne3A_201 = arith.constant 0 : i32
        %ne3A_202 = arith.cmpi ne, %rem3A_200, %ne3A_201 : i32
        %and3A_203 = arith.andi %ne3A_199, %ne3A_202 : i1
        %sub3A_204 = arith.constant 1 : i32
        %sub3A_205 = arith.subi %div3A, %sub3A_204 : i32
        %select_n3A_206 = arith.select %and3A_203, %sub3A_205, %div3A : i32
        %jit3A_207 = arith.constant 2 : i32
        %eq3A_208 = arith.constant 0 : i32
        %eq3A_209 = arith.cmpi eq, %jit3A_207, %eq3A_208 : i32
        %jit3A_210 = arith.constant 1 : i32
        %select_n3A_211 = arith.select %eq3A_209, %jit3A_210, %jit3A_207 : i32
        %rem3A_212 = arith.remsi %select_n3A_206, %select_n3A_211 : i32
        %ne3A_213 = arith.constant 0 : i32
        %ne3A_214 = arith.cmpi ne, %rem3A_212, %ne3A_213 : i32
        %lt3A_215 = arith.constant 0 : i32
        %lt3A_216 = arith.cmpi slt, %rem3A_212, %lt3A_215 : i32
        %lt3A_217 = arith.constant 0 : i32
        %lt3A_218 = arith.cmpi slt, %select_n3A_211, %lt3A_217 : i32
        %ne3A_219 = arith.xori %lt3A_216, %lt3A_218 : i1
        %and3A_220 = arith.andi %ne3A_219, %ne3A_214 : i1
        %add3A_221 = arith.addi %rem3A_212, %select_n3A_211 : i32
        %select_n3A_222 = arith.select %and3A_220, %add3A_221, %rem3A_212 : i32
        %mul3A_223 = arith.constant 8 : i32
        %mul3A_224 = arith.muli %select_n3A_222, %mul3A_223 : i32
        %jit3A_225 = arith.constant 8 : i32
        %eq3A_226 = arith.constant 0 : i32
        %eq3A_227 = arith.cmpi eq, %jit3A_225, %eq3A_226 : i32
        %jit3A_228 = arith.constant 1 : i32
        %select_n3A_229 = arith.select %eq3A_227, %jit3A_228, %jit3A_225 : i32
        %rem3A_230 = arith.remsi %scan3A_149, %select_n3A_229 : i32
        %ne3A_231 = arith.constant 0 : i32
        %ne3A_232 = arith.cmpi ne, %rem3A_230, %ne3A_231 : i32
        %lt3A_233 = arith.constant 0 : i32
        %lt3A_234 = arith.cmpi slt, %rem3A_230, %lt3A_233 : i32
        %lt3A_235 = arith.constant 0 : i32
        %lt3A_236 = arith.cmpi slt, %select_n3A_229, %lt3A_235 : i32
        %ne3A_237 = arith.xori %lt3A_234, %lt3A_236 : i1
        %and3A_238 = arith.andi %ne3A_237, %ne3A_232 : i1
        %add3A_239 = arith.addi %rem3A_230, %select_n3A_229 : i32
        %select_n3A_240 = arith.select %and3A_238, %add3A_239, %rem3A_230 : i32
        %add3A_241 = arith.addi %mul3A_224, %select_n3A_240 : i32
        %mul3A_242 = arith.constant 64 : i32
        %mul3A_243 = arith.muli %add3A_241, %mul3A_242 : i32
        %add3A_244 = arith.constant 32 : i32
        %add3A_245 = arith.addi %mul3A_243, %add3A_244 : i32
        %add3A_246 = arith.constant 0 : i32
        %add3A_247 = arith.addi %add3A_245, %add3A_246 : i32
        %get3A_248 = arith.index_cast %add3A_247 : i32 to index
        %get3A_249 = tpu.vector_load %arg9[%get3A_248] {strides = array<i32>} : memref<1024xi32, #tpu.memory_space<vmem>>, vector<16xi32>,
        %swap3A_250 = arith.constant 1 : i32
        %swap3A_251 = arith.index_cast %swap3A_250 : i32 to index
        %swap3A_252 = arith.constant 0 : index
        %swap3A_253 = tpu.vector_load %arg11[%swap3A_251, %swap3A_252] {strides = array<i32>} : memref<2x32xi32, #tpu.memory_space<vmem>>, vector<16xi32>,
        tpu.vector_store %arg11[%swap3A_251, %swap3A_252], %get3A_249 {strides = array<i32>} : memref<2x32xi32, #tpu.memory_space<vmem>>, vector<16xi32>,
        %add3A_254 = arith.constant 0 : i32
        %add3A_255 = arith.addi %add3A_245, %add3A_254 : i32
        %get3A_256 = arith.index_cast %add3A_255 : i32 to index
        %get3A_257 = tpu.vector_load %arg10[%get3A_256] {strides = array<i32>} : memref<1024xi32, #tpu.memory_space<vmem>>, vector<16xi32>,
        %swap3A_258 = arith.constant 1 : i32
        %swap3A_259 = arith.index_cast %swap3A_258 : i32 to index
        %swap3A_260 = arith.constant 0 : index
        %swap3A_261 = tpu.vector_load %arg12[%swap3A_259, %swap3A_260] {strides = array<i32>} : memref<2x32xi32, #tpu.memory_space<vmem>>, vector<16xi32>,
        tpu.vector_store %arg12[%swap3A_259, %swap3A_260], %get3A_257 {strides = array<i32>} : memref<2x32xi32, #tpu.memory_space<vmem>>, vector<16xi32>,
        %add3A_262 = arith.constant 16 : i32
        %add3A_263 = arith.addi %add3A_245, %add3A_262 : i32
        %get3A_264 = arith.index_cast %add3A_263 : i32 to index
        %get3A_265 = tpu.vector_load %arg9[%get3A_264] {strides = array<i32>} : memref<1024xi32, #tpu.memory_space<vmem>>, vector<16xi32>,
        %swap3A_266 = arith.constant 1 : i32
        %swap3A_267 = arith.index_cast %swap3A_266 : i32 to index
        %swap3A_268 = arith.constant 16 : index
        %swap3A_269 = tpu.vector_load %arg11[%swap3A_267, %swap3A_268] {strides = array<i32>} : memref<2x32xi32, #tpu.memory_space<vmem>>, vector<16xi32>,
        tpu.vector_store %arg11[%swap3A_267, %swap3A_268], %get3A_265 {strides = array<i32>} : memref<2x32xi32, #tpu.memory_space<vmem>>, vector<16xi32>,
        %add3A_270 = arith.constant 16 : i32
        %add3A_271 = arith.addi %add3A_245, %add3A_270 : i32
        %get3A_272 = arith.index_cast %add3A_271 : i32 to index
        %get3A_273 = tpu.vector_load %arg10[%get3A_272] {strides = array<i32>} : memref<1024xi32, #tpu.memory_space<vmem>>, vector<16xi32>,
        %swap3A_274 = arith.constant 1 : i32
        %swap3A_275 = arith.index_cast %swap3A_274 : i32 to index
        %swap3A_276 = arith.constant 16 : index
        %swap3A_277 = tpu.vector_load %arg12[%swap3A_275, %swap3A_276] {strides = array<i32>} : memref<2x32xi32, #tpu.memory_space<vmem>>, vector<16xi32>,
        tpu.vector_store %arg12[%swap3A_275, %swap3A_276], %get3A_273 {strides = array<i32>} : memref<2x32xi32, #tpu.memory_space<vmem>>, vector<16xi32>,
        %mul3A_278 = arith.constant 64 : i32
        %mul3A_279 = arith.muli %add3A_150, %mul3A_278 : i32
        %add3A_280 = arith.constant 32 : i32
        %add3A_281 = arith.addi %mul3A_279, %add3A_280 : i32
        %dma_start3A_282 = arith.constant 1 : i32
        %dma_start3A_283 = arith.constant 1 : i32
        %dma_start3A_284 = arith.constant 0 : i32
        %dma_start3A_285 = arith.constant 0 : i32
        %dma_start3A_286 = tpu.memref_slice %arg13[%dma_start3A_283, %dma_start3A_284, %dma_start3A_285] : memref<2x32x256xi32, #tpu.memory_space<vmem>> -> memref<1x32x256xi32, #tpu.memory_space<vmem>>
        %dma_start3A_287 = tpu.memref_squeeze %dma_start3A_286 : memref<1x32x256xi32, #tpu.memory_space<vmem>> -> memref<32x256xi32, #tpu.memory_space<vmem>>
        %dma_start3A_288 = arith.constant 0 : i32
        %dma_start3A_289 = tpu.memref_slice %arg11[%dma_start3A_282, %dma_start3A_288] : memref<2x32xi32, #tpu.memory_space<vmem>> -> memref<1x32xi32, #tpu.memory_space<vmem>>
        %dma_start3A_290 = tpu.memref_squeeze %dma_start3A_289 : memref<1x32xi32, #tpu.memory_space<vmem>> -> memref<32xi32, #tpu.memory_space<vmem>>
        %dma_start3A_291 = arith.constant 0 : i32
        %dma_start3A_292 = arith.constant 0 : i32
        %dma_start3A_293 = tpu.memref_slice %arg2[%dma_start3A_291, %dma_start3A_292] : memref<10000x256xi32, #tpu.memory_space<hbm>> -> memref<10000x256xi32, #tpu.memory_space<hbm>>
        tpu.enqueue_indirect_dma source(%dma_start3A_293 : memref<10000x256xi32, #tpu.memory_space<hbm>>) target(%dma_start3A_287 : memref<32x256xi32, #tpu.memory_space<vmem>>) offsets(%dma_start3A_290 : memref<32xi32, #tpu.memory_space<vmem>>) semaphore(%arg20 : memref<!tpu.dma_semaphore, #tpu.memory_space<semaphore_mem>>)
        %dma_start3A_294 = arith.constant 1 : i32
        %dma_start3A_295 = arith.constant 1 : i32
        %dma_start3A_296 = arith.constant 0 : i32
        %dma_start3A_297 = arith.constant 0 : i32
        %dma_start3A_298 = tpu.memref_slice %arg14[%dma_start3A_295, %dma_start3A_296, %dma_start3A_297] : memref<2x32x128xi32, #tpu.memory_space<vmem>> -> memref<1x32x128xi32, #tpu.memory_space<vmem>>
        %dma_start3A_299 = tpu.memref_squeeze %dma_start3A_298 : memref<1x32x128xi32, #tpu.memory_space<vmem>> -> memref<32x128xi32, #tpu.memory_space<vmem>>
        %dma_start3A_300 = arith.constant 0 : i32
        %dma_start3A_301 = tpu.memref_slice %arg12[%dma_start3A_294, %dma_start3A_300] : memref<2x32xi32, #tpu.memory_space<vmem>> -> memref<1x32xi32, #tpu.memory_space<vmem>>
        %dma_start3A_302 = tpu.memref_squeeze %dma_start3A_301 : memref<1x32xi32, #tpu.memory_space<vmem>> -> memref<32xi32, #tpu.memory_space<vmem>>
        %dma_start3A_303 = arith.constant 0 : i32
        %dma_start3A_304 = arith.constant 0 : i32
        %dma_start3A_305 = tpu.memref_slice %arg3[%dma_start3A_303, %dma_start3A_304] : memref<10000x128xi32, #tpu.memory_space<hbm>> -> memref<10000x128xi32, #tpu.memory_space<hbm>>
        tpu.enqueue_indirect_dma source(%dma_start3A_305 : memref<10000x128xi32, #tpu.memory_space<hbm>>) target(%dma_start3A_299 : memref<32x128xi32, #tpu.memory_space<vmem>>) offsets(%dma_start3A_302 : memref<32xi32, #tpu.memory_space<vmem>>) semaphore(%arg22 : memref<!tpu.dma_semaphore, #tpu.memory_space<semaphore_mem>>)
        %dma_start3A_306 = arith.constant 1 : i32
        %dma_start3A_307 = arith.constant 0 : i32
        %dma_start3A_308 = arith.constant 0 : i32
        %dma_start3A_309 = tpu.memref_slice %arg15[%dma_start3A_306, %dma_start3A_307, %dma_start3A_308] : memref<2x32x64xi32, #tpu.memory_space<vmem>> -> memref<1x32x64xi32, #tpu.memory_space<vmem>>
        %dma_start3A_310 = tpu.memref_squeeze %dma_start3A_309 : memref<1x32x64xi32, #tpu.memory_space<vmem>> -> memref<32x64xi32, #tpu.memory_space<vmem>>
        %dma_start3A_311 = arith.constant 0 : i32
        %dma_start3A_312 = tpu.memref_slice %arg4[%add3A_281, %dma_start3A_311] : memref<320000x64xi32, #tpu.memory_space<hbm>> -> memref<32x64xi32, #tpu.memory_space<hbm>>
        %dma_start3A_313 = arith.constant 0 : i32
        %dma_start3A_314 = arith.constant 0 : i32
        %dma_start3A_315 = tpu.memref_slice %arg15[%dma_start3A_306, %dma_start3A_313, %dma_start3A_314] : memref<2x32x64xi32, #tpu.memory_space<vmem>> -> memref<1x32x64xi32, #tpu.memory_space<vmem>>
        %dma_start3A_316 = tpu.memref_squeeze %dma_start3A_315 : memref<1x32x64xi32, #tpu.memory_space<vmem>> -> memref<32x64xi32, #tpu.memory_space<vmem>>
        %dma_start3A_317 = arith.constant 0 : i32
        %dma_start3A_318 = tpu.memref_slice %arg4[%add3A_281, %dma_start3A_317] : memref<320000x64xi32, #tpu.memory_space<hbm>> -> memref<32x64xi32, #tpu.memory_space<hbm>>
        tpu.enqueue_dma source(%dma_start3A_318 : memref<32x64xi32, #tpu.memory_space<hbm>>) target(%dma_start3A_316 : memref<32x64xi32, #tpu.memory_space<vmem>>) target_semaphore(%arg24 : memref<!tpu.dma_semaphore, #tpu.memory_space<semaphore_mem>>)
      } else {
      }
      %convert_element_type3A_173 = arith.extui %lt3A_169 : i1 to i32
      %cond3A_174 = arith.constant 0 : i32
      %cond3A_175 = arith.cmpi ne, %convert_element_type3A_173, %cond3A_174 : i32
      scf.if %cond3A_175 {
        %dma_wait3A = arith.constant 0 : i32
        %dma_wait3A_185 = arith.constant 0 : i32
        %dma_wait3A_186 = arith.constant 0 : i32
        %dma_wait3A_187 = arith.constant 0 : i32
        %dma_wait3A_188 = tpu.memref_slice %arg13[%dma_wait3A_185, %dma_wait3A_186, %dma_wait3A_187] : memref<2x32x256xi32, #tpu.memory_space<vmem>> -> memref<1x32x256xi32, #tpu.memory_space<vmem>>
        %dma_wait3A_189 = tpu.memref_squeeze %dma_wait3A_188 : memref<1x32x256xi32, #tpu.memory_space<vmem>> -> memref<32x256xi32, #tpu.memory_space<vmem>>
        %dma_wait3A_190 = arith.constant 0 : i32
        %dma_wait3A_191 = tpu.memref_slice %arg11[%dma_wait3A, %dma_wait3A_190] : memref<2x32xi32, #tpu.memory_space<vmem>> -> memref<1x32xi32, #tpu.memory_space<vmem>>
        %dma_wait3A_192 = tpu.memref_squeeze %dma_wait3A_191 : memref<1x32xi32, #tpu.memory_space<vmem>> -> memref<32xi32, #tpu.memory_space<vmem>>
        %dma_wait3A_193 = arith.constant 0 : i32
        %dma_wait3A_194 = arith.constant 0 : i32
        %dma_wait3A_195 = tpu.memref_slice %arg2[%dma_wait3A_193, %dma_wait3A_194] : memref<10000x256xi32, #tpu.memory_space<hbm>> -> memref<10000x256xi32, #tpu.memory_space<hbm>>
        tpu.wait_indirect_dma semaphore(%arg19 : memref<!tpu.dma_semaphore, #tpu.memory_space<semaphore_mem>>) src(%dma_wait3A_195 : memref<10000x256xi32, #tpu.memory_space<hbm>>) dst(%dma_wait3A_189 : memref<32x256xi32, #tpu.memory_space<vmem>>)
        %dma_wait3A_196 = arith.constant 0 : i32
        %dma_wait3A_197 = arith.constant 0 : i32
        %dma_wait3A_198 = arith.constant 0 : i32
        %dma_wait3A_199 = arith.constant 0 : i32
        %dma_wait3A_200 = tpu.memref_slice %arg14[%dma_wait3A_197, %dma_wait3A_198, %dma_wait3A_199] : memref<2x32x128xi32, #tpu.memory_space<vmem>> -> memref<1x32x128xi32, #tpu.memory_space<vmem>>
        %dma_wait3A_201 = tpu.memref_squeeze %dma_wait3A_200 : memref<1x32x128xi32, #tpu.memory_space<vmem>> -> memref<32x128xi32, #tpu.memory_space<vmem>>
        %dma_wait3A_202 = arith.constant 0 : i32
        %dma_wait3A_203 = tpu.memref_slice %arg12[%dma_wait3A_196, %dma_wait3A_202] : memref<2x32xi32, #tpu.memory_space<vmem>> -> memref<1x32xi32, #tpu.memory_space<vmem>>
        %dma_wait3A_204 = tpu.memref_squeeze %dma_wait3A_203 : memref<1x32xi32, #tpu.memory_space<vmem>> -> memref<32xi32, #tpu.memory_space<vmem>>
        %dma_wait3A_205 = arith.constant 0 : i32
        %dma_wait3A_206 = arith.constant 0 : i32
        %dma_wait3A_207 = tpu.memref_slice %arg3[%dma_wait3A_205, %dma_wait3A_206] : memref<10000x128xi32, #tpu.memory_space<hbm>> -> memref<10000x128xi32, #tpu.memory_space<hbm>>
        tpu.wait_indirect_dma semaphore(%arg21 : memref<!tpu.dma_semaphore, #tpu.memory_space<semaphore_mem>>) src(%dma_wait3A_207 : memref<10000x128xi32, #tpu.memory_space<hbm>>) dst(%dma_wait3A_201 : memref<32x128xi32, #tpu.memory_space<vmem>>)
        %dma_wait3A_208 = arith.constant 0 : i32
        %dma_wait3A_209 = arith.constant 0 : i32
        %dma_wait3A_210 = arith.constant 0 : i32
        %dma_wait3A_211 = tpu.memref_slice %arg15[%dma_wait3A_208, %dma_wait3A_209, %dma_wait3A_210] : memref<2x32x64xi32, #tpu.memory_space<vmem>> -> memref<1x32x64xi32, #tpu.memory_space<vmem>>
        %dma_wait3A_212 = tpu.memref_squeeze %dma_wait3A_211 : memref<1x32x64xi32, #tpu.memory_space<vmem>> -> memref<32x64xi32, #tpu.memory_space<vmem>>
        %dma_wait3A_213 = arith.constant 0 : i32
        %dma_wait3A_214 = arith.constant 0 : i32
        %dma_wait3A_215 = tpu.memref_slice %arg4[%dma_wait3A_213, %dma_wait3A_214] : memref<320000x64xi32, #tpu.memory_space<hbm>> -> memref<32x64xi32, #tpu.memory_space<hbm>>
        %dma_wait3A_216 = arith.constant 0 : i32
        %dma_wait3A_217 = arith.constant 0 : i32
        %dma_wait3A_218 = tpu.memref_slice %arg15[%dma_wait3A_208, %dma_wait3A_216, %dma_wait3A_217] : memref<2x32x64xi32, #tpu.memory_space<vmem>> -> memref<1x32x64xi32, #tpu.memory_space<vmem>>
        %dma_wait3A_219 = tpu.memref_squeeze %dma_wait3A_218 : memref<1x32x64xi32, #tpu.memory_space<vmem>> -> memref<32x64xi32, #tpu.memory_space<vmem>>
        %dma_wait3A_220 = arith.constant 0 : i32
        %dma_wait3A_221 = arith.constant 0 : i32
        %dma_wait3A_222 = tpu.memref_slice %arg4[%dma_wait3A_220, %dma_wait3A_221] : memref<320000x64xi32, #tpu.memory_space<hbm>> -> memref<32x64xi32, #tpu.memory_space<hbm>>
        tpu.wait_dma2 semaphore(%arg23 : memref<!tpu.dma_semaphore, #tpu.memory_space<semaphore_mem>>) src(%dma_wait3A_222 : memref<32x64xi32, #tpu.memory_space<hbm>>) dst(%dma_wait3A_219 : memref<32x64xi32, #tpu.memory_space<vmem>>)
        %parallel_loop3A_223 = arith.constant 0 : i32
        %parallel_loop3A_224 = arith.constant 32 : i32
        %parallel_loop3A_225 = arith.constant 1 : i32
        scf.for %parallel_loop3A_228 = %parallel_loop3A_223 to %parallel_loop3A_224 step %parallel_loop3A_225  : i32 {
          %parallel_loop3A_229 = arith.constant 0 : i32
          %parallel_loop3A_230 = arith.index_cast %parallel_loop3A_229 : i32 to index
          %parallel_loop3A_231 = arith.index_cast %parallel_loop3A_228 : i32 to index
          %parallel_loop3A_232 = arith.constant 0 : index
          %parallel_loop3A_233 = tpu.vector_load %arg13[%parallel_loop3A_230, %parallel_loop3A_231, %parallel_loop3A_232] {strides = array<i32>} : memref<2x32x256xi32, #tpu.memory_space<vmem>>, vector<16xi32>,
          %parallel_loop3A_234 = arith.constant 0 : i32
          %parallel_loop3A_235 = arith.index_cast %parallel_loop3A_234 : i32 to index
          %parallel_loop3A_236 = arith.index_cast %parallel_loop3A_228 : i32 to index
          %parallel_loop3A_237 = arith.constant 64 : index
          %parallel_loop3A_238 = tpu.vector_load %arg13[%parallel_loop3A_235, %parallel_loop3A_236, %parallel_loop3A_237] {strides = array<i32>} : memref<2x32x256xi32, #tpu.memory_space<vmem>>, vector<16xi32>,
          %parallel_loop3A_239 = arith.constant 0 : i32
          %parallel_loop3A_240 = arith.index_cast %parallel_loop3A_239 : i32 to index
          %parallel_loop3A_241 = arith.index_cast %parallel_loop3A_228 : i32 to index
          %parallel_loop3A_242 = arith.constant 0 : index
          %parallel_loop3A_243 = tpu.vector_load %arg14[%parallel_loop3A_240, %parallel_loop3A_241, %parallel_loop3A_242] {strides = array<i32>} : memref<2x32x128xi32, #tpu.memory_space<vmem>>, vector<16xi32>,
          %parallel_loop3A_244 = arith.constant 0 : i32
          %parallel_loop3A_245 = arith.index_cast %parallel_loop3A_244 : i32 to index
          %parallel_loop3A_246 = arith.index_cast %parallel_loop3A_228 : i32 to index
          %parallel_loop3A_247 = arith.constant 0 : index
          %parallel_loop3A_248 = tpu.vector_load %arg15[%parallel_loop3A_245, %parallel_loop3A_246, %parallel_loop3A_247] {strides = array<i32>} : memref<2x32x64xi32, #tpu.memory_space<vmem>>, vector<16xi32>,
          %parallel_loop3A_249 = arith.constant 16 : i32
          %parallel_loop3A_250 = vector.broadcast %parallel_loop3A_249 : i32 to vector<16xi32>
          %parallel_loop3A_251 = arith.shli %parallel_loop3A_233, %parallel_loop3A_250 : vector<16xi32>
          %parallel_loop3A_252 = vector.bitcast %parallel_loop3A_251 : vector<16xi32> to vector<16xf32>
          %parallel_loop3A_253 = arith.constant 16 : i32
          %parallel_loop3A_254 = vector.broadcast %parallel_loop3A_253 : i32 to vector<16xi32>
          %parallel_loop3A_255 = arith.shli %parallel_loop3A_243, %parallel_loop3A_254 : vector<16xi32>
          %parallel_loop3A_256 = vector.bitcast %parallel_loop3A_255 : vector<16xi32> to vector<16xf32>
          %parallel_loop3A_257 = arith.addf %parallel_loop3A_252, %parallel_loop3A_256 : vector<16xf32>
          %parallel_loop3A_258 = arith.constant 16 : i32
          %parallel_loop3A_259 = vector.broadcast %parallel_loop3A_258 : i32 to vector<16xi32>
          %parallel_loop3A_260 = arith.shli %parallel_loop3A_248, %parallel_loop3A_259 : vector<16xi32>
          %parallel_loop3A_261 = vector.bitcast %parallel_loop3A_260 : vector<16xi32> to vector<16xf32>
          %parallel_loop3A_262 = arith.addf %parallel_loop3A_257, %parallel_loop3A_261 : vector<16xf32>
          %parallel_loop3A_263 = arith.constant 16 : i32
          %parallel_loop3A_264 = vector.broadcast %parallel_loop3A_263 : i32 to vector<16xi32>
          %parallel_loop3A_265 = arith.shli %parallel_loop3A_238, %parallel_loop3A_264 : vector<16xi32>
          %parallel_loop3A_266 = vector.bitcast %parallel_loop3A_265 : vector<16xi32> to vector<16xf32>
          %parallel_loop3A_267 = arith.constant -65536 : i32
          %parallel_loop3A_268 = vector.broadcast %parallel_loop3A_267 : i32 to vector<16xi32>
          %parallel_loop3A_269 = arith.andi %parallel_loop3A_243, %parallel_loop3A_268 : vector<16xi32>
          %parallel_loop3A_270 = vector.bitcast %parallel_loop3A_269 : vector<16xi32> to vector<16xf32>
          %parallel_loop3A_271 = arith.addf %parallel_loop3A_266, %parallel_loop3A_270 : vector<16xf32>
          %parallel_loop3A_272 = arith.constant -65536 : i32
          %parallel_loop3A_273 = vector.broadcast %parallel_loop3A_272 : i32 to vector<16xi32>
          %parallel_loop3A_274 = arith.andi %parallel_loop3A_248, %parallel_loop3A_273 : vector<16xi32>
          %parallel_loop3A_275 = vector.bitcast %parallel_loop3A_274 : vector<16xi32> to vector<16xf32>
          %parallel_loop3A_276 = arith.addf %parallel_loop3A_271, %parallel_loop3A_275 : vector<16xf32>
          %parallel_loop3A_277 = arith.constant -65536 : i32
          %parallel_loop3A_278 = vector.broadcast %parallel_loop3A_277 : i32 to vector<16xi32>
          %parallel_loop3A_279 = arith.andi %parallel_loop3A_233, %parallel_loop3A_278 : vector<16xi32>
          %parallel_loop3A_280 = vector.bitcast %parallel_loop3A_279 : vector<16xi32> to vector<16xf32>
          %parallel_loop3A_281 = arith.constant 0.000000e+00 : f32
          %parallel_loop3A_282 = vector.broadcast %parallel_loop3A_281 : f32 to vector<16xf32>
          %parallel_loop3A_283 = arith.subf %parallel_loop3A_282, %parallel_loop3A_262 : vector<16xf32>
          %parallel_loop3A_284 = math.exp %parallel_loop3A_283 : vector<16xf32>
          %parallel_loop3A_285 = arith.constant 1.000000e+00 : f32
          %parallel_loop3A_286 = vector.broadcast %parallel_loop3A_285 : f32 to vector<16xf32>
          %parallel_loop3A_287 = arith.addf %parallel_loop3A_286, %parallel_loop3A_284 : vector<16xf32>
          %parallel_loop3A_288 = arith.divf %parallel_loop3A_280, %parallel_loop3A_287 : vector<16xf32>
          %parallel_loop3A_289 = arith.constant 0 : i32
          %parallel_loop3A_290 = arith.index_cast %parallel_loop3A_289 : i32 to index
          %parallel_loop3A_291 = arith.index_cast %parallel_loop3A_228 : i32 to index
          %parallel_loop3A_292 = arith.constant 0 : index
          %parallel_loop3A_293 = tpu.vector_load %arg16[%parallel_loop3A_290, %parallel_loop3A_291, %parallel_loop3A_292] {strides = array<i32>} : memref<2x32x128xf32, #tpu.memory_space<vmem>>, vector<16xf32>,
          tpu.vector_store %arg16[%parallel_loop3A_290, %parallel_loop3A_291, %parallel_loop3A_292], %parallel_loop3A_288 {strides = array<i32>} : memref<2x32x128xf32, #tpu.memory_space<vmem>>, vector<16xf32>,
          %parallel_loop3A_294 = arith.constant -65536 : i32
          %parallel_loop3A_295 = vector.broadcast %parallel_loop3A_294 : i32 to vector<16xi32>
          %parallel_loop3A_296 = arith.andi %parallel_loop3A_238, %parallel_loop3A_295 : vector<16xi32>
          %parallel_loop3A_297 = vector.bitcast %parallel_loop3A_296 : vector<16xi32> to vector<16xf32>
          %parallel_loop3A_298 = arith.constant 0.000000e+00 : f32
          %parallel_loop3A_299 = vector.broadcast %parallel_loop3A_298 : f32 to vector<16xf32>
          %parallel_loop3A_300 = arith.subf %parallel_loop3A_299, %parallel_loop3A_276 : vector<16xf32>
          %parallel_loop3A_301 = math.exp %parallel_loop3A_300 : vector<16xf32>
          %parallel_loop3A_302 = arith.constant 1.000000e+00 : f32
          %parallel_loop3A_303 = vector.broadcast %parallel_loop3A_302 : f32 to vector<16xf32>
          %parallel_loop3A_304 = arith.addf %parallel_loop3A_303, %parallel_loop3A_301 : vector<16xf32>
          %parallel_loop3A_305 = arith.divf %parallel_loop3A_297, %parallel_loop3A_304 : vector<16xf32>
          %parallel_loop3A_306 = arith.constant 0 : i32
          %parallel_loop3A_307 = arith.index_cast %parallel_loop3A_306 : i32 to index
          %parallel_loop3A_308 = arith.index_cast %parallel_loop3A_228 : i32 to index
          %parallel_loop3A_309 = arith.constant 64 : index
          %parallel_loop3A_310 = tpu.vector_load %arg16[%parallel_loop3A_307, %parallel_loop3A_308, %parallel_loop3A_309] {strides = array<i32>} : memref<2x32x128xf32, #tpu.memory_space<vmem>>, vector<16xf32>,
          tpu.vector_store %arg16[%parallel_loop3A_307, %parallel_loop3A_308, %parallel_loop3A_309], %parallel_loop3A_305 {strides = array<i32>} : memref<2x32x128xf32, #tpu.memory_space<vmem>>, vector<16xf32>,
          %parallel_loop3A_311 = arith.constant 0 : i32
          %parallel_loop3A_312 = arith.index_cast %parallel_loop3A_311 : i32 to index
          %parallel_loop3A_313 = arith.index_cast %parallel_loop3A_228 : i32 to index
          %parallel_loop3A_314 = arith.constant 16 : index
          %parallel_loop3A_315 = tpu.vector_load %arg13[%parallel_loop3A_312, %parallel_loop3A_313, %parallel_loop3A_314] {strides = array<i32>} : memref<2x32x256xi32, #tpu.memory_space<vmem>>, vector<16xi32>,
          %parallel_loop3A_316 = arith.constant 0 : i32
          %parallel_loop3A_317 = arith.index_cast %parallel_loop3A_316 : i32 to index
          %parallel_loop3A_318 = arith.index_cast %parallel_loop3A_228 : i32 to index
          %parallel_loop3A_319 = arith.constant 80 : index
          %parallel_loop3A_320 = tpu.vector_load %arg13[%parallel_loop3A_317, %parallel_loop3A_318, %parallel_loop3A_319] {strides = array<i32>} : memref<2x32x256xi32, #tpu.memory_space<vmem>>, vector<16xi32>,
          %parallel_loop3A_321 = arith.constant 0 : i32
          %parallel_loop3A_322 = arith.index_cast %parallel_loop3A_321 : i32 to index
          %parallel_loop3A_323 = arith.index_cast %parallel_loop3A_228 : i32 to index
          %parallel_loop3A_324 = arith.constant 16 : index
          %parallel_loop3A_325 = tpu.vector_load %arg14[%parallel_loop3A_322, %parallel_loop3A_323, %parallel_loop3A_324] {strides = array<i32>} : memref<2x32x128xi32, #tpu.memory_space<vmem>>, vector<16xi32>,
          %parallel_loop3A_326 = arith.constant 0 : i32
          %parallel_loop3A_327 = arith.index_cast %parallel_loop3A_326 : i32 to index
          %parallel_loop3A_328 = arith.index_cast %parallel_loop3A_228 : i32 to index
          %parallel_loop3A_329 = arith.constant 16 : index
          %parallel_loop3A_330 = tpu.vector_load %arg15[%parallel_loop3A_327, %parallel_loop3A_328, %parallel_loop3A_329] {strides = array<i32>} : memref<2x32x64xi32, #tpu.memory_space<vmem>>, vector<16xi32>,
          %parallel_loop3A_331 = arith.constant 16 : i32
          %parallel_loop3A_332 = vector.broadcast %parallel_loop3A_331 : i32 to vector<16xi32>
          %parallel_loop3A_333 = arith.shli %parallel_loop3A_315, %parallel_loop3A_332 : vector<16xi32>
          %parallel_loop3A_334 = vector.bitcast %parallel_loop3A_333 : vector<16xi32> to vector<16xf32>
          %parallel_loop3A_335 = arith.constant 16 : i32
          %parallel_loop3A_336 = vector.broadcast %parallel_loop3A_335 : i32 to vector<16xi32>
          %parallel_loop3A_337 = arith.shli %parallel_loop3A_325, %parallel_loop3A_336 : vector<16xi32>
          %parallel_loop3A_338 = vector.bitcast %parallel_loop3A_337 : vector<16xi32> to vector<16xf32>
          %parallel_loop3A_339 = arith.addf %parallel_loop3A_334, %parallel_loop3A_338 : vector<16xf32>
          %parallel_loop3A_340 = arith.constant 16 : i32
          %parallel_loop3A_341 = vector.broadcast %parallel_loop3A_340 : i32 to vector<16xi32>
          %parallel_loop3A_342 = arith.shli %parallel_loop3A_330, %parallel_loop3A_341 : vector<16xi32>
          %parallel_loop3A_343 = vector.bitcast %parallel_loop3A_342 : vector<16xi32> to vector<16xf32>
          %parallel_loop3A_344 = arith.addf %parallel_loop3A_339, %parallel_loop3A_343 : vector<16xf32>
          %parallel_loop3A_345 = arith.constant 16 : i32
          %parallel_loop3A_346 = vector.broadcast %parallel_loop3A_345 : i32 to vector<16xi32>
          %parallel_loop3A_347 = arith.shli %parallel_loop3A_320, %parallel_loop3A_346 : vector<16xi32>
          %parallel_loop3A_348 = vector.bitcast %parallel_loop3A_347 : vector<16xi32> to vector<16xf32>
          %parallel_loop3A_349 = arith.constant -65536 : i32
          %parallel_loop3A_350 = vector.broadcast %parallel_loop3A_349 : i32 to vector<16xi32>
          %parallel_loop3A_351 = arith.andi %parallel_loop3A_325, %parallel_loop3A_350 : vector<16xi32>
          %parallel_loop3A_352 = vector.bitcast %parallel_loop3A_351 : vector<16xi32> to vector<16xf32>
          %parallel_loop3A_353 = arith.addf %parallel_loop3A_348, %parallel_loop3A_352 : vector<16xf32>
          %parallel_loop3A_354 = arith.constant -65536 : i32
          %parallel_loop3A_355 = vector.broadcast %parallel_loop3A_354 : i32 to vector<16xi32>
          %parallel_loop3A_356 = arith.andi %parallel_loop3A_330, %parallel_loop3A_355 : vector<16xi32>
          %parallel_loop3A_357 = vector.bitcast %parallel_loop3A_356 : vector<16xi32> to vector<16xf32>
          %parallel_loop3A_358 = arith.addf %parallel_loop3A_353, %parallel_loop3A_357 : vector<16xf32>
          %parallel_loop3A_359 = arith.constant -65536 : i32
          %parallel_loop3A_360 = vector.broadcast %parallel_loop3A_359 : i32 to vector<16xi32>
          %parallel_loop3A_361 = arith.andi %parallel_loop3A_315, %parallel_loop3A_360 : vector<16xi32>
          %parallel_loop3A_362 = vector.bitcast %parallel_loop3A_361 : vector<16xi32> to vector<16xf32>
          %parallel_loop3A_363 = arith.constant 0.000000e+00 : f32
          %parallel_loop3A_364 = vector.broadcast %parallel_loop3A_363 : f32 to vector<16xf32>
          %parallel_loop3A_365 = arith.subf %parallel_loop3A_364, %parallel_loop3A_344 : vector<16xf32>
          %parallel_loop3A_366 = math.exp %parallel_loop3A_365 : vector<16xf32>
          %parallel_loop3A_367 = arith.constant 1.000000e+00 : f32
          %parallel_loop3A_368 = vector.broadcast %parallel_loop3A_367 : f32 to vector<16xf32>
          %parallel_loop3A_369 = arith.addf %parallel_loop3A_368, %parallel_loop3A_366 : vector<16xf32>
          %parallel_loop3A_370 = arith.divf %parallel_loop3A_362, %parallel_loop3A_369 : vector<16xf32>
          %parallel_loop3A_371 = arith.constant 0 : i32
          %parallel_loop3A_372 = arith.index_cast %parallel_loop3A_371 : i32 to index
          %parallel_loop3A_373 = arith.index_cast %parallel_loop3A_228 : i32 to index
          %parallel_loop3A_374 = arith.constant 16 : index
          %parallel_loop3A_375 = tpu.vector_load %arg16[%parallel_loop3A_372, %parallel_loop3A_373, %parallel_loop3A_374] {strides = array<i32>} : memref<2x32x128xf32, #tpu.memory_space<vmem>>, vector<16xf32>,
          tpu.vector_store %arg16[%parallel_loop3A_372, %parallel_loop3A_373, %parallel_loop3A_374], %parallel_loop3A_370 {strides = array<i32>} : memref<2x32x128xf32, #tpu.memory_space<vmem>>, vector<16xf32>,
          %parallel_loop3A_376 = arith.constant -65536 : i32
          %parallel_loop3A_377 = vector.broadcast %parallel_loop3A_376 : i32 to vector<16xi32>
          %parallel_loop3A_378 = arith.andi %parallel_loop3A_320, %parallel_loop3A_377 : vector<16xi32>
          %parallel_loop3A_379 = vector.bitcast %parallel_loop3A_378 : vector<16xi32> to vector<16xf32>
          %parallel_loop3A_380 = arith.constant 0.000000e+00 : f32
          %parallel_loop3A_381 = vector.broadcast %parallel_loop3A_380 : f32 to vector<16xf32>
          %parallel_loop3A_382 = arith.subf %parallel_loop3A_381, %parallel_loop3A_358 : vector<16xf32>
          %parallel_loop3A_383 = math.exp %parallel_loop3A_382 : vector<16xf32>
          %parallel_loop3A_384 = arith.constant 1.000000e+00 : f32
          %parallel_loop3A_385 = vector.broadcast %parallel_loop3A_384 : f32 to vector<16xf32>
          %parallel_loop3A_386 = arith.addf %parallel_loop3A_385, %parallel_loop3A_383 : vector<16xf32>
          %parallel_loop3A_387 = arith.divf %parallel_loop3A_379, %parallel_loop3A_386 : vector<16xf32>
          %parallel_loop3A_388 = arith.constant 0 : i32
          %parallel_loop3A_389 = arith.index_cast %parallel_loop3A_388 : i32 to index
          %parallel_loop3A_390 = arith.index_cast %parallel_loop3A_228 : i32 to index
          %parallel_loop3A_391 = arith.constant 80 : index
          %parallel_loop3A_392 = tpu.vector_load %arg16[%parallel_loop3A_389, %parallel_loop3A_390, %parallel_loop3A_391] {strides = array<i32>} : memref<2x32x128xf32, #tpu.memory_space<vmem>>, vector<16xf32>,
          tpu.vector_store %arg16[%parallel_loop3A_389, %parallel_loop3A_390, %parallel_loop3A_391], %parallel_loop3A_387 {strides = array<i32>} : memref<2x32x128xf32, #tpu.memory_space<vmem>>, vector<16xf32>,
          %parallel_loop3A_393 = arith.constant 0 : i32
          %parallel_loop3A_394 = arith.index_cast %parallel_loop3A_393 : i32 to index
          %parallel_loop3A_395 = arith.index_cast %parallel_loop3A_228 : i32 to index
          %parallel_loop3A_396 = arith.constant 32 : index
          %parallel_loop3A_397 = tpu.vector_load %arg13[%parallel_loop3A_394, %parallel_loop3A_395, %parallel_loop3A_396] {strides = array<i32>} : memref<2x32x256xi32, #tpu.memory_space<vmem>>, vector<16xi32>,
          %parallel_loop3A_398 = arith.constant 0 : i32
          %parallel_loop3A_399 = arith.index_cast %parallel_loop3A_398 : i32 to index
          %parallel_loop3A_400 = arith.index_cast %parallel_loop3A_228 : i32 to index
          %parallel_loop3A_401 = arith.constant 96 : index
          %parallel_loop3A_402 = tpu.vector_load %arg13[%parallel_loop3A_399, %parallel_loop3A_400, %parallel_loop3A_401] {strides = array<i32>} : memref<2x32x256xi32, #tpu.memory_space<vmem>>, vector<16xi32>,
          %parallel_loop3A_403 = arith.constant 0 : i32
          %parallel_loop3A_404 = arith.index_cast %parallel_loop3A_403 : i32 to index
          %parallel_loop3A_405 = arith.index_cast %parallel_loop3A_228 : i32 to index
          %parallel_loop3A_406 = arith.constant 32 : index
          %parallel_loop3A_407 = tpu.vector_load %arg14[%parallel_loop3A_404, %parallel_loop3A_405, %parallel_loop3A_406] {strides = array<i32>} : memref<2x32x128xi32, #tpu.memory_space<vmem>>, vector<16xi32>,
          %parallel_loop3A_408 = arith.constant 0 : i32
          %parallel_loop3A_409 = arith.index_cast %parallel_loop3A_408 : i32 to index
          %parallel_loop3A_410 = arith.index_cast %parallel_loop3A_228 : i32 to index
          %parallel_loop3A_411 = arith.constant 32 : index
          %parallel_loop3A_412 = tpu.vector_load %arg15[%parallel_loop3A_409, %parallel_loop3A_410, %parallel_loop3A_411] {strides = array<i32>} : memref<2x32x64xi32, #tpu.memory_space<vmem>>, vector<16xi32>,
          %parallel_loop3A_413 = arith.constant 16 : i32
          %parallel_loop3A_414 = vector.broadcast %parallel_loop3A_413 : i32 to vector<16xi32>
          %parallel_loop3A_415 = arith.shli %parallel_loop3A_397, %parallel_loop3A_414 : vector<16xi32>
          %parallel_loop3A_416 = vector.bitcast %parallel_loop3A_415 : vector<16xi32> to vector<16xf32>
          %parallel_loop3A_417 = arith.constant 16 : i32
          %parallel_loop3A_418 = vector.broadcast %parallel_loop3A_417 : i32 to vector<16xi32>
          %parallel_loop3A_419 = arith.shli %parallel_loop3A_407, %parallel_loop3A_418 : vector<16xi32>
          %parallel_loop3A_420 = vector.bitcast %parallel_loop3A_419 : vector<16xi32> to vector<16xf32>
          %parallel_loop3A_421 = arith.addf %parallel_loop3A_416, %parallel_loop3A_420 : vector<16xf32>
          %parallel_loop3A_422 = arith.constant 16 : i32
          %parallel_loop3A_423 = vector.broadcast %parallel_loop3A_422 : i32 to vector<16xi32>
          %parallel_loop3A_424 = arith.shli %parallel_loop3A_412, %parallel_loop3A_423 : vector<16xi32>
          %parallel_loop3A_425 = vector.bitcast %parallel_loop3A_424 : vector<16xi32> to vector<16xf32>
          %parallel_loop3A_426 = arith.addf %parallel_loop3A_421, %parallel_loop3A_425 : vector<16xf32>
          %parallel_loop3A_427 = arith.constant 16 : i32
          %parallel_loop3A_428 = vector.broadcast %parallel_loop3A_427 : i32 to vector<16xi32>
          %parallel_loop3A_429 = arith.shli %parallel_loop3A_402, %parallel_loop3A_428 : vector<16xi32>
          %parallel_loop3A_430 = vector.bitcast %parallel_loop3A_429 : vector<16xi32> to vector<16xf32>
          %parallel_loop3A_431 = arith.constant -65536 : i32
          %parallel_loop3A_432 = vector.broadcast %parallel_loop3A_431 : i32 to vector<16xi32>
          %parallel_loop3A_433 = arith.andi %parallel_loop3A_407, %parallel_loop3A_432 : vector<16xi32>
          %parallel_loop3A_434 = vector.bitcast %parallel_loop3A_433 : vector<16xi32> to vector<16xf32>
          %parallel_loop3A_435 = arith.addf %parallel_loop3A_430, %parallel_loop3A_434 : vector<16xf32>
          %parallel_loop3A_436 = arith.constant -65536 : i32
          %parallel_loop3A_437 = vector.broadcast %parallel_loop3A_436 : i32 to vector<16xi32>
          %parallel_loop3A_438 = arith.andi %parallel_loop3A_412, %parallel_loop3A_437 : vector<16xi32>
          %parallel_loop3A_439 = vector.bitcast %parallel_loop3A_438 : vector<16xi32> to vector<16xf32>
          %parallel_loop3A_440 = arith.addf %parallel_loop3A_435, %parallel_loop3A_439 : vector<16xf32>
          %parallel_loop3A_441 = arith.constant -65536 : i32
          %parallel_loop3A_442 = vector.broadcast %parallel_loop3A_441 : i32 to vector<16xi32>
          %parallel_loop3A_443 = arith.andi %parallel_loop3A_397, %parallel_loop3A_442 : vector<16xi32>
          %parallel_loop3A_444 = vector.bitcast %parallel_loop3A_443 : vector<16xi32> to vector<16xf32>
          %parallel_loop3A_445 = arith.constant 0.000000e+00 : f32
          %parallel_loop3A_446 = vector.broadcast %parallel_loop3A_445 : f32 to vector<16xf32>
          %parallel_loop3A_447 = arith.subf %parallel_loop3A_446, %parallel_loop3A_426 : vector<16xf32>
          %parallel_loop3A_448 = math.exp %parallel_loop3A_447 : vector<16xf32>
          %parallel_loop3A_449 = arith.constant 1.000000e+00 : f32
          %parallel_loop3A_450 = vector.broadcast %parallel_loop3A_449 : f32 to vector<16xf32>
          %parallel_loop3A_451 = arith.addf %parallel_loop3A_450, %parallel_loop3A_448 : vector<16xf32>
          %parallel_loop3A_452 = arith.divf %parallel_loop3A_444, %parallel_loop3A_451 : vector<16xf32>
          %parallel_loop3A_453 = arith.constant 0 : i32
          %parallel_loop3A_454 = arith.index_cast %parallel_loop3A_453 : i32 to index
          %parallel_loop3A_455 = arith.index_cast %parallel_loop3A_228 : i32 to index
          %parallel_loop3A_456 = arith.constant 32 : index
          %parallel_loop3A_457 = tpu.vector_load %arg16[%parallel_loop3A_454, %parallel_loop3A_455, %parallel_loop3A_456] {strides = array<i32>} : memref<2x32x128xf32, #tpu.memory_space<vmem>>, vector<16xf32>,
          tpu.vector_store %arg16[%parallel_loop3A_454, %parallel_loop3A_455, %parallel_loop3A_456], %parallel_loop3A_452 {strides = array<i32>} : memref<2x32x128xf32, #tpu.memory_space<vmem>>, vector<16xf32>,
          %parallel_loop3A_458 = arith.constant -65536 : i32
          %parallel_loop3A_459 = vector.broadcast %parallel_loop3A_458 : i32 to vector<16xi32>
          %parallel_loop3A_460 = arith.andi %parallel_loop3A_402, %parallel_loop3A_459 : vector<16xi32>
          %parallel_loop3A_461 = vector.bitcast %parallel_loop3A_460 : vector<16xi32> to vector<16xf32>
          %parallel_loop3A_462 = arith.constant 0.000000e+00 : f32
          %parallel_loop3A_463 = vector.broadcast %parallel_loop3A_462 : f32 to vector<16xf32>
          %parallel_loop3A_464 = arith.subf %parallel_loop3A_463, %parallel_loop3A_440 : vector<16xf32>
          %parallel_loop3A_465 = math.exp %parallel_loop3A_464 : vector<16xf32>
          %parallel_loop3A_466 = arith.constant 1.000000e+00 : f32
          %parallel_loop3A_467 = vector.broadcast %parallel_loop3A_466 : f32 to vector<16xf32>
          %parallel_loop3A_468 = arith.addf %parallel_loop3A_467, %parallel_loop3A_465 : vector<16xf32>
          %parallel_loop3A_469 = arith.divf %parallel_loop3A_461, %parallel_loop3A_468 : vector<16xf32>
          %parallel_loop3A_470 = arith.constant 0 : i32
          %parallel_loop3A_471 = arith.index_cast %parallel_loop3A_470 : i32 to index
          %parallel_loop3A_472 = arith.index_cast %parallel_loop3A_228 : i32 to index
          %parallel_loop3A_473 = arith.constant 96 : index
          %parallel_loop3A_474 = tpu.vector_load %arg16[%parallel_loop3A_471, %parallel_loop3A_472, %parallel_loop3A_473] {strides = array<i32>} : memref<2x32x128xf32, #tpu.memory_space<vmem>>, vector<16xf32>,
          tpu.vector_store %arg16[%parallel_loop3A_471, %parallel_loop3A_472, %parallel_loop3A_473], %parallel_loop3A_469 {strides = array<i32>} : memref<2x32x128xf32, #tpu.memory_space<vmem>>, vector<16xf32>,
          %parallel_loop3A_475 = arith.constant 0 : i32
          %parallel_loop3A_476 = arith.index_cast %parallel_loop3A_475 : i32 to index
          %parallel_loop3A_477 = arith.index_cast %parallel_loop3A_228 : i32 to index
          %parallel_loop3A_478 = arith.constant 48 : index
          %parallel_loop3A_479 = tpu.vector_load %arg13[%parallel_loop3A_476, %parallel_loop3A_477, %parallel_loop3A_478] {strides = array<i32>} : memref<2x32x256xi32, #tpu.memory_space<vmem>>, vector<16xi32>,
          %parallel_loop3A_480 = arith.constant 0 : i32
          %parallel_loop3A_481 = arith.index_cast %parallel_loop3A_480 : i32 to index
          %parallel_loop3A_482 = arith.index_cast %parallel_loop3A_228 : i32 to index
          %parallel_loop3A_483 = arith.constant 112 : index
          %parallel_loop3A_484 = tpu.vector_load %arg13[%parallel_loop3A_481, %parallel_loop3A_482, %parallel_loop3A_483] {strides = array<i32>} : memref<2x32x256xi32, #tpu.memory_space<vmem>>, vector<16xi32>,
          %parallel_loop3A_485 = arith.constant 0 : i32
          %parallel_loop3A_486 = arith.index_cast %parallel_loop3A_485 : i32 to index
          %parallel_loop3A_487 = arith.index_cast %parallel_loop3A_228 : i32 to index
          %parallel_loop3A_488 = arith.constant 48 : index
          %parallel_loop3A_489 = tpu.vector_load %arg14[%parallel_loop3A_486, %parallel_loop3A_487, %parallel_loop3A_488] {strides = array<i32>} : memref<2x32x128xi32, #tpu.memory_space<vmem>>, vector<16xi32>,
          %parallel_loop3A_490 = arith.constant 0 : i32
          %parallel_loop3A_491 = arith.index_cast %parallel_loop3A_490 : i32 to index
          %parallel_loop3A_492 = arith.index_cast %parallel_loop3A_228 : i32 to index
          %parallel_loop3A_493 = arith.constant 48 : index
          %parallel_loop3A_494 = tpu.vector_load %arg15[%parallel_loop3A_491, %parallel_loop3A_492, %parallel_loop3A_493] {strides = array<i32>} : memref<2x32x64xi32, #tpu.memory_space<vmem>>, vector<16xi32>,
          %parallel_loop3A_495 = arith.constant 16 : i32
          %parallel_loop3A_496 = vector.broadcast %parallel_loop3A_495 : i32 to vector<16xi32>
          %parallel_loop3A_497 = arith.shli %parallel_loop3A_479, %parallel_loop3A_496 : vector<16xi32>
          %parallel_loop3A_498 = vector.bitcast %parallel_loop3A_497 : vector<16xi32> to vector<16xf32>
          %parallel_loop3A_499 = arith.constant 16 : i32
          %parallel_loop3A_500 = vector.broadcast %parallel_loop3A_499 : i32 to vector<16xi32>
          %parallel_loop3A_501 = arith.shli %parallel_loop3A_489, %parallel_loop3A_500 : vector<16xi32>
          %parallel_loop3A_502 = vector.bitcast %parallel_loop3A_501 : vector<16xi32> to vector<16xf32>
          %parallel_loop3A_503 = arith.addf %parallel_loop3A_498, %parallel_loop3A_502 : vector<16xf32>
          %parallel_loop3A_504 = arith.constant 16 : i32
          %parallel_loop3A_505 = vector.broadcast %parallel_loop3A_504 : i32 to vector<16xi32>
          %parallel_loop3A_506 = arith.shli %parallel_loop3A_494, %parallel_loop3A_505 : vector<16xi32>
          %parallel_loop3A_507 = vector.bitcast %parallel_loop3A_506 : vector<16xi32> to vector<16xf32>
          %parallel_loop3A_508 = arith.addf %parallel_loop3A_503, %parallel_loop3A_507 : vector<16xf32>
          %parallel_loop3A_509 = arith.constant 16 : i32
          %parallel_loop3A_510 = vector.broadcast %parallel_loop3A_509 : i32 to vector<16xi32>
          %parallel_loop3A_511 = arith.shli %parallel_loop3A_484, %parallel_loop3A_510 : vector<16xi32>
          %parallel_loop3A_512 = vector.bitcast %parallel_loop3A_511 : vector<16xi32> to vector<16xf32>
          %parallel_loop3A_513 = arith.constant -65536 : i32
          %parallel_loop3A_514 = vector.broadcast %parallel_loop3A_513 : i32 to vector<16xi32>
          %parallel_loop3A_515 = arith.andi %parallel_loop3A_489, %parallel_loop3A_514 : vector<16xi32>
          %parallel_loop3A_516 = vector.bitcast %parallel_loop3A_515 : vector<16xi32> to vector<16xf32>
          %parallel_loop3A_517 = arith.addf %parallel_loop3A_512, %parallel_loop3A_516 : vector<16xf32>
          %parallel_loop3A_518 = arith.constant -65536 : i32
          %parallel_loop3A_519 = vector.broadcast %parallel_loop3A_518 : i32 to vector<16xi32>
          %parallel_loop3A_520 = arith.andi %parallel_loop3A_494, %parallel_loop3A_519 : vector<16xi32>
          %parallel_loop3A_521 = vector.bitcast %parallel_loop3A_520 : vector<16xi32> to vector<16xf32>
          %parallel_loop3A_522 = arith.addf %parallel_loop3A_517, %parallel_loop3A_521 : vector<16xf32>
          %parallel_loop3A_523 = arith.constant -65536 : i32
          %parallel_loop3A_524 = vector.broadcast %parallel_loop3A_523 : i32 to vector<16xi32>
          %parallel_loop3A_525 = arith.andi %parallel_loop3A_479, %parallel_loop3A_524 : vector<16xi32>
          %parallel_loop3A_526 = vector.bitcast %parallel_loop3A_525 : vector<16xi32> to vector<16xf32>
          %parallel_loop3A_527 = arith.constant 0.000000e+00 : f32
          %parallel_loop3A_528 = vector.broadcast %parallel_loop3A_527 : f32 to vector<16xf32>
          %parallel_loop3A_529 = arith.subf %parallel_loop3A_528, %parallel_loop3A_508 : vector<16xf32>
          %parallel_loop3A_530 = math.exp %parallel_loop3A_529 : vector<16xf32>
          %parallel_loop3A_531 = arith.constant 1.000000e+00 : f32
          %parallel_loop3A_532 = vector.broadcast %parallel_loop3A_531 : f32 to vector<16xf32>
          %parallel_loop3A_533 = arith.addf %parallel_loop3A_532, %parallel_loop3A_530 : vector<16xf32>
          %parallel_loop3A_534 = arith.divf %parallel_loop3A_526, %parallel_loop3A_533 : vector<16xf32>
          %parallel_loop3A_535 = arith.constant 0 : i32
          %parallel_loop3A_536 = arith.index_cast %parallel_loop3A_535 : i32 to index
          %parallel_loop3A_537 = arith.index_cast %parallel_loop3A_228 : i32 to index
          %parallel_loop3A_538 = arith.constant 48 : index
          %parallel_loop3A_539 = tpu.vector_load %arg16[%parallel_loop3A_536, %parallel_loop3A_537, %parallel_loop3A_538] {strides = array<i32>} : memref<2x32x128xf32, #tpu.memory_space<vmem>>, vector<16xf32>,
          tpu.vector_store %arg16[%parallel_loop3A_536, %parallel_loop3A_537, %parallel_loop3A_538], %parallel_loop3A_534 {strides = array<i32>} : memref<2x32x128xf32, #tpu.memory_space<vmem>>, vector<16xf32>,
          %parallel_loop3A_540 = arith.constant -65536 : i32
          %parallel_loop3A_541 = vector.broadcast %parallel_loop3A_540 : i32 to vector<16xi32>
          %parallel_loop3A_542 = arith.andi %parallel_loop3A_484, %parallel_loop3A_541 : vector<16xi32>
          %parallel_loop3A_543 = vector.bitcast %parallel_loop3A_542 : vector<16xi32> to vector<16xf32>
          %parallel_loop3A_544 = arith.constant 0.000000e+00 : f32
          %parallel_loop3A_545 = vector.broadcast %parallel_loop3A_544 : f32 to vector<16xf32>
          %parallel_loop3A_546 = arith.subf %parallel_loop3A_545, %parallel_loop3A_522 : vector<16xf32>
          %parallel_loop3A_547 = math.exp %parallel_loop3A_546 : vector<16xf32>
          %parallel_loop3A_548 = arith.constant 1.000000e+00 : f32
          %parallel_loop3A_549 = vector.broadcast %parallel_loop3A_548 : f32 to vector<16xf32>
          %parallel_loop3A_550 = arith.addf %parallel_loop3A_549, %parallel_loop3A_547 : vector<16xf32>
          %parallel_loop3A_551 = arith.divf %parallel_loop3A_543, %parallel_loop3A_550 : vector<16xf32>
          %parallel_loop3A_552 = arith.constant 0 : i32
          %parallel_loop3A_553 = arith.index_cast %parallel_loop3A_552 : i32 to index
          %parallel_loop3A_554 = arith.index_cast %parallel_loop3A_228 : i32 to index
          %parallel_loop3A_555 = arith.constant 112 : index
          %parallel_loop3A_556 = tpu.vector_load %arg16[%parallel_loop3A_553, %parallel_loop3A_554, %parallel_loop3A_555] {strides = array<i32>} : memref<2x32x128xf32, #tpu.memory_space<vmem>>, vector<16xf32>,
          tpu.vector_store %arg16[%parallel_loop3A_553, %parallel_loop3A_554, %parallel_loop3A_555], %parallel_loop3A_551 {strides = array<i32>} : memref<2x32x128xf32, #tpu.memory_space<vmem>>, vector<16xf32>,
          %parallel_loop3A_557 = arith.constant 0 : i32
          %parallel_loop3A_558 = arith.index_cast %parallel_loop3A_557 : i32 to index
          %parallel_loop3A_559 = arith.index_cast %parallel_loop3A_228 : i32 to index
          %parallel_loop3A_560 = arith.constant 128 : index
          %parallel_loop3A_561 = tpu.vector_load %arg13[%parallel_loop3A_558, %parallel_loop3A_559, %parallel_loop3A_560] {strides = array<i32>} : memref<2x32x256xi32, #tpu.memory_space<vmem>>, vector<16xi32>,
          %parallel_loop3A_562 = arith.constant 0 : i32
          %parallel_loop3A_563 = arith.index_cast %parallel_loop3A_562 : i32 to index
          %parallel_loop3A_564 = arith.index_cast %parallel_loop3A_228 : i32 to index
          %parallel_loop3A_565 = arith.constant 64 : index
          %parallel_loop3A_566 = tpu.vector_load %arg14[%parallel_loop3A_563, %parallel_loop3A_564, %parallel_loop3A_565] {strides = array<i32>} : memref<2x32x128xi32, #tpu.memory_space<vmem>>, vector<16xi32>,
          %parallel_loop3A_567 = arith.constant 16 : i32
          %parallel_loop3A_568 = vector.broadcast %parallel_loop3A_567 : i32 to vector<16xi32>
          %parallel_loop3A_569 = arith.shli %parallel_loop3A_561, %parallel_loop3A_568 : vector<16xi32>
          %parallel_loop3A_570 = vector.bitcast %parallel_loop3A_569 : vector<16xi32> to vector<16xf32>
          %parallel_loop3A_571 = arith.constant 16 : i32
          %parallel_loop3A_572 = vector.broadcast %parallel_loop3A_571 : i32 to vector<16xi32>
          %parallel_loop3A_573 = arith.shli %parallel_loop3A_566, %parallel_loop3A_572 : vector<16xi32>
          %parallel_loop3A_574 = vector.bitcast %parallel_loop3A_573 : vector<16xi32> to vector<16xf32>
          %parallel_loop3A_575 = arith.addf %parallel_loop3A_570, %parallel_loop3A_574 : vector<16xf32>
          %parallel_loop3A_576 = arith.constant 8 : i32
          %parallel_loop3A_577 = arith.divsi %parallel_loop3A_228, %parallel_loop3A_576 : i32
          %parallel_loop3A_578 = arith.constant 0 : i32
          %parallel_loop3A_579 = arith.cmpi sgt, %parallel_loop3A_228, %parallel_loop3A_578 : i32
          %parallel_loop3A_580 = arith.extui %parallel_loop3A_579 : i1 to i32
          %parallel_loop3A_581 = arith.constant 0 : i32
          %parallel_loop3A_582 = arith.cmpi slt, %parallel_loop3A_228, %parallel_loop3A_581 : i32
          %parallel_loop3A_583 = arith.extui %parallel_loop3A_582 : i1 to i32
          %parallel_loop3A_584 = arith.subi %parallel_loop3A_580, %parallel_loop3A_583 : i32
          %parallel_loop3A_585 = arith.constant 0 : i32
          %parallel_loop3A_586 = arith.cmpi sgt, %parallel_loop3A_576, %parallel_loop3A_585 : i32
          %parallel_loop3A_587 = arith.extui %parallel_loop3A_586 : i1 to i32
          %parallel_loop3A_588 = arith.constant 0 : i32
          %parallel_loop3A_589 = arith.cmpi slt, %parallel_loop3A_576, %parallel_loop3A_588 : i32
          %parallel_loop3A_590 = arith.extui %parallel_loop3A_589 : i1 to i32
          %parallel_loop3A_591 = arith.subi %parallel_loop3A_587, %parallel_loop3A_590 : i32
          %parallel_loop3A_592 = arith.cmpi ne, %parallel_loop3A_584, %parallel_loop3A_591 : i32
          %parallel_loop3A_593 = arith.remsi %parallel_loop3A_228, %parallel_loop3A_576 : i32
          %parallel_loop3A_594 = arith.constant 0 : i32
          %parallel_loop3A_595 = arith.cmpi ne, %parallel_loop3A_593, %parallel_loop3A_594 : i32
          %parallel_loop3A_596 = arith.andi %parallel_loop3A_592, %parallel_loop3A_595 : i1
          %parallel_loop3A_597 = arith.constant 1 : i32
          %parallel_loop3A_598 = arith.subi %parallel_loop3A_577, %parallel_loop3A_597 : i32
          %parallel_loop3A_599 = arith.select %parallel_loop3A_596, %parallel_loop3A_598, %parallel_loop3A_577 : i32
          %parallel_loop3A_600 = arith.constant 0 : i32
          %parallel_loop3A_601 = arith.addi %parallel_loop3A_600, %parallel_loop3A_599 : i32
          %parallel_loop3A_602 = arith.constant 8 : i32
          %parallel_loop3A_603 = arith.constant 0 : i32
          %parallel_loop3A_604 = arith.cmpi eq, %parallel_loop3A_602, %parallel_loop3A_603 : i32
          %parallel_loop3A_605 = arith.constant 1 : i32
          %parallel_loop3A_606 = arith.select %parallel_loop3A_604, %parallel_loop3A_605, %parallel_loop3A_602 : i32
          %parallel_loop3A_607 = arith.remsi %parallel_loop3A_228, %parallel_loop3A_606 : i32
          %parallel_loop3A_608 = arith.constant 0 : i32
          %parallel_loop3A_609 = arith.cmpi ne, %parallel_loop3A_607, %parallel_loop3A_608 : i32
          %parallel_loop3A_610 = arith.constant 0 : i32
          %parallel_loop3A_611 = arith.cmpi slt, %parallel_loop3A_607, %parallel_loop3A_610 : i32
          %parallel_loop3A_612 = arith.constant 0 : i32
          %parallel_loop3A_613 = arith.cmpi slt, %parallel_loop3A_606, %parallel_loop3A_612 : i32
          %parallel_loop3A_614 = arith.xori %parallel_loop3A_611, %parallel_loop3A_613 : i1
          %parallel_loop3A_615 = arith.andi %parallel_loop3A_614, %parallel_loop3A_609 : i1
          %parallel_loop3A_616 = arith.addi %parallel_loop3A_607, %parallel_loop3A_606 : i32
          %parallel_loop3A_617 = arith.select %parallel_loop3A_615, %parallel_loop3A_616, %parallel_loop3A_607 : i32
          %parallel_loop3A_618 = arith.constant 16 : i32
          %parallel_loop3A_619 = arith.muli %parallel_loop3A_617, %parallel_loop3A_618 : i32
          %parallel_loop3A_620 = arith.index_cast %parallel_loop3A_601 : i32 to index
          %parallel_loop3A_621 = arith.index_cast %parallel_loop3A_619 : i32 to index
          %parallel_loop3A_622 = tpu.vector_load %arg17[%parallel_loop3A_620, %parallel_loop3A_621] {strides = array<i32>} : memref<8x128xf32, #tpu.memory_space<vmem>>, vector<16xf32>,
          tpu.vector_store %arg17[%parallel_loop3A_620, %parallel_loop3A_621], %parallel_loop3A_575 {strides = array<i32>} : memref<8x128xf32, #tpu.memory_space<vmem>>, vector<16xf32>,
        } {sc.loop_unroll_factor = 4 : i64, sc.parallel_access}
        %run_scoped3A_226 = arith.constant 0 : i32
        %run_scoped3A_227 = arith.constant 0 : i32
        "tpu.region"() ({
          %run_scoped3A_228 = tpu.sem_alloc : memref<!tpu.dma_semaphore, #tpu.memory_space<semaphore_mem>>
          %dma_start3A_229 = arith.constant 0 : i32
          %dma_start3A_230 = arith.constant 0 : i32
          %dma_start3A_231 = tpu.memref_slice %arg16[%run_scoped3A_226, %dma_start3A_229, %dma_start3A_230] : memref<2x32x128xf32, #tpu.memory_space<vmem>> -> memref<1x32x128xf32, #tpu.memory_space<vmem>>
          %dma_start3A_232 = tpu.memref_squeeze %dma_start3A_231 : memref<1x32x128xf32, #tpu.memory_space<vmem>> -> memref<32x128xf32, #tpu.memory_space<vmem>>
          %dma_start3A_233 = arith.constant 0 : i32
          %dma_start3A_234 = tpu.memref_slice %arg12[%run_scoped3A_227, %dma_start3A_233] : memref<2x32xi32, #tpu.memory_space<vmem>> -> memref<1x32xi32, #tpu.memory_space<vmem>>
          %dma_start3A_235 = tpu.memref_squeeze %dma_start3A_234 : memref<1x32xi32, #tpu.memory_space<vmem>> -> memref<32xi32, #tpu.memory_space<vmem>>
          %dma_start3A_236 = arith.constant 0 : i32
          %dma_start3A_237 = arith.constant 0 : i32
          %dma_start3A_238 = tpu.memref_slice %arg18[%dma_start3A_236, %dma_start3A_237] : memref<10000x128xf32, #tpu.memory_space<vmem_shared>> -> memref<10000x128xf32, #tpu.memory_space<vmem_shared>>
          tpu.enqueue_indirect_dma source(%dma_start3A_232 : memref<32x128xf32, #tpu.memory_space<vmem>>) target(%dma_start3A_238 : memref<10000x128xf32, #tpu.memory_space<vmem_shared>>) offsets(%dma_start3A_235 : memref<32xi32, #tpu.memory_space<vmem>>) semaphore(%run_scoped3A_228 : memref<!tpu.dma_semaphore, #tpu.memory_space<semaphore_mem>>) {add = true}
          %dma_wait3A_239 = arith.constant 0 : i32
          %dma_wait3A_240 = arith.constant 0 : i32
          %dma_wait3A_241 = tpu.memref_slice %arg16[%run_scoped3A_226, %dma_wait3A_239, %dma_wait3A_240] : memref<2x32x128xf32, #tpu.memory_space<vmem>> -> memref<1x32x128xf32, #tpu.memory_space<vmem>>
          %dma_wait3A_242 = tpu.memref_squeeze %dma_wait3A_241 : memref<1x32x128xf32, #tpu.memory_space<vmem>> -> memref<32x128xf32, #tpu.memory_space<vmem>>
          %dma_wait3A_243 = arith.constant 0 : i32
          %dma_wait3A_244 = tpu.memref_slice %arg12[%run_scoped3A_227, %dma_wait3A_243] : memref<2x32xi32, #tpu.memory_space<vmem>> -> memref<1x32xi32, #tpu.memory_space<vmem>>
          %dma_wait3A_245 = tpu.memref_squeeze %dma_wait3A_244 : memref<1x32xi32, #tpu.memory_space<vmem>> -> memref<32xi32, #tpu.memory_space<vmem>>
          %dma_wait3A_246 = arith.constant 0 : i32
          %dma_wait3A_247 = arith.constant 0 : i32
          %dma_wait3A_248 = tpu.memref_slice %arg18[%dma_wait3A_246, %dma_wait3A_247] : memref<10000x128xf32, #tpu.memory_space<vmem_shared>> -> memref<10000x128xf32, #tpu.memory_space<vmem_shared>>
          tpu.wait_indirect_dma semaphore(%run_scoped3A_228 : memref<!tpu.dma_semaphore, #tpu.memory_space<semaphore_mem>>) src(%dma_wait3A_242 : memref<32x128xf32, #tpu.memory_space<vmem>>) dst(%dma_wait3A_248 : memref<10000x128xf32, #tpu.memory_space<vmem_shared>>)
          tpu.yield
        }) : () -> ()
      } else {
      }
      %add3A_176 = arith.constant 1 : i32
      %add3A_177 = arith.addi %scan3A_149, %add3A_176 : i32
      %lt3A_178 = arith.cmpi slt, %add3A_177, %select_n3A : i32
      %convert_element_type3A_179 = arith.extui %lt3A_178 : i1 to i32
      %cond3A_180 = arith.constant 0 : i32
      %cond3A_181 = arith.cmpi ne, %convert_element_type3A_179, %cond3A_180 : i32
      scf.if %cond3A_181 {
        %add3A_185 = arith.constant 1 : i32
        %add3A_186 = arith.addi %scan3A_149, %add3A_185 : i32
        %jit3A_187 = arith.constant 8 : i32
        %div3A = arith.divsi %add3A_186, %jit3A_187 : i32
        %sign3A = arith.constant 0 : i32
        %sign3A_188 = arith.cmpi sgt, %add3A_186, %sign3A : i32
        %sign3A_189 = arith.extui %sign3A_188 : i1 to i32
        %sign3A_190 = arith.constant 0 : i32
        %sign3A_191 = arith.cmpi slt, %add3A_186, %sign3A_190 : i32
        %sign3A_192 = arith.extui %sign3A_191 : i1 to i32
        %sign3A_193 = arith.subi %sign3A_189, %sign3A_192 : i32
        %sign3A_194 = arith.constant 0 : i32
        %sign3A_195 = arith.cmpi sgt, %jit3A_187, %sign3A_194 : i32
        %sign3A_196 = arith.extui %sign3A_195 : i1 to i32
        %sign3A_197 = arith.constant 0 : i32
        %sign3A_198 = arith.cmpi slt, %jit3A_187, %sign3A_197 : i32
        %sign3A_199 = arith.extui %sign3A_198 : i1 to i32
        %sign3A_200 = arith.subi %sign3A_196, %sign3A_199 : i32
        %ne3A_201 = arith.cmpi ne, %sign3A_193, %sign3A_200 : i32
        %rem3A_202 = arith.remsi %add3A_186, %jit3A_187 : i32
        %ne3A_203 = arith.constant 0 : i32
        %ne3A_204 = arith.cmpi ne, %rem3A_202, %ne3A_203 : i32
        %and3A_205 = arith.andi %ne3A_201, %ne3A_204 : i1
        %sub3A_206 = arith.constant 1 : i32
        %sub3A_207 = arith.subi %div3A, %sub3A_206 : i32
        %select_n3A_208 = arith.select %and3A_205, %sub3A_207, %div3A : i32
        %jit3A_209 = arith.constant 2 : i32
        %eq3A_210 = arith.constant 0 : i32
        %eq3A_211 = arith.cmpi eq, %jit3A_209, %eq3A_210 : i32
        %jit3A_212 = arith.constant 1 : i32
        %select_n3A_213 = arith.select %eq3A_211, %jit3A_212, %jit3A_209 : i32
        %rem3A_214 = arith.remsi %select_n3A_208, %select_n3A_213 : i32
        %ne3A_215 = arith.constant 0 : i32
        %ne3A_216 = arith.cmpi ne, %rem3A_214, %ne3A_215 : i32
        %lt3A_217 = arith.constant 0 : i32
        %lt3A_218 = arith.cmpi slt, %rem3A_214, %lt3A_217 : i32
        %lt3A_219 = arith.constant 0 : i32
        %lt3A_220 = arith.cmpi slt, %select_n3A_213, %lt3A_219 : i32
        %ne3A_221 = arith.xori %lt3A_218, %lt3A_220 : i1
        %and3A_222 = arith.andi %ne3A_221, %ne3A_216 : i1
        %add3A_223 = arith.addi %rem3A_214, %select_n3A_213 : i32
        %select_n3A_224 = arith.select %and3A_222, %add3A_223, %rem3A_214 : i32
        %mul3A_225 = arith.constant 8 : i32
        %mul3A_226 = arith.muli %select_n3A_224, %mul3A_225 : i32
        %jit3A_227 = arith.constant 8 : i32
        %eq3A_228 = arith.constant 0 : i32
        %eq3A_229 = arith.cmpi eq, %jit3A_227, %eq3A_228 : i32
        %jit3A_230 = arith.constant 1 : i32
        %select_n3A_231 = arith.select %eq3A_229, %jit3A_230, %jit3A_227 : i32
        %rem3A_232 = arith.remsi %add3A_186, %select_n3A_231 : i32
        %ne3A_233 = arith.constant 0 : i32
        %ne3A_234 = arith.cmpi ne, %rem3A_232, %ne3A_233 : i32
        %lt3A_235 = arith.constant 0 : i32
        %lt3A_236 = arith.cmpi slt, %rem3A_232, %lt3A_235 : i32
        %lt3A_237 = arith.constant 0 : i32
        %lt3A_238 = arith.cmpi slt, %select_n3A_231, %lt3A_237 : i32
        %ne3A_239 = arith.xori %lt3A_236, %lt3A_238 : i1
        %and3A_240 = arith.andi %ne3A_239, %ne3A_234 : i1
        %add3A_241 = arith.addi %rem3A_232, %select_n3A_231 : i32
        %select_n3A_242 = arith.select %and3A_240, %add3A_241, %rem3A_232 : i32
        %add3A_243 = arith.addi %mul3A_226, %select_n3A_242 : i32
        %mul3A_244 = arith.constant 64 : i32
        %mul3A_245 = arith.muli %add3A_243, %mul3A_244 : i32
        %add3A_246 = arith.constant 0 : i32
        %add3A_247 = arith.addi %mul3A_245, %add3A_246 : i32
        %add3A_248 = arith.constant 0 : i32
        %add3A_249 = arith.addi %add3A_247, %add3A_248 : i32
        %get3A_250 = arith.index_cast %add3A_249 : i32 to index
        %get3A_251 = tpu.vector_load %arg9[%get3A_250] {strides = array<i32>} : memref<1024xi32, #tpu.memory_space<vmem>>, vector<16xi32>,
        %swap3A_252 = arith.constant 0 : i32
        %swap3A_253 = arith.index_cast %swap3A_252 : i32 to index
        %swap3A_254 = arith.constant 0 : index
        %swap3A_255 = tpu.vector_load %arg11[%swap3A_253, %swap3A_254] {strides = array<i32>} : memref<2x32xi32, #tpu.memory_space<vmem>>, vector<16xi32>,
        tpu.vector_store %arg11[%swap3A_253, %swap3A_254], %get3A_251 {strides = array<i32>} : memref<2x32xi32, #tpu.memory_space<vmem>>, vector<16xi32>,
        %add3A_256 = arith.constant 0 : i32
        %add3A_257 = arith.addi %add3A_247, %add3A_256 : i32
        %get3A_258 = arith.index_cast %add3A_257 : i32 to index
        %get3A_259 = tpu.vector_load %arg10[%get3A_258] {strides = array<i32>} : memref<1024xi32, #tpu.memory_space<vmem>>, vector<16xi32>,
        %swap3A_260 = arith.constant 0 : i32
        %swap3A_261 = arith.index_cast %swap3A_260 : i32 to index
        %swap3A_262 = arith.constant 0 : index
        %swap3A_263 = tpu.vector_load %arg12[%swap3A_261, %swap3A_262] {strides = array<i32>} : memref<2x32xi32, #tpu.memory_space<vmem>>, vector<16xi32>,
        tpu.vector_store %arg12[%swap3A_261, %swap3A_262], %get3A_259 {strides = array<i32>} : memref<2x32xi32, #tpu.memory_space<vmem>>, vector<16xi32>,
        %add3A_264 = arith.constant 16 : i32
        %add3A_265 = arith.addi %add3A_247, %add3A_264 : i32
        %get3A_266 = arith.index_cast %add3A_265 : i32 to index
        %get3A_267 = tpu.vector_load %arg9[%get3A_266] {strides = array<i32>} : memref<1024xi32, #tpu.memory_space<vmem>>, vector<16xi32>,
        %swap3A_268 = arith.constant 0 : i32
        %swap3A_269 = arith.index_cast %swap3A_268 : i32 to index
        %swap3A_270 = arith.constant 16 : index
        %swap3A_271 = tpu.vector_load %arg11[%swap3A_269, %swap3A_270] {strides = array<i32>} : memref<2x32xi32, #tpu.memory_space<vmem>>, vector<16xi32>,
        tpu.vector_store %arg11[%swap3A_269, %swap3A_270], %get3A_267 {strides = array<i32>} : memref<2x32xi32, #tpu.memory_space<vmem>>, vector<16xi32>,
        %add3A_272 = arith.constant 16 : i32
        %add3A_273 = arith.addi %add3A_247, %add3A_272 : i32
        %get3A_274 = arith.index_cast %add3A_273 : i32 to index
        %get3A_275 = tpu.vector_load %arg10[%get3A_274] {strides = array<i32>} : memref<1024xi32, #tpu.memory_space<vmem>>, vector<16xi32>,
        %swap3A_276 = arith.constant 0 : i32
        %swap3A_277 = arith.index_cast %swap3A_276 : i32 to index
        %swap3A_278 = arith.constant 16 : index
        %swap3A_279 = tpu.vector_load %arg12[%swap3A_277, %swap3A_278] {strides = array<i32>} : memref<2x32xi32, #tpu.memory_space<vmem>>, vector<16xi32>,
        tpu.vector_store %arg12[%swap3A_277, %swap3A_278], %get3A_275 {strides = array<i32>} : memref<2x32xi32, #tpu.memory_space<vmem>>, vector<16xi32>,
        %add3A_280 = arith.constant 1 : i32
        %add3A_281 = arith.addi %add3A_150, %add3A_280 : i32
        %mul3A_282 = arith.constant 64 : i32
        %mul3A_283 = arith.muli %add3A_281, %mul3A_282 : i32
        %add3A_284 = arith.constant 0 : i32
        %add3A_285 = arith.addi %mul3A_283, %add3A_284 : i32
        %dma_start3A_286 = arith.constant 0 : i32
        %dma_start3A_287 = arith.constant 0 : i32
        %dma_start3A_288 = arith.constant 0 : i32
        %dma_start3A_289 = arith.constant 0 : i32
        %dma_start3A_290 = tpu.memref_slice %arg13[%dma_start3A_287, %dma_start3A_288, %dma_start3A_289] : memref<2x32x256xi32, #tpu.memory_space<vmem>> -> memref<1x32x256xi32, #tpu.memory_space<vmem>>
        %dma_start3A_291 = tpu.memref_squeeze %dma_start3A_290 : memref<1x32x256xi32, #tpu.memory_space<vmem>> -> memref<32x256xi32, #tpu.memory_space<vmem>>
        %dma_start3A_292 = arith.constant 0 : i32
        %dma_start3A_293 = tpu.memref_slice %arg11[%dma_start3A_286, %dma_start3A_292] : memref<2x32xi32, #tpu.memory_space<vmem>> -> memref<1x32xi32, #tpu.memory_space<vmem>>
        %dma_start3A_294 = tpu.memref_squeeze %dma_start3A_293 : memref<1x32xi32, #tpu.memory_space<vmem>> -> memref<32xi32, #tpu.memory_space<vmem>>
        %dma_start3A_295 = arith.constant 0 : i32
        %dma_start3A_296 = arith.constant 0 : i32
        %dma_start3A_297 = tpu.memref_slice %arg2[%dma_start3A_295, %dma_start3A_296] : memref<10000x256xi32, #tpu.memory_space<hbm>> -> memref<10000x256xi32, #tpu.memory_space<hbm>>
        tpu.enqueue_indirect_dma source(%dma_start3A_297 : memref<10000x256xi32, #tpu.memory_space<hbm>>) target(%dma_start3A_291 : memref<32x256xi32, #tpu.memory_space<vmem>>) offsets(%dma_start3A_294 : memref<32xi32, #tpu.memory_space<vmem>>) semaphore(%arg19 : memref<!tpu.dma_semaphore, #tpu.memory_space<semaphore_mem>>)
        %dma_start3A_298 = arith.constant 0 : i32
        %dma_start3A_299 = arith.constant 0 : i32
        %dma_start3A_300 = arith.constant 0 : i32
        %dma_start3A_301 = arith.constant 0 : i32
        %dma_start3A_302 = tpu.memref_slice %arg14[%dma_start3A_299, %dma_start3A_300, %dma_start3A_301] : memref<2x32x128xi32, #tpu.memory_space<vmem>> -> memref<1x32x128xi32, #tpu.memory_space<vmem>>
        %dma_start3A_303 = tpu.memref_squeeze %dma_start3A_302 : memref<1x32x128xi32, #tpu.memory_space<vmem>> -> memref<32x128xi32, #tpu.memory_space<vmem>>
        %dma_start3A_304 = arith.constant 0 : i32
        %dma_start3A_305 = tpu.memref_slice %arg12[%dma_start3A_298, %dma_start3A_304] : memref<2x32xi32, #tpu.memory_space<vmem>> -> memref<1x32xi32, #tpu.memory_space<vmem>>
        %dma_start3A_306 = tpu.memref_squeeze %dma_start3A_305 : memref<1x32xi32, #tpu.memory_space<vmem>> -> memref<32xi32, #tpu.memory_space<vmem>>
        %dma_start3A_307 = arith.constant 0 : i32
        %dma_start3A_308 = arith.constant 0 : i32
        %dma_start3A_309 = tpu.memref_slice %arg3[%dma_start3A_307, %dma_start3A_308] : memref<10000x128xi32, #tpu.memory_space<hbm>> -> memref<10000x128xi32, #tpu.memory_space<hbm>>
        tpu.enqueue_indirect_dma source(%dma_start3A_309 : memref<10000x128xi32, #tpu.memory_space<hbm>>) target(%dma_start3A_303 : memref<32x128xi32, #tpu.memory_space<vmem>>) offsets(%dma_start3A_306 : memref<32xi32, #tpu.memory_space<vmem>>) semaphore(%arg21 : memref<!tpu.dma_semaphore, #tpu.memory_space<semaphore_mem>>)
        %dma_start3A_310 = arith.constant 0 : i32
        %dma_start3A_311 = arith.constant 0 : i32
        %dma_start3A_312 = arith.constant 0 : i32
        %dma_start3A_313 = tpu.memref_slice %arg15[%dma_start3A_310, %dma_start3A_311, %dma_start3A_312] : memref<2x32x64xi32, #tpu.memory_space<vmem>> -> memref<1x32x64xi32, #tpu.memory_space<vmem>>
        %dma_start3A_314 = tpu.memref_squeeze %dma_start3A_313 : memref<1x32x64xi32, #tpu.memory_space<vmem>> -> memref<32x64xi32, #tpu.memory_space<vmem>>
        %dma_start3A_315 = arith.constant 0 : i32
        %dma_start3A_316 = tpu.memref_slice %arg4[%add3A_285, %dma_start3A_315] : memref<320000x64xi32, #tpu.memory_space<hbm>> -> memref<32x64xi32, #tpu.memory_space<hbm>>
        %dma_start3A_317 = arith.constant 0 : i32
        %dma_start3A_318 = arith.constant 0 : i32
        %dma_start3A_319 = tpu.memref_slice %arg15[%dma_start3A_310, %dma_start3A_317, %dma_start3A_318] : memref<2x32x64xi32, #tpu.memory_space<vmem>> -> memref<1x32x64xi32, #tpu.memory_space<vmem>>
        %dma_start3A_320 = tpu.memref_squeeze %dma_start3A_319 : memref<1x32x64xi32, #tpu.memory_space<vmem>> -> memref<32x64xi32, #tpu.memory_space<vmem>>
        %dma_start3A_321 = arith.constant 0 : i32
        %dma_start3A_322 = tpu.memref_slice %arg4[%add3A_285, %dma_start3A_321] : memref<320000x64xi32, #tpu.memory_space<hbm>> -> memref<32x64xi32, #tpu.memory_space<hbm>>
        tpu.enqueue_dma source(%dma_start3A_322 : memref<32x64xi32, #tpu.memory_space<hbm>>) target(%dma_start3A_320 : memref<32x64xi32, #tpu.memory_space<vmem>>) target_semaphore(%arg23 : memref<!tpu.dma_semaphore, #tpu.memory_space<semaphore_mem>>)
      } else {
      }
      %convert_element_type3A_182 = arith.extui %lt3A_169 : i1 to i32
      %cond3A_183 = arith.constant 0 : i32
      %cond3A_184 = arith.cmpi ne, %convert_element_type3A_182, %cond3A_183 : i32
      scf.if %cond3A_184 {
        %dma_wait3A = arith.constant 1 : i32
        %dma_wait3A_185 = arith.constant 1 : i32
        %dma_wait3A_186 = arith.constant 0 : i32
        %dma_wait3A_187 = arith.constant 0 : i32
        %dma_wait3A_188 = tpu.memref_slice %arg13[%dma_wait3A_185, %dma_wait3A_186, %dma_wait3A_187] : memref<2x32x256xi32, #tpu.memory_space<vmem>> -> memref<1x32x256xi32, #tpu.memory_space<vmem>>
        %dma_wait3A_189 = tpu.memref_squeeze %dma_wait3A_188 : memref<1x32x256xi32, #tpu.memory_space<vmem>> -> memref<32x256xi32, #tpu.memory_space<vmem>>
        %dma_wait3A_190 = arith.constant 0 : i32
        %dma_wait3A_191 = tpu.memref_slice %arg11[%dma_wait3A, %dma_wait3A_190] : memref<2x32xi32, #tpu.memory_space<vmem>> -> memref<1x32xi32, #tpu.memory_space<vmem>>
        %dma_wait3A_192 = tpu.memref_squeeze %dma_wait3A_191 : memref<1x32xi32, #tpu.memory_space<vmem>> -> memref<32xi32, #tpu.memory_space<vmem>>
        %dma_wait3A_193 = arith.constant 0 : i32
        %dma_wait3A_194 = arith.constant 0 : i32
        %dma_wait3A_195 = tpu.memref_slice %arg2[%dma_wait3A_193, %dma_wait3A_194] : memref<10000x256xi32, #tpu.memory_space<hbm>> -> memref<10000x256xi32, #tpu.memory_space<hbm>>
        tpu.wait_indirect_dma semaphore(%arg20 : memref<!tpu.dma_semaphore, #tpu.memory_space<semaphore_mem>>) src(%dma_wait3A_195 : memref<10000x256xi32, #tpu.memory_space<hbm>>) dst(%dma_wait3A_189 : memref<32x256xi32, #tpu.memory_space<vmem>>)
        %dma_wait3A_196 = arith.constant 1 : i32
        %dma_wait3A_197 = arith.constant 1 : i32
        %dma_wait3A_198 = arith.constant 0 : i32
        %dma_wait3A_199 = arith.constant 0 : i32
        %dma_wait3A_200 = tpu.memref_slice %arg14[%dma_wait3A_197, %dma_wait3A_198, %dma_wait3A_199] : memref<2x32x128xi32, #tpu.memory_space<vmem>> -> memref<1x32x128xi32, #tpu.memory_space<vmem>>
        %dma_wait3A_201 = tpu.memref_squeeze %dma_wait3A_200 : memref<1x32x128xi32, #tpu.memory_space<vmem>> -> memref<32x128xi32, #tpu.memory_space<vmem>>
        %dma_wait3A_202 = arith.constant 0 : i32
        %dma_wait3A_203 = tpu.memref_slice %arg12[%dma_wait3A_196, %dma_wait3A_202] : memref<2x32xi32, #tpu.memory_space<vmem>> -> memref<1x32xi32, #tpu.memory_space<vmem>>
        %dma_wait3A_204 = tpu.memref_squeeze %dma_wait3A_203 : memref<1x32xi32, #tpu.memory_space<vmem>> -> memref<32xi32, #tpu.memory_space<vmem>>
        %dma_wait3A_205 = arith.constant 0 : i32
        %dma_wait3A_206 = arith.constant 0 : i32
        %dma_wait3A_207 = tpu.memref_slice %arg3[%dma_wait3A_205, %dma_wait3A_206] : memref<10000x128xi32, #tpu.memory_space<hbm>> -> memref<10000x128xi32, #tpu.memory_space<hbm>>
        tpu.wait_indirect_dma semaphore(%arg22 : memref<!tpu.dma_semaphore, #tpu.memory_space<semaphore_mem>>) src(%dma_wait3A_207 : memref<10000x128xi32, #tpu.memory_space<hbm>>) dst(%dma_wait3A_201 : memref<32x128xi32, #tpu.memory_space<vmem>>)
        %dma_wait3A_208 = arith.constant 1 : i32
        %dma_wait3A_209 = arith.constant 0 : i32
        %dma_wait3A_210 = arith.constant 0 : i32
        %dma_wait3A_211 = tpu.memref_slice %arg15[%dma_wait3A_208, %dma_wait3A_209, %dma_wait3A_210] : memref<2x32x64xi32, #tpu.memory_space<vmem>> -> memref<1x32x64xi32, #tpu.memory_space<vmem>>
        %dma_wait3A_212 = tpu.memref_squeeze %dma_wait3A_211 : memref<1x32x64xi32, #tpu.memory_space<vmem>> -> memref<32x64xi32, #tpu.memory_space<vmem>>
        %dma_wait3A_213 = arith.constant 0 : i32
        %dma_wait3A_214 = arith.constant 0 : i32
        %dma_wait3A_215 = tpu.memref_slice %arg4[%dma_wait3A_213, %dma_wait3A_214] : memref<320000x64xi32, #tpu.memory_space<hbm>> -> memref<32x64xi32, #tpu.memory_space<hbm>>
        %dma_wait3A_216 = arith.constant 0 : i32
        %dma_wait3A_217 = arith.constant 0 : i32
        %dma_wait3A_218 = tpu.memref_slice %arg15[%dma_wait3A_208, %dma_wait3A_216, %dma_wait3A_217] : memref<2x32x64xi32, #tpu.memory_space<vmem>> -> memref<1x32x64xi32, #tpu.memory_space<vmem>>
        %dma_wait3A_219 = tpu.memref_squeeze %dma_wait3A_218 : memref<1x32x64xi32, #tpu.memory_space<vmem>> -> memref<32x64xi32, #tpu.memory_space<vmem>>
        %dma_wait3A_220 = arith.constant 0 : i32
        %dma_wait3A_221 = arith.constant 0 : i32
        %dma_wait3A_222 = tpu.memref_slice %arg4[%dma_wait3A_220, %dma_wait3A_221] : memref<320000x64xi32, #tpu.memory_space<hbm>> -> memref<32x64xi32, #tpu.memory_space<hbm>>
        tpu.wait_dma2 semaphore(%arg24 : memref<!tpu.dma_semaphore, #tpu.memory_space<semaphore_mem>>) src(%dma_wait3A_222 : memref<32x64xi32, #tpu.memory_space<hbm>>) dst(%dma_wait3A_219 : memref<32x64xi32, #tpu.memory_space<vmem>>)
        %parallel_loop3A_223 = arith.constant 0 : i32
        %parallel_loop3A_224 = arith.constant 32 : i32
        %parallel_loop3A_225 = arith.constant 1 : i32
        scf.for %parallel_loop3A_230 = %parallel_loop3A_223 to %parallel_loop3A_224 step %parallel_loop3A_225  : i32 {
          %parallel_loop3A_231 = arith.constant 1 : i32
          %parallel_loop3A_232 = arith.index_cast %parallel_loop3A_231 : i32 to index
          %parallel_loop3A_233 = arith.index_cast %parallel_loop3A_230 : i32 to index
          %parallel_loop3A_234 = arith.constant 0 : index
          %parallel_loop3A_235 = tpu.vector_load %arg13[%parallel_loop3A_232, %parallel_loop3A_233, %parallel_loop3A_234] {strides = array<i32>} : memref<2x32x256xi32, #tpu.memory_space<vmem>>, vector<16xi32>,
          %parallel_loop3A_236 = arith.constant 1 : i32
          %parallel_loop3A_237 = arith.index_cast %parallel_loop3A_236 : i32 to index
          %parallel_loop3A_238 = arith.index_cast %parallel_loop3A_230 : i32 to index
          %parallel_loop3A_239 = arith.constant 64 : index
          %parallel_loop3A_240 = tpu.vector_load %arg13[%parallel_loop3A_237, %parallel_loop3A_238, %parallel_loop3A_239] {strides = array<i32>} : memref<2x32x256xi32, #tpu.memory_space<vmem>>, vector<16xi32>,
          %parallel_loop3A_241 = arith.constant 1 : i32
          %parallel_loop3A_242 = arith.index_cast %parallel_loop3A_241 : i32 to index
          %parallel_loop3A_243 = arith.index_cast %parallel_loop3A_230 : i32 to index
          %parallel_loop3A_244 = arith.constant 0 : index
          %parallel_loop3A_245 = tpu.vector_load %arg14[%parallel_loop3A_242, %parallel_loop3A_243, %parallel_loop3A_244] {strides = array<i32>} : memref<2x32x128xi32, #tpu.memory_space<vmem>>, vector<16xi32>,
          %parallel_loop3A_246 = arith.constant 1 : i32
          %parallel_loop3A_247 = arith.index_cast %parallel_loop3A_246 : i32 to index
          %parallel_loop3A_248 = arith.index_cast %parallel_loop3A_230 : i32 to index
          %parallel_loop3A_249 = arith.constant 0 : index
          %parallel_loop3A_250 = tpu.vector_load %arg15[%parallel_loop3A_247, %parallel_loop3A_248, %parallel_loop3A_249] {strides = array<i32>} : memref<2x32x64xi32, #tpu.memory_space<vmem>>, vector<16xi32>,
          %parallel_loop3A_251 = arith.constant 16 : i32
          %parallel_loop3A_252 = vector.broadcast %parallel_loop3A_251 : i32 to vector<16xi32>
          %parallel_loop3A_253 = arith.shli %parallel_loop3A_235, %parallel_loop3A_252 : vector<16xi32>
          %parallel_loop3A_254 = vector.bitcast %parallel_loop3A_253 : vector<16xi32> to vector<16xf32>
          %parallel_loop3A_255 = arith.constant 16 : i32
          %parallel_loop3A_256 = vector.broadcast %parallel_loop3A_255 : i32 to vector<16xi32>
          %parallel_loop3A_257 = arith.shli %parallel_loop3A_245, %parallel_loop3A_256 : vector<16xi32>
          %parallel_loop3A_258 = vector.bitcast %parallel_loop3A_257 : vector<16xi32> to vector<16xf32>
          %parallel_loop3A_259 = arith.addf %parallel_loop3A_254, %parallel_loop3A_258 : vector<16xf32>
          %parallel_loop3A_260 = arith.constant 16 : i32
          %parallel_loop3A_261 = vector.broadcast %parallel_loop3A_260 : i32 to vector<16xi32>
          %parallel_loop3A_262 = arith.shli %parallel_loop3A_250, %parallel_loop3A_261 : vector<16xi32>
          %parallel_loop3A_263 = vector.bitcast %parallel_loop3A_262 : vector<16xi32> to vector<16xf32>
          %parallel_loop3A_264 = arith.addf %parallel_loop3A_259, %parallel_loop3A_263 : vector<16xf32>
          %parallel_loop3A_265 = arith.constant 16 : i32
          %parallel_loop3A_266 = vector.broadcast %parallel_loop3A_265 : i32 to vector<16xi32>
          %parallel_loop3A_267 = arith.shli %parallel_loop3A_240, %parallel_loop3A_266 : vector<16xi32>
          %parallel_loop3A_268 = vector.bitcast %parallel_loop3A_267 : vector<16xi32> to vector<16xf32>
          %parallel_loop3A_269 = arith.constant -65536 : i32
          %parallel_loop3A_270 = vector.broadcast %parallel_loop3A_269 : i32 to vector<16xi32>
          %parallel_loop3A_271 = arith.andi %parallel_loop3A_245, %parallel_loop3A_270 : vector<16xi32>
          %parallel_loop3A_272 = vector.bitcast %parallel_loop3A_271 : vector<16xi32> to vector<16xf32>
          %parallel_loop3A_273 = arith.addf %parallel_loop3A_268, %parallel_loop3A_272 : vector<16xf32>
          %parallel_loop3A_274 = arith.constant -65536 : i32
          %parallel_loop3A_275 = vector.broadcast %parallel_loop3A_274 : i32 to vector<16xi32>
          %parallel_loop3A_276 = arith.andi %parallel_loop3A_250, %parallel_loop3A_275 : vector<16xi32>
          %parallel_loop3A_277 = vector.bitcast %parallel_loop3A_276 : vector<16xi32> to vector<16xf32>
          %parallel_loop3A_278 = arith.addf %parallel_loop3A_273, %parallel_loop3A_277 : vector<16xf32>
          %parallel_loop3A_279 = arith.constant -65536 : i32
          %parallel_loop3A_280 = vector.broadcast %parallel_loop3A_279 : i32 to vector<16xi32>
          %parallel_loop3A_281 = arith.andi %parallel_loop3A_235, %parallel_loop3A_280 : vector<16xi32>
          %parallel_loop3A_282 = vector.bitcast %parallel_loop3A_281 : vector<16xi32> to vector<16xf32>
          %parallel_loop3A_283 = arith.constant 0.000000e+00 : f32
          %parallel_loop3A_284 = vector.broadcast %parallel_loop3A_283 : f32 to vector<16xf32>
          %parallel_loop3A_285 = arith.subf %parallel_loop3A_284, %parallel_loop3A_264 : vector<16xf32>
          %parallel_loop3A_286 = math.exp %parallel_loop3A_285 : vector<16xf32>
          %parallel_loop3A_287 = arith.constant 1.000000e+00 : f32
          %parallel_loop3A_288 = vector.broadcast %parallel_loop3A_287 : f32 to vector<16xf32>
          %parallel_loop3A_289 = arith.addf %parallel_loop3A_288, %parallel_loop3A_286 : vector<16xf32>
          %parallel_loop3A_290 = arith.divf %parallel_loop3A_282, %parallel_loop3A_289 : vector<16xf32>
          %parallel_loop3A_291 = arith.constant 1 : i32
          %parallel_loop3A_292 = arith.index_cast %parallel_loop3A_291 : i32 to index
          %parallel_loop3A_293 = arith.index_cast %parallel_loop3A_230 : i32 to index
          %parallel_loop3A_294 = arith.constant 0 : index
          %parallel_loop3A_295 = tpu.vector_load %arg16[%parallel_loop3A_292, %parallel_loop3A_293, %parallel_loop3A_294] {strides = array<i32>} : memref<2x32x128xf32, #tpu.memory_space<vmem>>, vector<16xf32>,
          tpu.vector_store %arg16[%parallel_loop3A_292, %parallel_loop3A_293, %parallel_loop3A_294], %parallel_loop3A_290 {strides = array<i32>} : memref<2x32x128xf32, #tpu.memory_space<vmem>>, vector<16xf32>,
          %parallel_loop3A_296 = arith.constant -65536 : i32
          %parallel_loop3A_297 = vector.broadcast %parallel_loop3A_296 : i32 to vector<16xi32>
          %parallel_loop3A_298 = arith.andi %parallel_loop3A_240, %parallel_loop3A_297 : vector<16xi32>
          %parallel_loop3A_299 = vector.bitcast %parallel_loop3A_298 : vector<16xi32> to vector<16xf32>
          %parallel_loop3A_300 = arith.constant 0.000000e+00 : f32
          %parallel_loop3A_301 = vector.broadcast %parallel_loop3A_300 : f32 to vector<16xf32>
          %parallel_loop3A_302 = arith.subf %parallel_loop3A_301, %parallel_loop3A_278 : vector<16xf32>
          %parallel_loop3A_303 = math.exp %parallel_loop3A_302 : vector<16xf32>
          %parallel_loop3A_304 = arith.constant 1.000000e+00 : f32
          %parallel_loop3A_305 = vector.broadcast %parallel_loop3A_304 : f32 to vector<16xf32>
          %parallel_loop3A_306 = arith.addf %parallel_loop3A_305, %parallel_loop3A_303 : vector<16xf32>
          %parallel_loop3A_307 = arith.divf %parallel_loop3A_299, %parallel_loop3A_306 : vector<16xf32>
          %parallel_loop3A_308 = arith.constant 1 : i32
          %parallel_loop3A_309 = arith.index_cast %parallel_loop3A_308 : i32 to index
          %parallel_loop3A_310 = arith.index_cast %parallel_loop3A_230 : i32 to index
          %parallel_loop3A_311 = arith.constant 64 : index
          %parallel_loop3A_312 = tpu.vector_load %arg16[%parallel_loop3A_309, %parallel_loop3A_310, %parallel_loop3A_311] {strides = array<i32>} : memref<2x32x128xf32, #tpu.memory_space<vmem>>, vector<16xf32>,
          tpu.vector_store %arg16[%parallel_loop3A_309, %parallel_loop3A_310, %parallel_loop3A_311], %parallel_loop3A_307 {strides = array<i32>} : memref<2x32x128xf32, #tpu.memory_space<vmem>>, vector<16xf32>,
          %parallel_loop3A_313 = arith.constant 1 : i32
          %parallel_loop3A_314 = arith.index_cast %parallel_loop3A_313 : i32 to index
          %parallel_loop3A_315 = arith.index_cast %parallel_loop3A_230 : i32 to index
          %parallel_loop3A_316 = arith.constant 16 : index
          %parallel_loop3A_317 = tpu.vector_load %arg13[%parallel_loop3A_314, %parallel_loop3A_315, %parallel_loop3A_316] {strides = array<i32>} : memref<2x32x256xi32, #tpu.memory_space<vmem>>, vector<16xi32>,
          %parallel_loop3A_318 = arith.constant 1 : i32
          %parallel_loop3A_319 = arith.index_cast %parallel_loop3A_318 : i32 to index
          %parallel_loop3A_320 = arith.index_cast %parallel_loop3A_230 : i32 to index
          %parallel_loop3A_321 = arith.constant 80 : index
          %parallel_loop3A_322 = tpu.vector_load %arg13[%parallel_loop3A_319, %parallel_loop3A_320, %parallel_loop3A_321] {strides = array<i32>} : memref<2x32x256xi32, #tpu.memory_space<vmem>>, vector<16xi32>,
          %parallel_loop3A_323 = arith.constant 1 : i32
          %parallel_loop3A_324 = arith.index_cast %parallel_loop3A_323 : i32 to index
          %parallel_loop3A_325 = arith.index_cast %parallel_loop3A_230 : i32 to index
          %parallel_loop3A_326 = arith.constant 16 : index
          %parallel_loop3A_327 = tpu.vector_load %arg14[%parallel_loop3A_324, %parallel_loop3A_325, %parallel_loop3A_326] {strides = array<i32>} : memref<2x32x128xi32, #tpu.memory_space<vmem>>, vector<16xi32>,
          %parallel_loop3A_328 = arith.constant 1 : i32
          %parallel_loop3A_329 = arith.index_cast %parallel_loop3A_328 : i32 to index
          %parallel_loop3A_330 = arith.index_cast %parallel_loop3A_230 : i32 to index
          %parallel_loop3A_331 = arith.constant 16 : index
          %parallel_loop3A_332 = tpu.vector_load %arg15[%parallel_loop3A_329, %parallel_loop3A_330, %parallel_loop3A_331] {strides = array<i32>} : memref<2x32x64xi32, #tpu.memory_space<vmem>>, vector<16xi32>,
          %parallel_loop3A_333 = arith.constant 16 : i32
          %parallel_loop3A_334 = vector.broadcast %parallel_loop3A_333 : i32 to vector<16xi32>
          %parallel_loop3A_335 = arith.shli %parallel_loop3A_317, %parallel_loop3A_334 : vector<16xi32>
          %parallel_loop3A_336 = vector.bitcast %parallel_loop3A_335 : vector<16xi32> to vector<16xf32>
          %parallel_loop3A_337 = arith.constant 16 : i32
          %parallel_loop3A_338 = vector.broadcast %parallel_loop3A_337 : i32 to vector<16xi32>
          %parallel_loop3A_339 = arith.shli %parallel_loop3A_327, %parallel_loop3A_338 : vector<16xi32>
          %parallel_loop3A_340 = vector.bitcast %parallel_loop3A_339 : vector<16xi32> to vector<16xf32>
          %parallel_loop3A_341 = arith.addf %parallel_loop3A_336, %parallel_loop3A_340 : vector<16xf32>
          %parallel_loop3A_342 = arith.constant 16 : i32
          %parallel_loop3A_343 = vector.broadcast %parallel_loop3A_342 : i32 to vector<16xi32>
          %parallel_loop3A_344 = arith.shli %parallel_loop3A_332, %parallel_loop3A_343 : vector<16xi32>
          %parallel_loop3A_345 = vector.bitcast %parallel_loop3A_344 : vector<16xi32> to vector<16xf32>
          %parallel_loop3A_346 = arith.addf %parallel_loop3A_341, %parallel_loop3A_345 : vector<16xf32>
          %parallel_loop3A_347 = arith.constant 16 : i32
          %parallel_loop3A_348 = vector.broadcast %parallel_loop3A_347 : i32 to vector<16xi32>
          %parallel_loop3A_349 = arith.shli %parallel_loop3A_322, %parallel_loop3A_348 : vector<16xi32>
          %parallel_loop3A_350 = vector.bitcast %parallel_loop3A_349 : vector<16xi32> to vector<16xf32>
          %parallel_loop3A_351 = arith.constant -65536 : i32
          %parallel_loop3A_352 = vector.broadcast %parallel_loop3A_351 : i32 to vector<16xi32>
          %parallel_loop3A_353 = arith.andi %parallel_loop3A_327, %parallel_loop3A_352 : vector<16xi32>
          %parallel_loop3A_354 = vector.bitcast %parallel_loop3A_353 : vector<16xi32> to vector<16xf32>
          %parallel_loop3A_355 = arith.addf %parallel_loop3A_350, %parallel_loop3A_354 : vector<16xf32>
          %parallel_loop3A_356 = arith.constant -65536 : i32
          %parallel_loop3A_357 = vector.broadcast %parallel_loop3A_356 : i32 to vector<16xi32>
          %parallel_loop3A_358 = arith.andi %parallel_loop3A_332, %parallel_loop3A_357 : vector<16xi32>
          %parallel_loop3A_359 = vector.bitcast %parallel_loop3A_358 : vector<16xi32> to vector<16xf32>
          %parallel_loop3A_360 = arith.addf %parallel_loop3A_355, %parallel_loop3A_359 : vector<16xf32>
          %parallel_loop3A_361 = arith.constant -65536 : i32
          %parallel_loop3A_362 = vector.broadcast %parallel_loop3A_361 : i32 to vector<16xi32>
          %parallel_loop3A_363 = arith.andi %parallel_loop3A_317, %parallel_loop3A_362 : vector<16xi32>
          %parallel_loop3A_364 = vector.bitcast %parallel_loop3A_363 : vector<16xi32> to vector<16xf32>
          %parallel_loop3A_365 = arith.constant 0.000000e+00 : f32
          %parallel_loop3A_366 = vector.broadcast %parallel_loop3A_365 : f32 to vector<16xf32>
          %parallel_loop3A_367 = arith.subf %parallel_loop3A_366, %parallel_loop3A_346 : vector<16xf32>
          %parallel_loop3A_368 = math.exp %parallel_loop3A_367 : vector<16xf32>
          %parallel_loop3A_369 = arith.constant 1.000000e+00 : f32
          %parallel_loop3A_370 = vector.broadcast %parallel_loop3A_369 : f32 to vector<16xf32>
          %parallel_loop3A_371 = arith.addf %parallel_loop3A_370, %parallel_loop3A_368 : vector<16xf32>
          %parallel_loop3A_372 = arith.divf %parallel_loop3A_364, %parallel_loop3A_371 : vector<16xf32>
          %parallel_loop3A_373 = arith.constant 1 : i32
          %parallel_loop3A_374 = arith.index_cast %parallel_loop3A_373 : i32 to index
          %parallel_loop3A_375 = arith.index_cast %parallel_loop3A_230 : i32 to index
          %parallel_loop3A_376 = arith.constant 16 : index
          %parallel_loop3A_377 = tpu.vector_load %arg16[%parallel_loop3A_374, %parallel_loop3A_375, %parallel_loop3A_376] {strides = array<i32>} : memref<2x32x128xf32, #tpu.memory_space<vmem>>, vector<16xf32>,
          tpu.vector_store %arg16[%parallel_loop3A_374, %parallel_loop3A_375, %parallel_loop3A_376], %parallel_loop3A_372 {strides = array<i32>} : memref<2x32x128xf32, #tpu.memory_space<vmem>>, vector<16xf32>,
          %parallel_loop3A_378 = arith.constant -65536 : i32
          %parallel_loop3A_379 = vector.broadcast %parallel_loop3A_378 : i32 to vector<16xi32>
          %parallel_loop3A_380 = arith.andi %parallel_loop3A_322, %parallel_loop3A_379 : vector<16xi32>
          %parallel_loop3A_381 = vector.bitcast %parallel_loop3A_380 : vector<16xi32> to vector<16xf32>
          %parallel_loop3A_382 = arith.constant 0.000000e+00 : f32
          %parallel_loop3A_383 = vector.broadcast %parallel_loop3A_382 : f32 to vector<16xf32>
          %parallel_loop3A_384 = arith.subf %parallel_loop3A_383, %parallel_loop3A_360 : vector<16xf32>
          %parallel_loop3A_385 = math.exp %parallel_loop3A_384 : vector<16xf32>
          %parallel_loop3A_386 = arith.constant 1.000000e+00 : f32
          %parallel_loop3A_387 = vector.broadcast %parallel_loop3A_386 : f32 to vector<16xf32>
          %parallel_loop3A_388 = arith.addf %parallel_loop3A_387, %parallel_loop3A_385 : vector<16xf32>
          %parallel_loop3A_389 = arith.divf %parallel_loop3A_381, %parallel_loop3A_388 : vector<16xf32>
          %parallel_loop3A_390 = arith.constant 1 : i32
          %parallel_loop3A_391 = arith.index_cast %parallel_loop3A_390 : i32 to index
          %parallel_loop3A_392 = arith.index_cast %parallel_loop3A_230 : i32 to index
          %parallel_loop3A_393 = arith.constant 80 : index
          %parallel_loop3A_394 = tpu.vector_load %arg16[%parallel_loop3A_391, %parallel_loop3A_392, %parallel_loop3A_393] {strides = array<i32>} : memref<2x32x128xf32, #tpu.memory_space<vmem>>, vector<16xf32>,
          tpu.vector_store %arg16[%parallel_loop3A_391, %parallel_loop3A_392, %parallel_loop3A_393], %parallel_loop3A_389 {strides = array<i32>} : memref<2x32x128xf32, #tpu.memory_space<vmem>>, vector<16xf32>,
          %parallel_loop3A_395 = arith.constant 1 : i32
          %parallel_loop3A_396 = arith.index_cast %parallel_loop3A_395 : i32 to index
          %parallel_loop3A_397 = arith.index_cast %parallel_loop3A_230 : i32 to index
          %parallel_loop3A_398 = arith.constant 32 : index
          %parallel_loop3A_399 = tpu.vector_load %arg13[%parallel_loop3A_396, %parallel_loop3A_397, %parallel_loop3A_398] {strides = array<i32>} : memref<2x32x256xi32, #tpu.memory_space<vmem>>, vector<16xi32>,
          %parallel_loop3A_400 = arith.constant 1 : i32
          %parallel_loop3A_401 = arith.index_cast %parallel_loop3A_400 : i32 to index
          %parallel_loop3A_402 = arith.index_cast %parallel_loop3A_230 : i32 to index
          %parallel_loop3A_403 = arith.constant 96 : index
          %parallel_loop3A_404 = tpu.vector_load %arg13[%parallel_loop3A_401, %parallel_loop3A_402, %parallel_loop3A_403] {strides = array<i32>} : memref<2x32x256xi32, #tpu.memory_space<vmem>>, vector<16xi32>,
          %parallel_loop3A_405 = arith.constant 1 : i32
          %parallel_loop3A_406 = arith.index_cast %parallel_loop3A_405 : i32 to index
          %parallel_loop3A_407 = arith.index_cast %parallel_loop3A_230 : i32 to index
          %parallel_loop3A_408 = arith.constant 32 : index
          %parallel_loop3A_409 = tpu.vector_load %arg14[%parallel_loop3A_406, %parallel_loop3A_407, %parallel_loop3A_408] {strides = array<i32>} : memref<2x32x128xi32, #tpu.memory_space<vmem>>, vector<16xi32>,
          %parallel_loop3A_410 = arith.constant 1 : i32
          %parallel_loop3A_411 = arith.index_cast %parallel_loop3A_410 : i32 to index
          %parallel_loop3A_412 = arith.index_cast %parallel_loop3A_230 : i32 to index
          %parallel_loop3A_413 = arith.constant 32 : index
          %parallel_loop3A_414 = tpu.vector_load %arg15[%parallel_loop3A_411, %parallel_loop3A_412, %parallel_loop3A_413] {strides = array<i32>} : memref<2x32x64xi32, #tpu.memory_space<vmem>>, vector<16xi32>,
          %parallel_loop3A_415 = arith.constant 16 : i32
          %parallel_loop3A_416 = vector.broadcast %parallel_loop3A_415 : i32 to vector<16xi32>
          %parallel_loop3A_417 = arith.shli %parallel_loop3A_399, %parallel_loop3A_416 : vector<16xi32>
          %parallel_loop3A_418 = vector.bitcast %parallel_loop3A_417 : vector<16xi32> to vector<16xf32>
          %parallel_loop3A_419 = arith.constant 16 : i32
          %parallel_loop3A_420 = vector.broadcast %parallel_loop3A_419 : i32 to vector<16xi32>
          %parallel_loop3A_421 = arith.shli %parallel_loop3A_409, %parallel_loop3A_420 : vector<16xi32>
          %parallel_loop3A_422 = vector.bitcast %parallel_loop3A_421 : vector<16xi32> to vector<16xf32>
          %parallel_loop3A_423 = arith.addf %parallel_loop3A_418, %parallel_loop3A_422 : vector<16xf32>
          %parallel_loop3A_424 = arith.constant 16 : i32
          %parallel_loop3A_425 = vector.broadcast %parallel_loop3A_424 : i32 to vector<16xi32>
          %parallel_loop3A_426 = arith.shli %parallel_loop3A_414, %parallel_loop3A_425 : vector<16xi32>
          %parallel_loop3A_427 = vector.bitcast %parallel_loop3A_426 : vector<16xi32> to vector<16xf32>
          %parallel_loop3A_428 = arith.addf %parallel_loop3A_423, %parallel_loop3A_427 : vector<16xf32>
          %parallel_loop3A_429 = arith.constant 16 : i32
          %parallel_loop3A_430 = vector.broadcast %parallel_loop3A_429 : i32 to vector<16xi32>
          %parallel_loop3A_431 = arith.shli %parallel_loop3A_404, %parallel_loop3A_430 : vector<16xi32>
          %parallel_loop3A_432 = vector.bitcast %parallel_loop3A_431 : vector<16xi32> to vector<16xf32>
          %parallel_loop3A_433 = arith.constant -65536 : i32
          %parallel_loop3A_434 = vector.broadcast %parallel_loop3A_433 : i32 to vector<16xi32>
          %parallel_loop3A_435 = arith.andi %parallel_loop3A_409, %parallel_loop3A_434 : vector<16xi32>
          %parallel_loop3A_436 = vector.bitcast %parallel_loop3A_435 : vector<16xi32> to vector<16xf32>
          %parallel_loop3A_437 = arith.addf %parallel_loop3A_432, %parallel_loop3A_436 : vector<16xf32>
          %parallel_loop3A_438 = arith.constant -65536 : i32
          %parallel_loop3A_439 = vector.broadcast %parallel_loop3A_438 : i32 to vector<16xi32>
          %parallel_loop3A_440 = arith.andi %parallel_loop3A_414, %parallel_loop3A_439 : vector<16xi32>
          %parallel_loop3A_441 = vector.bitcast %parallel_loop3A_440 : vector<16xi32> to vector<16xf32>
          %parallel_loop3A_442 = arith.addf %parallel_loop3A_437, %parallel_loop3A_441 : vector<16xf32>
          %parallel_loop3A_443 = arith.constant -65536 : i32
          %parallel_loop3A_444 = vector.broadcast %parallel_loop3A_443 : i32 to vector<16xi32>
          %parallel_loop3A_445 = arith.andi %parallel_loop3A_399, %parallel_loop3A_444 : vector<16xi32>
          %parallel_loop3A_446 = vector.bitcast %parallel_loop3A_445 : vector<16xi32> to vector<16xf32>
          %parallel_loop3A_447 = arith.constant 0.000000e+00 : f32
          %parallel_loop3A_448 = vector.broadcast %parallel_loop3A_447 : f32 to vector<16xf32>
          %parallel_loop3A_449 = arith.subf %parallel_loop3A_448, %parallel_loop3A_428 : vector<16xf32>
          %parallel_loop3A_450 = math.exp %parallel_loop3A_449 : vector<16xf32>
          %parallel_loop3A_451 = arith.constant 1.000000e+00 : f32
          %parallel_loop3A_452 = vector.broadcast %parallel_loop3A_451 : f32 to vector<16xf32>
          %parallel_loop3A_453 = arith.addf %parallel_loop3A_452, %parallel_loop3A_450 : vector<16xf32>
          %parallel_loop3A_454 = arith.divf %parallel_loop3A_446, %parallel_loop3A_453 : vector<16xf32>
          %parallel_loop3A_455 = arith.constant 1 : i32
          %parallel_loop3A_456 = arith.index_cast %parallel_loop3A_455 : i32 to index
          %parallel_loop3A_457 = arith.index_cast %parallel_loop3A_230 : i32 to index
          %parallel_loop3A_458 = arith.constant 32 : index
          %parallel_loop3A_459 = tpu.vector_load %arg16[%parallel_loop3A_456, %parallel_loop3A_457, %parallel_loop3A_458] {strides = array<i32>} : memref<2x32x128xf32, #tpu.memory_space<vmem>>, vector<16xf32>,
          tpu.vector_store %arg16[%parallel_loop3A_456, %parallel_loop3A_457, %parallel_loop3A_458], %parallel_loop3A_454 {strides = array<i32>} : memref<2x32x128xf32, #tpu.memory_space<vmem>>, vector<16xf32>,
          %parallel_loop3A_460 = arith.constant -65536 : i32
          %parallel_loop3A_461 = vector.broadcast %parallel_loop3A_460 : i32 to vector<16xi32>
          %parallel_loop3A_462 = arith.andi %parallel_loop3A_404, %parallel_loop3A_461 : vector<16xi32>
          %parallel_loop3A_463 = vector.bitcast %parallel_loop3A_462 : vector<16xi32> to vector<16xf32>
          %parallel_loop3A_464 = arith.constant 0.000000e+00 : f32
          %parallel_loop3A_465 = vector.broadcast %parallel_loop3A_464 : f32 to vector<16xf32>
          %parallel_loop3A_466 = arith.subf %parallel_loop3A_465, %parallel_loop3A_442 : vector<16xf32>
          %parallel_loop3A_467 = math.exp %parallel_loop3A_466 : vector<16xf32>
          %parallel_loop3A_468 = arith.constant 1.000000e+00 : f32
          %parallel_loop3A_469 = vector.broadcast %parallel_loop3A_468 : f32 to vector<16xf32>
          %parallel_loop3A_470 = arith.addf %parallel_loop3A_469, %parallel_loop3A_467 : vector<16xf32>
          %parallel_loop3A_471 = arith.divf %parallel_loop3A_463, %parallel_loop3A_470 : vector<16xf32>
          %parallel_loop3A_472 = arith.constant 1 : i32
          %parallel_loop3A_473 = arith.index_cast %parallel_loop3A_472 : i32 to index
          %parallel_loop3A_474 = arith.index_cast %parallel_loop3A_230 : i32 to index
          %parallel_loop3A_475 = arith.constant 96 : index
          %parallel_loop3A_476 = tpu.vector_load %arg16[%parallel_loop3A_473, %parallel_loop3A_474, %parallel_loop3A_475] {strides = array<i32>} : memref<2x32x128xf32, #tpu.memory_space<vmem>>, vector<16xf32>,
          tpu.vector_store %arg16[%parallel_loop3A_473, %parallel_loop3A_474, %parallel_loop3A_475], %parallel_loop3A_471 {strides = array<i32>} : memref<2x32x128xf32, #tpu.memory_space<vmem>>, vector<16xf32>,
          %parallel_loop3A_477 = arith.constant 1 : i32
          %parallel_loop3A_478 = arith.index_cast %parallel_loop3A_477 : i32 to index
          %parallel_loop3A_479 = arith.index_cast %parallel_loop3A_230 : i32 to index
          %parallel_loop3A_480 = arith.constant 48 : index
          %parallel_loop3A_481 = tpu.vector_load %arg13[%parallel_loop3A_478, %parallel_loop3A_479, %parallel_loop3A_480] {strides = array<i32>} : memref<2x32x256xi32, #tpu.memory_space<vmem>>, vector<16xi32>,
          %parallel_loop3A_482 = arith.constant 1 : i32
          %parallel_loop3A_483 = arith.index_cast %parallel_loop3A_482 : i32 to index
          %parallel_loop3A_484 = arith.index_cast %parallel_loop3A_230 : i32 to index
          %parallel_loop3A_485 = arith.constant 112 : index
          %parallel_loop3A_486 = tpu.vector_load %arg13[%parallel_loop3A_483, %parallel_loop3A_484, %parallel_loop3A_485] {strides = array<i32>} : memref<2x32x256xi32, #tpu.memory_space<vmem>>, vector<16xi32>,
          %parallel_loop3A_487 = arith.constant 1 : i32
          %parallel_loop3A_488 = arith.index_cast %parallel_loop3A_487 : i32 to index
          %parallel_loop3A_489 = arith.index_cast %parallel_loop3A_230 : i32 to index
          %parallel_loop3A_490 = arith.constant 48 : index
          %parallel_loop3A_491 = tpu.vector_load %arg14[%parallel_loop3A_488, %parallel_loop3A_489, %parallel_loop3A_490] {strides = array<i32>} : memref<2x32x128xi32, #tpu.memory_space<vmem>>, vector<16xi32>,
          %parallel_loop3A_492 = arith.constant 1 : i32
          %parallel_loop3A_493 = arith.index_cast %parallel_loop3A_492 : i32 to index
          %parallel_loop3A_494 = arith.index_cast %parallel_loop3A_230 : i32 to index
          %parallel_loop3A_495 = arith.constant 48 : index
          %parallel_loop3A_496 = tpu.vector_load %arg15[%parallel_loop3A_493, %parallel_loop3A_494, %parallel_loop3A_495] {strides = array<i32>} : memref<2x32x64xi32, #tpu.memory_space<vmem>>, vector<16xi32>,
          %parallel_loop3A_497 = arith.constant 16 : i32
          %parallel_loop3A_498 = vector.broadcast %parallel_loop3A_497 : i32 to vector<16xi32>
          %parallel_loop3A_499 = arith.shli %parallel_loop3A_481, %parallel_loop3A_498 : vector<16xi32>
          %parallel_loop3A_500 = vector.bitcast %parallel_loop3A_499 : vector<16xi32> to vector<16xf32>
          %parallel_loop3A_501 = arith.constant 16 : i32
          %parallel_loop3A_502 = vector.broadcast %parallel_loop3A_501 : i32 to vector<16xi32>
          %parallel_loop3A_503 = arith.shli %parallel_loop3A_491, %parallel_loop3A_502 : vector<16xi32>
          %parallel_loop3A_504 = vector.bitcast %parallel_loop3A_503 : vector<16xi32> to vector<16xf32>
          %parallel_loop3A_505 = arith.addf %parallel_loop3A_500, %parallel_loop3A_504 : vector<16xf32>
          %parallel_loop3A_506 = arith.constant 16 : i32
          %parallel_loop3A_507 = vector.broadcast %parallel_loop3A_506 : i32 to vector<16xi32>
          %parallel_loop3A_508 = arith.shli %parallel_loop3A_496, %parallel_loop3A_507 : vector<16xi32>
          %parallel_loop3A_509 = vector.bitcast %parallel_loop3A_508 : vector<16xi32> to vector<16xf32>
          %parallel_loop3A_510 = arith.addf %parallel_loop3A_505, %parallel_loop3A_509 : vector<16xf32>
          %parallel_loop3A_511 = arith.constant 16 : i32
          %parallel_loop3A_512 = vector.broadcast %parallel_loop3A_511 : i32 to vector<16xi32>
          %parallel_loop3A_513 = arith.shli %parallel_loop3A_486, %parallel_loop3A_512 : vector<16xi32>
          %parallel_loop3A_514 = vector.bitcast %parallel_loop3A_513 : vector<16xi32> to vector<16xf32>
          %parallel_loop3A_515 = arith.constant -65536 : i32
          %parallel_loop3A_516 = vector.broadcast %parallel_loop3A_515 : i32 to vector<16xi32>
          %parallel_loop3A_517 = arith.andi %parallel_loop3A_491, %parallel_loop3A_516 : vector<16xi32>
          %parallel_loop3A_518 = vector.bitcast %parallel_loop3A_517 : vector<16xi32> to vector<16xf32>
          %parallel_loop3A_519 = arith.addf %parallel_loop3A_514, %parallel_loop3A_518 : vector<16xf32>
          %parallel_loop3A_520 = arith.constant -65536 : i32
          %parallel_loop3A_521 = vector.broadcast %parallel_loop3A_520 : i32 to vector<16xi32>
          %parallel_loop3A_522 = arith.andi %parallel_loop3A_496, %parallel_loop3A_521 : vector<16xi32>
          %parallel_loop3A_523 = vector.bitcast %parallel_loop3A_522 : vector<16xi32> to vector<16xf32>
          %parallel_loop3A_524 = arith.addf %parallel_loop3A_519, %parallel_loop3A_523 : vector<16xf32>
          %parallel_loop3A_525 = arith.constant -65536 : i32
          %parallel_loop3A_526 = vector.broadcast %parallel_loop3A_525 : i32 to vector<16xi32>
          %parallel_loop3A_527 = arith.andi %parallel_loop3A_481, %parallel_loop3A_526 : vector<16xi32>
          %parallel_loop3A_528 = vector.bitcast %parallel_loop3A_527 : vector<16xi32> to vector<16xf32>
          %parallel_loop3A_529 = arith.constant 0.000000e+00 : f32
          %parallel_loop3A_530 = vector.broadcast %parallel_loop3A_529 : f32 to vector<16xf32>
          %parallel_loop3A_531 = arith.subf %parallel_loop3A_530, %parallel_loop3A_510 : vector<16xf32>
          %parallel_loop3A_532 = math.exp %parallel_loop3A_531 : vector<16xf32>
          %parallel_loop3A_533 = arith.constant 1.000000e+00 : f32
          %parallel_loop3A_534 = vector.broadcast %parallel_loop3A_533 : f32 to vector<16xf32>
          %parallel_loop3A_535 = arith.addf %parallel_loop3A_534, %parallel_loop3A_532 : vector<16xf32>
          %parallel_loop3A_536 = arith.divf %parallel_loop3A_528, %parallel_loop3A_535 : vector<16xf32>
          %parallel_loop3A_537 = arith.constant 1 : i32
          %parallel_loop3A_538 = arith.index_cast %parallel_loop3A_537 : i32 to index
          %parallel_loop3A_539 = arith.index_cast %parallel_loop3A_230 : i32 to index
          %parallel_loop3A_540 = arith.constant 48 : index
          %parallel_loop3A_541 = tpu.vector_load %arg16[%parallel_loop3A_538, %parallel_loop3A_539, %parallel_loop3A_540] {strides = array<i32>} : memref<2x32x128xf32, #tpu.memory_space<vmem>>, vector<16xf32>,
          tpu.vector_store %arg16[%parallel_loop3A_538, %parallel_loop3A_539, %parallel_loop3A_540], %parallel_loop3A_536 {strides = array<i32>} : memref<2x32x128xf32, #tpu.memory_space<vmem>>, vector<16xf32>,
          %parallel_loop3A_542 = arith.constant -65536 : i32
          %parallel_loop3A_543 = vector.broadcast %parallel_loop3A_542 : i32 to vector<16xi32>
          %parallel_loop3A_544 = arith.andi %parallel_loop3A_486, %parallel_loop3A_543 : vector<16xi32>
          %parallel_loop3A_545 = vector.bitcast %parallel_loop3A_544 : vector<16xi32> to vector<16xf32>
          %parallel_loop3A_546 = arith.constant 0.000000e+00 : f32
          %parallel_loop3A_547 = vector.broadcast %parallel_loop3A_546 : f32 to vector<16xf32>
          %parallel_loop3A_548 = arith.subf %parallel_loop3A_547, %parallel_loop3A_524 : vector<16xf32>
          %parallel_loop3A_549 = math.exp %parallel_loop3A_548 : vector<16xf32>
          %parallel_loop3A_550 = arith.constant 1.000000e+00 : f32
          %parallel_loop3A_551 = vector.broadcast %parallel_loop3A_550 : f32 to vector<16xf32>
          %parallel_loop3A_552 = arith.addf %parallel_loop3A_551, %parallel_loop3A_549 : vector<16xf32>
          %parallel_loop3A_553 = arith.divf %parallel_loop3A_545, %parallel_loop3A_552 : vector<16xf32>
          %parallel_loop3A_554 = arith.constant 1 : i32
          %parallel_loop3A_555 = arith.index_cast %parallel_loop3A_554 : i32 to index
          %parallel_loop3A_556 = arith.index_cast %parallel_loop3A_230 : i32 to index
          %parallel_loop3A_557 = arith.constant 112 : index
          %parallel_loop3A_558 = tpu.vector_load %arg16[%parallel_loop3A_555, %parallel_loop3A_556, %parallel_loop3A_557] {strides = array<i32>} : memref<2x32x128xf32, #tpu.memory_space<vmem>>, vector<16xf32>,
          tpu.vector_store %arg16[%parallel_loop3A_555, %parallel_loop3A_556, %parallel_loop3A_557], %parallel_loop3A_553 {strides = array<i32>} : memref<2x32x128xf32, #tpu.memory_space<vmem>>, vector<16xf32>,
          %parallel_loop3A_559 = arith.constant 1 : i32
          %parallel_loop3A_560 = arith.index_cast %parallel_loop3A_559 : i32 to index
          %parallel_loop3A_561 = arith.index_cast %parallel_loop3A_230 : i32 to index
          %parallel_loop3A_562 = arith.constant 128 : index
          %parallel_loop3A_563 = tpu.vector_load %arg13[%parallel_loop3A_560, %parallel_loop3A_561, %parallel_loop3A_562] {strides = array<i32>} : memref<2x32x256xi32, #tpu.memory_space<vmem>>, vector<16xi32>,
          %parallel_loop3A_564 = arith.constant 1 : i32
          %parallel_loop3A_565 = arith.index_cast %parallel_loop3A_564 : i32 to index
          %parallel_loop3A_566 = arith.index_cast %parallel_loop3A_230 : i32 to index
          %parallel_loop3A_567 = arith.constant 64 : index
          %parallel_loop3A_568 = tpu.vector_load %arg14[%parallel_loop3A_565, %parallel_loop3A_566, %parallel_loop3A_567] {strides = array<i32>} : memref<2x32x128xi32, #tpu.memory_space<vmem>>, vector<16xi32>,
          %parallel_loop3A_569 = arith.constant 16 : i32
          %parallel_loop3A_570 = vector.broadcast %parallel_loop3A_569 : i32 to vector<16xi32>
          %parallel_loop3A_571 = arith.shli %parallel_loop3A_563, %parallel_loop3A_570 : vector<16xi32>
          %parallel_loop3A_572 = vector.bitcast %parallel_loop3A_571 : vector<16xi32> to vector<16xf32>
          %parallel_loop3A_573 = arith.constant 16 : i32
          %parallel_loop3A_574 = vector.broadcast %parallel_loop3A_573 : i32 to vector<16xi32>
          %parallel_loop3A_575 = arith.shli %parallel_loop3A_568, %parallel_loop3A_574 : vector<16xi32>
          %parallel_loop3A_576 = vector.bitcast %parallel_loop3A_575 : vector<16xi32> to vector<16xf32>
          %parallel_loop3A_577 = arith.addf %parallel_loop3A_572, %parallel_loop3A_576 : vector<16xf32>
          %parallel_loop3A_578 = arith.constant 8 : i32
          %parallel_loop3A_579 = arith.divsi %parallel_loop3A_230, %parallel_loop3A_578 : i32
          %parallel_loop3A_580 = arith.constant 0 : i32
          %parallel_loop3A_581 = arith.cmpi sgt, %parallel_loop3A_230, %parallel_loop3A_580 : i32
          %parallel_loop3A_582 = arith.extui %parallel_loop3A_581 : i1 to i32
          %parallel_loop3A_583 = arith.constant 0 : i32
          %parallel_loop3A_584 = arith.cmpi slt, %parallel_loop3A_230, %parallel_loop3A_583 : i32
          %parallel_loop3A_585 = arith.extui %parallel_loop3A_584 : i1 to i32
          %parallel_loop3A_586 = arith.subi %parallel_loop3A_582, %parallel_loop3A_585 : i32
          %parallel_loop3A_587 = arith.constant 0 : i32
          %parallel_loop3A_588 = arith.cmpi sgt, %parallel_loop3A_578, %parallel_loop3A_587 : i32
          %parallel_loop3A_589 = arith.extui %parallel_loop3A_588 : i1 to i32
          %parallel_loop3A_590 = arith.constant 0 : i32
          %parallel_loop3A_591 = arith.cmpi slt, %parallel_loop3A_578, %parallel_loop3A_590 : i32
          %parallel_loop3A_592 = arith.extui %parallel_loop3A_591 : i1 to i32
          %parallel_loop3A_593 = arith.subi %parallel_loop3A_589, %parallel_loop3A_592 : i32
          %parallel_loop3A_594 = arith.cmpi ne, %parallel_loop3A_586, %parallel_loop3A_593 : i32
          %parallel_loop3A_595 = arith.remsi %parallel_loop3A_230, %parallel_loop3A_578 : i32
          %parallel_loop3A_596 = arith.constant 0 : i32
          %parallel_loop3A_597 = arith.cmpi ne, %parallel_loop3A_595, %parallel_loop3A_596 : i32
          %parallel_loop3A_598 = arith.andi %parallel_loop3A_594, %parallel_loop3A_597 : i1
          %parallel_loop3A_599 = arith.constant 1 : i32
          %parallel_loop3A_600 = arith.subi %parallel_loop3A_579, %parallel_loop3A_599 : i32
          %parallel_loop3A_601 = arith.select %parallel_loop3A_598, %parallel_loop3A_600, %parallel_loop3A_579 : i32
          %parallel_loop3A_602 = arith.constant 4 : i32
          %parallel_loop3A_603 = arith.addi %parallel_loop3A_602, %parallel_loop3A_601 : i32
          %parallel_loop3A_604 = arith.constant 8 : i32
          %parallel_loop3A_605 = arith.constant 0 : i32
          %parallel_loop3A_606 = arith.cmpi eq, %parallel_loop3A_604, %parallel_loop3A_605 : i32
          %parallel_loop3A_607 = arith.constant 1 : i32
          %parallel_loop3A_608 = arith.select %parallel_loop3A_606, %parallel_loop3A_607, %parallel_loop3A_604 : i32
          %parallel_loop3A_609 = arith.remsi %parallel_loop3A_230, %parallel_loop3A_608 : i32
          %parallel_loop3A_610 = arith.constant 0 : i32
          %parallel_loop3A_611 = arith.cmpi ne, %parallel_loop3A_609, %parallel_loop3A_610 : i32
          %parallel_loop3A_612 = arith.constant 0 : i32
          %parallel_loop3A_613 = arith.cmpi slt, %parallel_loop3A_609, %parallel_loop3A_612 : i32
          %parallel_loop3A_614 = arith.constant 0 : i32
          %parallel_loop3A_615 = arith.cmpi slt, %parallel_loop3A_608, %parallel_loop3A_614 : i32
          %parallel_loop3A_616 = arith.xori %parallel_loop3A_613, %parallel_loop3A_615 : i1
          %parallel_loop3A_617 = arith.andi %parallel_loop3A_616, %parallel_loop3A_611 : i1
          %parallel_loop3A_618 = arith.addi %parallel_loop3A_609, %parallel_loop3A_608 : i32
          %parallel_loop3A_619 = arith.select %parallel_loop3A_617, %parallel_loop3A_618, %parallel_loop3A_609 : i32
          %parallel_loop3A_620 = arith.constant 16 : i32
          %parallel_loop3A_621 = arith.muli %parallel_loop3A_619, %parallel_loop3A_620 : i32
          %parallel_loop3A_622 = arith.index_cast %parallel_loop3A_603 : i32 to index
          %parallel_loop3A_623 = arith.index_cast %parallel_loop3A_621 : i32 to index
          %parallel_loop3A_624 = tpu.vector_load %arg17[%parallel_loop3A_622, %parallel_loop3A_623] {strides = array<i32>} : memref<8x128xf32, #tpu.memory_space<vmem>>, vector<16xf32>,
          tpu.vector_store %arg17[%parallel_loop3A_622, %parallel_loop3A_623], %parallel_loop3A_577 {strides = array<i32>} : memref<8x128xf32, #tpu.memory_space<vmem>>, vector<16xf32>,
        } {sc.loop_unroll_factor = 4 : i64, sc.parallel_access}
        %run_scoped3A_226 = arith.constant 1 : i32
        %run_scoped3A_227 = arith.constant 1 : i32
        "tpu.region"() ({
          %run_scoped3A_230 = tpu.sem_alloc : memref<!tpu.dma_semaphore, #tpu.memory_space<semaphore_mem>>
          %dma_start3A_231 = arith.constant 0 : i32
          %dma_start3A_232 = arith.constant 0 : i32
          %dma_start3A_233 = tpu.memref_slice %arg16[%run_scoped3A_226, %dma_start3A_231, %dma_start3A_232] : memref<2x32x128xf32, #tpu.memory_space<vmem>> -> memref<1x32x128xf32, #tpu.memory_space<vmem>>
          %dma_start3A_234 = tpu.memref_squeeze %dma_start3A_233 : memref<1x32x128xf32, #tpu.memory_space<vmem>> -> memref<32x128xf32, #tpu.memory_space<vmem>>
          %dma_start3A_235 = arith.constant 0 : i32
          %dma_start3A_236 = tpu.memref_slice %arg12[%run_scoped3A_227, %dma_start3A_235] : memref<2x32xi32, #tpu.memory_space<vmem>> -> memref<1x32xi32, #tpu.memory_space<vmem>>
          %dma_start3A_237 = tpu.memref_squeeze %dma_start3A_236 : memref<1x32xi32, #tpu.memory_space<vmem>> -> memref<32xi32, #tpu.memory_space<vmem>>
          %dma_start3A_238 = arith.constant 0 : i32
          %dma_start3A_239 = arith.constant 0 : i32
          %dma_start3A_240 = tpu.memref_slice %arg18[%dma_start3A_238, %dma_start3A_239] : memref<10000x128xf32, #tpu.memory_space<vmem_shared>> -> memref<10000x128xf32, #tpu.memory_space<vmem_shared>>
          tpu.enqueue_indirect_dma source(%dma_start3A_234 : memref<32x128xf32, #tpu.memory_space<vmem>>) target(%dma_start3A_240 : memref<10000x128xf32, #tpu.memory_space<vmem_shared>>) offsets(%dma_start3A_237 : memref<32xi32, #tpu.memory_space<vmem>>) semaphore(%run_scoped3A_230 : memref<!tpu.dma_semaphore, #tpu.memory_space<semaphore_mem>>) {add = true}
          %dma_wait3A_241 = arith.constant 0 : i32
          %dma_wait3A_242 = arith.constant 0 : i32
          %dma_wait3A_243 = tpu.memref_slice %arg16[%run_scoped3A_226, %dma_wait3A_241, %dma_wait3A_242] : memref<2x32x128xf32, #tpu.memory_space<vmem>> -> memref<1x32x128xf32, #tpu.memory_space<vmem>>
          %dma_wait3A_244 = tpu.memref_squeeze %dma_wait3A_243 : memref<1x32x128xf32, #tpu.memory_space<vmem>> -> memref<32x128xf32, #tpu.memory_space<vmem>>
          %dma_wait3A_245 = arith.constant 0 : i32
          %dma_wait3A_246 = tpu.memref_slice %arg12[%run_scoped3A_227, %dma_wait3A_245] : memref<2x32xi32, #tpu.memory_space<vmem>> -> memref<1x32xi32, #tpu.memory_space<vmem>>
          %dma_wait3A_247 = tpu.memref_squeeze %dma_wait3A_246 : memref<1x32xi32, #tpu.memory_space<vmem>> -> memref<32xi32, #tpu.memory_space<vmem>>
          %dma_wait3A_248 = arith.constant 0 : i32
          %dma_wait3A_249 = arith.constant 0 : i32
          %dma_wait3A_250 = tpu.memref_slice %arg18[%dma_wait3A_248, %dma_wait3A_249] : memref<10000x128xf32, #tpu.memory_space<vmem_shared>> -> memref<10000x128xf32, #tpu.memory_space<vmem_shared>>
          tpu.wait_indirect_dma semaphore(%run_scoped3A_230 : memref<!tpu.dma_semaphore, #tpu.memory_space<semaphore_mem>>) src(%dma_wait3A_244 : memref<32x128xf32, #tpu.memory_space<vmem>>) dst(%dma_wait3A_250 : memref<10000x128xf32, #tpu.memory_space<vmem_shared>>)
          tpu.yield
        }) : () -> ()
        %mul3A_228 = arith.constant 8 : i32
        %mul3A_229 = arith.muli %add3A_150, %mul3A_228 : i32
        "tpu.region"() ({
          %run_scoped3A_230 = tpu.sem_alloc : memref<!tpu.dma_semaphore, #tpu.memory_space<semaphore_mem>>
          %dma_start3A_231 = arith.constant 0 : i32
          %dma_start3A_232 = tpu.memref_slice %arg8[%mul3A_229, %dma_start3A_231] : memref<40000x128xf32, #tpu.memory_space<hbm>> -> memref<8x128xf32, #tpu.memory_space<hbm>>
          %dma_start3A_233 = arith.constant 0 : i32
          %dma_start3A_234 = tpu.memref_slice %arg8[%mul3A_229, %dma_start3A_233] : memref<40000x128xf32, #tpu.memory_space<hbm>> -> memref<8x128xf32, #tpu.memory_space<hbm>>
          tpu.enqueue_dma source(%arg17 : memref<8x128xf32, #tpu.memory_space<vmem>>) target(%dma_start3A_234 : memref<8x128xf32, #tpu.memory_space<hbm>>) target_semaphore(%run_scoped3A_230 : memref<!tpu.dma_semaphore, #tpu.memory_space<semaphore_mem>>)
          %dma_wait3A_235 = arith.constant 0 : i32
          %dma_wait3A_236 = tpu.memref_slice %arg8[%mul3A_229, %dma_wait3A_235] : memref<40000x128xf32, #tpu.memory_space<hbm>> -> memref<8x128xf32, #tpu.memory_space<hbm>>
          %dma_wait3A_237 = arith.constant 0 : i32
          %dma_wait3A_238 = tpu.memref_slice %arg8[%mul3A_229, %dma_wait3A_237] : memref<40000x128xf32, #tpu.memory_space<hbm>> -> memref<8x128xf32, #tpu.memory_space<hbm>>
          tpu.wait_dma2 semaphore(%run_scoped3A_230 : memref<!tpu.dma_semaphore, #tpu.memory_space<semaphore_mem>>) src(%arg17 : memref<8x128xf32, #tpu.memory_space<vmem>>) dst(%dma_wait3A_238 : memref<8x128xf32, #tpu.memory_space<hbm>>)
          tpu.yield
        }) : () -> ()
      } else {
      }
    }
    %scan3A_142 = arith.constant 157 : i32
    %barrier3A_143 = arith.constant 0 : index
    tpu.barrier barrier_id(%barrier3A_143)
    "tpu.region"() ({
      %run_scoped3A_149 = tpu.sem_alloc : memref<!tpu.dma_semaphore, #tpu.memory_space<semaphore_mem>>
      %dma_start3A_150 = arith.constant 0 : i32
      %dma_start3A_151 = tpu.memref_slice %arg7[%arg0, %mul3A_5, %dma_start3A_150] : memref<2x10000x128xf32, #tpu.memory_space<hbm>> -> memref<1x624x128xf32, #tpu.memory_space<hbm>>
      %dma_start3A_152 = tpu.memref_squeeze %dma_start3A_151 : memref<1x624x128xf32, #tpu.memory_space<hbm>> -> memref<624x128xf32, #tpu.memory_space<hbm>>
      %dma_start3A_153 = arith.constant 0 : i32
      %dma_start3A_154 = tpu.memref_slice %arg18[%mul3A_5, %dma_start3A_153] : memref<10000x128xf32, #tpu.memory_space<vmem_shared>> -> memref<624x128xf32, #tpu.memory_space<vmem_shared>>
      tpu.enqueue_dma source(%dma_start3A_154 : memref<624x128xf32, #tpu.memory_space<vmem_shared>>) target(%dma_start3A_152 : memref<624x128xf32, #tpu.memory_space<hbm>>) target_semaphore(%run_scoped3A_149 : memref<!tpu.dma_semaphore, #tpu.memory_space<semaphore_mem>>)
      %dma_wait3A = arith.constant 0 : i32
      %dma_wait3A_155 = tpu.memref_slice %arg7[%arg0, %mul3A_5, %dma_wait3A] : memref<2x10000x128xf32, #tpu.memory_space<hbm>> -> memref<1x624x128xf32, #tpu.memory_space<hbm>>
      %dma_wait3A_156 = tpu.memref_squeeze %dma_wait3A_155 : memref<1x624x128xf32, #tpu.memory_space<hbm>> -> memref<624x128xf32, #tpu.memory_space<hbm>>
      %dma_wait3A_157 = arith.constant 0 : i32
      %dma_wait3A_158 = tpu.memref_slice %arg18[%mul3A_5, %dma_wait3A_157] : memref<10000x128xf32, #tpu.memory_space<vmem_shared>> -> memref<624x128xf32, #tpu.memory_space<vmem_shared>>
      tpu.wait_dma2 semaphore(%run_scoped3A_149 : memref<!tpu.dma_semaphore, #tpu.memory_space<semaphore_mem>>) src(%dma_wait3A_158 : memref<624x128xf32, #tpu.memory_space<vmem_shared>>) dst(%dma_wait3A_156 : memref<624x128xf32, #tpu.memory_space<hbm>>)
      tpu.yield
    }) : () -> ()
    %eq3A_144 = arith.constant 0 : i32
    %eq3A_145 = arith.cmpi eq, %arg1, %eq3A_144 : i32
    %convert_element_type3A_146 = arith.extui %eq3A_145 : i1 to i32
    %cond3A_147 = arith.constant 0 : i32
    %cond3A_148 = arith.cmpi ne, %convert_element_type3A_146, %cond3A_147 : i32
    scf.if %cond3A_148 {
      "tpu.region"() ({
        %run_scoped3A_149 = tpu.sem_alloc : memref<!tpu.dma_semaphore, #tpu.memory_space<semaphore_mem>>
        %dma_start3A_150 = arith.constant 9984 : i32
        %dma_start3A_151 = arith.constant 0 : i32
        %dma_start3A_152 = tpu.memref_slice %arg7[%arg0, %dma_start3A_150, %dma_start3A_151] : memref<2x10000x128xf32, #tpu.memory_space<hbm>> -> memref<1x16x128xf32, #tpu.memory_space<hbm>>
        %dma_start3A_153 = tpu.memref_squeeze %dma_start3A_152 : memref<1x16x128xf32, #tpu.memory_space<hbm>> -> memref<16x128xf32, #tpu.memory_space<hbm>>
        %dma_start3A_154 = arith.constant 9984 : i32
        %dma_start3A_155 = arith.constant 0 : i32
        %dma_start3A_156 = tpu.memref_slice %arg18[%dma_start3A_154, %dma_start3A_155] : memref<10000x128xf32, #tpu.memory_space<vmem_shared>> -> memref<16x128xf32, #tpu.memory_space<vmem_shared>>
        tpu.enqueue_dma source(%dma_start3A_156 : memref<16x128xf32, #tpu.memory_space<vmem_shared>>) target(%dma_start3A_153 : memref<16x128xf32, #tpu.memory_space<hbm>>) target_semaphore(%run_scoped3A_149 : memref<!tpu.dma_semaphore, #tpu.memory_space<semaphore_mem>>)
        %dma_wait3A = arith.constant 9984 : i32
        %dma_wait3A_157 = arith.constant 0 : i32
        %dma_wait3A_158 = tpu.memref_slice %arg7[%arg0, %dma_wait3A, %dma_wait3A_157] : memref<2x10000x128xf32, #tpu.memory_space<hbm>> -> memref<1x16x128xf32, #tpu.memory_space<hbm>>
        %dma_wait3A_159 = tpu.memref_squeeze %dma_wait3A_158 : memref<1x16x128xf32, #tpu.memory_space<hbm>> -> memref<16x128xf32, #tpu.memory_space<hbm>>
        %dma_wait3A_160 = arith.constant 9984 : i32
        %dma_wait3A_161 = arith.constant 0 : i32
        %dma_wait3A_162 = tpu.memref_slice %arg18[%dma_wait3A_160, %dma_wait3A_161] : memref<10000x128xf32, #tpu.memory_space<vmem_shared>> -> memref<16x128xf32, #tpu.memory_space<vmem_shared>>
        tpu.wait_dma2 semaphore(%run_scoped3A_149 : memref<!tpu.dma_semaphore, #tpu.memory_space<semaphore_mem>>) src(%dma_wait3A_162 : memref<16x128xf32, #tpu.memory_space<vmem_shared>>) dst(%dma_wait3A_159 : memref<16x128xf32, #tpu.memory_space<hbm>>)
        tpu.yield
      }) : () -> ()
    } else {
    }
    return
  }
}

module attributes {stable_mosaic.version = 14 : i64} {
  func.func @_eg_body(%arg0: i32, %arg1: memref<8000x16xf32, #tpu.memory_space<vmem>>, %arg2: memref<16x64xf32, #tpu.memory_space<vmem>>, %arg3: memref<1x64xf32, #tpu.memory_space<vmem>>, %arg4: memref<16x64xf32, #tpu.memory_space<vmem>>, %arg5: memref<1x64xf32, #tpu.memory_space<vmem>>, %arg6: memref<8000x64xi32, #tpu.memory_space<vmem>>) attributes {dimension_semantics = [#tpu.dimension_semantics<arbitrary>], iteration_bounds = array<i64: 40>, scalar_prefetch = 0 : i64, scratch_operands = 0 : i64, tpu.core_type = #tpu.core_type<tc>, window_params = [{transform_indices = @transform_0, window_bounds = array<i64: 8000, 16>}, {pipeline_mode = #tpu.pipeline_mode<synchronous>, transform_indices = @transform_1, window_bounds = array<i64: 16, 64>}, {pipeline_mode = #tpu.pipeline_mode<synchronous>, transform_indices = @transform_2, window_bounds = array<i64: 1, 64>}, {pipeline_mode = #tpu.pipeline_mode<synchronous>, transform_indices = @transform_3, window_bounds = array<i64: 16, 64>}, {pipeline_mode = #tpu.pipeline_mode<synchronous>, transform_indices = @transform_4, window_bounds = array<i64: 1, 64>}, {transform_indices = @transform_5, window_bounds = array<i64: 8000, 64>}]} {
    %get3A = arith.constant 0 : index
    %get3A_0 = arith.constant 0 : index
    %get3A_1 = vector.load %arg1[%get3A, %get3A_0] : memref<8000x16xf32, #tpu.memory_space<vmem>>, vector<8000x16xf32>
    %get3A_2 = arith.constant 0 : index
    %get3A_3 = arith.constant 0 : index
    %get3A_4 = vector.load %arg2[%get3A_2, %get3A_3] : memref<16x64xf32, #tpu.memory_space<vmem>>, vector<16x64xf32>
    %dot_general3A = arith.constant dense<0.000000e+00> : vector<8000x64xf32>
    %dot_general3A_5 = tpu.matmul %get3A_1, %get3A_4, %dot_general3A {dimension_numbers = #tpu.dot_dimension_numbers<[1], [0], [0], [1], [0, 0, 1, 1], [], []>, transpose_lhs_hint = false} : vector<8000x16xf32>, vector<16x64xf32>, vector<8000x64xf32> -> vector<8000x64xf32>
    %get3A_6 = arith.constant 0 : index
    %get3A_7 = arith.constant 0 : index
    %get3A_8 = vector.load %arg3[%get3A_6, %get3A_7] : memref<1x64xf32, #tpu.memory_space<vmem>>, vector<1x64xf32>
    %add3A = vector.broadcast %get3A_8 : vector<1x64xf32> to vector<8000x64xf32>
    %add3A_9 = arith.addf %dot_general3A_5, %add3A : vector<8000x64xf32>
    %get3A_10 = arith.constant 0 : index
    %get3A_11 = arith.constant 0 : index
    %get3A_12 = vector.load %arg4[%get3A_10, %get3A_11] : memref<16x64xf32, #tpu.memory_space<vmem>>, vector<16x64xf32>
    %dot_general3A_13 = arith.constant dense<0.000000e+00> : vector<8000x64xf32>
    %dot_general3A_14 = tpu.matmul %get3A_1, %get3A_12, %dot_general3A_13 {dimension_numbers = #tpu.dot_dimension_numbers<[1], [0], [0], [1], [0, 0, 1, 1], [], []>, transpose_lhs_hint = false} : vector<8000x16xf32>, vector<16x64xf32>, vector<8000x64xf32> -> vector<8000x64xf32>
    %get3A_15 = arith.constant 0 : index
    %get3A_16 = arith.constant 0 : index
    %get3A_17 = vector.load %arg5[%get3A_15, %get3A_16] : memref<1x64xf32, #tpu.memory_space<vmem>>, vector<1x64xf32>
    %add3A_18 = vector.broadcast %get3A_17 : vector<1x64xf32> to vector<8000x64xf32>
    %add3A_19 = arith.addf %dot_general3A_14, %add3A_18 : vector<8000x64xf32>
    %bitcast_convert_type3A = tpu.bitcast %add3A_9 : vector<8000x64xf32> -> vector<8000x64xi32>
    %bitcast_convert_type3A_20 = tpu.bitcast %add3A_19 : vector<8000x64xf32> -> vector<8000x64xi32>
    %add3A_21 = arith.constant 32768 : i32
    %add3A_22 = vector.broadcast %add3A_21 : i32 to vector<8000x64xi32>
    %add3A_23 = arith.addi %bitcast_convert_type3A, %add3A_22 : vector<8000x64xi32>
    %shift_right_logical3A = arith.constant 16 : i32
    %shift_right_logical3A_24 = vector.broadcast %shift_right_logical3A : i32 to vector<8000x64xi32>
    %shift_right_logical3A_25 = arith.shrui %add3A_23, %shift_right_logical3A_24 : vector<8000x64xi32>
    %add3A_26 = arith.constant 32768 : i32
    %add3A_27 = vector.broadcast %add3A_26 : i32 to vector<8000x64xi32>
    %add3A_28 = arith.addi %bitcast_convert_type3A_20, %add3A_27 : vector<8000x64xi32>
    %and3A = arith.constant -65536 : i32
    %and3A_29 = vector.broadcast %and3A : i32 to vector<8000x64xi32>
    %and3A_30 = arith.andi %add3A_28, %and3A_29 : vector<8000x64xi32>
    %or3A = arith.ori %shift_right_logical3A_25, %and3A_30 : vector<8000x64xi32>
    %swap3A = arith.constant 0 : index
    %swap3A_31 = arith.constant 0 : index
    %swap3A_32 = vector.load %arg6[%swap3A, %swap3A_31] : memref<8000x64xi32, #tpu.memory_space<vmem>>, vector<8000x64xi32>
    tpu.vector_store %arg6[%swap3A, %swap3A_31], %or3A {strides = array<i32>} : memref<8000x64xi32, #tpu.memory_space<vmem>>, vector<8000x64xi32>,
    return
  }
  func.func @transform_0(%arg0: i32) -> (i32, i32) {
    %c0_i32 = arith.constant 0 : i32
    %c0_i32_0 = arith.constant 0 : i32
    return %arg0, %c0_i32 : i32, i32
  }
  func.func @transform_1(%arg0: i32) -> (i32, i32) {
    %c0_i32 = arith.constant 0 : i32
    %c0_i32_0 = arith.constant 0 : i32
    %c0_i32_1 = arith.constant 0 : i32
    return %c0_i32, %c0_i32_0 : i32, i32
  }
  func.func @transform_2(%arg0: i32) -> (i32, i32) {
    %c0_i32 = arith.constant 0 : i32
    %c0_i32_0 = arith.constant 0 : i32
    %c0_i32_1 = arith.constant 0 : i32
    return %c0_i32, %c0_i32_0 : i32, i32
  }
  func.func @transform_3(%arg0: i32) -> (i32, i32) {
    %c0_i32 = arith.constant 0 : i32
    %c0_i32_0 = arith.constant 0 : i32
    %c0_i32_1 = arith.constant 0 : i32
    return %c0_i32, %c0_i32_0 : i32, i32
  }
  func.func @transform_4(%arg0: i32) -> (i32, i32) {
    %c0_i32 = arith.constant 0 : i32
    %c0_i32_0 = arith.constant 0 : i32
    %c0_i32_1 = arith.constant 0 : i32
    return %c0_i32, %c0_i32_0 : i32, i32
  }
  func.func @transform_5(%arg0: i32) -> (i32, i32) {
    %c0_i32 = arith.constant 0 : i32
    %c0_i32_0 = arith.constant 0 : i32
    return %arg0, %c0_i32 : i32, i32
  }
}

module attributes {stable_mosaic.version = 14 : i64} {
  func.func @_node_pre_body(%arg0: i32, %arg1: memref<2000x128xf32, #tpu.memory_space<vmem>>, %arg2: memref<128x256xf32, #tpu.memory_space<vmem>>, %arg3: memref<1x256xf32, #tpu.memory_space<vmem>>, %arg4: memref<128x256xf32, #tpu.memory_space<vmem>>, %arg5: memref<1x256xf32, #tpu.memory_space<vmem>>, %arg6: memref<128x128xf32, #tpu.memory_space<vmem>>, %arg7: memref<1x128xf32, #tpu.memory_space<vmem>>, %arg8: memref<128x128xf32, #tpu.memory_space<vmem>>, %arg9: memref<1x128xf32, #tpu.memory_space<vmem>>, %arg10: memref<2000x256xi32, #tpu.memory_space<vmem>>, %arg11: memref<2000x128xi32, #tpu.memory_space<vmem>>) attributes {dimension_semantics = [#tpu.dimension_semantics<arbitrary>], iteration_bounds = array<i64: 5>, scalar_prefetch = 0 : i64, scratch_operands = 0 : i64, tpu.core_type = #tpu.core_type<tc>, window_params = [{transform_indices = @transform_0, window_bounds = array<i64: 2000, 128>}, {pipeline_mode = #tpu.pipeline_mode<synchronous>, transform_indices = @transform_1, window_bounds = array<i64: 128, 256>}, {pipeline_mode = #tpu.pipeline_mode<synchronous>, transform_indices = @transform_2, window_bounds = array<i64: 1, 256>}, {pipeline_mode = #tpu.pipeline_mode<synchronous>, transform_indices = @transform_3, window_bounds = array<i64: 128, 256>}, {pipeline_mode = #tpu.pipeline_mode<synchronous>, transform_indices = @transform_4, window_bounds = array<i64: 1, 256>}, {pipeline_mode = #tpu.pipeline_mode<synchronous>, transform_indices = @transform_5, window_bounds = array<i64: 128, 128>}, {pipeline_mode = #tpu.pipeline_mode<synchronous>, transform_indices = @transform_6, window_bounds = array<i64: 1, 128>}, {pipeline_mode = #tpu.pipeline_mode<synchronous>, transform_indices = @transform_7, window_bounds = array<i64: 128, 128>}, {pipeline_mode = #tpu.pipeline_mode<synchronous>, transform_indices = @transform_8, window_bounds = array<i64: 1, 128>}, {transform_indices = @transform_9, window_bounds = array<i64: 2000, 256>}, {transform_indices = @transform_10, window_bounds = array<i64: 2000, 128>}]} {
    %get3A = arith.constant 0 : index
    %get3A_0 = arith.constant 0 : index
    %get3A_1 = vector.load %arg1[%get3A, %get3A_0] : memref<2000x128xf32, #tpu.memory_space<vmem>>, vector<2000x128xf32>
    %get3A_2 = arith.constant 0 : index
    %get3A_3 = arith.constant 0 : index
    %get3A_4 = vector.load %arg2[%get3A_2, %get3A_3] : memref<128x256xf32, #tpu.memory_space<vmem>>, vector<128x256xf32>
    %dot_general3A = arith.constant dense<0.000000e+00> : vector<2000x256xf32>
    %dot_general3A_5 = tpu.matmul %get3A_1, %get3A_4, %dot_general3A {dimension_numbers = #tpu.dot_dimension_numbers<[1], [0], [0], [1], [0, 0, 1, 1], [], []>, transpose_lhs_hint = false} : vector<2000x128xf32>, vector<128x256xf32>, vector<2000x256xf32> -> vector<2000x256xf32>
    %get3A_6 = arith.constant 0 : index
    %get3A_7 = arith.constant 0 : index
    %get3A_8 = vector.load %arg3[%get3A_6, %get3A_7] : memref<1x256xf32, #tpu.memory_space<vmem>>, vector<1x256xf32>
    %add3A = vector.broadcast %get3A_8 : vector<1x256xf32> to vector<2000x256xf32>
    %add3A_9 = arith.addf %dot_general3A_5, %add3A : vector<2000x256xf32>
    %get3A_10 = arith.constant 0 : index
    %get3A_11 = arith.constant 0 : index
    %get3A_12 = vector.load %arg4[%get3A_10, %get3A_11] : memref<128x256xf32, #tpu.memory_space<vmem>>, vector<128x256xf32>
    %dot_general3A_13 = arith.constant dense<0.000000e+00> : vector<2000x256xf32>
    %dot_general3A_14 = tpu.matmul %get3A_1, %get3A_12, %dot_general3A_13 {dimension_numbers = #tpu.dot_dimension_numbers<[1], [0], [0], [1], [0, 0, 1, 1], [], []>, transpose_lhs_hint = false} : vector<2000x128xf32>, vector<128x256xf32>, vector<2000x256xf32> -> vector<2000x256xf32>
    %get3A_15 = arith.constant 0 : index
    %get3A_16 = arith.constant 0 : index
    %get3A_17 = vector.load %arg5[%get3A_15, %get3A_16] : memref<1x256xf32, #tpu.memory_space<vmem>>, vector<1x256xf32>
    %add3A_18 = vector.broadcast %get3A_17 : vector<1x256xf32> to vector<2000x256xf32>
    %add3A_19 = arith.addf %dot_general3A_14, %add3A_18 : vector<2000x256xf32>
    %get3A_20 = arith.constant 0 : index
    %get3A_21 = arith.constant 0 : index
    %get3A_22 = vector.load %arg6[%get3A_20, %get3A_21] : memref<128x128xf32, #tpu.memory_space<vmem>>, vector<128x128xf32>
    %dot_general3A_23 = arith.constant dense<0.000000e+00> : vector<2000x128xf32>
    %dot_general3A_24 = tpu.matmul %get3A_1, %get3A_22, %dot_general3A_23 {dimension_numbers = #tpu.dot_dimension_numbers<[1], [0], [0], [1], [0, 0, 1, 1], [], []>, transpose_lhs_hint = false} : vector<2000x128xf32>, vector<128x128xf32>, vector<2000x128xf32> -> vector<2000x128xf32>
    %get3A_25 = arith.constant 0 : index
    %get3A_26 = arith.constant 0 : index
    %get3A_27 = vector.load %arg7[%get3A_25, %get3A_26] : memref<1x128xf32, #tpu.memory_space<vmem>>, vector<1x128xf32>
    %add3A_28 = vector.broadcast %get3A_27 : vector<1x128xf32> to vector<2000x128xf32>
    %add3A_29 = arith.addf %dot_general3A_24, %add3A_28 : vector<2000x128xf32>
    %get3A_30 = arith.constant 0 : index
    %get3A_31 = arith.constant 0 : index
    %get3A_32 = vector.load %arg8[%get3A_30, %get3A_31] : memref<128x128xf32, #tpu.memory_space<vmem>>, vector<128x128xf32>
    %dot_general3A_33 = arith.constant dense<0.000000e+00> : vector<2000x128xf32>
    %dot_general3A_34 = tpu.matmul %get3A_1, %get3A_32, %dot_general3A_33 {dimension_numbers = #tpu.dot_dimension_numbers<[1], [0], [0], [1], [0, 0, 1, 1], [], []>, transpose_lhs_hint = false} : vector<2000x128xf32>, vector<128x128xf32>, vector<2000x128xf32> -> vector<2000x128xf32>
    %get3A_35 = arith.constant 0 : index
    %get3A_36 = arith.constant 0 : index
    %get3A_37 = vector.load %arg9[%get3A_35, %get3A_36] : memref<1x128xf32, #tpu.memory_space<vmem>>, vector<1x128xf32>
    %add3A_38 = vector.broadcast %get3A_37 : vector<1x128xf32> to vector<2000x128xf32>
    %add3A_39 = arith.addf %dot_general3A_34, %add3A_38 : vector<2000x128xf32>
    %bitcast_convert_type3A = tpu.bitcast %add3A_9 : vector<2000x256xf32> -> vector<2000x256xi32>
    %bitcast_convert_type3A_40 = tpu.bitcast %add3A_19 : vector<2000x256xf32> -> vector<2000x256xi32>
    %add3A_41 = arith.constant 32768 : i32
    %add3A_42 = vector.broadcast %add3A_41 : i32 to vector<2000x256xi32>
    %add3A_43 = arith.addi %bitcast_convert_type3A, %add3A_42 : vector<2000x256xi32>
    %shift_right_logical3A = arith.constant 16 : i32
    %shift_right_logical3A_44 = vector.broadcast %shift_right_logical3A : i32 to vector<2000x256xi32>
    %shift_right_logical3A_45 = arith.shrui %add3A_43, %shift_right_logical3A_44 : vector<2000x256xi32>
    %add3A_46 = arith.constant 32768 : i32
    %add3A_47 = vector.broadcast %add3A_46 : i32 to vector<2000x256xi32>
    %add3A_48 = arith.addi %bitcast_convert_type3A_40, %add3A_47 : vector<2000x256xi32>
    %and3A = arith.constant -65536 : i32
    %and3A_49 = vector.broadcast %and3A : i32 to vector<2000x256xi32>
    %and3A_50 = arith.andi %add3A_48, %and3A_49 : vector<2000x256xi32>
    %or3A = arith.ori %shift_right_logical3A_45, %and3A_50 : vector<2000x256xi32>
    %swap3A = arith.constant 0 : index
    %swap3A_51 = arith.constant 0 : index
    %swap3A_52 = vector.load %arg10[%swap3A, %swap3A_51] : memref<2000x256xi32, #tpu.memory_space<vmem>>, vector<2000x256xi32>
    tpu.vector_store %arg10[%swap3A, %swap3A_51], %or3A {strides = array<i32>} : memref<2000x256xi32, #tpu.memory_space<vmem>>, vector<2000x256xi32>,
    %bitcast_convert_type3A_53 = tpu.bitcast %add3A_29 : vector<2000x128xf32> -> vector<2000x128xi32>
    %bitcast_convert_type3A_54 = tpu.bitcast %add3A_39 : vector<2000x128xf32> -> vector<2000x128xi32>
    %add3A_55 = arith.constant 32768 : i32
    %add3A_56 = vector.broadcast %add3A_55 : i32 to vector<2000x128xi32>
    %add3A_57 = arith.addi %bitcast_convert_type3A_53, %add3A_56 : vector<2000x128xi32>
    %shift_right_logical3A_58 = arith.constant 16 : i32
    %shift_right_logical3A_59 = vector.broadcast %shift_right_logical3A_58 : i32 to vector<2000x128xi32>
    %shift_right_logical3A_60 = arith.shrui %add3A_57, %shift_right_logical3A_59 : vector<2000x128xi32>
    %add3A_61 = arith.constant 32768 : i32
    %add3A_62 = vector.broadcast %add3A_61 : i32 to vector<2000x128xi32>
    %add3A_63 = arith.addi %bitcast_convert_type3A_54, %add3A_62 : vector<2000x128xi32>
    %and3A_64 = arith.constant -65536 : i32
    %and3A_65 = vector.broadcast %and3A_64 : i32 to vector<2000x128xi32>
    %and3A_66 = arith.andi %add3A_63, %and3A_65 : vector<2000x128xi32>
    %or3A_67 = arith.ori %shift_right_logical3A_60, %and3A_66 : vector<2000x128xi32>
    %swap3A_68 = arith.constant 0 : index
    %swap3A_69 = arith.constant 0 : index
    %swap3A_70 = vector.load %arg11[%swap3A_68, %swap3A_69] : memref<2000x128xi32, #tpu.memory_space<vmem>>, vector<2000x128xi32>
    tpu.vector_store %arg11[%swap3A_68, %swap3A_69], %or3A_67 {strides = array<i32>} : memref<2000x128xi32, #tpu.memory_space<vmem>>, vector<2000x128xi32>,
    return
  }
  func.func @transform_0(%arg0: i32) -> (i32, i32) {
    %c0_i32 = arith.constant 0 : i32
    %c0_i32_0 = arith.constant 0 : i32
    return %arg0, %c0_i32 : i32, i32
  }
  func.func @transform_1(%arg0: i32) -> (i32, i32) {
    %c0_i32 = arith.constant 0 : i32
    %c0_i32_0 = arith.constant 0 : i32
    %c0_i32_1 = arith.constant 0 : i32
    return %c0_i32, %c0_i32_0 : i32, i32
  }
  func.func @transform_2(%arg0: i32) -> (i32, i32) {
    %c0_i32 = arith.constant 0 : i32
    %c0_i32_0 = arith.constant 0 : i32
    %c0_i32_1 = arith.constant 0 : i32
    return %c0_i32, %c0_i32_0 : i32, i32
  }
  func.func @transform_3(%arg0: i32) -> (i32, i32) {
    %c0_i32 = arith.constant 0 : i32
    %c0_i32_0 = arith.constant 0 : i32
    %c0_i32_1 = arith.constant 0 : i32
    return %c0_i32, %c0_i32_0 : i32, i32
  }
  func.func @transform_4(%arg0: i32) -> (i32, i32) {
    %c0_i32 = arith.constant 0 : i32
    %c0_i32_0 = arith.constant 0 : i32
    %c0_i32_1 = arith.constant 0 : i32
    return %c0_i32, %c0_i32_0 : i32, i32
  }
  func.func @transform_5(%arg0: i32) -> (i32, i32) {
    %c0_i32 = arith.constant 0 : i32
    %c0_i32_0 = arith.constant 0 : i32
    %c0_i32_1 = arith.constant 0 : i32
    return %c0_i32, %c0_i32_0 : i32, i32
  }
  func.func @transform_6(%arg0: i32) -> (i32, i32) {
    %c0_i32 = arith.constant 0 : i32
    %c0_i32_0 = arith.constant 0 : i32
    %c0_i32_1 = arith.constant 0 : i32
    return %c0_i32, %c0_i32_0 : i32, i32
  }
  func.func @transform_7(%arg0: i32) -> (i32, i32) {
    %c0_i32 = arith.constant 0 : i32
    %c0_i32_0 = arith.constant 0 : i32
    %c0_i32_1 = arith.constant 0 : i32
    return %c0_i32, %c0_i32_0 : i32, i32
  }
  func.func @transform_8(%arg0: i32) -> (i32, i32) {
    %c0_i32 = arith.constant 0 : i32
    %c0_i32_0 = arith.constant 0 : i32
    %c0_i32_1 = arith.constant 0 : i32
    return %c0_i32, %c0_i32_0 : i32, i32
  }
  func.func @transform_9(%arg0: i32) -> (i32, i32) {
    %c0_i32 = arith.constant 0 : i32
    %c0_i32_0 = arith.constant 0 : i32
    return %arg0, %c0_i32 : i32, i32
  }
  func.func @transform_10(%arg0: i32) -> (i32, i32) {
    %c0_i32 = arith.constant 0 : i32
    %c0_i32_0 = arith.constant 0 : i32
    return %arg0, %c0_i32 : i32, i32
  }
}

module attributes {stable_mosaic.version = 14 : i64} {
  func.func @_edge_post_body(%arg0: i32, %arg1: memref<8000x128xf32, #tpu.memory_space<vmem>>, %arg2: memref<8000x128xf32, #tpu.memory_space<vmem>>, %arg3: memref<128x128xf32, #tpu.memory_space<vmem>>, %arg4: memref<1x128xf32, #tpu.memory_space<vmem>>, %arg5: memref<128x128xf32, #tpu.memory_space<vmem>>, %arg6: memref<1x128xf32, #tpu.memory_space<vmem>>, %arg7: memref<128x128xf32, #tpu.memory_space<vmem>>, %arg8: memref<1x128xf32, #tpu.memory_space<vmem>>, %arg9: memref<1x128xf32, #tpu.memory_space<vmem>>, %arg10: memref<8000x128xf32, #tpu.memory_space<vmem>>) attributes {dimension_semantics = [#tpu.dimension_semantics<arbitrary>], iteration_bounds = array<i64: 5>, scalar_prefetch = 0 : i64, scratch_operands = 0 : i64, tpu.core_type = #tpu.core_type<tc>, window_params = [{transform_indices = @transform_0, window_bounds = array<i64: 8000, 128>}, {transform_indices = @transform_1, window_bounds = array<i64: 8000, 128>}, {pipeline_mode = #tpu.pipeline_mode<synchronous>, transform_indices = @transform_2, window_bounds = array<i64: 128, 128>}, {pipeline_mode = #tpu.pipeline_mode<synchronous>, transform_indices = @transform_3, window_bounds = array<i64: 1, 128>}, {pipeline_mode = #tpu.pipeline_mode<synchronous>, transform_indices = @transform_4, window_bounds = array<i64: 128, 128>}, {pipeline_mode = #tpu.pipeline_mode<synchronous>, transform_indices = @transform_5, window_bounds = array<i64: 1, 128>}, {pipeline_mode = #tpu.pipeline_mode<synchronous>, transform_indices = @transform_6, window_bounds = array<i64: 128, 128>}, {pipeline_mode = #tpu.pipeline_mode<synchronous>, transform_indices = @transform_7, window_bounds = array<i64: 1, 128>}, {pipeline_mode = #tpu.pipeline_mode<synchronous>, transform_indices = @transform_8, window_bounds = array<i64: 1, 128>}, {transform_indices = @transform_9, window_bounds = array<i64: 8000, 128>}]} {
    %get3A = arith.constant 0 : index
    %get3A_0 = arith.constant 0 : index
    %get3A_1 = vector.load %arg1[%get3A, %get3A_0] : memref<8000x128xf32, #tpu.memory_space<vmem>>, vector<8000x128xf32>
    %get3A_2 = arith.constant 0 : index
    %get3A_3 = arith.constant 0 : index
    %get3A_4 = vector.load %arg3[%get3A_2, %get3A_3] : memref<128x128xf32, #tpu.memory_space<vmem>>, vector<128x128xf32>
    %dot_general3A = arith.constant dense<0.000000e+00> : vector<8000x128xf32>
    %dot_general3A_5 = tpu.matmul %get3A_1, %get3A_4, %dot_general3A {dimension_numbers = #tpu.dot_dimension_numbers<[1], [0], [0], [1], [0, 0, 1, 1], [], []>, transpose_lhs_hint = false} : vector<8000x128xf32>, vector<128x128xf32>, vector<8000x128xf32> -> vector<8000x128xf32>
    %get3A_6 = arith.constant 0 : index
    %get3A_7 = arith.constant 0 : index
    %get3A_8 = vector.load %arg2[%get3A_6, %get3A_7] : memref<8000x128xf32, #tpu.memory_space<vmem>>, vector<8000x128xf32>
    %add3A = arith.addf %dot_general3A_5, %get3A_8 : vector<8000x128xf32>
    %get3A_9 = arith.constant 0 : index
    %get3A_10 = arith.constant 0 : index
    %get3A_11 = vector.load %arg4[%get3A_9, %get3A_10] : memref<1x128xf32, #tpu.memory_space<vmem>>, vector<1x128xf32>
    %add3A_12 = vector.broadcast %get3A_11 : vector<1x128xf32> to vector<8000x128xf32>
    %add3A_13 = arith.addf %add3A, %add3A_12 : vector<8000x128xf32>
    %neg3A = arith.constant 0.000000e+00 : f32
    %neg3A_14 = vector.broadcast %neg3A : f32 to vector<8000x128xf32>
    %neg3A_15 = arith.subf %neg3A_14, %add3A_13 : vector<8000x128xf32>
    %exp3A = math.exp %neg3A_15 : vector<8000x128xf32>
    %add3A_16 = arith.constant 1.000000e+00 : f32
    %add3A_17 = vector.broadcast %add3A_16 : f32 to vector<8000x128xf32>
    %add3A_18 = arith.addf %add3A_17, %exp3A : vector<8000x128xf32>
    %div3A = arith.constant 1.000000e+00 : f32
    %div3A_19 = vector.broadcast %div3A : f32 to vector<8000x128xf32>
    %div3A_20 = arith.divf %div3A_19, %add3A_18 : vector<8000x128xf32>
    %mul3A = arith.mulf %add3A_13, %div3A_20 : vector<8000x128xf32>
    %get3A_21 = arith.constant 0 : index
    %get3A_22 = arith.constant 0 : index
    %get3A_23 = vector.load %arg5[%get3A_21, %get3A_22] : memref<128x128xf32, #tpu.memory_space<vmem>>, vector<128x128xf32>
    %dot_general3A_24 = arith.constant dense<0.000000e+00> : vector<8000x128xf32>
    %dot_general3A_25 = tpu.matmul %mul3A, %get3A_23, %dot_general3A_24 {dimension_numbers = #tpu.dot_dimension_numbers<[1], [0], [0], [1], [0, 0, 1, 1], [], []>, transpose_lhs_hint = false} : vector<8000x128xf32>, vector<128x128xf32>, vector<8000x128xf32> -> vector<8000x128xf32>
    %get3A_26 = arith.constant 0 : index
    %get3A_27 = arith.constant 0 : index
    %get3A_28 = vector.load %arg6[%get3A_26, %get3A_27] : memref<1x128xf32, #tpu.memory_space<vmem>>, vector<1x128xf32>
    %add3A_29 = vector.broadcast %get3A_28 : vector<1x128xf32> to vector<8000x128xf32>
    %add3A_30 = arith.addf %dot_general3A_25, %add3A_29 : vector<8000x128xf32>
    %add3A_31 = arith.addf %get3A_1, %add3A_30 : vector<8000x128xf32>
    %get3A_32 = arith.constant 0 : index
    %get3A_33 = arith.constant 0 : index
    %get3A_34 = vector.load %arg7[%get3A_32, %get3A_33] : memref<128x128xf32, #tpu.memory_space<vmem>>, vector<128x128xf32>
    %dot_general3A_35 = arith.constant dense<0.000000e+00> : vector<8000x128xf32>
    %dot_general3A_36 = tpu.matmul %add3A_31, %get3A_34, %dot_general3A_35 {dimension_numbers = #tpu.dot_dimension_numbers<[1], [0], [0], [1], [0, 0, 1, 1], [], []>, transpose_lhs_hint = false} : vector<8000x128xf32>, vector<128x128xf32>, vector<8000x128xf32> -> vector<8000x128xf32>
    %sub3A = arith.subf %add3A_31, %dot_general3A_36 : vector<8000x128xf32>
    %mul3A_37 = arith.mulf %sub3A, %sub3A : vector<8000x128xf32>
    %get3A_38 = arith.constant 0 : index
    %get3A_39 = arith.constant 0 : index
    %get3A_40 = vector.load %arg7[%get3A_38, %get3A_39] : memref<128x128xf32, #tpu.memory_space<vmem>>, vector<128x128xf32>
    %dot_general3A_41 = arith.constant dense<0.000000e+00> : vector<8000x128xf32>
    %dot_general3A_42 = tpu.matmul %mul3A_37, %get3A_40, %dot_general3A_41 {dimension_numbers = #tpu.dot_dimension_numbers<[1], [0], [0], [1], [0, 0, 1, 1], [], []>, transpose_lhs_hint = false} : vector<8000x128xf32>, vector<128x128xf32>, vector<8000x128xf32> -> vector<8000x128xf32>
    %add3A_43 = arith.constant 9.99999974E-6 : f32
    %add3A_44 = vector.broadcast %add3A_43 : f32 to vector<8000x128xf32>
    %add3A_45 = arith.addf %dot_general3A_42, %add3A_44 : vector<8000x128xf32>
    %rsqrt3A = math.rsqrt %add3A_45 : vector<8000x128xf32>
    %mul3A_46 = arith.mulf %sub3A, %rsqrt3A : vector<8000x128xf32>
    %get3A_47 = arith.constant 0 : index
    %get3A_48 = arith.constant 0 : index
    %get3A_49 = vector.load %arg8[%get3A_47, %get3A_48] : memref<1x128xf32, #tpu.memory_space<vmem>>, vector<1x128xf32>
    %mul3A_50 = vector.broadcast %get3A_49 : vector<1x128xf32> to vector<8000x128xf32>
    %mul3A_51 = arith.mulf %mul3A_46, %mul3A_50 : vector<8000x128xf32>
    %get3A_52 = arith.constant 0 : index
    %get3A_53 = arith.constant 0 : index
    %get3A_54 = vector.load %arg9[%get3A_52, %get3A_53] : memref<1x128xf32, #tpu.memory_space<vmem>>, vector<1x128xf32>
    %add3A_55 = vector.broadcast %get3A_54 : vector<1x128xf32> to vector<8000x128xf32>
    %add3A_56 = arith.addf %mul3A_51, %add3A_55 : vector<8000x128xf32>
    %swap3A = arith.constant 0 : index
    %swap3A_57 = arith.constant 0 : index
    %swap3A_58 = vector.load %arg10[%swap3A, %swap3A_57] : memref<8000x128xf32, #tpu.memory_space<vmem>>, vector<8000x128xf32>
    tpu.vector_store %arg10[%swap3A, %swap3A_57], %add3A_56 {strides = array<i32>} : memref<8000x128xf32, #tpu.memory_space<vmem>>, vector<8000x128xf32>,
    return
  }
  func.func @transform_0(%arg0: i32) -> (i32, i32) {
    %c0_i32 = arith.constant 0 : i32
    %c0_i32_0 = arith.constant 0 : i32
    return %arg0, %c0_i32 : i32, i32
  }
  func.func @transform_1(%arg0: i32) -> (i32, i32) {
    %c0_i32 = arith.constant 0 : i32
    %c0_i32_0 = arith.constant 0 : i32
    return %arg0, %c0_i32 : i32, i32
  }
  func.func @transform_2(%arg0: i32) -> (i32, i32) {
    %c0_i32 = arith.constant 0 : i32
    %c0_i32_0 = arith.constant 0 : i32
    %c0_i32_1 = arith.constant 0 : i32
    return %c0_i32, %c0_i32_0 : i32, i32
  }
  func.func @transform_3(%arg0: i32) -> (i32, i32) {
    %c0_i32 = arith.constant 0 : i32
    %c0_i32_0 = arith.constant 0 : i32
    %c0_i32_1 = arith.constant 0 : i32
    return %c0_i32, %c0_i32_0 : i32, i32
  }
  func.func @transform_4(%arg0: i32) -> (i32, i32) {
    %c0_i32 = arith.constant 0 : i32
    %c0_i32_0 = arith.constant 0 : i32
    %c0_i32_1 = arith.constant 0 : i32
    return %c0_i32, %c0_i32_0 : i32, i32
  }
  func.func @transform_5(%arg0: i32) -> (i32, i32) {
    %c0_i32 = arith.constant 0 : i32
    %c0_i32_0 = arith.constant 0 : i32
    %c0_i32_1 = arith.constant 0 : i32
    return %c0_i32, %c0_i32_0 : i32, i32
  }
  func.func @transform_6(%arg0: i32) -> (i32, i32) {
    %c0_i32 = arith.constant 0 : i32
    %c0_i32_0 = arith.constant 0 : i32
    %c0_i32_1 = arith.constant 0 : i32
    return %c0_i32, %c0_i32_0 : i32, i32
  }
  func.func @transform_7(%arg0: i32) -> (i32, i32) {
    %c0_i32 = arith.constant 0 : i32
    %c0_i32_0 = arith.constant 0 : i32
    %c0_i32_1 = arith.constant 0 : i32
    return %c0_i32, %c0_i32_0 : i32, i32
  }
  func.func @transform_8(%arg0: i32) -> (i32, i32) {
    %c0_i32 = arith.constant 0 : i32
    %c0_i32_0 = arith.constant 0 : i32
    %c0_i32_1 = arith.constant 0 : i32
    return %c0_i32, %c0_i32_0 : i32, i32
  }
  func.func @transform_9(%arg0: i32) -> (i32, i32) {
    %c0_i32 = arith.constant 0 : i32
    %c0_i32_0 = arith.constant 0 : i32
    return %arg0, %c0_i32 : i32, i32
  }
}

module attributes {stable_mosaic.version = 14 : i64} {
  func.func @_node_post_body(%arg0: i32, %arg1: memref<2000x128xf32, #tpu.memory_space<vmem>>, %arg2: memref<1x2000x128xf32, #tpu.memory_space<vmem>>, %arg3: memref<1x2000x128xf32, #tpu.memory_space<vmem>>, %arg4: memref<128x128xf32, #tpu.memory_space<vmem>>, %arg5: memref<128x128xf32, #tpu.memory_space<vmem>>, %arg6: memref<1x128xf32, #tpu.memory_space<vmem>>, %arg7: memref<128x128xf32, #tpu.memory_space<vmem>>, %arg8: memref<1x128xf32, #tpu.memory_space<vmem>>, %arg9: memref<1x128xf32, #tpu.memory_space<vmem>>, %arg10: memref<1x128xf32, #tpu.memory_space<vmem>>, %arg11: memref<2000x128xf32, #tpu.memory_space<vmem>>) attributes {dimension_semantics = [#tpu.dimension_semantics<arbitrary>], iteration_bounds = array<i64: 5>, scalar_prefetch = 0 : i64, scratch_operands = 0 : i64, tpu.core_type = #tpu.core_type<tc>, window_params = [{transform_indices = @transform_0, window_bounds = array<i64: 2000, 128>}, {transform_indices = @transform_1, window_bounds = array<i64: 1, 2000, 128>}, {transform_indices = @transform_2, window_bounds = array<i64: 1, 2000, 128>}, {pipeline_mode = #tpu.pipeline_mode<synchronous>, transform_indices = @transform_3, window_bounds = array<i64: 128, 128>}, {pipeline_mode = #tpu.pipeline_mode<synchronous>, transform_indices = @transform_4, window_bounds = array<i64: 128, 128>}, {pipeline_mode = #tpu.pipeline_mode<synchronous>, transform_indices = @transform_5, window_bounds = array<i64: 1, 128>}, {pipeline_mode = #tpu.pipeline_mode<synchronous>, transform_indices = @transform_6, window_bounds = array<i64: 128, 128>}, {pipeline_mode = #tpu.pipeline_mode<synchronous>, transform_indices = @transform_7, window_bounds = array<i64: 1, 128>}, {pipeline_mode = #tpu.pipeline_mode<synchronous>, transform_indices = @transform_8, window_bounds = array<i64: 1, 128>}, {pipeline_mode = #tpu.pipeline_mode<synchronous>, transform_indices = @transform_9, window_bounds = array<i64: 1, 128>}, {transform_indices = @transform_10, window_bounds = array<i64: 2000, 128>}]} {
    %get3A = arith.constant 0 : index
    %get3A_0 = arith.constant 0 : index
    %get3A_1 = vector.load %arg1[%get3A, %get3A_0] : memref<2000x128xf32, #tpu.memory_space<vmem>>, vector<2000x128xf32>
    %get3A_2 = arith.constant 0 : index
    %get3A_3 = arith.constant 0 : index
    %get3A_4 = arith.constant 0 : index
    %get3A_5 = vector.load %arg2[%get3A_2, %get3A_3, %get3A_4] : memref<1x2000x128xf32, #tpu.memory_space<vmem>>, vector<1x2000x128xf32>
    %get3A_6 = vector.shape_cast %get3A_5 : vector<1x2000x128xf32> to vector<2000x128xf32>
    %get3A_7 = arith.constant 0 : index
    %get3A_8 = arith.constant 0 : index
    %get3A_9 = arith.constant 0 : index
    %get3A_10 = vector.load %arg3[%get3A_7, %get3A_8, %get3A_9] : memref<1x2000x128xf32, #tpu.memory_space<vmem>>, vector<1x2000x128xf32>
    %get3A_11 = vector.shape_cast %get3A_10 : vector<1x2000x128xf32> to vector<2000x128xf32>
    %add3A = arith.addf %get3A_6, %get3A_11 : vector<2000x128xf32>
    %get3A_12 = arith.constant 0 : index
    %get3A_13 = arith.constant 0 : index
    %get3A_14 = vector.load %arg4[%get3A_12, %get3A_13] : memref<128x128xf32, #tpu.memory_space<vmem>>, vector<128x128xf32>
    %dot_general3A = arith.constant dense<0.000000e+00> : vector<2000x128xf32>
    %dot_general3A_15 = tpu.matmul %get3A_1, %get3A_14, %dot_general3A {dimension_numbers = #tpu.dot_dimension_numbers<[1], [0], [0], [1], [0, 0, 1, 1], [], []>, transpose_lhs_hint = false} : vector<2000x128xf32>, vector<128x128xf32>, vector<2000x128xf32> -> vector<2000x128xf32>
    %get3A_16 = arith.constant 0 : index
    %get3A_17 = arith.constant 0 : index
    %get3A_18 = vector.load %arg5[%get3A_16, %get3A_17] : memref<128x128xf32, #tpu.memory_space<vmem>>, vector<128x128xf32>
    %dot_general3A_19 = arith.constant dense<0.000000e+00> : vector<2000x128xf32>
    %dot_general3A_20 = tpu.matmul %add3A, %get3A_18, %dot_general3A_19 {dimension_numbers = #tpu.dot_dimension_numbers<[1], [0], [0], [1], [0, 0, 1, 1], [], []>, transpose_lhs_hint = false} : vector<2000x128xf32>, vector<128x128xf32>, vector<2000x128xf32> -> vector<2000x128xf32>
    %add3A_21 = arith.addf %dot_general3A_15, %dot_general3A_20 : vector<2000x128xf32>
    %get3A_22 = arith.constant 0 : index
    %get3A_23 = arith.constant 0 : index
    %get3A_24 = vector.load %arg6[%get3A_22, %get3A_23] : memref<1x128xf32, #tpu.memory_space<vmem>>, vector<1x128xf32>
    %add3A_25 = vector.broadcast %get3A_24 : vector<1x128xf32> to vector<2000x128xf32>
    %add3A_26 = arith.addf %add3A_21, %add3A_25 : vector<2000x128xf32>
    %neg3A = arith.constant 0.000000e+00 : f32
    %neg3A_27 = vector.broadcast %neg3A : f32 to vector<2000x128xf32>
    %neg3A_28 = arith.subf %neg3A_27, %add3A_26 : vector<2000x128xf32>
    %exp3A = math.exp %neg3A_28 : vector<2000x128xf32>
    %add3A_29 = arith.constant 1.000000e+00 : f32
    %add3A_30 = vector.broadcast %add3A_29 : f32 to vector<2000x128xf32>
    %add3A_31 = arith.addf %add3A_30, %exp3A : vector<2000x128xf32>
    %div3A = arith.constant 1.000000e+00 : f32
    %div3A_32 = vector.broadcast %div3A : f32 to vector<2000x128xf32>
    %div3A_33 = arith.divf %div3A_32, %add3A_31 : vector<2000x128xf32>
    %mul3A = arith.mulf %add3A_26, %div3A_33 : vector<2000x128xf32>
    %get3A_34 = arith.constant 0 : index
    %get3A_35 = arith.constant 0 : index
    %get3A_36 = vector.load %arg7[%get3A_34, %get3A_35] : memref<128x128xf32, #tpu.memory_space<vmem>>, vector<128x128xf32>
    %dot_general3A_37 = arith.constant dense<0.000000e+00> : vector<2000x128xf32>
    %dot_general3A_38 = tpu.matmul %mul3A, %get3A_36, %dot_general3A_37 {dimension_numbers = #tpu.dot_dimension_numbers<[1], [0], [0], [1], [0, 0, 1, 1], [], []>, transpose_lhs_hint = false} : vector<2000x128xf32>, vector<128x128xf32>, vector<2000x128xf32> -> vector<2000x128xf32>
    %get3A_39 = arith.constant 0 : index
    %get3A_40 = arith.constant 0 : index
    %get3A_41 = vector.load %arg8[%get3A_39, %get3A_40] : memref<1x128xf32, #tpu.memory_space<vmem>>, vector<1x128xf32>
    %add3A_42 = vector.broadcast %get3A_41 : vector<1x128xf32> to vector<2000x128xf32>
    %add3A_43 = arith.addf %dot_general3A_38, %add3A_42 : vector<2000x128xf32>
    %add3A_44 = arith.addf %get3A_1, %add3A_43 : vector<2000x128xf32>
    %reduce_sum3A = arith.constant dense<0.000000e+00> : vector<2000xf32>
    %reduce_sum3A_45 = vector.multi_reduction <add>, %add3A_44, %reduce_sum3A [1] : vector<2000x128xf32> to vector<2000xf32>
    %broadcast_in_dim3A = vector.shape_cast %reduce_sum3A_45 : vector<2000xf32> to vector<2000x1xf32>
    %div3A_46 = arith.constant 1.280000e+02 : f32
    %div3A_47 = vector.broadcast %div3A_46 : f32 to vector<2000x1xf32>
    %div3A_48 = arith.divf %broadcast_in_dim3A, %div3A_47 : vector<2000x1xf32>
    %sub3A = vector.broadcast %div3A_48 : vector<2000x1xf32> to vector<2000x128xf32>
    %sub3A_49 = arith.subf %add3A_44, %sub3A : vector<2000x128xf32>
    %mul3A_50 = arith.mulf %sub3A_49, %sub3A_49 : vector<2000x128xf32>
    %reduce_sum3A_51 = arith.constant dense<0.000000e+00> : vector<2000xf32>
    %reduce_sum3A_52 = vector.multi_reduction <add>, %mul3A_50, %reduce_sum3A_51 [1] : vector<2000x128xf32> to vector<2000xf32>
    %broadcast_in_dim3A_53 = vector.shape_cast %reduce_sum3A_52 : vector<2000xf32> to vector<2000x1xf32>
    %div3A_54 = arith.constant 1.280000e+02 : f32
    %div3A_55 = vector.broadcast %div3A_54 : f32 to vector<2000x1xf32>
    %div3A_56 = arith.divf %broadcast_in_dim3A_53, %div3A_55 : vector<2000x1xf32>
    %add3A_57 = arith.constant 9.99999974E-6 : f32
    %add3A_58 = vector.broadcast %add3A_57 : f32 to vector<2000x1xf32>
    %add3A_59 = arith.addf %div3A_56, %add3A_58 : vector<2000x1xf32>
    %rsqrt3A = math.rsqrt %add3A_59 : vector<2000x1xf32>
    %mul3A_60 = vector.broadcast %rsqrt3A : vector<2000x1xf32> to vector<2000x128xf32>
    %mul3A_61 = arith.mulf %sub3A_49, %mul3A_60 : vector<2000x128xf32>
    %get3A_62 = arith.constant 0 : index
    %get3A_63 = arith.constant 0 : index
    %get3A_64 = vector.load %arg9[%get3A_62, %get3A_63] : memref<1x128xf32, #tpu.memory_space<vmem>>, vector<1x128xf32>
    %mul3A_65 = vector.broadcast %get3A_64 : vector<1x128xf32> to vector<2000x128xf32>
    %mul3A_66 = arith.mulf %mul3A_61, %mul3A_65 : vector<2000x128xf32>
    %get3A_67 = arith.constant 0 : index
    %get3A_68 = arith.constant 0 : index
    %get3A_69 = vector.load %arg10[%get3A_67, %get3A_68] : memref<1x128xf32, #tpu.memory_space<vmem>>, vector<1x128xf32>
    %add3A_70 = vector.broadcast %get3A_69 : vector<1x128xf32> to vector<2000x128xf32>
    %add3A_71 = arith.addf %mul3A_66, %add3A_70 : vector<2000x128xf32>
    %swap3A = arith.constant 0 : index
    %swap3A_72 = arith.constant 0 : index
    %swap3A_73 = vector.load %arg11[%swap3A, %swap3A_72] : memref<2000x128xf32, #tpu.memory_space<vmem>>, vector<2000x128xf32>
    tpu.vector_store %arg11[%swap3A, %swap3A_72], %add3A_71 {strides = array<i32>} : memref<2000x128xf32, #tpu.memory_space<vmem>>, vector<2000x128xf32>,
    return
  }
  func.func @transform_0(%arg0: i32) -> (i32, i32) {
    %c0_i32 = arith.constant 0 : i32
    %c0_i32_0 = arith.constant 0 : i32
    return %arg0, %c0_i32 : i32, i32
  }
  func.func @transform_1(%arg0: i32) -> (i32, i32, i32) {
    %c0_i32 = arith.constant 0 : i32
    %c0_i32_0 = arith.constant 0 : i32
    %c0_i32_1 = arith.constant 0 : i32
    return %c0_i32, %arg0, %c0_i32_0 : i32, i32, i32
  }
  func.func @transform_2(%arg0: i32) -> (i32, i32, i32) {
    %c1_i32 = arith.constant 1 : i32
    %c0_i32 = arith.constant 0 : i32
    %c0_i32_0 = arith.constant 0 : i32
    return %c1_i32, %arg0, %c0_i32 : i32, i32, i32
  }
  func.func @transform_3(%arg0: i32) -> (i32, i32) {
    %c0_i32 = arith.constant 0 : i32
    %c0_i32_0 = arith.constant 0 : i32
    %c0_i32_1 = arith.constant 0 : i32
    return %c0_i32, %c0_i32_0 : i32, i32
  }
  func.func @transform_4(%arg0: i32) -> (i32, i32) {
    %c0_i32 = arith.constant 0 : i32
    %c0_i32_0 = arith.constant 0 : i32
    %c0_i32_1 = arith.constant 0 : i32
    return %c0_i32, %c0_i32_0 : i32, i32
  }
  func.func @transform_5(%arg0: i32) -> (i32, i32) {
    %c0_i32 = arith.constant 0 : i32
    %c0_i32_0 = arith.constant 0 : i32
    %c0_i32_1 = arith.constant 0 : i32
    return %c0_i32, %c0_i32_0 : i32, i32
  }
  func.func @transform_6(%arg0: i32) -> (i32, i32) {
    %c0_i32 = arith.constant 0 : i32
    %c0_i32_0 = arith.constant 0 : i32
    %c0_i32_1 = arith.constant 0 : i32
    return %c0_i32, %c0_i32_0 : i32, i32
  }
  func.func @transform_7(%arg0: i32) -> (i32, i32) {
    %c0_i32 = arith.constant 0 : i32
    %c0_i32_0 = arith.constant 0 : i32
    %c0_i32_1 = arith.constant 0 : i32
    return %c0_i32, %c0_i32_0 : i32, i32
  }
  func.func @transform_8(%arg0: i32) -> (i32, i32) {
    %c0_i32 = arith.constant 0 : i32
    %c0_i32_0 = arith.constant 0 : i32
    %c0_i32_1 = arith.constant 0 : i32
    return %c0_i32, %c0_i32_0 : i32, i32
  }
  func.func @transform_9(%arg0: i32) -> (i32, i32) {
    %c0_i32 = arith.constant 0 : i32
    %c0_i32_0 = arith.constant 0 : i32
    %c0_i32_1 = arith.constant 0 : i32
    return %c0_i32, %c0_i32_0 : i32, i32
  }
  func.func @transform_10(%arg0: i32) -> (i32, i32) {
    %c0_i32 = arith.constant 0 : i32
    %c0_i32_0 = arith.constant 0 : i32
    return %arg0, %c0_i32 : i32, i32
  }
}

</mosaic_0001>

<sc_bundles>
// kernel: kernel.7.cloned.1.call-start
scs
__scs_entry_jumppad:
0x0: {  	(pc) =	sbr.rel $0x88, $3  }
0x1: {  	(tag) =	ssettag $0x0;
	lr =	simm.s32 $0x1  }
0x2: {  	[smem:$0x3F8A] =	sst lr;
	_ =	strace $0xD0000000  }
0x3: {  	_ = 	snop  }
0x4: {  	_ = 	snop  }
0x5: {  	_ = 	snop  }
0x6: {  	_ = 	snop  }
0x7: {  	_ = 	snop  }
__scs_overlays_trampoline_lowered:
0x8: {  	[smem:$0x3F99] =	sst s0  }
0x9: {  	[smem:$0x3F9A] =	sst s1  }
0xa: {  	[smem:$0x3F9B] =	sst s2  }
0xb: {  	[smem:$0x3F9C] =	sst s3  }
0xc: {  	[smem:$0x3F9D] =	sst s4  }
0xd: {  	[smem:$0x3F9E] =	sst s5  }
0xe: {  	[smem:$0x3F9F] =	sst s6  }
0xf: {  	[smem:$0x3FA0] =	sst s7  }
0x10: {  	[smem:$0x3FA1] =	sst s8  }
0x11: {  	[smem:$0x3FA2] =	sst s9;
	s0 =	simm.s32 @!p0 $0x0  }
0x12: {  	s1 =	sld [smem:$0x3F88];
	s0 =	simm.s32 @p0 $0x1  }
0x13: {  	[smem:$0x3FA3] =	sst s0;
	s0 =	simm.s32 @!p1 $0x0  }
0x14: {  	s2 =	sld [smem:$0x3F87];
	s0 =	simm.s32 @p1 $0x1  }
0x15: {  	[smem:$0x3FA4] =	sst s0;
	s0 =	simm.s32 @!p2 $0x0  }
0x16: {  	s3 =	sld [smem:$0x3FDB];
	s0 =	simm.s32 @p2 $0x1  }
0x17: {  	s4 =	simm.s32 $0x1BF5;
	[smem:$0x3FA6] =	sst s0  }
0x18: {  	s0 =	sld [smem:$0x3F89];
	_ =	swait.ge [sflag:s4], $0x0  }
0x19: {  	s7 =	sld [smem:$0x3F8A]  }
0x1a: {  	s8 =	sadd.s32 $0xFFFFE003, lr  }
0x1b: {  	s9 =	sadd.s32 $0xFFFFFEF7, lr;
	s5 =	simm.s32 $0xFFFFFFFF;
	p2 =	slt.u32 s8, $0xFFFFF086  }
0x1c: {  	p1 =	slt.u32 s9, $0xF7A;
	s5 =	simm.s32 @!p2 $0x0  }
0x1d: {  	s5 =	simm.s32 @p1 $0x1;
	p0 =	seq.s32 s7, s2  }
0x1e: {  	s7 =	smul.u32 @!p0 $0xF7A, s2;
	p2 =	seq.s32 @!p0 s5, $0x0  }
0x1f: {  	s9 =	smul.u32 $0xF7A, s1;
	s8 =	simm.s32 @!p0 $0x1BF5;
	p2 =	por !p2, p0  }
0x20: {  	[sflag:s8] =	ssyncset.s32 @!p0 $0xFFFFF086;
	s6 =	sadd.s32 @!p0 s3, s7;
	s7 =	simm.s32 @!p0 $0x108  }
0x21: {  	s3 =	sadd.s32 s3, s9;
	s6 =	sadd.s32 @!p0 $0x88, s6;
	s7 =	simm.s32 @p2 $0x1082  }
0x22: {  	[simem:s7], [sflag:s8] =	dma.local @!p0 [hbm:s6], $0xF7A  }
0x23: {  	s9 =	sor.u32 $0xD0000000, s2;
	s6 =	simm.s32 $0x108;
	_ =	swait.ge @!p0 [sflag:s8], $0x0  }
0x24: {  	s3 =	sadd.s32 $0x88, s3;
	s6 =	simm.s32 @!p1 $0x1082;
	[sflag:s4] =	ssyncset.s32 $0xFFFFF086  }
0x25: {  	[simem:s6], [sflag:s4] =	dma.local [hbm:s3], $0xF7A  }
0x26: {  	[smem:$0x3F8A] =	sst s1;
	(tag) =	ssettag s2;
	_ =	strace s9  }
0x27: {  	s1 =	sld [smem:$0x3F9A]  }
0x28: {  	s2 =	sld [smem:$0x3F9B]  }
0x29: {  	s4 =	sld [smem:$0x3F9D]  }
0x2a: {  	p0 =	seq.s32 s5, $0x0;
	s5 =	sld [smem:$0x3F9E]  }
0x2b: {  	s6 =	sld [smem:$0x3F9F]  }
0x2c: {  	s7 =	sld [smem:$0x3FA0]  }
0x2d: {  	s3 =	simm.s32 $0x108;
	s8 =	sld [smem:$0x3FA1]  }
0x2e: {  	s3 =	simm.s32 @!p0 $0x1082;
	s9 =	sld [smem:$0x3FA2]  }
0x2f: {  	lr =	sadd.s32 s0, s3;
	s0 =	sld [smem:$0x3F99]  }
0x30: {  	s3 =	sld [smem:$0x3F9C]  }
0x31: {  	[smem:$0x3FA5] =	sst s10  }
0x32: {  	s10 =	sld [smem:$0x3FA3];
	_ =	sdelay $0x3  }
0x33: {  	p0 =	seq.s32 s10, $0x1;
	s10 =	sld [smem:$0x3FA5];
	_ =	sdelay $0x3  }
0x34: {  	[smem:$0x3FA5] =	sst s10  }
0x35: {  	s10 =	sld [smem:$0x3FA4];
	_ =	sdelay $0x3  }
0x36: {  	p1 =	seq.s32 s10, $0x1;
	s10 =	sld [smem:$0x3FA5];
	_ =	sdelay $0x3  }
0x37: {  	[smem:$0x3FA5] =	sst s10  }
0x38: {  	s10 =	sld [smem:$0x3FA6]  }
0x39: {  	_ = 	snop;
	(pc) =	sbr.ind lr, $3  }
0x3a: {  	_ = 	snop  }
0x3b: {  	_ = 	snop  }
0x3c: {  	p2 =	seq.s32 s10, $0x1;
	s10 =	sld [smem:$0x3FA5]  }
0x3d: {  	_ =	shalt  }
0x3e: {  	_ =	shalt  }
0x3f: {  	_ =	shalt  }
0x40: {  	_ =	shalt  }
0x41: {  	_ =	shalt  }
0x42: {  	_ =	shalt  }
0x43: {  	_ =	shalt  }
0x44: {  	_ =	shalt  }
0x45: {  	_ =	shalt  }
0x46: {  	_ =	shalt  }
0x47: {  	_ =	shalt  }
0x48: {  	_ =	shalt  }
0x49: {  	_ =	shalt  }
0x4a: {  	_ =	shalt  }
0x4b: {  	_ =	shalt  }
0x4c: {  	_ =	shalt  }
0x4d: {  	_ =	shalt  }
0x4e: {  	_ =	shalt  }
0x4f: {  	_ =	shalt  }
0x50: {  	_ =	shalt  }
0x51: {  	_ =	shalt  }
0x52: {  	_ =	shalt  }
0x53: {  	_ =	shalt  }
0x54: {  	_ =	shalt  }
0x55: {  	_ =	shalt  }
0x56: {  	_ =	shalt  }
0x57: {  	_ =	shalt  }
0x58: {  	_ =	shalt  }
0x59: {  	_ =	shalt  }
0x5a: {  	_ =	shalt  }
0x5b: {  	_ =	shalt  }
0x5c: {  	_ =	shalt  }
0x5d: {  	_ =	shalt  }
0x5e: {  	_ =	shalt  }
0x5f: {  	_ =	shalt  }
0x60: {  	_ =	shalt  }
0x61: {  	_ =	shalt  }
0x62: {  	_ =	shalt  }
0x63: {  	_ =	shalt  }
0x64: {  	_ =	shalt  }
0x65: {  	_ =	shalt  }
0x66: {  	_ =	shalt  }
0x67: {  	_ =	shalt  }
0x68: {  	_ =	shalt  }
0x69: {  	_ =	shalt  }
0x6a: {  	_ =	shalt  }
0x6b: {  	_ =	shalt  }
0x6c: {  	_ =	shalt  }
0x6d: {  	_ =	shalt  }
0x6e: {  	_ =	shalt  }
0x6f: {  	_ =	shalt  }
0x70: {  	_ =	shalt  }
0x71: {  	_ =	shalt  }
0x72: {  	_ =	shalt  }
0x73: {  	_ =	shalt  }
0x74: {  	_ =	shalt  }
0x75: {  	_ =	shalt  }
0x76: {  	_ =	shalt  }
0x77: {  	_ =	shalt  }
0x78: {  	_ =	shalt  }
0x79: {  	_ =	shalt  }
0x7a: {  	_ =	shalt  }
0x7b: {  	_ =	shalt  }
0x7c: {  	_ =	shalt  }
0x7d: {  	_ =	shalt  }
0x7e: {  	_ =	shalt  }
0x7f: {  	_ =	shalt  }
0x80: {  	_ =	shalt  }
0x81: {  	_ =	shalt  }
0x82: {  	_ =	shalt  }
0x83: {  	_ =	shalt  }
0x84: {  	_ =	shalt  }
0x85: {  	_ =	shalt  }
0x86: {  	_ =	shalt  }
0x87: {  	_ =	shalt  }
.Lfunc_end0:
.L_simem_size_0:
called_computation_lowered:
.L_overlay_start_0:
0x88: {  	s2 =	sld [smem:$0x3FD9]  }
0x89: {  	s3 =	sld [smem:$0x3FFE];
	_ =	sdelay $0x1  }
0x8a: {  	s1 =	srdreg.scid  }
0x8b: {  	s0 =	sand.u32 $0x1, s1  }
0x8c: {  	s14 =	sshll.u32 s0, $0xA;
	s2 =	sadd.s32 s3, s2  }
0x8d: {  	s2 =	sadd.s32 s2, s14  }
0x8e: {  	[smem:$0x3FB1] =	sst s2  }
0x8f: {  	_ = 	snop  }
0x90: {  	s2 =	sld [smem:$0x3FD0];
	_ =	sdelay $0x2  }
0x91: {  	s15 =	simm.s32 $0xA;
	s4 =	simm.s32 $0x10  }
0x92: {  	[smem:s4], [sflag:s15] =	dma.local [hbm:s2], $0x1  }
0x93: {  	_ =	swait.eq [sflag:s15], $0x1  }
0x94: {  	[sflag:s15] =	ssyncset.done $0x0  }
0x95: {  	[sflag:s15] =	ssyncadd.s32 $0xFFFFFFFF  }
0x96: {  	s16 =	sld [smem:$0x10];
	(tm) =	ssettm $0x1  }
0x97: {  	s17 =	sld [smem:$0x3FFB];
	_ =	sdelay $0x3  }
0x98: {  	_ =	strace s17  }
0x99: {  	s3 =	sld [smem:$0x3FFC];
	_ =	sdelay $0x3  }
0x9a: {  	_ =	strace s3  }
0x9b: {  	s3 =	sld [smem:$0x3FFD];
	_ =	sdelay $0x3  }
0x9c: {  	_ =	strace s3  }
0x9d: {  	_ =	strace $0x8FFFFFFF  }
0x9e: {  	s18 =	sld [smem:$0x3FDB];
	_ =	sdelay $0x1  }
0x9f: {  	s19 =	simm.s32 $_scs_section_size  }
0xa0: {  	s5 =	simm.s32 $_size__tile_overlayer_lowered;
	s6 =	simm.s32 $_tile_overlayer_lowered  }
0xa1: {  	s22 =	simm.s32 $0x1BFF;
	s21 =	sshll.u32 s6, $0x1;
	s3 =	sadd.s32 s19, s18  }
0xa2: {  	s7 =	simm.s32 $0x0;
	s20 =	sshll.u32 s5, $0x1;
	s5 =	sadd.s32 s21, s3  }
0xa3: {  	[timem:s7], [sflag:s22] =	dma.local [hbm:s5], s20  }
0xa4: {  	_ =	swait.ge [sflag:s22], s20  }
0xa5: {  	s4 =	ssub.s32 $0x0, s20;
	[sflag:s22] =	ssyncset.done $0x0  }
0xa6: {  	[sflag:s22] =	ssyncadd.s32 s4;
	_ =	sdelay $0x1  }
0xa7: {  	s23 =	simm.s32 $0x1B8B  }
0xa8: {  	_ =	swait.ge [sflag:s23], $0x1  }
0xa9: {  	[sflag:s23] =	ssyncset.done $0x0  }
0xaa: {  	s25 =	simm.s32 $0x1B8E;
	s24 =	sld [smem:$0x3FFE];
	[sflag:s23] =	ssyncadd.s32 $0xFFFFFFFF  }
0xab: {  	s26 =	simm.s32 $execute0_lowered;
	[smem:$0x3FD2] =	sst s25  }
0xac: {  	s5 =	sshll.u32 s26, $0x1;
	_ =	strace $0x80000046;
	[dreg:$0x1] =	wrdreg $0xFFFFFFFF  }
0xad: {  	s28 =	simm.s32 $_size_execute0_lowered;
	s3 =	sadd.s32 s3, s5;
	[dreg:$0x0] =	wrdreg $0x0  }
0xae: {  	s5 =	sshll.u32 s28, $0x1;
	[dreg:$0x2] =	wrdreg s3  }
0xaf: {  	[dreg:$0x3] =	wrdreg s5  }
0xb0: {  	[dreg:$0x4] =	wrdreg $0xC0  }
0xb1: {  	_ =	task [dreg:s7], $0x5FFFF  }
0xb2: {  	[dreg:$0x1] =	wrdreg $0xFFFFFFFF  }
0xb3: {  	[dreg:$0x0] =	wrdreg $0x60  }
0xb4: {  	[dreg:$0x2] =	wrdreg s24  }
0xb5: {  	[dreg:$0x3] =	wrdreg s16  }
0xb6: {  	[dreg:$0x4] =	wrdreg $0xAE000  }
0xb7: {  	[dreg:$0x5] =	wrdreg $0x9  }
0xb8: {  	_ =	task.clear_ibuf [dreg:s7], $0x6FFFF;
	_ =	strace $0x90000046  }
0xb9: {  	s29 =	simm.s32 $0x9;
	_ =	strace $0x80000048  }
0xba: {  	_ =	swait.ge [sflag:s29], $0x1  }
0xbb: {  	[sflag:s29] =	ssyncadd.s32 $0xFFFFFFFF  }
0xbc: {  	_ =	strace $0x90000048  }
0xbd: {  	_ =	sfence  }
0xbe: {  	s30 =	sld [smem:$0x0];
	_ =	sdelay $0x2  }
0xbf: {  	s31 =	sshll.u32 s1, $0xD;
	s1 =	sshrl.u32 s1, $0x2  }
0xc0: {  	s3 =	sand.u32 $0x4000, s31;
	s1 =	sadd.s32 s1, s30  }
0xc1: {  	s0 =	sor.u32 s3, s0;
	s1 =	sshll.u32 s1, $0x11  }
0xc2: {  	s0 =	sor.u32 s1, s0  }
0xc3: {  	s0 =	sadd.s32 $0x8F2B, s0  }
0xc4: {  	[sflag:s0] =	ssyncadd.remote.s32 $0x1  }
0xc5: {  	_ =	sfence.sel $0xFFFF  }
0xc6: {  	[dreg:$0x0] =	wrdreg $0xFFFFFFFF;
	(pc) =	sbr.abs _section_cstart, $3  }
0xc7: {  	[dreg:$0x1] =	wrdreg $0xFFFFFFFF  }
0xc8: {  	_ =	task.clear_ibuf [dreg:s7], $0x2FFFF;
	_ =	strace $0x9FFFFFFF  }
0xc9: {  	(tm) =	ssettm $0x7FFFFFFF  }
tec
execute0_lowered:
.L_overlay_start_1:
0x0: {  	(tag) =	ssettag $0x1  }
0x1: {  	s0 =	srdreg.scid;
	s1 =	rddreg [dreg:$0x0]  }
0x2: {  	s8 =	stileid.u32;
	s9 =	rddreg [dreg:$0x2];
	s5 =	simm.s32 $0x0  }
0x3: {  	[smem:$0x7FF] =	sst s5;
	s18 =	smul.u32 $0x4E000, s8  }
0x4: {  	s0 =	sand.u32 $0x1, s0;
	s19 =	sadd.s32 $0x9DC600, s1;
	s21 =	sadd.s32 $0xA2A800, s1  }
0x5: {  	s11 =	sadd.s32 $0xE800, s1;
	_ =	strace $0x80000047;
	[smem:$0x7DA] =	sst s19  }
0x6: {  	s12 =	sadd.s32 $0x4A00, s1;
	s16 =	sadd.s32 $0x4FA800, s1;
	[smem:$0x7DB] =	sst s21  }
0x7: {  	s6 =	sadd.s32 $0xAC6C00, s1;
	s29 =	smul.u32 $0x13800, s8;
	[smem:$0x7E6] =	sst s16  }
0x8: {  	s2 =	sshll.u32 s0, $0x4;
	s20 =	ssub.s32 $0x2, s0;
	[smem:$0x7F7] =	sst s11  }
0x9: {  	s0 =	smul.u32 $0x138800, s0;
	[smem:$0x7F9] =	sst s12;
	s2 =	sor.u32 s8, s2  }
0xa: {  	s7 =	sshrl.u32 s20, $0x1;
	s3 =	smul.u32 $0x9C, s2;
	s4 =	smin.u32 s2, $0x8  }
0xb: {  	s22 =	ssub.s32 s20, s7;
	p0 =	slt.u32 s2, $0x8;
	s7 =	simm.s32 $0x9D  }
0xc: {  	s15 =	sadd.s32 s29, s0;
	s0 =	sshrl.u32 s0, $0x3;
	s17 =	smax.u32 s22, $0x1  }
0xd: {  	s2 =	sshrl.u32 s15, $0x3;
	s7 =	simm.s32 @!p0 $0x9C;
	[smem:$0x7E9] =	sst s17  }
0xe: {  	s0 =	sadd.s32 s6, s0;
	s2 =	sadd.s32 s6, s2;
	[smem:$0x7FC] =	sst s7  }
0xf: {  	s0 =	sadd.s32 $0x27000, s0;
	[smem:$0x7E5] =	sst s2  }
0x10: {  	s10 =	sadd.s32 s4, s3;
	s4 =	sshrl.u32 s18, $0x2;
	[smem:$0x7E8] =	sst s0  }
0x11: {  	s13 =	sadd.s32 s4, s9;
	[smem:$0x7F6] =	sst s10  }
0x12: {  	s23 =	sadd.s32 $0x1000, s13;
	[smem:$0x7F4] =	sst s13  }
0x13: {  	s24 =	sadd.s32 $0x2000, s13;
	[smem:$0x7DC] =	sst s23  }
0x14: {  	s25 =	sadd.s32 $0x3000, s13;
	[smem:$0x7DD] =	sst s24  }
0x15: {  	s26 =	sadd.s32 $0x4000, s13;
	[smem:$0x7DE] =	sst s25  }
0x16: {  	s28 =	sadd.s32 $0x5000, s13;
	[smem:$0x7DF] =	sst s26  }
0x17: {  	s30 =	sadd.s32 $0x6000, s13;
	[smem:$0x7E0] =	sst s28  }
0x18: {  	s31 =	sadd.s32 $0x7000, s13;
	[smem:$0x7E1] =	sst s30  }
0x19: {  	s3 =	sshll.u32 s10, $0xA;
	s14 =	sadd.s32 $0x8000, s13;
	[smem:$0x7E2] =	sst s31  }
0x1a: {  	s3 =	sadd.s32 s3, s1;
	s1 =	sadd.s32 $0x4FAA00, s1;
	[smem:$0x7E3] =	sst s14  }
0x1b: {  	s18 =	sadd.s32 $0x9000, s13;
	[smem:$0x7E7] =	sst s1  }
0x1c: {  	s19 =	sadd.s32 $0xA000, s13;
	[smem:$0x7EA] =	sst s18  }
0x1d: {  	s20 =	sadd.s32 $0xB000, s13;
	[smem:$0x7EB] =	sst s19  }
0x1e: {  	s21 =	sadd.s32 $0xC000, s13;
	[smem:$0x7EC] =	sst s20  }
0x1f: {  	s22 =	sadd.s32 $0xD000, s13;
	[smem:$0x7ED] =	sst s21  }
0x20: {  	s29 =	sadd.s32 $0x13000, s13;
	[smem:$0x7EE] =	sst s22  }
0x21: {  	s3 =	sadd.s32 $0x4FA600, s3;
	[smem:$0x7F5] =	sst s29  }
0x22: {  	s23 =	sadd.s32 $0xE000, s13;
	[smem:$0x7E4] =	sst s3  }
0x23: {  	s24 =	sadd.s32 $0xF000, s13;
	[smem:$0x7EF] =	sst s23  }
0x24: {  	s25 =	sadd.s32 $0x10000, s13;
	[smem:$0x7F0] =	sst s24  }
0x25: {  	s26 =	sadd.s32 $0x11000, s13;
	[smem:$0x7F1] =	sst s25  }
0x26: {  	s28 =	sadd.s32 $0x12000, s13;
	[smem:$0x7F2] =	sst s26  }
.Ltmp0:
0x27: {  	s30 =	sshll.u32 s10, $0x3;
	[smem:$0x7F3] =	sst s28;
	(pc) =	sbr.rel .LBB2_1-.Ltmp0, $4  }
0x28: {  	s31 =	sadd.s32 s11, s30;
	[smem:$0x7FA] =	sst s30  }
0x29: {  	v3 =	vlaneseq.u32;
	s0 =	sadd.s32 s12, s30;
	[smem:$0x7F8] =	sst s31  }
0x2a: {  	v0 =	vimm.f32 $0.0e+00;
	v1 =	vand.u32 $0x7, v3;
	v2 =	vshrl.u32 v3, $0x3;
	s3 =	sadd.s32 $0x138000, s9;
	[smem:$0x7FB] =	sst s0  }
0x2b: {  	vm0 =	vmmov $0xffff;
	v3 =	vor.u32 $0x8, v3;
	[tilespmem:$0x1FFF0] =	vst v1;
	v2 =	vmul.u32 $0x8, v2;
	p0 =	sne.s32 s8, $0x0;
	s2 =	simm.s32 $0x0;
	[smem:$0x7FD] =	sst s3  }
.LBB2_13:
0x2c: {  	[bflag:$0x0] =	sbarrier.arrive $0xFFFF  }
0x2d: {  	s1 =	sld [smem:$0x7F4]  }
0x2e: {  	s0 =	stileid.u32;
	s2 =	sld [smem:$0x7E5]  }
0x2f: {  	s0 =	sshll.u32 s0, $0x6  }
0x30: {  	s29 =	simm.s32 $0x7;
	s0 =	sor.u32 $0x1C07, s0;
	s1 =	sshrl.u32 s1, $0x3  }
0x31: {  	[hbm:s2], [sflag:s0] =	dma.local [spmem:s1], $0x2700  }
0x32: {  	_ =	swait.ge [sflag:s29], $0x2700  }
0x33: {  	s3 =	sld [smem:$0x7FD]  }
0x34: {  	s2 =	sld [smem:$0x7E8]  }
0x35: {  	[sflag:s29] =	ssyncset.done $0x0  }
0x36: {  	[sflag:s29] =	ssyncadd.s32 $0xFFFFD900;
	s1 =	sshrl.u32 @!p0 s3, $0x3  }
0x37: {  	[hbm:s2], [sflag:s0] =	dma.local @!p0 [spmem:s1], $0x100  }
0x38: {  	s0 =	simm.s32 @!p0 $0x7  }
0x39: {  	_ =	swait.ge @!p0 [sflag:s0], $0x100  }
0x3a: {  	s30 =	sld [smem:$0x7D9]  }
0x3b: {  	s31 =	sld [smem:$0x7E9];
	_ =	sdelay $0x1  }
0x3c: {  	s2 =	sadd.s32 $0x1, s30  }
0x3d: {  	p1 =	sne.s32 s2, s31  }
.Ltmp1:
0x3e: {  	_ = 	snop;
	(pc) =	sbr.rel @!p1 .LBB2_14-.Ltmp1, $3  }
0x3f: {  	_ =	sdelay $0x1  }
0x40: {  	[sflag:s0] =	ssyncset.done @!p0 $0x0  }
0x41: {  	[sflag:s0] =	ssyncadd.s32 @!p0 $0xFFFFFF00  }
.LBB2_1:
0x42: {  	[smem:$0x7D9] =	sst s2;
	s0 =	simm.s32 $0x8B00  }
0x43: {  	[tilespmem:s0+$0xFFFFFF00] =	vst v0  }
0x44: {  	[tilespmem:s0+$0xF0] =	vst v0  }
0x45: {  	[tilespmem:s0+$0xE0] =	vst v0  }
0x46: {  	[tilespmem:s0+$0xD0] =	vst v0  }
0x47: {  	[tilespmem:s0+$0xC0] =	vst v0  }
0x48: {  	[tilespmem:s0+$0xB0] =	vst v0  }
0x49: {  	[tilespmem:s0+$0xA0] =	vst v0  }
0x4a: {  	[tilespmem:s0+$0x90] =	vst v0  }
0x4b: {  	[tilespmem:s0+$0x80] =	vst v0  }
0x4c: {  	[tilespmem:s0+$0x70] =	vst v0  }
0x4d: {  	[tilespmem:s0+$0x60] =	vst v0  }
0x4e: {  	[tilespmem:s0+$0x50] =	vst v0  }
0x4f: {  	[tilespmem:s0+$0x40] =	vst v0  }
0x50: {  	[tilespmem:s0+$0x30] =	vst v0  }
0x51: {  	[tilespmem:s0+$0x20] =	vst v0  }
0x52: {  	[tilespmem:s0+$0x10] =	vst v0  }
0x53: {  	[tilespmem:s0+$0x0] =	vst v0  }
0x54: {  	[tilespmem:s0+$0xFFFFFFF0] =	vst v0  }
0x55: {  	[tilespmem:s0+$0xFFFFFFE0] =	vst v0  }
0x56: {  	[tilespmem:s0+$0xFFFFFFD0] =	vst v0  }
0x57: {  	[tilespmem:s0+$0xFFFFFFC0] =	vst v0  }
0x58: {  	[tilespmem:s0+$0xFFFFFFB0] =	vst v0  }
0x59: {  	[tilespmem:s0+$0xFFFFFFA0] =	vst v0  }
0x5a: {  	[tilespmem:s0+$0xFFFFFF90] =	vst v0  }
0x5b: {  	[tilespmem:s0+$0xFFFFFF80] =	vst v0  }
0x5c: {  	[tilespmem:s0+$0xFFFFFF70] =	vst v0  }
0x5d: {  	[tilespmem:s0+$0xFFFFFF60] =	vst v0  }
0x5e: {  	[tilespmem:s0+$0xFFFFFF50] =	vst v0  }
0x5f: {  	[tilespmem:s0+$0xFFFFFF40] =	vst v0  }
0x60: {  	[tilespmem:s0+$0xFFFFFF30] =	vst v0  }
0x61: {  	s1 =	simm.s32 $0x0;
	[tilespmem:s0+$0xFFFFFF20] =	vst v0  }
.LBB2_2:
0x62: {  	s1 =	sadd.s32 $0x4, s1;
	[tilespmem:s0+$0xFFFFFF10] =	vst v0;
	s0 =	sadd.s32 $0x200, s0  }
0x63: {  	[tilespmem:s0+$0xFFFFFF00] =	vst v0;
	p1 =	slt.u32 s1, $0x1C  }
0x64: {  	[tilespmem:s0+$0xF0] =	vst v0  }
0x65: {  	[tilespmem:s0+$0xE0] =	vst v0  }
0x66: {  	[tilespmem:s0+$0xD0] =	vst v0  }
0x67: {  	[tilespmem:s0+$0xC0] =	vst v0  }
0x68: {  	[tilespmem:s0+$0xB0] =	vst v0  }
0x69: {  	[tilespmem:s0+$0xA0] =	vst v0  }
0x6a: {  	[tilespmem:s0+$0x90] =	vst v0  }
0x6b: {  	[tilespmem:s0+$0x80] =	vst v0  }
0x6c: {  	[tilespmem:s0+$0x70] =	vst v0  }
0x6d: {  	[tilespmem:s0+$0x60] =	vst v0  }
0x6e: {  	[tilespmem:s0+$0x50] =	vst v0  }
0x6f: {  	[tilespmem:s0+$0x40] =	vst v0  }
0x70: {  	[tilespmem:s0+$0x30] =	vst v0  }
0x71: {  	[tilespmem:s0+$0x20] =	vst v0  }
0x72: {  	[tilespmem:s0+$0x10] =	vst v0  }
0x73: {  	[tilespmem:s0+$0x0] =	vst v0  }
0x74: {  	[tilespmem:s0+$0xFFFFFFF0] =	vst v0  }
0x75: {  	[tilespmem:s0+$0xFFFFFFE0] =	vst v0  }
0x76: {  	[tilespmem:s0+$0xFFFFFFD0] =	vst v0  }
0x77: {  	[tilespmem:s0+$0xFFFFFFC0] =	vst v0  }
0x78: {  	[tilespmem:s0+$0xFFFFFFB0] =	vst v0  }
0x79: {  	[tilespmem:s0+$0xFFFFFFA0] =	vst v0  }
0x7a: {  	[tilespmem:s0+$0xFFFFFF90] =	vst v0  }
0x7b: {  	[tilespmem:s0+$0xFFFFFF80] =	vst v0  }
0x7c: {  	[tilespmem:s0+$0xFFFFFF70] =	vst v0  }
.Ltmp2:
0x7d: {  	[tilespmem:s0+$0xFFFFFF60] =	vst v0;
	(pc) =	sbr.rel @p1 .LBB2_2-.Ltmp2, $4  }
0x7e: {  	[tilespmem:s0+$0xFFFFFF50] =	vst v0  }
0x7f: {  	[tilespmem:s0+$0xFFFFFF40] =	vst v0  }
0x80: {  	[tilespmem:s0+$0xFFFFFF30] =	vst v0  }
0x81: {  	[tilespmem:s0+$0xFFFFFF20] =	vst v0  }
0x82: {  	[tilespmem:s0+$0xFFFFFF10] =	vst v0  }
0x83: {  	s0 =	sld [smem:$0x7F4];
	_ =	sdelay $0x1  }
0x84: {  	s1 =	simm.s32 $0x8A00;
	s2 =	simm.s32 $0x7  }
0x85: {  	[spmem:s0] =	stream.linear.scatter [tilespmem:s1], [sflag:$0x7], $0x1000, $0x38;
	[tilespmem:$0x1E680] =	vst v63  }
0x86: {  	_ =	swait.ge [sflag:s2], $0x1000  }
0x87: {  	s24 =	sld [smem:$0x7DC]  }
0x88: {  	[sflag:s2] =	ssyncset.done $0x0  }
0x89: {  	[sflag:s2] =	ssyncadd.s32 $0xFFFFF000  }
0x8a: {  	[spmem:s24] =	stream.linear.scatter [tilespmem:s1], [sflag:$0x7], $0x1000, $0x38;
	[tilespmem:$0x1E680] =	vst v63  }
0x8b: {  	_ =	swait.ge [sflag:s2], $0x1000  }
0x8c: {  	s25 =	sld [smem:$0x7DD]  }
0x8d: {  	[sflag:s2] =	ssyncset.done $0x0  }
0x8e: {  	[sflag:s2] =	ssyncadd.s32 $0xFFFFF000  }
0x8f: {  	[spmem:s25] =	stream.linear.scatter [tilespmem:s1], [sflag:$0x7], $0x1000, $0x38;
	[tilespmem:$0x1E680] =	vst v63  }
0x90: {  	_ =	swait.ge [sflag:s2], $0x1000  }
0x91: {  	s26 =	sld [smem:$0x7DE]  }
0x92: {  	[sflag:s2] =	ssyncset.done $0x0  }
0x93: {  	[sflag:s2] =	ssyncadd.s32 $0xFFFFF000  }
0x94: {  	[spmem:s26] =	stream.linear.scatter [tilespmem:s1], [sflag:$0x7], $0x1000, $0x38;
	[tilespmem:$0x1E680] =	vst v63  }
0x95: {  	_ =	swait.ge [sflag:s2], $0x1000  }
0x96: {  	s28 =	sld [smem:$0x7DF]  }
0x97: {  	[sflag:s2] =	ssyncset.done $0x0  }
0x98: {  	[sflag:s2] =	ssyncadd.s32 $0xFFFFF000  }
0x99: {  	[spmem:s28] =	stream.linear.scatter [tilespmem:s1], [sflag:$0x7], $0x1000, $0x38;
	[tilespmem:$0x1E680] =	vst v63  }
0x9a: {  	_ =	swait.ge [sflag:s2], $0x1000  }
0x9b: {  	s29 =	sld [smem:$0x7E0]  }
0x9c: {  	[sflag:s2] =	ssyncset.done $0x0  }
0x9d: {  	[sflag:s2] =	ssyncadd.s32 $0xFFFFF000  }
0x9e: {  	[spmem:s29] =	stream.linear.scatter [tilespmem:s1], [sflag:$0x7], $0x1000, $0x38;
	[tilespmem:$0x1E680] =	vst v63  }
0x9f: {  	_ =	swait.ge [sflag:s2], $0x1000  }
0xa0: {  	s30 =	sld [smem:$0x7E1]  }
0xa1: {  	[sflag:s2] =	ssyncset.done $0x0  }
0xa2: {  	[sflag:s2] =	ssyncadd.s32 $0xFFFFF000  }
0xa3: {  	[spmem:s30] =	stream.linear.scatter [tilespmem:s1], [sflag:$0x7], $0x1000, $0x38;
	[tilespmem:$0x1E680] =	vst v63  }
0xa4: {  	_ =	swait.ge [sflag:s2], $0x1000  }
0xa5: {  	s31 =	sld [smem:$0x7E2]  }
0xa6: {  	[sflag:s2] =	ssyncset.done $0x0  }
0xa7: {  	[sflag:s2] =	ssyncadd.s32 $0xFFFFF000  }
0xa8: {  	[spmem:s31] =	stream.linear.scatter [tilespmem:s1], [sflag:$0x7], $0x1000, $0x38;
	[tilespmem:$0x1E680] =	vst v63  }
0xa9: {  	_ =	swait.ge [sflag:s2], $0x1000  }
0xaa: {  	s4 =	sld [smem:$0x7E3]  }
0xab: {  	[sflag:s2] =	ssyncset.done $0x0  }
0xac: {  	[sflag:s2] =	ssyncadd.s32 $0xFFFFF000  }
0xad: {  	[spmem:s4] =	stream.linear.scatter [tilespmem:s1], [sflag:$0x7], $0x1000, $0x38;
	[tilespmem:$0x1E680] =	vst v63  }
0xae: {  	_ =	swait.ge [sflag:s2], $0x1000  }
0xaf: {  	s5 =	sld [smem:$0x7EA]  }
0xb0: {  	[sflag:s2] =	ssyncset.done $0x0  }
0xb1: {  	[sflag:s2] =	ssyncadd.s32 $0xFFFFF000  }
0xb2: {  	[spmem:s5] =	stream.linear.scatter [tilespmem:s1], [sflag:$0x7], $0x1000, $0x38;
	[tilespmem:$0x1E680] =	vst v63  }
0xb3: {  	_ =	swait.ge [sflag:s2], $0x1000  }
0xb4: {  	s6 =	sld [smem:$0x7EB]  }
0xb5: {  	[sflag:s2] =	ssyncset.done $0x0  }
0xb6: {  	[sflag:s2] =	ssyncadd.s32 $0xFFFFF000  }
0xb7: {  	[spmem:s6] =	stream.linear.scatter [tilespmem:s1], [sflag:$0x7], $0x1000, $0x38;
	[tilespmem:$0x1E680] =	vst v63  }
0xb8: {  	_ =	swait.ge [sflag:s2], $0x1000  }
0xb9: {  	s8 =	sld [smem:$0x7EC]  }
0xba: {  	[sflag:s2] =	ssyncset.done $0x0  }
0xbb: {  	[sflag:s2] =	ssyncadd.s32 $0xFFFFF000  }
0xbc: {  	[spmem:s8] =	stream.linear.scatter [tilespmem:s1], [sflag:$0x7], $0x1000, $0x38;
	[tilespmem:$0x1E680] =	vst v63  }
0xbd: {  	_ =	swait.ge [sflag:s2], $0x1000  }
0xbe: {  	s9 =	sld [smem:$0x7ED]  }
0xbf: {  	[sflag:s2] =	ssyncset.done $0x0  }
0xc0: {  	[sflag:s2] =	ssyncadd.s32 $0xFFFFF000  }
0xc1: {  	[spmem:s9] =	stream.linear.scatter [tilespmem:s1], [sflag:$0x7], $0x1000, $0x38;
	[tilespmem:$0x1E680] =	vst v63  }
0xc2: {  	_ =	swait.ge [sflag:s2], $0x1000  }
0xc3: {  	s10 =	sld [smem:$0x7EE]  }
0xc4: {  	[sflag:s2] =	ssyncset.done $0x0  }
0xc5: {  	[sflag:s2] =	ssyncadd.s32 $0xFFFFF000  }
0xc6: {  	[spmem:s10] =	stream.linear.scatter [tilespmem:s1], [sflag:$0x7], $0x1000, $0x38;
	[tilespmem:$0x1E680] =	vst v63  }
0xc7: {  	_ =	swait.ge [sflag:s2], $0x1000  }
0xc8: {  	s11 =	sld [smem:$0x7EF]  }
0xc9: {  	[sflag:s2] =	ssyncset.done $0x0  }
0xca: {  	[sflag:s2] =	ssyncadd.s32 $0xFFFFF000  }
0xcb: {  	[spmem:s11] =	stream.linear.scatter [tilespmem:s1], [sflag:$0x7], $0x1000, $0x38;
	[tilespmem:$0x1E680] =	vst v63  }
0xcc: {  	_ =	swait.ge [sflag:s2], $0x1000  }
0xcd: {  	s12 =	sld [smem:$0x7F0]  }
0xce: {  	[sflag:s2] =	ssyncset.done $0x0  }
0xcf: {  	[sflag:s2] =	ssyncadd.s32 $0xFFFFF000  }
0xd0: {  	[spmem:s12] =	stream.linear.scatter [tilespmem:s1], [sflag:$0x7], $0x1000, $0x38;
	[tilespmem:$0x1E680] =	vst v63  }
0xd1: {  	_ =	swait.ge [sflag:s2], $0x1000  }
0xd2: {  	s13 =	sld [smem:$0x7F1]  }
0xd3: {  	[sflag:s2] =	ssyncset.done $0x0  }
0xd4: {  	[sflag:s2] =	ssyncadd.s32 $0xFFFFF000  }
0xd5: {  	[spmem:s13] =	stream.linear.scatter [tilespmem:s1], [sflag:$0x7], $0x1000, $0x38;
	[tilespmem:$0x1E680] =	vst v63  }
0xd6: {  	_ =	swait.ge [sflag:s2], $0x1000  }
0xd7: {  	s14 =	sld [smem:$0x7F2]  }
0xd8: {  	[sflag:s2] =	ssyncset.done $0x0  }
0xd9: {  	[sflag:s2] =	ssyncadd.s32 $0xFFFFF000  }
0xda: {  	[spmem:s14] =	stream.linear.scatter [tilespmem:s1], [sflag:$0x7], $0x1000, $0x38;
	[tilespmem:$0x1E680] =	vst v63  }
0xdb: {  	_ =	swait.ge [sflag:s2], $0x1000  }
0xdc: {  	s15 =	sld [smem:$0x7F3]  }
0xdd: {  	[sflag:s2] =	ssyncset.done $0x0  }
0xde: {  	[sflag:s2] =	ssyncadd.s32 $0xFFFFF000  }
0xdf: {  	[spmem:s15] =	stream.linear.scatter [tilespmem:s1], [sflag:$0x7], $0x1000, $0x38;
	[tilespmem:$0x1E680] =	vst v63  }
0xe0: {  	_ =	swait.ge [sflag:s2], $0x1000  }
0xe1: {  	s16 =	sld [smem:$0x7F5]  }
0xe2: {  	[sflag:s2] =	ssyncset.done $0x0  }
0xe3: {  	[sflag:s2] =	ssyncadd.s32 $0xFFFFF000  }
0xe4: {  	[spmem:s16] =	stream.linear.scatter [tilespmem:s1], [sflag:$0x7], $0x800, $0x38;
	[tilespmem:$0x1E680] =	vst v63  }
0xe5: {  	_ =	swait.ge [sflag:s2], $0x800  }
0xe6: {  	[sflag:s2] =	ssyncset.done $0x0  }
0xe7: {  	s0 =	simm.s32 @!p0 $0x8A00;
	[sflag:s2] =	ssyncadd.s32 $0xFFFFF800  }
0xe8: {  	[spmem:s3] =	stream.linear.scatter @!p0 [tilespmem:s0], [sflag:$0x7], $0x800, $0x38;
	[tilespmem:$0x1E680] =	vst v63  }
0xe9: {  	s0 =	simm.s32 @!p0 $0x7  }
0xea: {  	_ =	swait.ge @!p0 [sflag:s0], $0x800  }
0xeb: {  	[sflag:s0] =	ssyncset.done @!p0 $0x0  }
0xec: {  	[sflag:s0] =	ssyncadd.s32 @!p0 $0xFFFFF800  }
0xed: {  	[bflag:$0x0] =	sbarrier.arrive $0xFFFF  }
0xee: {  	s17 =	sld [smem:$0x7F8];
	_ =	sdelay $0x1  }
0xef: {  	s5 =	simm.s32 $0x0  }
0xf0: {  	[tilespmem:s5], [sflag:$0x7] =	stream.linear.gather [hbm4b:s17+s5], $0x200, $0x38;
	[tilespmem:$0x1E680] =	vst v63  }
0xf1: {  	_ =	swait.ge [sflag:s2], $0x200  }
0xf2: {  	s18 =	sld [smem:$0x7FB]  }
0xf3: {  	[sflag:s2] =	ssyncset.done $0x0  }
0xf4: {  	s19 =	simm.s32 $0x400;
	[sflag:s2] =	ssyncadd.s32 $0xFFFFFE00  }
0xf5: {  	[tilespmem:s19], [sflag:$0x7] =	stream.linear.gather [hbm4b:s18+s5], $0x200, $0x38;
	[tilespmem:$0x1E680] =	vst v63  }
0xf6: {  	_ =	swait.ge [sflag:s2], $0x200  }
0xf7: {  	[sflag:s2] =	ssyncset.done $0x0  }
0xf8: {  	[sflag:s2] =	ssyncadd.s32 $0xFFFFFE00  }
0xf9: {  	v4 =	vld [tilespmem:$0x0];
	_ =	sdelay $0x4  }
0xfa: {  	[tilespmem:$0x800] =	vst v4  }
0xfb: {  	v4 =	vld [tilespmem:$0x800];
	_ =	sdelay $0x2  }
0xfc: {  	v1 =	vld [tilespmem:$0x1FFF0];
	_ =	sdelay $0x1  }
0xfd: {  	v5 =	vshll.u32 v4, $0x1  }
0xfe: {  	v4 =	vand.u32 $0x7, v4;
	v5 =	vand.u32 $0xFFFFFFF0, v5  }
0xff: {  	v6 =	vld [tilespmem:$0x400];
	v4 =	vor.u32 v4, v5  }
0x100: {  	v8 =	vld [tilespmem:$0x410];
	v7 =	vperm.xlane v4, v1  }
0x101: {  	v5 =	vld [tilespmem:$0x10]  }
0x102: {  	v4 =	vperm.xlane v4, v3;
	v7 =	vadd.s32 v2, v7;
	_ =	sdelay $0x1  }
0x103: {  	s20 =	sld [smem:$0x7DA];
	[tilespmem:$0x900] =	vst v6;
	v4 =	vadd.s32 v2, v4  }
0x104: {  	[tilespmem:$0x910] =	vst v8  }
0x105: {  	s21 =	simm.s32 $0xA00;
	[tilespmem:$0x810] =	vst v5  }
0x106: {  	[tilespmem:s21], [sflag:$0x1] =	stream.indirect_vreg.gather [hbm4b:s20+s5], $0x80, v7, vm0, $0xb8;
	[tilespmem:$0x1E680] =	vst v63  }
0x107: {  	s22 =	simm.s32 $0x1200  }
0x108: {  	[tilespmem:s22], [sflag:$0x1] =	stream.indirect_vreg.gather [hbm4b:s20+s5], $0x80, v4, vm0, $0xb8;
	[tilespmem:$0x1E680] =	vst v63  }
0x109: {  	v4 =	vld [tilespmem:$0x810];
	_ =	sdelay $0x4  }
0x10a: {  	v5 =	vshll.u32 v4, $0x1  }
0x10b: {  	v4 =	vand.u32 $0x7, v4;
	v5 =	vand.u32 $0xFFFFFFF0, v5  }
0x10c: {  	v4 =	vor.u32 v4, v5  }
0x10d: {  	v5 =	vperm.xlane v4, v1;
	_ =	sdelay $0x1  }
0x10e: {  	v4 =	vperm.xlane v4, v3;
	v5 =	vadd.s32 v2, v5;
	_ =	sdelay $0x1  }
0x10f: {  	v4 =	vadd.s32 v2, v4;
	_ =	sdelay $0x1  }
0x110: {  	s23 =	simm.s32 $0x1A00  }
0x111: {  	[tilespmem:s23], [sflag:$0x1] =	stream.indirect_vreg.gather [hbm4b:s20+s5], $0x80, v5, vm0, $0xb8;
	[tilespmem:$0x1E680] =	vst v63  }
0x112: {  	s24 =	simm.s32 $0x2200  }
0x113: {  	[tilespmem:s24], [sflag:$0x1] =	stream.indirect_vreg.gather [hbm4b:s20+s5], $0x80, v4, vm0, $0xb8;
	[tilespmem:$0x1E680] =	vst v63  }
.Ltmp3:
0x114: {  	s26 =	simm.s32 $0x20;
	s30 =	sld [smem:$0x7E4];
	(pc) =	sbr.rel .LBB2_4-.Ltmp3, $4  }
0x115: {  	s28 =	simm.s32 $0x900;
	s29 =	simm.s32 $0x4A00;
	s25 =	rddreg [dreg:$0x1]  }
0x116: {  	[tilespmem:s29], [sflag:$0x3] =	stream.indirect.gather [hbm4b:s25+s26], $0x80, s28, s26, $0xb8;
	[tilespmem:$0x1E680] =	vst v63  }
0x117: {  	s31 =	simm.s32 $0x6A00  }
0x118: {  	[tilespmem:s31], [sflag:$0x5] =	stream.linear.gather [hbm4b:s30+s5], $0x1000, $0x38;
	[tilespmem:$0x1E680] =	vst v63  }
.LBB2_12:
0x119: {  	p1 =	sne.s32 s5, $0x9D  }
.Ltmp4:
0x11a: {  	_ = 	snop;
	(pc) =	sbr.rel @!p1 .LBB2_13-.Ltmp4, $1  }
0x11b: {  	_ =	sdelay $0x3  }
.LBB2_4:
0x11c: {  	s0 =	sand.u32 $0x7, s5  }
0x11d: {  	p2 =	sne.s32 s0, $0x0  }
0x11e: {  	s2 =	sld [smem:$0x7FA];
	s0 =	sshrl.u32 @!p2 s5, $0x3  }
0x11f: {  	s0 =	sadd.s32 @!p2 $0x1, s0  }
0x120: {  	s1 =	sshll.u32 @!p2 s0, $0x6  }
0x121: {  	s1 =	sadd.s32 @!p2 s2, s1;
	s2 =	sld [smem:$0x7F7];
	_ =	sdelay $0x1  }
0x122: {  	s0 =	sshll.u32 @!p2 s0, $0x9  }
0x123: {  	s3 =	simm.s32 @!p2 $0x0;
	s0 =	sand.u32 @!p2 $0x200, s0;
	s2 =	sadd.s32 @!p2 s2, s1  }
0x124: {  	[tilespmem:s0], [sflag:$0x8] =	stream.linear.gather @!p2 [hbm4b:s2+s3], $0x200, $0x38;
	[tilespmem:$0x1E680] =	vst v63  }
0x125: {  	s2 =	simm.s32 @!p2 $0x8  }
0x126: {  	_ =	swait.ge @!p2 [sflag:s2], $0x200  }
0x127: {  	s4 =	sld [smem:$0x7F9];
	_ =	sdelay $0x1  }
0x128: {  	[sflag:s2] =	ssyncset.done @!p2 $0x0  }
0x129: {  	s0 =	sor.u32 @!p2 $0x400, s0;
	[sflag:s2] =	ssyncadd.s32 @!p2 $0xFFFFFE00;
	s1 =	sadd.s32 @!p2 s4, s1  }
0x12a: {  	[tilespmem:s0], [sflag:$0x8] =	stream.linear.gather @!p2 [hbm4b:s1+s3], $0x200, $0x38;
	[tilespmem:$0x1E680] =	vst v63  }
0x12b: {  	p1 =	sge.u32 s5, s7;
	_ =	swait.ge @!p2 [sflag:s2], $0x200  }
.Ltmp5:
0x12c: {  	s31 =	sld [smem:$0x7F6];
	(pc) =	sbr.rel @p1 .LBB2_8-.Ltmp5, $3  }
0x12d: {  	_ =	sdelay $0x1  }
0x12e: {  	[sflag:s2] =	ssyncset.done @!p2 $0x0;
	s6 =	sadd.s32 s31, s5  }
0x12f: {  	[sflag:s2] =	ssyncadd.s32 @!p2 $0xFFFFFE00;
	[smem:$0x7D8] =	sst s6  }
0x130: {  	s0 =	sshll.u32 s5, $0x6  }
0x131: {  	s0 =	sand.u32 $0x3C0, s0  }
0x132: {  	v4 =	vld [tilespmem:s0+$0x20];
	_ =	sdelay $0x4  }
0x133: {  	[tilespmem:$0x880] =	vst v4  }
0x134: {  	v4 =	vld [tilespmem:s0+$0x420];
	_ =	sdelay $0x2  }
0x135: {  	v5 =	vld [tilespmem:$0x880];
	_ =	sdelay $0x1  }
0x136: {  	v1 =	vld [tilespmem:$0x1FFF0];
	[tilespmem:$0x980] =	vst v4  }
0x137: {  	v4 =	vld [tilespmem:s0+$0x30];
	_ =	sdelay $0x1  }
0x138: {  	v6 =	vshll.u32 v5, $0x1  }
0x139: {  	v5 =	vand.u32 $0x7, v5;
	v6 =	vand.u32 $0xFFFFFFF0, v6  }
0x13a: {  	v5 =	vor.u32 v5, v6  }
0x13b: {  	[tilespmem:$0x890] =	vst v4;
	v4 =	vperm.xlane v5, v1  }
0x13c: {  	v6 =	vld [tilespmem:s0+$0x430]  }
0x13d: {  	v5 =	vperm.xlane v5, v3;
	v4 =	vadd.s32 v2, v4;
	_ =	sdelay $0x1  }
0x13e: {  	s21 =	sld [smem:$0x7DA];
	v5 =	vadd.s32 v2, v5;
	_ =	sdelay $0x1  }
0x13f: {  	s13 =	simm.s32 $0x0;
	s1 =	simm.s32 $0x2A00;
	[tilespmem:$0x990] =	vst v6  }
0x140: {  	[tilespmem:s1], [sflag:$0x2] =	stream.indirect_vreg.gather [hbm4b:s21+s13], $0x80, v4, vm0, $0xb8;
	[tilespmem:$0x1E680] =	vst v63  }
0x141: {  	s22 =	simm.s32 $0x3200  }
0x142: {  	[tilespmem:s22], [sflag:$0x2] =	stream.indirect_vreg.gather [hbm4b:s21+s13], $0x80, v5, vm0, $0xb8;
	[tilespmem:$0x1E680] =	vst v63  }
0x143: {  	v4 =	vld [tilespmem:$0x890];
	_ =	sdelay $0x4  }
0x144: {  	v5 =	vshll.u32 v4, $0x1  }
0x145: {  	v4 =	vand.u32 $0x7, v4;
	v5 =	vand.u32 $0xFFFFFFF0, v5  }
0x146: {  	v4 =	vor.u32 v4, v5  }
0x147: {  	v5 =	vperm.xlane v4, v1;
	_ =	sdelay $0x1  }
0x148: {  	v4 =	vperm.xlane v4, v3;
	v5 =	vadd.s32 v2, v5;
	_ =	sdelay $0x1  }
0x149: {  	v4 =	vadd.s32 v2, v4;
	_ =	sdelay $0x1  }
0x14a: {  	s23 =	simm.s32 $0x3A00  }
0x14b: {  	[tilespmem:s23], [sflag:$0x2] =	stream.indirect_vreg.gather [hbm4b:s21+s13], $0x80, v5, vm0, $0xb8;
	[tilespmem:$0x1E680] =	vst v63  }
0x14c: {  	s24 =	simm.s32 $0x4200;
	s25 =	rddreg [dreg:$0x1];
	s26 =	simm.s32 $0x20  }
0x14d: {  	[tilespmem:s24], [sflag:$0x2] =	stream.indirect_vreg.gather [hbm4b:s21+s13], $0x80, v4, vm0, $0xb8;
	[tilespmem:$0x1E680] =	vst v63  }
0x14e: {  	s2 =	simm.s32 $0x980;
	s3 =	simm.s32 $0x5A00;
	s4 =	sld [smem:$0x7E6]  }
0x14f: {  	[tilespmem:s3], [sflag:$0x4] =	stream.indirect.gather [hbm4b:s25+s26], $0x80, s2, s26, $0xb8;
	[tilespmem:$0x1E680] =	vst v63  }
0x150: {  	s3 =	sshll.u32 s6, $0xA  }
0x151: {  	[smem:$0x7D7] =	sst s5;
	s0 =	sand.u32 $0x1FFFFC00, s3  }
0x152: {  	s5 =	simm.s32 $0x7A00;
	s6 =	simm.s32 $0x1;
	s0 =	sadd.s32 s0, s4  }
0x153: {  	[tilespmem:s5], [sflag:$0x6] =	stream.linear.gather [hbm4b:s0+s13], $0x1000, $0x38;
	[tilespmem:$0x1E680] =	vst v63  }
0x154: {  	_ =	swait.ge [sflag:s6], $0x2000  }
0x155: {  	[sflag:s6] =	ssyncset.done $0x0  }
0x156: {  	s7 =	simm.s32 $0x3;
	[sflag:s6] =	ssyncadd.s32 $0xFFFFE000  }
0x157: {  	_ =	swait.ge [sflag:s7], $0x1000  }
0x158: {  	[sflag:s7] =	ssyncset.done $0x0  }
0x159: {  	s8 =	simm.s32 $0x5;
	[sflag:s7] =	ssyncadd.s32 $0xFFFFF000  }
0x15a: {  	s10 =	simm.s32 $0x180;
	_ =	swait.ge [sflag:s8], $0x1000  }
0x15b: {  	s12 =	simm.s32 $0x4B00;
	s9 =	sand.u32 $0x1800, s13;
	[sflag:s8] =	ssyncset.done $0x0  }
0x15c: {  	s14 =	sand.u32 $0x380, s10;
	s11 =	sadd.s32 $0xA00, s9;
	[sflag:s8] =	ssyncadd.s32 $0xFFFFF000  }
0x15d: {  	s1 =	sadd.s32 s14, s11;
	v4 =	vld [tilespmem:s12+$0x80]  }
0x15e: {  	v5 =	vld [tilespmem:s1+$0x0]  }
0x15f: {  	s15 =	simm.s32 $0x6B00;
	v6 =	vld [tilespmem:s1+$0x40]  }
0x160: {  	v7 =	vld [tilespmem:s15+$0x80];
	_ =	sdelay $0x2  }
0x161: {  	s4 =	simm.s32 $0x80;
	v8 =	vshll.u32 v4, $0x10;
	v9 =	vshll.u32 v5, $0x10  }
0x162: {  	s21 =	simm.s32 $0x100;
	s18 =	sand.u32 $0x280, s4;
	v4 =	vand.u32 $0xFFFF0000, v4;
	v8 =	vadd.f32 v8, v9;
	v9 =	vshll.u32 v6, $0x10  }
0x163: {  	s19 =	sand.u32 $0x300, s21;
	s4 =	sadd.s32 s18, s11;
	v10 =	vshll.u32 v7, $0x10;
	v4 =	vadd.f32 v4, v9  }
0x164: {  	s3 =	sadd.s32 s19, s11;
	v11 =	vld [tilespmem:s4+$0x40];
	v7 =	vand.u32 $0xFFFF0000, v7;
	v8 =	vadd.f32 v10, v8  }
0x165: {  	s17 =	sand.u32 $0x200, s13;
	v12 =	vld [tilespmem:s3+$0x0];
	v4 =	vadd.f32 v7, v4  }
0x166: {  	s10 =	sadd.s32 s17, s11;
	v14 =	vld [tilespmem:s12+$0x0];
	v8 =	vsub.f32 $0.0e+00, v8  }
0x167: {  	v9 =	vld [tilespmem:s10+$0x0];
	v4 =	vsub.f32 $0.0e+00, v4  }
0x168: {  	v10 =	vld [tilespmem:s4+$0x0];
	v8 =	vmul.f32 $1.442695020e+00, v8  }
0x169: {  	v7 =	vld [tilespmem:s10+$0x40];
	v13 =	vmul.f32 $1.442695020e+00, v4  }
0x16a: {  	(erf) = vpow2.f32 v8;
	v8 =	vld [tilespmem:s12+$0xFFFFFF00]  }
0x16b: {  	(erf) = vpow2.f32 v13;
	v13 =	vld [tilespmem:s12+$0xFFFFFF80];
	_ =	sdelay $0x1  }
0x16c: {  	v18 =	vld [tilespmem:s15+$0xFFFFFF00];
	v20 =	vshll.u32 v12, $0x10;
	v25 =	vshll.u32 v14, $0x10  }
0x16d: {  	v22 =	vld [tilespmem:s15+$0xFFFFFF80];
	v19 =	vshll.u32 v11, $0x10;
	v20 =	vadd.f32 v25, v20;
	v15 =	vshll.u32 v9, $0x10  }
0x16e: {  	v17 =	vshll.u32 v10, $0x10;
	v16 =	vshll.u32 v7, $0x10;
	v23 =	vshll.u32 v8, $0x10  }
0x16f: {  	v8 =	vand.u32 $0xFFFF0000, v8;
	v24 =	vshll.u32 v13, $0x10;
	v15 =	vadd.f32 v23, v15  }
0x170: {  	v13 =	vand.u32 $0xFFFF0000, v13;
	v8 =	vadd.f32 v8, v16;
	v16 =	vadd.f32 v24, v17  }
0x171: {  	v23 =	vld [tilespmem:s15+$0x0];
	v24 =	vshll.u32 v18, $0x10;
	v13 =	vadd.f32 v13, v19;
	v18 =	vand.u32 $0xFFFF0000, v18  }
0x172: {  	v25 =	vshll.u32 v22, $0x10;
	v15 =	vadd.f32 v24, v15;
	v8 =	vadd.f32 v18, v8;
	v17 =	vpop (erf)  }
0x173: {  	v4 =	vld [tilespmem:s3+$0x40];
	v16 =	vadd.f32 v25, v16;
	v17 =	vadd.f32 $1.000000000e+00, v17;
	v19 =	vpop (erf)  }
0x174: {  	v15 =	vsub.f32 $0.0e+00, v15;
	v19 =	vadd.f32 $1.000000000e+00, v19  }
0x175: {  	v8 =	vsub.f32 $0.0e+00, v8;
	(erf) = vrcp.f32 v17;
	v17 =	vand.u32 $0xFFFF0000, v22  }
0x176: {  	v18 =	vshll.u32 v23, $0x10;
	(erf) = vrcp.f32 v19;
	v13 =	vadd.f32 v17, v13  }
0x177: {  	v14 =	vand.u32 $0xFFFF0000, v14;
	v16 =	vsub.f32 $0.0e+00, v16;
	v17 =	vadd.f32 v18, v20  }
0x178: {  	v21 =	vshll.u32 v4, $0x10;
	v15 =	vmul.f32 $1.442695020e+00, v15;
	v13 =	vsub.f32 $0.0e+00, v13  }
0x179: {  	v8 =	vmul.f32 $1.442695020e+00, v8;
	v16 =	vmul.f32 $1.442695020e+00, v16;
	v17 =	vsub.f32 $0.0e+00, v17  }
0x17a: {  	v14 =	vadd.f32 v14, v21;
	(erf) = vpow2.f32 v15;
	v13 =	vmul.f32 $1.442695020e+00, v13  }
0x17b: {  	v18 =	vand.u32 $0xFFFF0000, v23;
	(erf) = vpow2.f32 v8;
	v8 =	vmul.f32 $1.442695020e+00, v17  }
0x17c: {  	v14 =	vadd.f32 v18, v14  }
0x17d: {  	(erf) = vpow2.f32 v16  }
0x17e: {  	v14 =	vsub.f32 $0.0e+00, v14;
	(erf) = vpow2.f32 v13;
	v13 =	vpop (erf)  }
0x17f: {  	v6 =	vand.u32 $0xFFFF0000, v6;
	(erf) = vpow2.f32 v8;
	v8 =	vpop (erf)  }
0x180: {  	v5 =	vand.u32 $0xFFFF0000, v5;
	v6 =	vmul.f32 v6, v8;
	v8 =	vmul.f32 $1.442695020e+00, v14  }
0x181: {  	v5 =	vmul.f32 v5, v13  }
0x182: {  	s16 =	simm.s32 $0x8B00  }
0x183: {  	[tilespmem:s16+$0x80] =	vst v5  }
0x184: {  	[tilespmem:s16+$0xC0] =	vst v6;
	(erf) = vpow2.f32 v8;
	v8 =	vpop (erf)  }
0x185: {  	v5 =	vld [tilespmem:s1+$0x10];
	v8 =	vadd.f32 $1.000000000e+00, v8;
	v14 =	vpop (erf)  }
0x186: {  	v6 =	vld [tilespmem:s12+$0x90];
	v14 =	vadd.f32 $1.000000000e+00, v14  }
0x187: {  	v15 =	vld [tilespmem:s15+$0x90];
	(erf) = vrcp.f32 v8  }
0x188: {  	v13 =	vld [tilespmem:s1+$0x50];
	v16 =	vpop (erf);
	(erf) = vrcp.f32 v14  }
0x189: {  	v16 =	vadd.f32 $1.000000000e+00, v16  }
0x18a: {  	v8 =	vpop (erf)  }
0x18b: {  	v17 =	vshll.u32 v5, $0x10;
	v18 =	vshll.u32 v6, $0x10;
	v6 =	vand.u32 $0xFFFF0000, v6;
	v14 =	vpop (erf)  }
0x18c: {  	v19 =	vshll.u32 v15, $0x10;
	v8 =	vadd.f32 $1.000000000e+00, v8;
	v14 =	vadd.f32 $1.000000000e+00, v14  }
0x18d: {  	v17 =	vadd.f32 v18, v17;
	v18 =	vshll.u32 v13, $0x10;
	(erf) = vrcp.f32 v16;
	v16 =	vpop (erf)  }
0x18e: {  	v6 =	vadd.f32 v6, v18;
	(erf) = vrcp.f32 v8;
	v8 =	vadd.f32 $1.000000000e+00, v16  }
0x18f: {  	v15 =	vand.u32 $0xFFFF0000, v15;
	v17 =	vadd.f32 v19, v17;
	(erf) = vrcp.f32 v14  }
0x190: {  	v6 =	vadd.f32 v15, v6;
	(erf) = vrcp.f32 v8;
	v8 =	vand.u32 $0xFFFF0000, v9;
	v14 =	vpop (erf)  }
0x191: {  	v7 =	vand.u32 $0xFFFF0000, v7;
	v15 =	vsub.f32 $0.0e+00, v17;
	v8 =	vmul.f32 v8, v14;
	v14 =	vpop (erf)  }
0x192: {  	v6 =	vsub.f32 $0.0e+00, v6;
	v7 =	vmul.f32 v7, v14  }
0x193: {  	v9 =	vmul.f32 $1.442695020e+00, v15  }
0x194: {  	v6 =	vmul.f32 $1.442695020e+00, v6  }
0x195: {  	(erf) = vpow2.f32 v9  }
0x196: {  	(erf) = vpow2.f32 v6;
	v6 =	vand.u32 $0xFFFF0000, v10;
	[tilespmem:s16+$0xFFFFFF40] =	vst v7;
	v7 =	vpop (erf)  }
0x197: {  	[tilespmem:s16+$0xFFFFFF00] =	vst v8;
	v8 =	vand.u32 $0xFFFF0000, v11;
	v6 =	vmul.f32 v6, v7;
	v7 =	vpop (erf)  }
0x198: {  	v7 =	vmul.f32 v8, v7;
	v8 =	vand.u32 $0xFFFF0000, v12;
	v12 =	vpop (erf)  }
0x199: {  	v4 =	vand.u32 $0xFFFF0000, v4;
	v8 =	vmul.f32 v8, v12;
	v12 =	vpop (erf)  }
0x19a: {  	v4 =	vmul.f32 v4, v12;
	_ =	sdelay $0x1  }
0x19b: {  	v10 =	vld [tilespmem:s10+$0x50]  }
0x19c: {  	v11 =	vld [tilespmem:s12+$0xFFFFFF10]  }
0x19d: {  	v9 =	vld [tilespmem:s10+$0x10];
	[tilespmem:s16+$0x40] =	vst v4;
	v4 =	vpop (erf)  }
0x19e: {  	[tilespmem:s16+$0xFFFFFF80] =	vst v6;
	v4 =	vadd.f32 $1.000000000e+00, v4;
	v14 =	vpop (erf)  }
0x19f: {  	v6 =	vld [tilespmem:s15+$0xFFFFFF10];
	[tilespmem:s16+$0xFFFFFFC0] =	vst v7;
	v14 =	vadd.f32 $1.000000000e+00, v14  }
0x1a0: {  	v17 =	vshll.u32 v10, $0x10;
	v7 =	vld [tilespmem:s4+$0x10];
	(erf) = vrcp.f32 v4  }
0x1a1: {  	v12 =	vld [tilespmem:s12+$0xFFFFFF90];
	(erf) = vrcp.f32 v14;
	v14 =	vshll.u32 v11, $0x10;
	v11 =	vand.u32 $0xFFFF0000, v11  }
0x1a2: {  	v4 =	vshll.u32 v9, $0x10;
	v11 =	vadd.f32 v11, v17;
	v17 =	vld [tilespmem:s15+$0xFFFFFF90]  }
0x1a3: {  	[tilespmem:s16+$0x0] =	vst v8;
	v8 =	vld [tilespmem:s4+$0x50];
	v4 =	vadd.f32 v14, v4  }
0x1a4: {  	v5 =	vand.u32 $0xFFFF0000, v5;
	v15 =	vld [tilespmem:s3+$0x10];
	v14 =	vshll.u32 v6, $0x10  }
0x1a5: {  	v13 =	vand.u32 $0xFFFF0000, v13;
	v16 =	vld [tilespmem:s3+$0x50];
	v6 =	vand.u32 $0xFFFF0000, v6;
	v4 =	vadd.f32 v14, v4  }
0x1a6: {  	v18 =	vld [tilespmem:s12+$0x10];
	v19 =	vshll.u32 v12, $0x10;
	v14 =	vshll.u32 v7, $0x10;
	v6 =	vadd.f32 v6, v11  }
0x1a7: {  	v21 =	vld [tilespmem:s15+$0x10];
	v14 =	vadd.f32 v19, v14;
	v4 =	vsub.f32 $0.0e+00, v4;
	v19 =	vshll.u32 v17, $0x10  }
0x1a8: {  	v12 =	vand.u32 $0xFFFF0000, v12;
	v11 =	vshll.u32 v8, $0x10;
	v6 =	vsub.f32 $0.0e+00, v6  }
0x1a9: {  	v11 =	vadd.f32 v12, v11;
	v4 =	vmul.f32 $1.442695020e+00, v4;
	v14 =	vadd.f32 v19, v14;
	v20 =	vpop (erf)  }
0x1aa: {  	v12 =	vshll.u32 v15, $0x10;
	v6 =	vmul.f32 $1.442695020e+00, v6;
	v5 =	vmul.f32 v5, v20;
	v19 =	vpop (erf)  }
0x1ab: {  	v20 =	vshll.u32 v16, $0x10;
	v14 =	vsub.f32 $0.0e+00, v14;
	v13 =	vmul.f32 v13, v19  }
0x1ac: {  	(erf) = vpow2.f32 v4;
	v4 =	vshll.u32 v21, $0x10;
	v19 =	vshll.u32 v18, $0x10;
	[tilespmem:s16+$0x90] =	vst v5  }
0x1ad: {  	v18 =	vand.u32 $0xFFFF0000, v18;
	v5 =	vadd.f32 v19, v12;
	[tilespmem:s16+$0xD0] =	vst v13;
	v13 =	vand.u32 $0xFFFF0000, v17  }
0x1ae: {  	v12 =	vadd.f32 v18, v20;
	v14 =	vmul.f32 $1.442695020e+00, v14;
	v17 =	vld [tilespmem:s1+$0x20];
	v11 =	vadd.f32 v13, v11  }
0x1af: {  	v13 =	vld [tilespmem:s12+$0xA0];
	(erf) = vpow2.f32 v6;
	v6 =	vand.u32 $0xFFFF0000, v21;
	v4 =	vadd.f32 v4, v5  }
0x1b0: {  	v18 =	vld [tilespmem:s1+$0x60];
	v5 =	vadd.f32 v6, v12  }
0x1b1: {  	(erf) = vpow2.f32 v14;
	v6 =	vsub.f32 $0.0e+00, v11;
	v11 =	vld [tilespmem:s15+$0xA0];
	v4 =	vsub.f32 $0.0e+00, v4;
	_ =	sdelay $0x1  }
0x1b2: {  	v5 =	vsub.f32 $0.0e+00, v5;
	v6 =	vmul.f32 $1.442695020e+00, v6;
	v4 =	vmul.f32 $1.442695020e+00, v4  }
0x1b3: {  	v12 =	vshll.u32 v17, $0x10;
	v14 =	vshll.u32 v13, $0x10;
	v13 =	vand.u32 $0xFFFF0000, v13  }
0x1b4: {  	v5 =	vmul.f32 $1.442695020e+00, v5;
	v12 =	vadd.f32 v14, v12;
	v14 =	vshll.u32 v18, $0x10  }
0x1b5: {  	(erf) = vpow2.f32 v6;
	v6 =	vshll.u32 v11, $0x10;
	v13 =	vadd.f32 v13, v14  }
0x1b6: {  	v11 =	vand.u32 $0xFFFF0000, v11;
	(erf) = vpow2.f32 v4;
	v6 =	vadd.f32 v6, v12  }
0x1b7: {  	(erf) = vpow2.f32 v5;
	v14 =	vpop (erf);
	v11 =	vadd.f32 v11, v13  }
0x1b8: {  	v4 =	vadd.f32 $1.000000000e+00, v14;
	v12 =	vpop (erf);
	v6 =	vsub.f32 $0.0e+00, v6  }
0x1b9: {  	v5 =	vadd.f32 $1.000000000e+00, v12;
	v12 =	vpop (erf);
	v11 =	vsub.f32 $0.0e+00, v11  }
0x1ba: {  	(erf) = vrcp.f32 v4;
	v4 =	vadd.f32 $1.000000000e+00, v12;
	v6 =	vmul.f32 $1.442695020e+00, v6  }
0x1bb: {  	(erf) = vrcp.f32 v5;
	v5 =	vmul.f32 $1.442695020e+00, v11  }
0x1bc: {  	(erf) = vrcp.f32 v4  }
0x1bd: {  	(erf) = vpow2.f32 v6  }
0x1be: {  	v4 =	vpop (erf)  }
0x1bf: {  	(erf) = vpow2.f32 v5;
	v4 =	vadd.f32 $1.000000000e+00, v4;
	v5 =	vpop (erf)  }
0x1c0: {  	v5 =	vadd.f32 $1.000000000e+00, v5;
	v6 =	vpop (erf)  }
0x1c1: {  	(erf) = vrcp.f32 v4;
	v4 =	vadd.f32 $1.000000000e+00, v6;
	_ =	sdelay $0x1  }
0x1c2: {  	v6 =	vpop (erf)  }
0x1c3: {  	(erf) = vrcp.f32 v5;
	v5 =	vpop (erf)  }
0x1c4: {  	v9 =	vand.u32 $0xFFFF0000, v9;
	(erf) = vrcp.f32 v4;
	v4 =	vpop (erf)  }
0x1c5: {  	v6 =	vmul.f32 v9, v6;
	v11 =	vpop (erf)  }
0x1c6: {  	v10 =	vand.u32 $0xFFFF0000, v10;
	v9 =	vadd.f32 $1.000000000e+00, v11  }
0x1c7: {  	v5 =	vmul.f32 v10, v5;
	[tilespmem:s16+$0xFFFFFF10] =	vst v6;
	v6 =	vand.u32 $0xFFFF0000, v7;
	v11 =	vpop (erf)  }
0x1c8: {  	v4 =	vmul.f32 v6, v4;
	v10 =	vadd.f32 $1.000000000e+00, v11;
	(erf) = vrcp.f32 v9  }
0x1c9: {  	[tilespmem:s16+$0xFFFFFF50] =	vst v5  }
0x1ca: {  	v5 =	vand.u32 $0xFFFF0000, v8;
	v8 =	vld [tilespmem:s10+$0x60];
	(erf) = vrcp.f32 v10;
	v6 =	vpop (erf)  }
0x1cb: {  	v11 =	vld [tilespmem:s15+$0xFFFFFF20];
	v5 =	vmul.f32 v5, v6  }
0x1cc: {  	v9 =	vld [tilespmem:s10+$0x20];
	[tilespmem:s16+$0xFFFFFF90] =	vst v4;
	v6 =	vand.u32 $0xFFFF0000, v15;
	v4 =	vpop (erf)  }
0x1cd: {  	v7 =	vand.u32 $0xFFFF0000, v16;
	v10 =	vld [tilespmem:s12+$0xFFFFFF20];
	v6 =	vmul.f32 v6, v4;
	v4 =	vpop (erf);
	[tilespmem:s16+$0xFFFFFFD0] =	vst v5  }
0x1ce: {  	v7 =	vmul.f32 v7, v4;
	v4 =	vld [tilespmem:s4+$0x20]  }
0x1cf: {  	[tilespmem:s16+$0x10] =	vst v6;
	v5 =	vld [tilespmem:s4+$0x60]  }
0x1d0: {  	v12 =	vld [tilespmem:s12+$0xFFFFFFA0];
	[tilespmem:s16+$0x50] =	vst v7  }
0x1d1: {  	v13 =	vand.u32 $0xFFFF0000, v17;
	v6 =	vld [tilespmem:s3+$0x20];
	v14 =	vpop (erf)  }
0x1d2: {  	v17 =	vshll.u32 v8, $0x10;
	v15 =	vshll.u32 v9, $0x10;
	v7 =	vld [tilespmem:s3+$0x60];
	v13 =	vmul.f32 v13, v14  }
0x1d3: {  	v19 =	vld [tilespmem:s12+$0x20];
	v14 =	vand.u32 $0xFFFF0000, v18;
	v16 =	vpop (erf);
	v18 =	vshll.u32 v10, $0x10;
	v10 =	vand.u32 $0xFFFF0000, v10  }
0x1d4: {  	v14 =	vmul.f32 v14, v16;
	v15 =	vadd.f32 v18, v15;
	v16 =	vshll.u32 v11, $0x10  }
0x1d5: {  	v10 =	vadd.f32 v10, v17;
	v11 =	vand.u32 $0xFFFF0000, v11;
	v17 =	vshll.u32 v12, $0x10;
	[tilespmem:s16+$0xA0] =	vst v13  }
0x1d6: {  	v18 =	vld [tilespmem:s15+$0xFFFFFFA0];
	v12 =	vand.u32 $0xFFFF0000, v12;
	v13 =	vshll.u32 v4, $0x10;
	v20 =	vshll.u32 v6, $0x10;
	[tilespmem:s16+$0xE0] =	vst v14  }
0x1d7: {  	v21 =	vshll.u32 v7, $0x10;
	v14 =	vadd.f32 v16, v15;
	v16 =	vshll.u32 v5, $0x10;
	v15 =	vld [tilespmem:s1+$0x30]  }
0x1d8: {  	v13 =	vadd.f32 v17, v13;
	v10 =	vadd.f32 v11, v10;
	v11 =	vshll.u32 v19, $0x10;
	v17 =	vld [tilespmem:s12+$0xB0]  }
0x1d9: {  	v19 =	vand.u32 $0xFFFF0000, v19;
	v12 =	vadd.f32 v12, v16;
	v16 =	vld [tilespmem:s1+$0x70];
	v11 =	vadd.f32 v11, v20  }
0x1da: {  	s20 =	simm.s32 $0x400;
	v20 =	vadd.f32 v19, v21;
	v19 =	vld [tilespmem:s15+$0xB0];
	v14 =	vsub.f32 $0.0e+00, v14  }
0x1db: {  	s22 =	simm.s32 $0x380;
	s1 =	sand.u32 $0x1800, s20;
	v10 =	vsub.f32 $0.0e+00, v10;
	v22 =	vshll.u32 v18, $0x10;
	v18 =	vand.u32 $0xFFFF0000, v18  }
0x1dc: {  	s2 =	sand.u32 $0x380, s22;
	s18 =	simm.s32 $0x4D00;
	s1 =	sadd.s32 $0xA00, s1;
	v13 =	vadd.f32 v22, v13;
	v12 =	vadd.f32 v18, v12  }
0x1dd: {  	v23 =	vld [tilespmem:s18+$0x80];
	s11 =	sadd.s32 s2, s1;
	v14 =	vmul.f32 $1.442695020e+00, v14;
	v18 =	vshll.u32 v15, $0x10;
	v21 =	vshll.u32 v17, $0x10  }
0x1de: {  	v22 =	vshll.u32 v16, $0x10;
	v17 =	vand.u32 $0xFFFF0000, v17;
	v21 =	vadd.f32 v21, v18;
	v18 =	vld [tilespmem:s11+$0x0]  }
0x1df: {  	s2 =	simm.s32 $0x6D00;
	v24 =	vand.u32 $0xFFFF0000, v19;
	v17 =	vadd.f32 v17, v22;
	v22 =	vshll.u32 v19, $0x10;
	v19 =	vld [tilespmem:s11+$0x40]  }
0x1e0: {  	v10 =	vmul.f32 $1.442695020e+00, v10;
	v21 =	vadd.f32 v22, v21;
	v22 =	vld [tilespmem:s2+$0x80]  }
0x1e1: {  	v13 =	vsub.f32 $0.0e+00, v13;
	v12 =	vsub.f32 $0.0e+00, v12;
	(erf) = vpow2.f32 v14  }
0x1e2: {  	v14 =	vshll.u32 v23, $0x10;
	v23 =	vand.u32 $0xFFFF0000, v23;
	(erf) = vpow2.f32 v10  }
0x1e3: {  	v13 =	vmul.f32 $1.442695020e+00, v13;
	v17 =	vadd.f32 v24, v17;
	v25 =	vshll.u32 v18, $0x10  }
0x1e4: {  	v21 =	vsub.f32 $0.0e+00, v21;
	v14 =	vadd.f32 v14, v25;
	v25 =	vshll.u32 v19, $0x10  }
0x1e5: {  	v24 =	vld [tilespmem:s15+$0x20];
	v17 =	vsub.f32 $0.0e+00, v17;
	v26 =	vshll.u32 v22, $0x10;
	v23 =	vadd.f32 v23, v25  }
0x1e6: {  	v21 =	vmul.f32 $1.442695020e+00, v21;
	v22 =	vand.u32 $0xFFFF0000, v22;
	v10 =	vadd.f32 v26, v14  }
0x1e7: {  	(erf) = vpow2.f32 v13;
	v25 =	vmul.f32 $1.442695020e+00, v17;
	v13 =	vadd.f32 v22, v23  }
0x1e8: {  	s23 =	simm.s32 $0x200;
	(erf) = vpow2.f32 v21;
	v21 =	vsub.f32 $0.0e+00, v10  }
0x1e9: {  	s5 =	sand.u32 $0x200, s23;
	v23 =	vmul.f32 $1.442695020e+00, v12;
	(erf) = vpow2.f32 v25;
	v13 =	vsub.f32 $0.0e+00, v13  }
0x1ea: {  	s8 =	sadd.s32 s5, s1;
	v35 =	vld [tilespmem:s2+$0xFFFFFF00];
	v22 =	vshll.u32 v24, $0x10;
	v21 =	vmul.f32 $1.442695020e+00, v21  }
0x1eb: {  	s24 =	simm.s32 $0x280;
	v17 =	vld [tilespmem:s8+$0x40];
	v24 =	vand.u32 $0xFFFF0000, v24;
	(erf) = vpow2.f32 v23;
	v23 =	vmul.f32 $1.442695020e+00, v13  }
0x1ec: {  	s25 =	sand.u32 $0x280, s24;
	v14 =	vld [tilespmem:s8+$0x0];
	(erf) = vpow2.f32 v21  }
0x1ed: {  	s7 =	sadd.s32 s25, s1;
	v25 =	vld [tilespmem:s18+$0x0];
	v22 =	vadd.f32 v22, v11;
	(erf) = vpow2.f32 v23  }
0x1ee: {  	v10 =	vld [tilespmem:s7+$0x0];
	v20 =	vadd.f32 v24, v20;
	v24 =	vpop (erf)  }
0x1ef: {  	v26 =	vpop (erf);
	v21 =	vsub.f32 $0.0e+00, v22;
	v22 =	vld [tilespmem:s18+$0xFFFFFF00]  }
0x1f0: {  	v20 =	vsub.f32 $0.0e+00, v20;
	v30 =	vpop (erf);
	v23 =	vld [tilespmem:s18+$0xFFFFFF80]  }
0x1f1: {  	v45 =	vshll.u32 v35, $0x10;
	v28 =	vshll.u32 v17, $0x10;
	v27 =	vshll.u32 v14, $0x10;
	v34 =	vpop (erf)  }
0x1f2: {  	s26 =	simm.s32 $0x300;
	v20 =	vmul.f32 $1.442695020e+00, v20;
	v39 =	vshll.u32 v25, $0x10;
	v34 =	vadd.f32 $1.000000000e+00, v34;
	v37 =	vpop (erf)  }
0x1f3: {  	s9 =	sand.u32 $0x300, s26;
	v29 =	vshll.u32 v10, $0x10;
	v21 =	vmul.f32 $1.442695020e+00, v21;
	v37 =	vadd.f32 $1.000000000e+00, v37  }
0x1f4: {  	s5 =	sadd.s32 s9, s1;
	v43 =	vld [tilespmem:s2+$0xFFFFFF80];
	v36 =	vshll.u32 v22, $0x10;
	v22 =	vand.u32 $0xFFFF0000, v22;
	v40 =	vpop (erf);
	(erf) = vrcp.f32 v34  }
0x1f5: {  	v11 =	vld [tilespmem:s5+$0x0];
	v38 =	vshll.u32 v23, $0x10;
	v22 =	vadd.f32 v22, v28;
	(erf) = vrcp.f32 v37;
	v28 =	vpop (erf)  }
0x1f6: {  	v12 =	vld [tilespmem:s7+$0x40];
	v27 =	vadd.f32 v36, v27;
	(erf) = vpow2.f32 v21;
	v21 =	vadd.f32 $1.000000000e+00, v28;
	v28 =	vpop (erf)  }
0x1f7: {  	v29 =	vadd.f32 v38, v29;
	(erf) = vpow2.f32 v20;
	v20 =	vadd.f32 $1.000000000e+00, v28  }
0x1f8: {  	v27 =	vadd.f32 v45, v27;
	(erf) = vrcp.f32 v21;
	v21 =	vand.u32 $0xFFFF0000, v35  }
0x1f9: {  	v44 =	vld [tilespmem:s2+$0x0];
	(erf) = vrcp.f32 v20;
	v20 =	vshll.u32 v43, $0x10;
	v21 =	vadd.f32 v21, v22  }
0x1fa: {  	v13 =	vld [tilespmem:s5+$0x40];
	v32 =	vshll.u32 v11, $0x10;
	v22 =	vsub.f32 $0.0e+00, v27;
	v20 =	vadd.f32 v20, v29  }
0x1fb: {  	v31 =	vshll.u32 v12, $0x10;
	v28 =	vadd.f32 v39, v32;
	v21 =	vsub.f32 $0.0e+00, v21  }
0x1fc: {  	v23 =	vand.u32 $0xFFFF0000, v23;
	v22 =	vmul.f32 $1.442695020e+00, v22;
	v20 =	vsub.f32 $0.0e+00, v20  }
0x1fd: {  	v25 =	vand.u32 $0xFFFF0000, v25;
	v23 =	vadd.f32 v23, v31;
	v21 =	vmul.f32 $1.442695020e+00, v21  }
0x1fe: {  	v27 =	vand.u32 $0xFFFF0000, v43;
	v29 =	vshll.u32 v44, $0x10;
	v46 =	vpop (erf);
	v20 =	vmul.f32 $1.442695020e+00, v20  }
0x1ff: {  	v33 =	vshll.u32 v13, $0x10;
	v23 =	vadd.f32 v27, v23;
	v27 =	vadd.f32 v29, v28;
	v28 =	vpop (erf)  }
0x200: {  	v25 =	vadd.f32 v25, v33;
	(erf) = vpow2.f32 v22;
	v22 =	vpop (erf)  }
0x201: {  	v18 =	vand.u32 $0xFFFF0000, v18;
	v31 =	vand.u32 $0xFFFF0000, v44;
	(erf) = vpow2.f32 v21;
	v21 =	vpop (erf)  }
0x202: {  	v25 =	vadd.f32 v31, v25;
	v23 =	vsub.f32 $0.0e+00, v23;
	(erf) = vpow2.f32 v20;
	v20 =	vpop (erf)  }
0x203: {  	v19 =	vand.u32 $0xFFFF0000, v19;
	v27 =	vsub.f32 $0.0e+00, v27;
	v18 =	vmul.f32 v18, v20;
	v20 =	vpop (erf)  }
0x204: {  	v25 =	vsub.f32 $0.0e+00, v25;
	v23 =	vmul.f32 $1.442695020e+00, v23;
	v19 =	vmul.f32 v19, v20  }
0x205: {  	s30 =	simm.s32 $0x8D00;
	v27 =	vmul.f32 $1.442695020e+00, v27  }
0x206: {  	(erf) = vpow2.f32 v23;
	v20 =	vmul.f32 $1.442695020e+00, v25;
	[tilespmem:s30+$0xC0] =	vst v19;
	v19 =	vadd.f32 $1.000000000e+00, v26  }
0x207: {  	v23 =	vadd.f32 $1.000000000e+00, v24;
	v24 =	vadd.f32 $1.000000000e+00, v30;
	(erf) = vpow2.f32 v27;
	[tilespmem:s30+$0x80] =	vst v18  }
0x208: {  	v25 =	vadd.f32 $1.000000000e+00, v40;
	v18 =	vand.u32 $0xFFFF0000, v9;
	(erf) = vpow2.f32 v20;
	v9 =	vld [tilespmem:s11+$0x10]  }
0x209: {  	v15 =	vand.u32 $0xFFFF0000, v15;
	(erf) = vrcp.f32 v23;
	v23 =	vld [tilespmem:s18+$0x90]  }
0x20a: {  	v20 =	vmul.f32 v15, v46;
	v15 =	vld [tilespmem:s11+$0x50];
	(erf) = vrcp.f32 v19;
	v19 =	vpop (erf)  }
0x20b: {  	v22 =	vadd.f32 $1.000000000e+00, v22;
	v26 =	vld [tilespmem:s2+$0x90];
	(erf) = vrcp.f32 v24;
	v24 =	vpop (erf)  }
0x20c: {  	(erf) = vrcp.f32 v25;
	v19 =	vadd.f32 $1.000000000e+00, v19;
	v25 =	vpop (erf)  }
0x20d: {  	(erf) = vrcp.f32 v22;
	v24 =	vadd.f32 $1.000000000e+00, v24;
	v22 =	vadd.f32 $1.000000000e+00, v25  }
0x20e: {  	(erf) = vrcp.f32 v19;
	v19 =	vshll.u32 v9, $0x10;
	v25 =	vshll.u32 v23, $0x10  }
0x20f: {  	v23 =	vand.u32 $0xFFFF0000, v23;
	v19 =	vadd.f32 v25, v19;
	v25 =	vshll.u32 v15, $0x10  }
0x210: {  	v27 =	vpop (erf);
	(erf) = vrcp.f32 v24;
	v24 =	vshll.u32 v26, $0x10;
	v23 =	vadd.f32 v23, v25  }
0x211: {  	v25 =	vadd.f32 $1.000000000e+00, v27;
	v19 =	vadd.f32 v24, v19;
	v24 =	vand.u32 $0xFFFF0000, v26  }
0x212: {  	v16 =	vand.u32 $0xFFFF0000, v16;
	v27 =	vpop (erf)  }
0x213: {  	v16 =	vmul.f32 v16, v28;
	v26 =	vadd.f32 $1.000000000e+00, v27;
	v27 =	vpop (erf)  }
0x214: {  	(erf) = vrcp.f32 v22;
	v22 =	vadd.f32 v24, v23;
	v23 =	vadd.f32 $1.000000000e+00, v27;
	v24 =	vpop (erf)  }
0x215: {  	(erf) = vrcp.f32 v25;
	v19 =	vsub.f32 $0.0e+00, v19;
	v25 =	vpop (erf);
	v18 =	vmul.f32 v18, v24  }
0x216: {  	s14 =	sand.u32 $0x7, s13;
	v21 =	vadd.f32 $1.000000000e+00, v21;
	(erf) = vrcp.f32 v26;
	v22 =	vsub.f32 $0.0e+00, v22;
	v24 =	vpop (erf)  }
0x217: {  	s1 =	sshll.u32 s14, $0x7;
	[tilespmem:s16+$0xB0] =	vst v20;
	v19 =	vmul.f32 $1.442695020e+00, v19;
	(erf) = vrcp.f32 v23;
	v20 =	vpop (erf)  }
0x218: {  	s6 =	sadd.s32 $0x0, s1;
	[tilespmem:s16+$0xF0] =	vst v16;
	(erf) = vrcp.f32 v21;
	v21 =	vmul.f32 $1.442695020e+00, v22;
	v16 =	vpop (erf)  }
0x219: {  	s1 =	sadd.s32 $0x180, s6;
	v14 =	vand.u32 $0xFFFF0000, v14;
	[tilespmem:s16+$0xFFFFFF20] =	vst v18;
	(erf) = vpow2.f32 v19;
	v18 =	vpop (erf)  }
0x21a: {  	v8 =	vand.u32 $0xFFFF0000, v8;
	s1 =	sor.u32 $0x400, s1;
	(erf) = vpow2.f32 v21;
	v21 =	vld [tilespmem:s12+$0xC0];
	v14 =	vmul.f32 v14, v18  }
0x21b: {  	v8 =	vmul.f32 v8, v25;
	v19 =	vld [tilespmem:s1+$0xA00]  }
0x21c: {  	v17 =	vand.u32 $0xFFFF0000, v17;
	v18 =	vpop (erf)  }
0x21d: {  	v6 =	vand.u32 $0xFFFF0000, v6;
	[tilespmem:s16+$0xFFFFFF60] =	vst v8;
	v17 =	vmul.f32 v17, v18  }
0x21e: {  	v5 =	vand.u32 $0xFFFF0000, v5;
	v22 =	vand.u32 $0xFFFF0000, v7;
	v7 =	vand.u32 $0xFFFF0000, v10;
	v8 =	vld [tilespmem:s10+$0x30];
	[tilespmem:s30+$0xFFFFFF00] =	vst v14;
	v14 =	vpop (erf)  }
0x21f: {  	v10 =	vand.u32 $0xFFFF0000, v12;
	v23 =	vld [tilespmem:s12+$0xFFFFFF30];
	[tilespmem:s30+$0xFFFFFF40] =	vst v17;
	v21 =	vshll.u32 v21, $0x10;
	v12 =	vpop (erf);
	v7 =	vmul.f32 v7, v14  }
0x220: {  	v11 =	vand.u32 $0xFFFF0000, v11;
	v18 =	vand.u32 $0xFFFF0000, v4;
	v19 =	vshll.u32 v19, $0x10;
	v17 =	vld [tilespmem:s8+$0x10];
	v14 =	vpop (erf)  }
0x221: {  	v10 =	vmul.f32 v10, v12;
	v12 =	vadd.f32 v21, v19;
	v19 =	vmul.f32 v5, v20;
	v20 =	vld [tilespmem:s18+$0xFFFFFF10];
	v26 =	vpop (erf)  }
0x222: {  	v13 =	vand.u32 $0xFFFF0000, v13;
	v16 =	vmul.f32 v6, v16;
	v4 =	vld [tilespmem:s10+$0x70];
	v18 =	vmul.f32 v18, v24;
	v21 =	vpop (erf)  }
0x223: {  	v24 =	vld [tilespmem:s2+$0xFFFFFF10];
	[tilespmem:s30+$0xFFFFFF80] =	vst v7;
	v6 =	vmul.f32 v11, v14;
	v11 =	vmul.f32 v13, v26;
	v7 =	vpop (erf)  }
0x224: {  	v5 =	vshll.u32 v8, $0x10;
	[tilespmem:s30+$0xFFFFFFC0] =	vst v10;
	v13 =	vadd.f32 $1.000000000e+00, v7  }
0x225: {  	v25 =	vld [tilespmem:s8+$0x50];
	v14 =	vshll.u32 v23, $0x10;
	v23 =	vand.u32 $0xFFFF0000, v23;
	v7 =	vpop (erf);
	[tilespmem:s30+$0x40] =	vst v11;
	v11 =	vshll.u32 v17, $0x10  }
0x226: {  	v26 =	vld [tilespmem:s7+$0x10];
	[tilespmem:s30+$0x0] =	vst v6;
	v6 =	vadd.f32 $1.000000000e+00, v7;
	(erf) = vrcp.f32 v13;
	v13 =	vshll.u32 v20, $0x10  }
0x227: {  	v10 =	vshll.u32 v4, $0x10;
	v27 =	vld [tilespmem:s7+$0x50];
	v7 =	vadd.f32 v14, v5;
	v11 =	vadd.f32 v13, v11  }
0x228: {  	v5 =	vadd.f32 v23, v10;
	v10 =	vld [tilespmem:s18+$0xFFFFFF90];
	(erf) = vrcp.f32 v6;
	v13 =	vshll.u32 v24, $0x10  }
0x229: {  	v11 =	vadd.f32 v13, v11;
	v13 =	vld [tilespmem:s2+$0xFFFFFF90]  }
0x22a: {  	v14 =	vshll.u32 v25, $0x10;
	v28 =	vld [tilespmem:s5+$0x50];
	v20 =	vand.u32 $0xFFFF0000, v20  }
0x22b: {  	v9 =	vand.u32 $0xFFFF0000, v9;
	v23 =	vld [tilespmem:s5+$0x10];
	v14 =	vadd.f32 v20, v14  }
0x22c: {  	v15 =	vand.u32 $0xFFFF0000, v15;
	v20 =	vmul.f32 v22, v21;
	v21 =	vand.u32 $0xFFFF0000, v24  }
0x22d: {  	v6 =	vand.u32 $0xFFFF0000, v17;
	v17 =	vld [tilespmem:s18+$0x10];
	v22 =	vshll.u32 v26, $0x10;
	v14 =	vadd.f32 v21, v14  }
0x22e: {  	v21 =	vshll.u32 v27, $0x10;
	v24 =	vshll.u32 v10, $0x10;
	v31 =	vshll.u32 v13, $0x10  }
0x22f: {  	v10 =	vand.u32 $0xFFFF0000, v10;
	v29 =	vshll.u32 v28, $0x10;
	v22 =	vadd.f32 v24, v22  }
0x230: {  	v11 =	vsub.f32 $0.0e+00, v11;
	v10 =	vadd.f32 v10, v21;
	v21 =	vshll.u32 v23, $0x10;
	v24 =	vld [tilespmem:s2+$0x10];
	v47 =	vpop (erf)  }
0x231: {  	v14 =	vsub.f32 $0.0e+00, v14;
	v22 =	vadd.f32 v31, v22;
	v9 =	vmul.f32 v9, v47;
	v31 =	vpop (erf)  }
0x232: {  	v30 =	vshll.u32 v17, $0x10;
	v17 =	vand.u32 $0xFFFF0000, v17;
	v15 =	vmul.f32 v15, v31  }
0x233: {  	v11 =	vmul.f32 $1.442695020e+00, v11;
	v21 =	vadd.f32 v30, v21;
	v13 =	vand.u32 $0xFFFF0000, v13;
	[tilespmem:s30+$0x90] =	vst v9  }
0x234: {  	v17 =	vadd.f32 v17, v29;
	v14 =	vmul.f32 $1.442695020e+00, v14;
	v10 =	vadd.f32 v13, v10;
	[tilespmem:s30+$0xD0] =	vst v15  }
0x235: {  	v22 =	vsub.f32 $0.0e+00, v22;
	v9 =	vshll.u32 v24, $0x10;
	v24 =	vand.u32 $0xFFFF0000, v24;
	v13 =	vld [tilespmem:s11+$0x20]  }
0x236: {  	[tilespmem:s16+$0xFFFFFFA0] =	vst v18;
	(erf) = vpow2.f32 v11;
	v9 =	vadd.f32 v9, v21;
	v11 =	vadd.f32 v24, v17;
	v17 =	vld [tilespmem:s18+$0xA0]  }
0x237: {  	[tilespmem:s16+$0xFFFFFFE0] =	vst v19;
	(erf) = vpow2.f32 v14;
	v10 =	vsub.f32 $0.0e+00, v10;
	v15 =	vmul.f32 $1.442695020e+00, v22;
	v14 =	vld [tilespmem:s11+$0x60]  }
0x238: {  	v19 =	vand.u32 $0xFFFF0000, v23;
	v23 =	vld [tilespmem:s4+$0x30];
	v9 =	vsub.f32 $0.0e+00, v9;
	v11 =	vsub.f32 $0.0e+00, v11  }
0x239: {  	v30 =	vld [tilespmem:s15+$0xFFFFFF30];
	v10 =	vmul.f32 $1.442695020e+00, v10;
	(erf) = vpow2.f32 v15  }
0x23a: {  	v21 =	vand.u32 $0xFFFF0000, v25;
	v22 =	vld [tilespmem:s2+$0xA0];
	v9 =	vmul.f32 $1.442695020e+00, v9;
	v11 =	vmul.f32 $1.442695020e+00, v11  }
0x23b: {  	[tilespmem:s16+$0x20] =	vst v16;
	(erf) = vpow2.f32 v10;
	v10 =	vshll.u32 v13, $0x10;
	v25 =	vshll.u32 v17, $0x10  }
0x23c: {  	v16 =	vld [tilespmem:s4+$0x70];
	[tilespmem:s16+$0x60] =	vst v20;
	v17 =	vand.u32 $0xFFFF0000, v17;
	v10 =	vadd.f32 v25, v10;
	v25 =	vshll.u32 v14, $0x10  }
0x23d: {  	v18 =	vand.u32 $0xFFFF0000, v26;
	v24 =	vand.u32 $0xFFFF0000, v27;
	v27 =	vld [tilespmem:s12+$0x30];
	v17 =	vadd.f32 v17, v25  }
0x23e: {  	v26 =	vand.u32 $0xFFFF0000, v28;
	v15 =	vshll.u32 v30, $0x10;
	(erf) = vpow2.f32 v9  }
0x23f: {  	v28 =	vshll.u32 v23, $0x10;
	v7 =	vadd.f32 v15, v7;
	v9 =	vshll.u32 v22, $0x10  }
0x240: {  	v20 =	vld [tilespmem:s12+$0xFFFFFFB0];
	(erf) = vpow2.f32 v11;
	v11 =	vpop (erf);
	v9 =	vadd.f32 v9, v10;
	v10 =	vand.u32 $0xFFFF0000, v22  }
0x241: {  	v31 =	vshll.u32 v16, $0x10;
	v11 =	vadd.f32 $1.000000000e+00, v11;
	v22 =	vld [tilespmem:s3+$0x70];
	v10 =	vadd.f32 v10, v17;
	v17 =	vpop (erf)  }
0x242: {  	v48 =	vshll.u32 v27, $0x10;
	v9 =	vsub.f32 $0.0e+00, v9;
	v17 =	vadd.f32 $1.000000000e+00, v17;
	v29 =	vpop (erf)  }
0x243: {  	v25 =	vld [tilespmem:s3+$0x30];
	(erf) = vrcp.f32 v11;
	v10 =	vsub.f32 $0.0e+00, v10;
	v11 =	vadd.f32 $1.000000000e+00, v29  }
0x244: {  	v7 =	vsub.f32 $0.0e+00, v7;
	v9 =	vmul.f32 $1.442695020e+00, v9;
	(erf) = vrcp.f32 v17  }
0x245: {  	v29 =	vshll.u32 v20, $0x10;
	v10 =	vmul.f32 $1.442695020e+00, v10;
	(erf) = vrcp.f32 v11  }
0x246: {  	v49 =	vshll.u32 v22, $0x10;
	v50 =	vpop (erf);
	v17 =	vld [tilespmem:s15+$0xFFFFFFB0];
	v11 =	vand.u32 $0xFFFF0000, v20;
	(erf) = vpow2.f32 v9  }
0x247: {  	(erf) = vpow2.f32 v10;
	v10 =	vand.u32 $0xFFFF0000, v27;
	v27 =	vadd.f32 v29, v28;
	v28 =	vpop (erf)  }
0x248: {  	v20 =	vshll.u32 v25, $0x10;
	v9 =	vld [tilespmem:s15+$0x30];
	v11 =	vadd.f32 v11, v31;
	v28 =	vadd.f32 $1.000000000e+00, v28  }
0x249: {  	v20 =	vadd.f32 v48, v20;
	v29 =	vand.u32 $0xFFFF0000, v30;
	v30 =	vadd.f32 $1.000000000e+00, v50  }
0x24a: {  	v7 =	vmul.f32 $1.442695020e+00, v7;
	v10 =	vadd.f32 v10, v49;
	v5 =	vadd.f32 v29, v5  }
0x24b: {  	v31 =	vpop (erf);
	v51 =	vshll.u32 v17, $0x10;
	(erf) = vrcp.f32 v30;
	v15 =	vand.u32 $0xFFFF0000, v17  }
0x24c: {  	v31 =	vadd.f32 $1.000000000e+00, v31;
	(erf) = vrcp.f32 v28;
	v27 =	vadd.f32 v51, v27;
	v28 =	vpop (erf)  }
0x24d: {  	v11 =	vadd.f32 v15, v11;
	v5 =	vsub.f32 $0.0e+00, v5;
	v17 =	vshll.u32 v9, $0x10;
	v29 =	vpop (erf)  }
0x24e: {  	(erf) = vrcp.f32 v31;
	v9 =	vand.u32 $0xFFFF0000, v9;
	v17 =	vadd.f32 v17, v20;
	v15 =	vpop (erf)  }
0x24f: {  	v9 =	vadd.f32 v9, v10;
	v6 =	vmul.f32 v6, v28;
	v21 =	vmul.f32 v21, v29;
	v10 =	vpop (erf)  }
0x250: {  	(erf) = vpow2.f32 v7;
	v7 =	vsub.f32 $0.0e+00, v27;
	v10 =	vadd.f32 $1.000000000e+00, v10;
	v20 =	vpop (erf)  }
0x251: {  	v11 =	vsub.f32 $0.0e+00, v11;
	[tilespmem:s30+$0xFFFFFF10] =	vst v6;
	v20 =	vadd.f32 $1.000000000e+00, v20  }
0x252: {  	v6 =	vsub.f32 $0.0e+00, v17;
	v15 =	vmul.f32 v18, v15;
	[tilespmem:s30+$0xFFFFFF50] =	vst v21;
	(erf) = vrcp.f32 v10  }
0x253: {  	v18 =	vld [tilespmem:s8+$0x20];
	v10 =	vmul.f32 $1.442695020e+00, v5;
	v5 =	vsub.f32 $0.0e+00, v9;
	(erf) = vrcp.f32 v20  }
0x254: {  	v14 =	vand.u32 $0xFFFF0000, v14;
	v11 =	vmul.f32 $1.442695020e+00, v11;
	v17 =	vmul.f32 $1.442695020e+00, v7;
	v21 =	vld [tilespmem:s8+$0x60];
	v7 =	vpop (erf)  }
0x255: {  	v28 =	vld [tilespmem:s18+$0xFFFFFF20];
	v9 =	vand.u32 $0xFFFF0000, v8;
	v7 =	vmul.f32 v24, v7;
	v8 =	vpop (erf);
	v24 =	vmul.f32 $1.442695020e+00, v6  }
0x256: {  	[tilespmem:s30+$0xFFFFFF90] =	vst v15;
	v6 =	vand.u32 $0xFFFF0000, v23;
	v15 =	vmul.f32 $1.442695020e+00, v5;
	v19 =	vmul.f32 v19, v8  }
0x257: {  	v23 =	vld [tilespmem:s2+$0xFFFFFF20];
	(erf) = vpow2.f32 v10;
	v8 =	vand.u32 $0xFFFF0000, v25;
	[tilespmem:s30+$0xFFFFFFD0] =	vst v7;
	v7 =	vand.u32 $0xFFFF0000, v22;
	v5 =	vpop (erf)  }
0x258: {  	(erf) = vpow2.f32 v17;
	v52 =	vld [tilespmem:s7+$0x20];
	v10 =	vand.u32 $0xFFFF0000, v18;
	v26 =	vmul.f32 v26, v5  }
0x259: {  	[tilespmem:s30+$0x10] =	vst v19;
	v20 =	vld [tilespmem:s7+$0x60];
	(erf) = vpow2.f32 v11;
	v17 =	vshll.u32 v21, $0x10;
	v11 =	vand.u32 $0xFFFF0000, v21  }
0x25a: {  	v22 =	vshll.u32 v28, $0x10;
	v5 =	vand.u32 $0xFFFF0000, v16;
	v16 =	vshll.u32 v18, $0x10;
	v18 =	vld [tilespmem:s18+$0xFFFFFFA0];
	v27 =	vpop (erf);
	[tilespmem:s30+$0x50] =	vst v26  }
0x25b: {  	v19 =	vand.u32 $0xFFFF0000, v13;
	(erf) = vpow2.f32 v24;
	v16 =	vadd.f32 v22, v16;
	v53 =	vld [tilespmem:s5+$0x20];
	v21 =	vpop (erf)  }
0x25c: {  	(erf) = vpow2.f32 v15;
	v15 =	vshll.u32 v23, $0x10;
	v13 =	vld [tilespmem:s5+$0x60];
	v19 =	vmul.f32 v19, v21;
	v21 =	vpop (erf)  }
0x25d: {  	v24 =	vand.u32 $0xFFFF0000, v28;
	v25 =	vld [tilespmem:s18+$0x20];
	v15 =	vadd.f32 v15, v16;
	v14 =	vmul.f32 v14, v21  }
0x25e: {  	v17 =	vadd.f32 v24, v17;
	v16 =	vld [tilespmem:s2+$0x20];
	v22 =	vshll.u32 v52, $0x10;
	[tilespmem:s30+$0xA0] =	vst v19  }
0x25f: {  	v24 =	vshll.u32 v18, $0x10;
	v18 =	vand.u32 $0xFFFF0000, v18;
	v15 =	vsub.f32 $0.0e+00, v15;
	v21 =	vld [tilespmem:s2+$0xFFFFFFA0];
	[tilespmem:s30+$0xE0] =	vst v14  }
0x260: {  	v24 =	vadd.f32 v24, v22;
	v19 =	vand.u32 $0xFFFF0000, v23;
	v23 =	vshll.u32 v20, $0x10;
	v14 =	vld [tilespmem:s11+$0x30]  }
0x261: {  	v26 =	vshll.u32 v53, $0x10;
	v18 =	vadd.f32 v18, v23;
	v28 =	vshll.u32 v13, $0x10;
	v23 =	vld [tilespmem:s18+$0xB0]  }
0x262: {  	v17 =	vadd.f32 v19, v17;
	v19 =	vshll.u32 v25, $0x10;
	v25 =	vand.u32 $0xFFFF0000, v25;
	v22 =	vld [tilespmem:s11+$0x70]  }
0x263: {  	v15 =	vmul.f32 $1.442695020e+00, v15;
	v19 =	vadd.f32 v19, v26;
	v26 =	vld [tilespmem:s2+$0xB0];
	v28 =	vadd.f32 v25, v28  }
0x264: {  	v25 =	vshll.u32 v16, $0x10;
	v16 =	vand.u32 $0xFFFF0000, v16;
	v17 =	vsub.f32 $0.0e+00, v17  }
0x265: {  	s20 =	simm.s32 $0x4F00;
	s25 =	simm.s32 $0x800;
	v29 =	vshll.u32 v21, $0x10;
	v21 =	vand.u32 $0xFFFF0000, v21;
	v19 =	vadd.f32 v25, v19  }
0x266: {  	s17 =	simm.s32 $0x580;
	v60 =	vld [tilespmem:s20+$0x0];
	s15 =	sand.u32 $0x1800, s25;
	v18 =	vadd.f32 v21, v18;
	v21 =	vshll.u32 v14, $0x10;
	v25 =	vshll.u32 v23, $0x10  }
0x267: {  	v58 =	vld [tilespmem:s20+$0xFFFFFF00];
	s1 =	sand.u32 $0x380, s17;
	s0 =	sadd.s32 $0xA00, s15;
	v23 =	vand.u32 $0xFFFF0000, v23;
	v21 =	vadd.f32 v25, v21;
	v25 =	vshll.u32 v22, $0x10  }
0x268: {  	s9 =	sadd.s32 s1, s0;
	v30 =	vld [tilespmem:s20+$0x80];
	v24 =	vadd.f32 v29, v24;
	v29 =	vshll.u32 v26, $0x10;
	v23 =	vadd.f32 v23, v25  }
0x269: {  	v54 =	vadd.f32 v16, v28;
	v26 =	vand.u32 $0xFFFF0000, v26;
	v25 =	vld [tilespmem:s9+$0x0];
	v21 =	vadd.f32 v29, v21  }
0x26a: {  	s11 =	simm.s32 $0x6F00;
	v16 =	vmul.f32 $1.442695020e+00, v17;
	v29 =	vsub.f32 $0.0e+00, v24;
	v24 =	vld [tilespmem:s9+$0x40];
	v23 =	vadd.f32 v26, v23  }
0x26b: {  	v33 =	vand.u32 $0xFFFF0000, v60;
	(erf) = vpow2.f32 v15;
	v17 =	vsub.f32 $0.0e+00, v21;
	v21 =	vld [tilespmem:s11+$0x80]  }
0x26c: {  	s24 =	simm.s32 $0x500;
	v59 =	vld [tilespmem:s20+$0xFFFFFF80];
	v39 =	vand.u32 $0xFFFF0000, v58;
	(erf) = vpow2.f32 v16;
	v23 =	vsub.f32 $0.0e+00, v23  }
0x26d: {  	s26 =	sand.u32 $0x300, s24;
	v16 =	vshll.u32 v30, $0x10;
	v30 =	vand.u32 $0xFFFF0000, v30;
	v28 =	vmul.f32 $1.442695020e+00, v29  }
0x26e: {  	s3 =	sadd.s32 s26, s0;
	v15 =	vmul.f32 $1.442695020e+00, v17;
	v17 =	vmul.f32 $1.442695020e+00, v23;
	v23 =	vshll.u32 v25, $0x10  }
0x26f: {  	v32 =	vld [tilespmem:s3+$0x40];
	(erf) = vpow2.f32 v28;
	v16 =	vadd.f32 v16, v23;
	v23 =	vshll.u32 v24, $0x10  }
0x270: {  	s12 =	simm.s32 $0x400;
	(erf) = vpow2.f32 v15;
	v15 =	vshll.u32 v21, $0x10;
	v55 =	vadd.f32 v30, v23  }
0x271: {  	s22 =	simm.s32 $0x480;
	v40 =	vand.u32 $0xFFFF0000, v59;
	s19 =	sand.u32 $0x200, s12;
	v31 =	vld [tilespmem:s3+$0x0];
	v56 =	vadd.f32 v15, v16;
	v15 =	vand.u32 $0xFFFF0000, v21  }
0x272: {  	s23 =	sand.u32 $0x280, s22;
	v50 =	vshll.u32 v58, $0x10;
	s4 =	sadd.s32 s19, s0;
	v49 =	vld [tilespmem:s11+$0xFFFFFF80];
	v18 =	vsub.f32 $0.0e+00, v18;
	v35 =	vadd.f32 v15, v55  }
0x273: {  	s10 =	sadd.s32 s23, s0;
	v51 =	vshll.u32 v59, $0x10;
	v26 =	vld [tilespmem:s4+$0x0];
	(erf) = vpow2.f32 v17;
	v23 =	vpop (erf);
	v36 =	vsub.f32 $0.0e+00, v56  }
0x274: {  	v47 =	vshll.u32 v32, $0x10;
	v57 =	vmul.f32 $1.442695020e+00, v18;
	v29 =	vld [tilespmem:s10+$0x0];
	v16 =	vpop (erf);
	v35 =	vsub.f32 $0.0e+00, v35  }
0x275: {  	v33 =	vadd.f32 v33, v47;
	v28 =	vld [tilespmem:s4+$0x40];
	v21 =	vsub.f32 $0.0e+00, v19;
	v19 =	vpop (erf);
	v36 =	vmul.f32 $1.442695020e+00, v36  }
0x276: {  	v45 =	vld [tilespmem:s11+$0xFFFFFF00];
	v34 =	vsub.f32 $0.0e+00, v54;
	(erf) = vpow2.f32 v57;
	v17 =	vpop (erf);
	v35 =	vmul.f32 $1.442695020e+00, v35  }
0x277: {  	v46 =	vshll.u32 v31, $0x10;
	v27 =	vadd.f32 $1.000000000e+00, v27;
	v18 =	vpop (erf);
	(erf) = vpow2.f32 v36  }
0x278: {  	v54 =	vld [tilespmem:s11+$0x0];
	v34 =	vmul.f32 $1.442695020e+00, v34;
	v41 =	vshll.u32 v26, $0x10;
	v37 =	vpop (erf);
	(erf) = vpow2.f32 v35  }
0x279: {  	v58 =	vand.u32 $0xFFFF0000, v49;
	v43 =	vshll.u32 v29, $0x10;
	v41 =	vadd.f32 v50, v41;
	v42 =	vpop (erf)  }
0x27a: {  	v30 =	vld [tilespmem:s10+$0x40];
	v63 =	vadd.f32 v51, v43;
	v15 =	vand.u32 $0xFFFF0000, v52;
	v61 =	vshll.u32 v28, $0x10;
	v44 =	vpop (erf)  }
0x27b: {  	v55 =	vshll.u32 v45, $0x10;
	v45 =	vand.u32 $0xFFFF0000, v45;
	v38 =	vmul.f32 $1.442695020e+00, v21;
	v48 =	vpop (erf)  }
0x27c: {  	v21 =	vand.u32 $0xFFFF0000, v20;
	v20 =	vand.u32 $0xFFFF0000, v53;
	v48 =	vadd.f32 $1.000000000e+00, v48;
	v52 =	vpop (erf)  }
0x27d: {  	v53 =	vshll.u32 v60, $0x10;
	v60 =	vshll.u32 v54, $0x10;
	v52 =	vadd.f32 $1.000000000e+00, v52  }
0x27e: {  	v46 =	vadd.f32 v53, v46;
	v57 =	vshll.u32 v49, $0x10;
	(erf) = vrcp.f32 v48  }
0x27f: {  	v62 =	vshll.u32 v30, $0x10;
	v36 =	vadd.f32 v39, v61;
	v56 =	vpop (erf);
	(erf) = vrcp.f32 v52  }
0x280: {  	v39 =	vadd.f32 v57, v63;
	v35 =	vadd.f32 v40, v62;
	(erf) = vpow2.f32 v38;
	v59 =	vpop (erf)  }
0x281: {  	v62 =	vand.u32 $0xFFFF0000, v54;
	(erf) = vpow2.f32 v34;
	v49 =	vadd.f32 $1.000000000e+00, v59;
	v61 =	vpop (erf)  }
0x282: {  	v36 =	vadd.f32 v45, v36;
	(erf) = vrcp.f32 v27;
	v50 =	vadd.f32 $1.000000000e+00, v61  }
0x283: {  	v33 =	vadd.f32 v62, v33;
	v27 =	vadd.f32 v55, v41;
	(erf) = vrcp.f32 v49  }
0x284: {  	v39 =	vsub.f32 $0.0e+00, v39;
	v35 =	vadd.f32 v58, v35;
	(erf) = vrcp.f32 v50  }
0x285: {  	v38 =	vadd.f32 v60, v46;
	v27 =	vsub.f32 $0.0e+00, v27  }
0x286: {  	v43 =	vsub.f32 $0.0e+00, v36;
	v33 =	vsub.f32 $0.0e+00, v33  }
0x287: {  	v47 =	vmul.f32 $1.442695020e+00, v39;
	v46 =	vsub.f32 $0.0e+00, v38;
	v27 =	vmul.f32 $1.442695020e+00, v27;
	v63 =	vpop (erf)  }
0x288: {  	v35 =	vsub.f32 $0.0e+00, v35;
	v33 =	vmul.f32 $1.442695020e+00, v33;
	v34 =	vmul.f32 $1.442695020e+00, v43;
	v45 =	vpop (erf)  }
0x289: {  	(erf) = vpow2.f32 v27;
	v27 =	vand.u32 $0xFFFF0000, v13;
	v13 =	vmul.f32 $1.442695020e+00, v46;
	v48 =	vpop (erf)  }
0x28a: {  	v14 =	vand.u32 $0xFFFF0000, v14;
	v35 =	vmul.f32 $1.442695020e+00, v35;
	(erf) = vpow2.f32 v34;
	v49 =	vpop (erf)  }
0x28b: {  	v22 =	vand.u32 $0xFFFF0000, v22;
	v14 =	vmul.f32 v14, v63;
	(erf) = vpow2.f32 v47;
	v50 =	vpop (erf)  }
0x28c: {  	v25 =	vand.u32 $0xFFFF0000, v25;
	v22 =	vmul.f32 v22, v45;
	(erf) = vpow2.f32 v35;
	v51 =	vpop (erf)  }
0x28d: {  	v24 =	vand.u32 $0xFFFF0000, v24;
	[tilespmem:s30+$0xB0] =	vst v14;
	(erf) = vpow2.f32 v13;
	v14 =	vmul.f32 v25, v51;
	v13 =	vpop (erf)  }
0x28e: {  	s31 =	simm.s32 $0x8F00;
	v52 =	vand.u32 $0xFFFF0000, v26;
	[tilespmem:s30+$0xF0] =	vst v22;
	v22 =	vadd.f32 $1.000000000e+00, v37;
	v13 =	vmul.f32 v24, v13  }
0x28f: {  	v26 =	vadd.f32 $1.000000000e+00, v44;
	(erf) = vpow2.f32 v33;
	v25 =	vadd.f32 $1.000000000e+00, v42;
	[tilespmem:s31+$0x80] =	vst v14  }
0x290: {  	(erf) = vrcp.f32 v22;
	v24 =	vand.u32 $0xFFFF0000, v28;
	v28 =	vand.u32 $0xFFFF0000, v29;
	[tilespmem:s31+$0xC0] =	vst v13  }
0x291: {  	v29 =	vand.u32 $0xFFFF0000, v30;
	(erf) = vrcp.f32 v25;
	v13 =	vadd.f32 $1.000000000e+00, v56;
	v22 =	vld [tilespmem:s9+$0x10]  }
0x292: {  	v30 =	vand.u32 $0xFFFF0000, v31;
	v25 =	vadd.f32 $1.000000000e+00, v48;
	v53 =	vpop (erf);
	(erf) = vrcp.f32 v26;
	v31 =	vld [tilespmem:s20+$0x90]  }
0x293: {  	v33 =	vadd.f32 $1.000000000e+00, v53;
	v26 =	vld [tilespmem:s9+$0x50];
	v54 =	vpop (erf);
	(erf) = vrcp.f32 v13  }
0x294: {  	s22 =	simm.s32 $0x4;
	v56 =	vld [tilespmem:s11+$0x90];
	v55 =	vadd.f32 $1.000000000e+00, v54;
	v38 =	vpop (erf);
	(erf) = vrcp.f32 v25  }
0x295: {  	s1 =	sand.u32 $0x7, s22;
	v57 =	vadd.f32 $1.000000000e+00, v23;
	v23 =	vpop (erf);
	(erf) = vrcp.f32 v33  }
0x296: {  	s0 =	sshll.u32 s1, $0x7;
	v25 =	vadd.f32 $1.000000000e+00, v38;
	v23 =	vadd.f32 $1.000000000e+00, v23;
	v58 =	vpop (erf);
	(erf) = vrcp.f32 v55  }
0x297: {  	s1 =	sadd.s32 $0x400, s0;
	v33 =	vadd.f32 $1.000000000e+00, v58;
	v59 =	vshll.u32 v22, $0x10;
	v60 =	vshll.u32 v31, $0x10  }
0x298: {  	s0 =	sadd.s32 $0x180, s1;
	v62 =	vpop (erf);
	v61 =	vshll.u32 v26, $0x10;
	v31 =	vand.u32 $0xFFFF0000, v31;
	v34 =	vadd.f32 v60, v59  }
0x299: {  	s0 =	sor.u32 $0x400, s0;
	v45 =	vshll.u32 v56, $0x10;
	v46 =	vpop (erf);
	(erf) = vrcp.f32 v25;
	v31 =	vadd.f32 v31, v61  }
0x29a: {  	v14 =	vld [tilespmem:s0+$0xA00];
	v37 =	vand.u32 $0xFFFF0000, v56;
	v10 =	vmul.f32 v10, v46;
	v34 =	vadd.f32 v45, v34  }
0x29b: {  	v13 =	vadd.f32 $1.000000000e+00, v49;
	(erf) = vrcp.f32 v23;
	v25 =	vpop (erf);
	v31 =	vadd.f32 v37, v31  }
0x29c: {  	v63 =	vld [tilespmem:s18+$0xC0];
	v40 =	vadd.f32 $1.000000000e+00, v62;
	(erf) = vrcp.f32 v33;
	v47 =	vpop (erf);
	v34 =	vsub.f32 $0.0e+00, v34  }
0x29d: {  	v23 =	vmul.f32 v9, v50;
	v11 =	vmul.f32 v11, v25;
	v48 =	vpop (erf);
	v9 =	vsub.f32 $0.0e+00, v31  }
0x29e: {  	(erf) = vrcp.f32 v40;
	[tilespmem:s30+$0xFFFFFF20] =	vst v10;
	v10 =	vpop (erf);
	v31 =	vmul.f32 $1.442695020e+00, v34  }
0x29f: {  	v14 =	vshll.u32 v14, $0x10;
	(erf) = vrcp.f32 v13;
	v49 =	vpop (erf);
	v9 =	vmul.f32 $1.442695020e+00, v9  }
0x2a0: {  	v50 =	vadd.f32 $1.000000000e+00, v16;
	[tilespmem:s30+$0xFFFFFF60] =	vst v11;
	v11 =	vmul.f32 v52, v49;
	v13 =	vpop (erf);
	(erf) = vpow2.f32 v31  }
0x2a1: {  	v25 =	vshll.u32 v63, $0x10;
	v16 =	vmul.f32 v24, v13;
	(erf) = vpow2.f32 v9;
	v9 =	vld [tilespmem:s18+$0xFFFFFF30]  }
0x2a2: {  	v32 =	vand.u32 $0xFFFF0000, v32;
	v25 =	vadd.f32 v25, v14;
	v51 =	vmul.f32 v15, v47;
	v14 =	vld [tilespmem:s8+$0x30];
	v15 =	vpop (erf);
	[tilespmem:s31+$0xFFFFFF00] =	vst v11  }
0x2a3: {  	v19 =	vadd.f32 $1.000000000e+00, v19;
	v13 =	vld [tilespmem:s8+$0x70];
	v15 =	vmul.f32 v28, v15;
	[tilespmem:s31+$0xFFFFFF40] =	vst v16;
	(erf) = vrcp.f32 v57  }
0x2a4: {  	v16 =	vadd.f32 $1.000000000e+00, v18;
	v18 =	vmul.f32 v20, v10;
	v20 =	vpop (erf);
	v10 =	vld [tilespmem:s4+$0x10];
	(erf) = vrcp.f32 v50  }
0x2a5: {  	v11 =	vadd.f32 $1.000000000e+00, v17;
	v20 =	vmul.f32 v29, v20;
	v28 =	vpop (erf);
	(erf) = vrcp.f32 v19;
	v19 =	vld [tilespmem:s20+$0xFFFFFF10]  }
0x2a6: {  	v17 =	vld [tilespmem:s4+$0x50];
	[tilespmem:s31+$0xFFFFFF80] =	vst v15;
	v15 =	vmul.f32 v30, v28;
	v30 =	vshll.u32 v9, $0x10;
	v9 =	vand.u32 $0xFFFF0000, v9  }
0x2a7: {  	v21 =	vmul.f32 v21, v48;
	v24 =	vshll.u32 v14, $0x10;
	v28 =	vpop (erf);
	(erf) = vrcp.f32 v11;
	v11 =	vld [tilespmem:s11+$0xFFFFFF10];
	[tilespmem:s31+$0xFFFFFFC0] =	vst v20  }
0x2a8: {  	v29 =	vshll.u32 v13, $0x10;
	v20 =	vmul.f32 v32, v28;
	v52 =	vld [tilespmem:s10+$0x50];
	v30 =	vadd.f32 v30, v24  }
0x2a9: {  	[tilespmem:s31+$0x0] =	vst v15;
	v29 =	vadd.f32 v9, v29;
	v28 =	vshll.u32 v10, $0x10;
	v24 =	vand.u32 $0xFFFF0000, v10;
	v10 =	vld [tilespmem:s10+$0x10];
	v9 =	vpop (erf)  }
0x2aa: {  	v53 =	vld [tilespmem:s20+$0xFFFFFF90];
	[tilespmem:s31+$0x40] =	vst v20;
	v20 =	vshll.u32 v19, $0x10;
	v19 =	vand.u32 $0xFFFF0000, v19;
	v27 =	vmul.f32 v27, v9;
	v15 =	vpop (erf)  }
0x2ab: {  	v58 =	vld [tilespmem:s11+$0xFFFFFF90];
	v9 =	vshll.u32 v17, $0x10;
	v20 =	vadd.f32 v20, v28;
	v15 =	vadd.f32 $1.000000000e+00, v15;
	v54 =	vpop (erf)  }
0x2ac: {  	v55 =	vld [tilespmem:s3+$0x10];
	v28 =	vshll.u32 v11, $0x10;
	v9 =	vadd.f32 v19, v9;
	v36 =	vadd.f32 $1.000000000e+00, v54  }
0x2ad: {  	v56 =	vld [tilespmem:s3+$0x50];
	v11 =	vand.u32 $0xFFFF0000, v11;
	(erf) = vrcp.f32 v15;
	v15 =	vadd.f32 v28, v20  }
0x2ae: {  	v57 =	vld [tilespmem:s20+$0x10];
	v19 =	vshll.u32 v10, $0x10;
	v9 =	vadd.f32 v11, v9;
	(erf) = vrcp.f32 v36  }
0x2af: {  	v59 =	vld [tilespmem:s11+$0x10];
	v28 =	vand.u32 $0xFFFF0000, v10;
	v10 =	vsub.f32 $0.0e+00, v15;
	v15 =	vshll.u32 v53, $0x10;
	_ =	sdelay $0x1  }
0x2b0: {  	[tilespmem:s30+$0xFFFFFFE0] =	vst v21;
	v21 =	vshll.u32 v58, $0x10;
	v11 =	vshll.u32 v52, $0x10;
	v20 =	vand.u32 $0xFFFF0000, v53  }
0x2b1: {  	v60 =	vadd.f32 v15, v19;
	v62 =	vmul.f32 $1.442695020e+00, v10;
	v10 =	vshll.u32 v56, $0x10;
	v15 =	vpop (erf)  }
0x2b2: {  	v44 =	vshll.u32 v57, $0x10;
	v45 =	vand.u32 $0xFFFF0000, v57;
	v63 =	vsub.f32 $0.0e+00, v9;
	v9 =	vpop (erf)  }
0x2b3: {  	v46 =	vshll.u32 v59, $0x10;
	v61 =	vadd.f32 v20, v11;
	v19 =	vshll.u32 v55, $0x10;
	v11 =	vpop (erf)  }
0x2b4: {  	v34 =	vand.u32 $0xFFFF0000, v59;
	v32 =	vadd.f32 v44, v19;
	v35 =	vadd.f32 v45, v10;
	v10 =	vpop (erf)  }
0x2b5: {  	[tilespmem:s30+$0xFFFFFFA0] =	vst v51;
	v36 =	vand.u32 $0xFFFF0000, v58;
	v40 =	vadd.f32 v21, v60;
	v21 =	vand.u32 $0xFFFF0000, v22;
	v22 =	vpop (erf)  }
0x2b6: {  	v47 =	vld [tilespmem:s18+$0xFFFFFFB0];
	[tilespmem:s30+$0x60] =	vst v27;
	v27 =	vadd.f32 v46, v32;
	v48 =	vmul.f32 v21, v22;
	v22 =	vand.u32 $0xFFFF0000, v26;
	v26 =	vpop (erf)  }
0x2b7: {  	[tilespmem:s30+$0x20] =	vst v18;
	v18 =	vld [tilespmem:s7+$0x70];
	v36 =	vadd.f32 v36, v61;
	v50 =	vmul.f32 $1.442695020e+00, v63;
	v26 =	vmul.f32 v22, v26  }
0x2b8: {  	v51 =	vld [tilespmem:s18+$0x30];
	(erf) = vpow2.f32 v62;
	v49 =	vsub.f32 $0.0e+00, v40;
	v27 =	vsub.f32 $0.0e+00, v27;
	[tilespmem:s31+$0x90] =	vst v48  }
0x2b9: {  	v19 =	vld [tilespmem:s7+$0x30];
	v36 =	vsub.f32 $0.0e+00, v36;
	v34 =	vadd.f32 v34, v35;
	(erf) = vpow2.f32 v50;
	[tilespmem:s31+$0xD0] =	vst v26  }
0x2ba: {  	v20 =	vand.u32 $0xFFFF0000, v52;
	v39 =	vmul.f32 $1.442695020e+00, v49;
	v53 =	vmul.f32 $1.442695020e+00, v27;
	v27 =	vld [tilespmem:s9+$0x20]  }
0x2bb: {  	v36 =	vmul.f32 $1.442695020e+00, v36;
	v52 =	vsub.f32 $0.0e+00, v34;
	v34 =	vand.u32 $0xFFFF0000, v55;
	v55 =	vld [tilespmem:s20+$0xA0]  }
0x2bc: {  	v41 =	vand.u32 $0xFFFF0000, v47;
	v57 =	vshll.u32 v47, $0x10;
	(erf) = vpow2.f32 v39;
	v26 =	vld [tilespmem:s9+$0x60]  }
0x2bd: {  	v59 =	vshll.u32 v18, $0x10;
	v61 =	vshll.u32 v51, $0x10;
	(erf) = vpow2.f32 v36;
	v58 =	vld [tilespmem:s11+$0xA0]  }
0x2be: {  	v32 =	vand.u32 $0xFFFF0000, v56;
	v56 =	vshll.u32 v19, $0x10;
	v54 =	vmul.f32 $1.442695020e+00, v52  }
0x2bf: {  	v40 =	vand.u32 $0xFFFF0000, v51;
	v35 =	vadd.f32 v57, v56;
	(erf) = vpow2.f32 v53  }
0x2c0: {  	v21 =	vld [tilespmem:s5+$0x30];
	(erf) = vpow2.f32 v54;
	v63 =	vshll.u32 v27, $0x10;
	v48 =	vshll.u32 v55, $0x10  }
0x2c1: {  	v50 =	vshll.u32 v26, $0x10;
	v42 =	vand.u32 $0xFFFF0000, v55;
	v45 =	vadd.f32 v48, v63  }
0x2c2: {  	v31 =	vld [tilespmem:s2+$0xFFFFFF30];
	v36 =	vadd.f32 v41, v59;
	v52 =	vpop (erf);
	v51 =	vshll.u32 v58, $0x10;
	v42 =	vadd.f32 v42, v50  }
0x2c3: {  	v53 =	vadd.f32 $1.000000000e+00, v52;
	v54 =	vpop (erf);
	v43 =	vand.u32 $0xFFFF0000, v58;
	v45 =	vadd.f32 v51, v45  }
0x2c4: {  	v49 =	vld [tilespmem:s2+$0xFFFFFFB0];
	v42 =	vadd.f32 v43, v42;
	v43 =	vadd.f32 $1.000000000e+00, v54  }
0x2c5: {  	v60 =	vshll.u32 v21, $0x10;
	(erf) = vrcp.f32 v53;
	v56 =	vpop (erf);
	v45 =	vsub.f32 $0.0e+00, v45  }
0x2c6: {  	v41 =	vadd.f32 $1.000000000e+00, v56;
	v57 =	vpop (erf);
	v42 =	vsub.f32 $0.0e+00, v42;
	(erf) = vrcp.f32 v43  }
0x2c7: {  	v33 =	vshll.u32 v31, $0x10;
	v31 =	vand.u32 $0xFFFF0000, v31;
	v45 =	vmul.f32 $1.442695020e+00, v45  }
0x2c8: {  	v37 =	vadd.f32 v61, v60;
	v59 =	vpop (erf);
	(erf) = vrcp.f32 v41;
	v42 =	vmul.f32 $1.442695020e+00, v42  }
0x2c9: {  	v58 =	vshll.u32 v49, $0x10;
	v46 =	vadd.f32 $1.000000000e+00, v57;
	v60 =	vpop (erf);
	(erf) = vpow2.f32 v45  }
0x2ca: {  	v43 =	vadd.f32 $1.000000000e+00, v59;
	v41 =	vadd.f32 $1.000000000e+00, v60;
	(erf) = vpow2.f32 v42  }
0x2cb: {  	v29 =	vadd.f32 v31, v29;
	v22 =	vld [tilespmem:s5+$0x70];
	v31 =	vadd.f32 v58, v35;
	(erf) = vrcp.f32 v46  }
0x2cc: {  	(erf) = vrcp.f32 v43  }
0x2cd: {  	p2 =	por $0x0, $0x0;
	s14 =	simm.s32 $0x20;
	s0 =	simm.s32 $0x1;
	v55 =	vld [tilespmem:s2+$0x30];
	(erf) = vrcp.f32 v41  }
0x2ce: {  	s24 =	sand.u32 $0x600, s21;
	s14 =	sand.u32 $0x60, s14;
	s0 =	simm.s32 @!p2 $0x0;
	v30 =	vadd.f32 v33, v30;
	v17 =	vand.u32 $0xFFFF0000, v17;
	v41 =	vpop (erf);
	(erf) = vrcp.f32 v16  }
0x2cf: {  	s6 =	sadd.s32 $0x80, s6;
	s23 =	simm.s32 $0x10;
	s0 =	sshll.u32 s0, $0x9;
	v16 =	vmul.f32 v24, v41;
	v24 =	vsub.f32 $0.0e+00, v29;
	v29 =	vsub.f32 $0.0e+00, v31;
	v31 =	vpop (erf)  }
0x2d0: {  	p2 =	por !p2, !p2;
	s0 =	sadd.s32 $0x0, s0;
	s8 =	simm.s32 $0x30;
	v30 =	vsub.f32 $0.0e+00, v30;
	v62 =	vshll.u32 v22, $0x10;
	v17 =	vmul.f32 v17, v31  }
0x2d1: {  	s19 =	sand.u32 $0x70, s8;
	s7 =	sand.u32 $0x600, s13;
	s5 =	sand.u32 $0x50, s23;
	v38 =	vadd.f32 v40, v62  }
0x2d2: {  	v30 =	vmul.f32 $1.442695020e+00, v30;
	v39 =	vand.u32 $0xFFFF0000, v49;
	s2 =	sshrl.u32 s7, $0x2;
	s7 =	sand.u32 $0x3, s13;
	s13 =	simm.s32 $0x0;
	v62 =	vand.u32 $0xFFFF0000, v55;
	v31 =	vpop (erf)  }
0x2d3: {  	s23 =	simm.s32 $0x50;
	v63 =	vadd.f32 v39, v36;
	s15 =	sor.u32 $0xAA00, s2;
	s8 =	sand.u32 $0x40, s13;
	v33 =	vadd.f32 v62, v38;
	[tilespmem:s31+$0xFFFFFF10] =	vst v16;
	v28 =	vmul.f32 v28, v31;
	v31 =	vpop (erf)  }
0x2d4: {  	s2 =	sor.u32 s19, s15;
	s17 =	sor.u32 s8, s15;
	s26 =	sor.u32 s5, s15;
	v61 =	vshll.u32 v55, $0x10;
	v16 =	vand.u32 $0xFFFF0000, v14;
	[tilespmem:s31+$0xFFFFFF50] =	vst v17;
	v14 =	vadd.f32 $1.000000000e+00, v31;
	v17 =	vpop (erf)  }
0x2d5: {  	s8 =	sshrl.u32 s24, $0x2;
	s24 =	simm.s32 $0x70;
	s19 =	sor.u32 s14, s15;
	v42 =	vmul.f32 $1.442695020e+00, v24;
	v24 =	vsub.f32 $0.0e+00, v33;
	v45 =	vpop (erf);
	(erf) = vpow2.f32 v30  }
0x2d6: {  	s15 =	simm.s32 $0x40;
	s8 =	sor.u32 $0xAA00, s8;
	s14 =	sand.u32 $0x70, s24;
	v44 =	vld [tilespmem:s4+$0x20];
	v17 =	vadd.f32 $1.000000000e+00, v17;
	v20 =	vmul.f32 v20, v45;
	(erf) = vrcp.f32 v14  }
0x2d7: {  	v35 =	vsub.f32 $0.0e+00, v63;
	s13 =	sand.u32 $0x40, s15;
	s15 =	simm.s32 $0x60;
	s5 =	sor.u32 s14, s8;
	v40 =	vadd.f32 v61, v37;
	[tilespmem:s31+$0xFFFFFF90] =	vst v28;
	v30 =	vld [tilespmem:s4+$0x60];
	v47 =	vpop (erf)  }
0x2d8: {  	s14 =	sand.u32 $0x50, s23;
	s15 =	sand.u32 $0x60, s15;
	s13 =	sor.u32 s13, s8;
	v46 =	vmul.f32 $1.442695020e+00, v24;
	v24 =	vand.u32 $0xFFFF0000, v13;
	v28 =	vld [tilespmem:s20+$0xFFFFFF20];
	v13 =	vpop (erf);
	(erf) = vrcp.f32 v17;
	[tilespmem:s31+$0xFFFFFFD0] =	vst v20  }
0x2d9: {  	s23 =	sor.u32 s14, s8;
	s8 =	sor.u32 s15, s8;
	v48 =	vld [tilespmem:s11+$0xFFFFFF20];
	v34 =	vmul.f32 v34, v47;
	v17 =	vand.u32 $0xFFFF0000, v19;
	v19 =	vmul.f32 v32, v13;
	[dreg:$0xa] =	wrdreg s13  }
0x2da: {  	v27 =	vand.u32 $0xFFFF0000, v27;
	s7 =	sshll.u32 s7, $0x8;
	s15 =	simm.s32 $0x2;
	v36 =	vsub.f32 $0.0e+00, v40;
	v29 =	vmul.f32 $1.442695020e+00, v29;
	v49 =	vld [tilespmem:s10+$0x20];
	[dreg:$0xd] =	wrdreg s8  }
0x2db: {  	s0 =	sor.u32 $0x400, s0;
	s7 =	sadd.s32 $0x0, s7;
	v31 =	vmul.f32 $1.442695020e+00, v35;
	v14 =	vand.u32 $0xFFFF0000, v21;
	(erf) = vpow2.f32 v42;
	s8 =	sand.u32 $0x3, s15;
	[tilespmem:s31+$0x10] =	vst v34;
	v50 =	vld [tilespmem:s10+$0x60]  }
0x2dc: {  	s7 =	sadd.s32 $0x100, s7;
	(erf) = vpow2.f32 v29;
	s13 =	simm.s32 $0x1;
	v29 =	vshll.u32 v30, $0x10;
	v21 =	vand.u32 $0xFFFF0000, v30;
	[tilespmem:s31+$0x50] =	vst v19;
	v30 =	vld [tilespmem:s20+$0xFFFFFFA0];
	s8 =	sshll.u32 s8, $0x8  }
0x2dd: {  	v26 =	vand.u32 $0xFFFF0000, v26;
	v43 =	vmul.f32 $1.442695020e+00, v36;
	v13 =	vand.u32 $0xFFFF0000, v22;
	s13 =	simm.s32 @!p2 $0x0;
	v51 =	vld [tilespmem:s3+$0x20];
	[dreg:$0x13] =	wrdreg s0;
	v19 =	vpop (erf);
	s0 =	sadd.s32 $0x400, s8  }
0x2de: {  	s7 =	sor.u32 $0x400, s7;
	v22 =	vshll.u32 v44, $0x10;
	(erf) = vpow2.f32 v31;
	v31 =	vshll.u32 v28, $0x10;
	s15 =	sshll.u32 s13, $0x9;
	v34 =	vld [tilespmem:s3+$0x60];
	s0 =	sadd.s32 $0x100, s0;
	v33 =	vpop (erf)  }
0x2df: {  	v52 =	vshll.u32 v48, $0x10;
	v28 =	vand.u32 $0xFFFF0000, v28;
	v31 =	vadd.f32 v31, v22;
	s13 =	sadd.s32 $0x400, s15;
	v53 =	vld [tilespmem:s20+$0x20];
	[dreg:$0xe] =	wrdreg s7;
	s0 =	sor.u32 $0x400, s0;
	v55 =	vpop (erf)  }
0x2e0: {  	(erf) = vpow2.f32 v43;
	v29 =	vadd.f32 v28, v29;
	s7 =	sor.u32 $0x400, s13;
	v54 =	vld [tilespmem:s11+$0xFFFFFFA0];
	[dreg:$0xb] =	wrdreg s0;
	s0 =	simm.s32 $0x4;
	v27 =	vmul.f32 v27, v55  }
0x2e1: {  	s6 =	sor.u32 $0x400, s6;
	v36 =	vand.u32 $0xFFFF0000, v48;
	(erf) = vpow2.f32 v46;
	v35 =	vadd.f32 v52, v31;
	[dreg:$0xf] =	wrdreg s7;
	v58 =	vpop (erf);
	s15 =	sand.u32 $0x3, s0  }
0x2e2: {  	p2 =	por !p2, !p2;
	v36 =	vadd.f32 v36, v29;
	s7 =	simm.s32 $0x1;
	v28 =	vshll.u32 v49, $0x10;
	v26 =	vmul.f32 v26, v58;
	s8 =	sshll.u32 s15, $0x8;
	[tilespmem:s31+$0xA0] =	vst v27  }
0x2e3: {  	s7 =	simm.s32 @!p2 $0x0;
	v31 =	vshll.u32 v50, $0x10;
	v56 =	vshll.u32 v30, $0x10;
	v57 =	vld [tilespmem:s11+$0x20];
	v30 =	vand.u32 $0xFFFF0000, v30;
	s15 =	sadd.s32 $0x800, s8;
	[dreg:$0x15] =	wrdreg s6  }
0x2e4: {  	s13 =	sshll.u32 s7, $0x9;
	v30 =	vadd.f32 v30, v31;
	v31 =	vshll.u32 v34, $0x10;
	v29 =	vand.u32 $0xFFFF0000, v53;
	s7 =	sadd.s32 $0x100, s15;
	[tilespmem:s31+$0xE0] =	vst v26  }
0x2e5: {  	s1 =	sadd.s32 $0x80, s1;
	v61 =	vadd.f32 v29, v31;
	[tilespmem:s2+$0x0] =	vst v12;
	s8 =	sor.u32 $0x400, s7;
	v31 =	vld [tilespmem:s9+$0x30]  }
0x2e6: {  	v4 =	vand.u32 $0xFFFF0000, v4;
	s1 =	sor.u32 $0x400, s1;
	v18 =	vand.u32 $0xFFFF0000, v18;
	v27 =	vshll.u32 v53, $0x10;
	v32 =	vld [tilespmem:s9+$0x70];
	[dreg:$0xc] =	wrdreg s8  }
0x2e7: {  	v20 =	vand.u32 $0xFFFF0000, v44;
	v59 =	vshll.u32 v51, $0x10;
	v41 =	vadd.f32 v56, v28;
	v28 =	vpop (erf);
	[dreg:$0x14] =	wrdreg s1  }
0x2e8: {  	v22 =	vand.u32 $0xFFFF0000, v49;
	s6 =	sadd.s32 $0x800, s13;
	v60 =	vshll.u32 v54, $0x10;
	v43 =	vadd.f32 v27, v59;
	s13 =	simm.s32 $0x800;
	v26 =	vpop (erf);
	[tilespmem:s5+$0x0] =	vst v25  }
0x2e9: {  	s28 =	simm.s32 $0x4F00;
	s29 =	simm.s32 $0x6F00;
	v12 =	vand.u32 $0xFFFF0000, v54;
	v42 =	vadd.f32 v60, v41;
	v62 =	vshll.u32 v57, $0x10;
	v27 =	vpop (erf);
	v39 =	vld [tilespmem:s20+$0xB0];
	[dreg:$0x18] =	wrdreg s13  }
0x2ea: {  	s14 =	simm.s32 $0x4B00;
	p2 =	por !p2, !p2;
	s15 =	simm.s32 $0x8F00;
	v63 =	vand.u32 $0xFFFF0000, v57;
	v38 =	vadd.f32 v12, v30;
	v12 =	vand.u32 $0xFFFF0000, v50;
	v29 =	vpop (erf);
	[tilespmem:s16+$0xFFFFFF30] =	vst v23  }
0x2eb: {  	s2 =	simm.s32 $0x8;
	s9 =	sor.u32 $0x400, s6;
	v41 =	vadd.f32 v62, v43;
	v37 =	vadd.f32 v63, v61;
	v30 =	vpop (erf);
	v23 =	vand.u32 $0xFFFF0000, v51;
	v40 =	vld [tilespmem:s11+$0xB0];
	[dreg:$0x11] =	wrdreg s15  }
.LBB2_6:
0x2ec: {  	[smem:$0x7D4] =	sst s17;
	v35 =	vsub.f32 $0.0e+00, v35;
	v36 =	vsub.f32 $0.0e+00, v36;
	v25 =	vand.u32 $0xFFFF0000, v34  }
0x2ed: {  	[smem:$0x7D6] =	sst s19;
	s0 =	sadd.s32 $0x2, s0;
	v15 =	vmul.f32 v4, v15;
	v63 =	vsub.f32 $0.0e+00, v42;
	v45 =	vsub.f32 $0.0e+00, v38  }
0x2ee: {  	v4 =	vmovc v24;
	s25 =	sadd.s32 $0x400, s25;
	s12 =	sadd.s32 $0x200, s12;
	s20 =	sadd.s32 $0x200, s20;
	v24 =	vsub.f32 $0.0e+00, v41;
	v46 =	vshll.u32 v31, $0x10;
	v47 =	vshll.u32 v39, $0x10  }
0x2ef: {  	s15 =	sand.u32 $0x3, s0;
	s17 =	sand.u32 $0x1800, s25;
	s13 =	sadd.s32 $0x180, s12;
	v48 =	vshll.u32 v32, $0x10;
	v49 =	vand.u32 $0xFFFF0000, v39;
	v38 =	vadd.f32 v47, v46  }
0x2f0: {  	s7 =	sshll.u32 s15, $0x8;
	[tilespmem:s16+$0xFFFFFF70] =	vst v15;
	s15 =	sadd.s32 $0xA00, s17;
	s19 =	sand.u32 $0x380, s13;
	v15 =	vsub.f32 $0.0e+00, v37;
	v43 =	vshll.u32 v40, $0x10;
	v39 =	vadd.f32 v49, v48  }
0x2f1: {  	v50 =	vld [tilespmem:s20+$0x80];
	v35 =	vmul.f32 $1.442695020e+00, v35;
	s13 =	sadd.s32 s19, s15;
	v51 =	vand.u32 $0xFFFF0000, v40;
	v43 =	vadd.f32 v43, v38  }
0x2f2: {  	v36 =	vmul.f32 $1.442695020e+00, v36;
	v34 =	vmul.f32 $1.442695020e+00, v63;
	v38 =	vld [tilespmem:s13+$0x0];
	v40 =	vadd.f32 v51, v39  }
0x2f3: {  	s11 =	sadd.s32 $0x200, s11;
	v42 =	vmul.f32 $1.442695020e+00, v45;
	v44 =	vmul.f32 $1.442695020e+00, v24;
	v39 =	vld [tilespmem:s13+$0x40];
	v24 =	vsub.f32 $0.0e+00, v43  }
0x2f4: {  	v52 =	vld [tilespmem:s11+$0x80];
	v45 =	vmul.f32 $1.442695020e+00, v15;
	(erf) = vpow2.f32 v35;
	v15 =	vsub.f32 $0.0e+00, v40  }
0x2f5: {  	[smem:$0x7D5] =	sst s26;
	s26 =	sand.u32 $0x200, s12;
	(erf) = vpow2.f32 v36;
	v24 =	vmul.f32 $1.442695020e+00, v24  }
0x2f6: {  	s1 =	simm.s32 $0x1;
	s8 =	sadd.s32 $0x80, s12;
	s17 =	sadd.s32 s26, s15;
	v60 =	vld [tilespmem:s20+$0xFFFFFF00];
	v55 =	vshll.u32 v50, $0x10;
	(erf) = vpow2.f32 v34;
	v15 =	vmul.f32 $1.442695020e+00, v15  }
0x2f7: {  	s1 =	simm.s32 @!p2 $0x0;
	s8 =	sand.u32 $0x280, s8;
	v54 =	vld [tilespmem:s17+$0x40];
	v41 =	vand.u32 $0xFFFF0000, v50;
	v57 =	vshll.u32 v38, $0x10;
	(erf) = vpow2.f32 v24  }
0x2f8: {  	s5 =	sshll.u32 s1, $0x9;
	s1 =	sadd.s32 s8, s15;
	v53 =	vld [tilespmem:s17+$0x0];
	v58 =	vshll.u32 v39, $0x10;
	v34 =	vadd.f32 v55, v57;
	(erf) = vpow2.f32 v15  }
0x2f9: {  	v56 =	vld [tilespmem:s1+$0x0];
	v47 =	vshll.u32 v52, $0x10;
	v36 =	vadd.f32 v41, v58  }
0x2fa: {  	s6 =	rddreg [dreg:$0x13];
	v49 =	vld [tilespmem:s20+$0xFFFFFF80];
	v59 =	vand.u32 $0xFFFF0000, v52;
	(erf) = vpow2.f32 v42;
	v47 =	vadd.f32 v47, v34  }
0x2fb: {  	[dreg:$0x1d] =	wrdreg s23;
	s23 =	sadd.s32 $0x100, s12;
	v37 =	vld [tilespmem:s6+$0xA00];
	v31 =	vand.u32 $0xFFFF0000, v31;
	v36 =	vadd.f32 v59, v36  }
0x2fc: {  	s6 =	smov.u32 s16;
	s16 =	sand.u32 $0x300, s23;
	v46 =	vadd.f32 $1.000000000e+00, v33;
	v52 =	vld [tilespmem:s20+$0x0];
	v48 =	vshll.u32 v54, $0x10;
	v1 =	vsub.f32 $0.0e+00, v47  }
0x2fd: {  	s15 =	sadd.s32 s16, s15;
	v35 =	vand.u32 $0xFFFF0000, v53;
	v24 =	vld [tilespmem:s1+$0x40];
	v41 =	vshll.u32 v53, $0x10;
	v53 =	vpop (erf);
	v36 =	vsub.f32 $0.0e+00, v36  }
0x2fe: {  	v50 =	vshll.u32 v56, $0x10;
	v33 =	vand.u32 $0xFFFF0000, v56;
	v15 =	vld [tilespmem:s15+$0x0];
	v1 =	vmul.f32 $1.442695020e+00, v1;
	v47 =	vpop (erf)  }
0x2ff: {  	v43 =	vand.u32 $0xFFFF0000, v60;
	v61 =	vshll.u32 v49, $0x10;
	v42 =	vld [tilespmem:s15+$0x40];
	v36 =	vmul.f32 $1.442695020e+00, v36;
	v58 =	vpop (erf)  }
0x300: {  	v49 =	vand.u32 $0xFFFF0000, v49;
	v34 =	vand.u32 $0xFFFF0000, v54;
	v54 =	vld [tilespmem:s11+$0xFFFFFF00];
	(erf) = vpow2.f32 v1;
	v40 =	vpop (erf)  }
0x301: {  	v56 =	vld [tilespmem:s11+$0xFFFFFF80];
	v63 =	vshll.u32 v52, $0x10;
	(erf) = vpow2.f32 v36;
	v36 =	vadd.f32 $1.000000000e+00, v40;
	v62 =	vpop (erf)  }
0x302: {  	v52 =	vand.u32 $0xFFFF0000, v52;
	v59 =	vshll.u32 v60, $0x10;
	v60 =	vld [tilespmem:s11+$0x0];
	v62 =	vadd.f32 $1.000000000e+00, v62  }
0x303: {  	v41 =	vadd.f32 v59, v41;
	v51 =	vshll.u32 v24, $0x10;
	v1 =	vpop (erf);
	(erf) = vrcp.f32 v36  }
0x304: {  	v55 =	vshll.u32 v15, $0x10;
	v57 =	vshll.u32 v42, $0x10;
	(erf) = vrcp.f32 v62  }
0x305: {  	v49 =	vadd.f32 v49, v51;
	v51 =	vand.u32 $0xFFFF0000, v54;
	v52 =	vadd.f32 v52, v57  }
0x306: {  	v36 =	vadd.f32 v43, v48;
	v43 =	vadd.f32 v61, v50;
	v48 =	vshll.u32 v54, $0x10  }
0x307: {  	v50 =	vadd.f32 v63, v55;
	v54 =	vshll.u32 v56, $0x10;
	v62 =	vshll.u32 v60, $0x10  }
0x308: {  	v61 =	vand.u32 $0xFFFF0000, v56;
	v63 =	vand.u32 $0xFFFF0000, v60;
	v41 =	vadd.f32 v48, v41  }
0x309: {  	v59 =	vadd.f32 v61, v49;
	v63 =	vadd.f32 v63, v52;
	v60 =	vpop (erf);
	(erf) = vpow2.f32 v44  }
0x30a: {  	s19 =	rddreg [dreg:$0xf];
	v61 =	vadd.f32 v62, v50;
	v49 =	vadd.f32 $1.000000000e+00, v60;
	v62 =	vpop (erf);
	(erf) = vpow2.f32 v45  }
0x30b: {  	s22 =	sadd.s32 $0x4, s22;
	s5 =	sadd.s32 s5, s25;
	s23 =	smov.u32 s19;
	v48 =	vadd.f32 v51, v36;
	v50 =	vadd.f32 $1.000000000e+00, v62;
	(erf) = vrcp.f32 v46  }
0x30c: {  	s5 =	sor.u32 $0x400, s5;
	s16 =	sand.u32 $0x7, s22;
	s19 =	rddreg [dreg:$0x18];
	v36 =	vand.u32 $0xFFFF0000, v42;
	v42 =	vadd.f32 v54, v43;
	(erf) = vrcp.f32 v49;
	v52 =	vpop (erf)  }
0x30d: {  	[dreg:$0x1f] =	wrdreg s5;
	s5 =	sshll.u32 s16, $0x7;
	v54 =	vand.u32 $0xFFFF0000, v32;
	(erf) = vrcp.f32 v50;
	v31 =	vmul.f32 v31, v52;
	v55 =	vpop (erf)  }
0x30e: {  	s5 =	sadd.s32 s5, s19;
	v41 =	vsub.f32 $0.0e+00, v41;
	v32 =	vmul.f32 v54, v55  }
0x30f: {  	s8 =	sadd.s32 $0x80, s5;
	s5 =	sadd.s32 $0x180, s5;
	v43 =	vsub.f32 $0.0e+00, v59;
	v48 =	vsub.f32 $0.0e+00, v48;
	[tilespmem:s31+$0xB0] =	vst v31  }
0x310: {  	v28 =	vadd.f32 $1.000000000e+00, v28;
	s5 =	sor.u32 $0x400, s5;
	v42 =	vsub.f32 $0.0e+00, v42;
	v56 =	vmul.f32 $1.442695020e+00, v41;
	[tilespmem:s31+$0xF0] =	vst v32  }
0x311: {  	v44 =	vsub.f32 $0.0e+00, v61;
	v59 =	vmul.f32 $1.442695020e+00, v43;
	v57 =	vmul.f32 $1.442695020e+00, v48;
	v61 =	vld [tilespmem:s5+$0xA00]  }
0x312: {  	v42 =	vmul.f32 $1.442695020e+00, v42;
	v45 =	vsub.f32 $0.0e+00, v63;
	(erf) = vpow2.f32 v56;
	v62 =	vld [tilespmem:s28+$0xC0];
	v63 =	vpop (erf)  }
0x313: {  	v60 =	vmul.f32 $1.442695020e+00, v44;
	v44 =	vadd.f32 $1.000000000e+00, v53;
	(erf) = vpow2.f32 v57;
	v31 =	vpop (erf)  }
0x314: {  	v45 =	vmul.f32 $1.442695020e+00, v45;
	v52 =	vadd.f32 $1.000000000e+00, v58;
	(erf) = vpow2.f32 v42;
	v54 =	vpop (erf)  }
0x315: {  	s19 =	sadd.s32 $0x100, s21;
	v41 =	vadd.f32 $1.000000000e+00, v31;
	v31 =	vand.u32 $0xFFFF0000, v38;
	(erf) = vpow2.f32 v59;
	v55 =	vpop (erf)  }
0x316: {  	s26 =	smov.u32 s9;
	s9 =	sand.u32 $0x600, s19;
	v56 =	vand.u32 $0xFFFF0000, v39;
	(erf) = vpow2.f32 v60;
	v31 =	vmul.f32 v31, v55;
	v57 =	vpop (erf)  }
0x317: {  	s24 =	sadd.s32 $0x40, s24;
	s31 =	sadd.s32 $0x200, s31;
	s5 =	sshrl.u32 s9, $0x2;
	v38 =	vmul.f32 v56, v57;
	v58 =	vshll.u32 v61, $0x10;
	v59 =	vshll.u32 v62, $0x10  }
0x318: {  	s16 =	sor.u32 $0x400, s8;
	s8 =	sand.u32 $0x70, s24;
	v47 =	vadd.f32 $1.000000000e+00, v47;
	s5 =	sor.u32 $0xAA00, s5;
	(erf) = vpow2.f32 v45;
	[tilespmem:s31+$0x80] =	vst v31;
	v39 =	vadd.f32 v59, v58  }
0x319: {  	v1 =	vadd.f32 $1.000000000e+00, v1;
	v53 =	vadd.f32 $1.000000000e+00, v63;
	s8 =	sor.u32 s8, s5;
	(erf) = vrcp.f32 v44;
	[tilespmem:s31+$0xC0] =	vst v38  }
0x31a: {  	v60 =	vadd.f32 $1.000000000e+00, v26;
	v61 =	vmul.f32 v16, v54;
	(erf) = vrcp.f32 v47;
	v26 =	vld [tilespmem:s13+$0x10];
	[tilespmem:s8+$0x0] =	vst v39  }
0x31b: {  	v16 =	vadd.f32 $1.000000000e+00, v30;
	v31 =	vadd.f32 $1.000000000e+00, v27;
	v27 =	vpop (erf);
	(erf) = vrcp.f32 v52;
	v30 =	vld [tilespmem:s20+$0x90]  }
0x31c: {  	v6 =	vmul.f32 v6, v9;
	s7 =	sadd.s32 s25, s7;
	v62 =	vadd.f32 $1.000000000e+00, v27;
	v27 =	vld [tilespmem:s13+$0x50];
	v63 =	vpop (erf);
	(erf) = vrcp.f32 v1  }
0x31d: {  	s7 =	sadd.s32 $0x100, s7;
	[dreg:$0xf] =	wrdreg s26;
	s26 =	smov.u32 s18;
	v1 =	vmul.f32 v5, v11;
	v11 =	vld [tilespmem:s11+$0x90];
	v39 =	vadd.f32 $1.000000000e+00, v63;
	v45 =	vpop (erf);
	(erf) = vrcp.f32 v53  }
0x31e: {  	v29 =	vadd.f32 $1.000000000e+00, v29;
	[dreg:$0x13] =	wrdreg s23;
	s18 =	sor.u32 $0x400, s7;
	s23 =	smov.u32 s25;
	v46 =	vmul.f32 v8, v10;
	(erf) = vrcp.f32 v62;
	v9 =	vpop (erf)  }
0x31f: {  	s7 =	sadd.s32 $0xFFFFFFD0, s24;
	[dreg:$0x18] =	wrdreg s23;
	s23 =	smov.u32 s28;
	v8 =	vadd.f32 $1.000000000e+00, v45;
	[tilespmem:s6+$0xFFFFFFF0] =	vst v1;
	v1 =	vmul.f32 v7, v19;
	(erf) = vrcp.f32 v39;
	v5 =	vpop (erf)  }
0x320: {  	s21 =	sadd.s32 $0xFFFFFFE0, s24;
	s7 =	sand.u32 $0x40, s7;
	[tilespmem:s6+$0xFFFFFFB0] =	vst v6;
	v6 =	vmovc v17;
	s9 =	sadd.s32 $0xFFFFFFF0, s24;
	v7 =	vadd.f32 $1.000000000e+00, v9;
	v19 =	vadd.f32 $1.000000000e+00, v5;
	v47 =	vshll.u32 v26, $0x10  }
0x321: {  	v40 =	vld [tilespmem:s14+$0xFFFFFF40];
	s28 =	smov.u32 s14;
	s14 =	sand.u32 $0x50, s21;
	s21 =	sand.u32 $0x60, s9;
	v48 =	vshll.u32 v30, $0x10;
	v17 =	vshll.u32 v27, $0x10;
	v50 =	vand.u32 $0xFFFF0000, v30;
	v30 =	vpop (erf)  }
0x322: {  	s9 =	rddreg [dreg:$0x15];
	s8 =	sor.u32 s7, s5;
	s7 =	sor.u32 s14, s5;
	[tilespmem:s6+$0x70] =	vst v1;
	v5 =	vmov v18;
	v52 =	vshll.u32 v11, $0x10;
	v1 =	vadd.f32 v48, v47;
	v18 =	vpop (erf)  }
0x323: {  	s5 =	sor.u32 s21, s5;
	s21 =	smov.u32 s19;
	s19 =	rddreg [dreg:$0x14];
	v11 =	vand.u32 $0xFFFF0000, v11;
	v53 =	vadd.f32 v50, v17;
	(erf) = vrcp.f32 v8;
	v8 =	vpop (erf)  }
0x324: {  	s14 =	rddreg [dreg:$0x11];
	v10 =	vld [tilespmem:s9+$0xA00];
	s9 =	smov.u32 s19;
	v30 =	vadd.f32 $1.000000000e+00, v30;
	(erf) = vrcp.f32 v7;
	v1 =	vadd.f32 v52, v1;
	v17 =	vpop (erf)  }
0x325: {  	[tilespmem:s6+$0x30] =	vst v46;
	[dreg:$0x15] =	wrdreg s9;
	s9 =	smov.u32 s16;
	v7 =	vmul.f32 v20, v18;
	v11 =	vadd.f32 v11, v53;
	(erf) = vrcp.f32 v19;
	v19 =	vpop (erf)  }
0x326: {  	[tilespmem:s30+$0xFFFFFF30] =	vst v61;
	v49 =	vld [tilespmem:s28+$0xFFFFFFC0];
	s16 =	smov.u32 s30;
	s30 =	smov.u32 s14;
	[dreg:$0x14] =	wrdreg s9;
	v18 =	vmul.f32 v21, v8;
	(erf) = vrcp.f32 v30;
	v1 =	vsub.f32 $0.0e+00, v1;
	v20 =	vpop (erf)  }
0x327: {  	s19 =	smov.u32 s31;
	s9 =	rddreg [dreg:$0xe];
	v54 =	vld [tilespmem:s28+$0x40];
	[tilespmem:s30+$0xFFFFFF20] =	vst v7;
	v55 =	vmul.f32 v22, v17;
	v11 =	vsub.f32 $0.0e+00, v11;
	v17 =	vpop (erf);
	(erf) = vrcp.f32 v41  }
0x328: {  	v37 =	vshll.u32 v37, $0x10;
	[dreg:$0x11] =	wrdreg s19;
	v51 =	vld [tilespmem:s9+$0xA00];
	[tilespmem:s30+$0xFFFFFF60] =	vst v18;
	v1 =	vmul.f32 $1.442695020e+00, v1;
	v21 =	vmul.f32 v35, v17;
	v8 =	vpop (erf)  }
0x329: {  	v24 =	vand.u32 $0xFFFF0000, v24;
	s14 =	rddreg [dreg:$0xb];
	v18 =	vld [tilespmem:s4+$0x30];
	v11 =	vmul.f32 $1.442695020e+00, v11;
	v30 =	vmul.f32 v34, v8  }
0x32a: {  	v15 =	vand.u32 $0xFFFF0000, v15;
	v9 =	vshll.u32 v40, $0x10;
	s19 =	smov.u32 s14;
	s14 =	smov.u32 s18;
	s18 =	smov.u32 s23;
	v17 =	vld [tilespmem:s4+$0x70];
	(erf) = vpow2.f32 v1;
	[tilespmem:s31+$0xFFFFFF00] =	vst v21  }
0x32b: {  	v9 =	vadd.f32 v9, v37;
	[dreg:$0xe] =	wrdreg s19;
	v12 =	vmul.f32 v12, v19;
	(erf) = vpow2.f32 v11;
	v11 =	vld [tilespmem:s18+$0xFFFFFF30];
	[tilespmem:s31+$0xFFFFFF40] =	vst v30  }
0x32c: {  	s19 =	sld [smem:$0x7D4];
	v10 =	vshll.u32 v10, $0x10;
	v22 =	vshll.u32 v49, $0x10;
	[tilespmem:s30+$0xFFFFFFA0] =	vst v55;
	v7 =	vmovc v13;
	s4 =	smov.u32 s17;
	v8 =	vmovc v14;
	v14 =	vmul.f32 v23, v20;
	v19 =	vld [tilespmem:s29+$0xFFFFFF30]  }
0x32d: {  	v13 =	vshll.u32 v54, $0x10;
	[tilespmem:s30+$0xFFFFFFE0] =	vst v12;
	v1 =	vshll.u32 v51, $0x10;
	v20 =	vpop (erf);
	(erf) = vrcp.f32 v28;
	v21 =	vld [tilespmem:s4+$0x10]  }
0x32e: {  	v1 =	vadd.f32 v13, v1;
	[tilespmem:s30+$0x20] =	vst v14;
	v13 =	vld [tilespmem:s4+$0x50];
	v28 =	vmul.f32 v33, v20;
	v20 =	vpop (erf);
	(erf) = vrcp.f32 v60  }
0x32f: {  	v26 =	vand.u32 $0xFFFF0000, v26;
	v10 =	vadd.f32 v22, v10;
	v23 =	vld [tilespmem:s20+$0xFFFFFF10];
	[tilespmem:s19+$0x0] =	vst v9;
	v14 =	vmul.f32 v24, v20  }
0x330: {  	s6 =	rddreg [dreg:$0xc];
	v22 =	vshll.u32 v18, $0x10;
	v20 =	vpop (erf);
	v24 =	vshll.u32 v17, $0x10;
	(erf) = vrcp.f32 v31;
	[tilespmem:s31+$0xFFFFFF80] =	vst v28  }
0x331: {  	[dreg:$0xc] =	wrdreg s14;
	v9 =	vld [tilespmem:s11+$0xFFFFFF10];
	v31 =	vmul.f32 v15, v20;
	v12 =	vpop (erf);
	(erf) = vrcp.f32 v29;
	[tilespmem:s31+$0xFFFFFFC0] =	vst v14;
	v20 =	vshll.u32 v11, $0x10  }
0x332: {  	s14 =	smov.u32 s26;
	s26 =	smov.u32 s8;
	s8 =	sld [smem:$0x7D5];
	v28 =	vmul.f32 v36, v12;
	v29 =	vand.u32 $0xFFFF0000, v11;
	v12 =	vld [tilespmem:s10+$0x30];
	v11 =	vpop (erf);
	v22 =	vadd.f32 v20, v22  }
0x333: {  	[tilespmem:s31+$0x0] =	vst v31;
	v30 =	vld [tilespmem:s1+$0x50];
	v20 =	vadd.f32 v29, v24;
	v29 =	vshll.u32 v21, $0x10;
	v14 =	vand.u32 $0xFFFF0000, v21;
	v15 =	vpop (erf)  }
0x334: {  	v31 =	vld [tilespmem:s20+$0xFFFFFF90];
	v11 =	vmul.f32 v25, v11;
	[tilespmem:s31+$0x40] =	vst v28;
	v28 =	vshll.u32 v23, $0x10;
	v56 =	vadd.f32 $1.000000000e+00, v15;
	v15 =	vpop (erf)  }
0x335: {  	s19 =	sld [smem:$0x7D6];
	v21 =	vld [tilespmem:s1+$0x10];
	v25 =	vshll.u32 v13, $0x10;
	[tilespmem:s8+$0x0] =	vst v10;
	v57 =	vadd.f32 v28, v29;
	v29 =	vadd.f32 $1.000000000e+00, v15  }
0x336: {  	v23 =	vand.u32 $0xFFFF0000, v23;
	v28 =	vshll.u32 v9, $0x10;
	v62 =	vld [tilespmem:s11+$0xFFFFFF90];
	[tilespmem:s30+$0x60] =	vst v11;
	v15 =	vpop (erf);
	(erf) = vrcp.f32 v56  }
0x337: {  	v59 =	vadd.f32 v23, v25;
	v23 =	vand.u32 $0xFFFF0000, v9;
	v58 =	vld [tilespmem:s15+$0x10];
	v9 =	vpop (erf);
	(erf) = vrcp.f32 v29  }
0x338: {  	v27 =	vand.u32 $0xFFFF0000, v27;
	v24 =	vshll.u32 v19, $0x10;
	v60 =	vld [tilespmem:s15+$0x50];
	[tilespmem:s19+$0x0] =	vst v1;
	v1 =	vadd.f32 v28, v57  }
0x339: {  	v19 =	vand.u32 $0xFFFF0000, v19;
	v22 =	vadd.f32 v24, v22;
	v23 =	vadd.f32 v23, v59  }
0x33a: {  	v61 =	vld [tilespmem:s20+$0x10];
	v25 =	vshll.u32 v21, $0x10;
	v28 =	vand.u32 $0xFFFF0000, v21;
	v1 =	vsub.f32 $0.0e+00, v1  }
0x33b: {  	v63 =	vld [tilespmem:s11+$0x10];
	v21 =	vshll.u32 v31, $0x10;
	v31 =	vand.u32 $0xFFFF0000, v31;
	v46 =	vsub.f32 $0.0e+00, v23  }
0x33c: {  	v29 =	vshll.u32 v30, $0x10;
	v45 =	vadd.f32 v21, v25;
	v49 =	vshll.u32 v62, $0x10  }
0x33d: {  	v11 =	vpop (erf);
	v50 =	vand.u32 $0xFFFF0000, v62;
	v31 =	vadd.f32 v31, v29;
	v1 =	vmul.f32 $1.442695020e+00, v1  }
0x33e: {  	v10 =	vpop (erf);
	v29 =	vand.u32 $0xFFFF0000, v30;
	v25 =	vshll.u32 v58, $0x10;
	v47 =	vshll.u32 v60, $0x10  }
0x33f: {  	v37 =	vadd.f32 v49, v45;
	v30 =	vshll.u32 v61, $0x10;
	v32 =	vand.u32 $0xFFFF0000, v61;
	v53 =	vpop (erf)  }
0x340: {  	v51 =	vshll.u32 v63, $0x10;
	v30 =	vadd.f32 v30, v25;
	v26 =	vmul.f32 v26, v53;
	v54 =	vpop (erf)  }
0x341: {  	v48 =	vld [tilespmem:s18+$0xFFFFFFB0];
	v31 =	vadd.f32 v50, v31;
	v32 =	vadd.f32 v32, v47;
	v27 =	vmul.f32 v27, v54  }
0x342: {  	v52 =	vld [tilespmem:s18+$0x30];
	v55 =	vmul.f32 $1.442695020e+00, v46;
	v37 =	vsub.f32 $0.0e+00, v37;
	v30 =	vadd.f32 v51, v30;
	[tilespmem:s31+$0x90] =	vst v26  }
0x343: {  	v36 =	vand.u32 $0xFFFF0000, v63;
	v31 =	vsub.f32 $0.0e+00, v31;
	(erf) = vpow2.f32 v1;
	[tilespmem:s31+$0xD0] =	vst v27  }
0x344: {  	v32 =	vadd.f32 v36, v32;
	v56 =	vmul.f32 $1.442695020e+00, v37;
	v30 =	vsub.f32 $0.0e+00, v30;
	v26 =	vld [tilespmem:s13+$0x20]  }
0x345: {  	v1 =	vmul.f32 $1.442695020e+00, v31;
	v31 =	vand.u32 $0xFFFF0000, v58;
	(erf) = vpow2.f32 v55;
	v58 =	vld [tilespmem:s20+$0xA0]  }
0x346: {  	v19 =	vadd.f32 v19, v20;
	v32 =	vsub.f32 $0.0e+00, v32;
	(erf) = vpow2.f32 v56;
	v27 =	vld [tilespmem:s13+$0x60]  }
0x347: {  	v62 =	vand.u32 $0xFFFF0000, v48;
	v42 =	vand.u32 $0xFFFF0000, v52;
	v57 =	vmul.f32 $1.442695020e+00, v30;
	v61 =	vld [tilespmem:s11+$0xA0]  }
0x348: {  	v30 =	vand.u32 $0xFFFF0000, v60;
	v32 =	vmul.f32 $1.442695020e+00, v32;
	(erf) = vpow2.f32 v1  }
0x349: {  	v60 =	vshll.u32 v48, $0x10;
	v48 =	vshll.u32 v52, $0x10;
	(erf) = vpow2.f32 v57  }
0x34a: {  	(erf) = vpow2.f32 v32;
	v50 =	vshll.u32 v26, $0x10;
	v51 =	vshll.u32 v58, $0x10  }
0x34b: {  	v21 =	vld [tilespmem:s10+$0x70];
	v53 =	vshll.u32 v27, $0x10;
	v34 =	vand.u32 $0xFFFF0000, v58;
	v52 =	vadd.f32 v51, v50  }
0x34c: {  	v59 =	vshll.u32 v12, $0x10;
	v54 =	vshll.u32 v61, $0x10;
	v55 =	vpop (erf);
	v34 =	vadd.f32 v34, v53  }
0x34d: {  	v57 =	vand.u32 $0xFFFF0000, v61;
	v56 =	vadd.f32 $1.000000000e+00, v55;
	v36 =	vadd.f32 v54, v52  }
0x34e: {  	v13 =	vand.u32 $0xFFFF0000, v13;
	v23 =	vld [tilespmem:s3+$0x30];
	v35 =	vadd.f32 v60, v59;
	v58 =	vpop (erf);
	v34 =	vadd.f32 v57, v34  }
0x34f: {  	v25 =	vld [tilespmem:s3+$0x70];
	v59 =	vadd.f32 $1.000000000e+00, v58;
	v60 =	vpop (erf);
	(erf) = vrcp.f32 v56;
	v36 =	vsub.f32 $0.0e+00, v36  }
0x350: {  	v41 =	vld [tilespmem:s29+$0xFFFFFFB0];
	v1 =	vshll.u32 v21, $0x10;
	v61 =	vadd.f32 $1.000000000e+00, v60;
	v34 =	vsub.f32 $0.0e+00, v34  }
0x351: {  	v1 =	vadd.f32 v62, v1;
	v62 =	vpop (erf);
	(erf) = vrcp.f32 v59;
	v36 =	vmul.f32 $1.442695020e+00, v36  }
0x352: {  	v22 =	vsub.f32 $0.0e+00, v22;
	v44 =	vpop (erf);
	(erf) = vrcp.f32 v61;
	v34 =	vmul.f32 $1.442695020e+00, v34  }
0x353: {  	v39 =	vld [tilespmem:s29+$0x30];
	v63 =	vshll.u32 v23, $0x10;
	v40 =	vadd.f32 $1.000000000e+00, v62;
	v46 =	vpop (erf);
	(erf) = vpow2.f32 v36  }
0x354: {  	v49 =	vshll.u32 v25, $0x10;
	v33 =	vadd.f32 v48, v63;
	(erf) = vpow2.f32 v34  }
0x355: {  	v63 =	vshll.u32 v41, $0x10;
	v37 =	vadd.f32 $1.000000000e+00, v44;
	(erf) = vrcp.f32 v40  }
0x356: {  	v47 =	vand.u32 $0xFFFF0000, v41;
	v20 =	vadd.f32 v63, v35;
	v38 =	vadd.f32 $1.000000000e+00, v46  }
0x357: {  	v32 =	vadd.f32 v42, v49;
	v1 =	vadd.f32 v47, v1;
	(erf) = vrcp.f32 v37  }
0x358: {  	v22 =	vmul.f32 $1.442695020e+00, v22;
	v24 =	vand.u32 $0xFFFF0000, v39;
	v49 =	vpop (erf);
	(erf) = vrcp.f32 v38  }
0x359: {  	v24 =	vadd.f32 v24, v32;
	v1 =	vsub.f32 $0.0e+00, v1;
	v34 =	vmul.f32 v14, v49  }
0x35a: {  	(erf) = vrcp.f32 v16;
	v16 =	vsub.f32 $0.0e+00, v19;
	v19 =	vsub.f32 $0.0e+00, v20;
	v20 =	vpop (erf)  }
0x35b: {  	v48 =	vshll.u32 v39, $0x10;
	v24 =	vsub.f32 $0.0e+00, v24;
	v13 =	vmul.f32 v13, v20;
	v14 =	vpop (erf)  }
0x35c: {  	v33 =	vadd.f32 v48, v33;
	v1 =	vmul.f32 $1.442695020e+00, v1;
	[tilespmem:s31+$0xFFFFFF10] =	vst v34;
	v14 =	vmul.f32 v28, v14;
	v28 =	vpop (erf)  }
0x35d: {  	v53 =	vmul.f32 $1.442695020e+00, v24;
	v20 =	vmul.f32 $1.442695020e+00, v16;
	v16 =	vand.u32 $0xFFFF0000, v18;
	[tilespmem:s31+$0xFFFFFF50] =	vst v13;
	v18 =	vpop (erf)  }
0x35e: {  	v24 =	vand.u32 $0xFFFF0000, v17;
	v52 =	vld [tilespmem:s4+$0x20];
	[tilespmem:s31+$0xFFFFFF90] =	vst v14;
	v13 =	vadd.f32 $1.000000000e+00, v28;
	v14 =	vadd.f32 $1.000000000e+00, v18;
	v18 =	vpop (erf)  }
0x35f: {  	v17 =	vand.u32 $0xFFFF0000, v12;
	v12 =	vld [tilespmem:s11+$0xFFFFFF20];
	(erf) = vpow2.f32 v22;
	v18 =	vmul.f32 v29, v18  }
0x360: {  	v50 =	vsub.f32 $0.0e+00, v33;
	v51 =	vmul.f32 $1.442695020e+00, v19;
	v22 =	vld [tilespmem:s4+$0x60];
	v19 =	vpop (erf);
	(erf) = vrcp.f32 v13  }
0x361: {  	s10 =	smov.u32 s1;
	v26 =	vand.u32 $0xFFFF0000, v26;
	v29 =	vld [tilespmem:s20+$0xFFFFFF20];
	v13 =	vmul.f32 v31, v19;
	v19 =	vpop (erf);
	(erf) = vrcp.f32 v14;
	[tilespmem:s31+$0xFFFFFFD0] =	vst v18  }
0x362: {  	v27 =	vand.u32 $0xFFFF0000, v27;
	v28 =	vmul.f32 $1.442695020e+00, v50;
	v30 =	vmul.f32 v30, v19;
	v31 =	vld [tilespmem:s10+$0x20]  }
0x363: {  	v14 =	vand.u32 $0xFFFF0000, v23;
	(erf) = vpow2.f32 v20;
	[tilespmem:s31+$0x10] =	vst v13;
	v13 =	vand.u32 $0xFFFF0000, v25;
	v25 =	vld [tilespmem:s10+$0x60]  }
0x364: {  	s3 =	smov.u32 s15;
	v18 =	vand.u32 $0xFFFF0000, v21;
	v19 =	vpop (erf);
	v23 =	vshll.u32 v52, $0x10;
	(erf) = vpow2.f32 v51;
	[tilespmem:s31+$0x50] =	vst v30;
	v30 =	vld [tilespmem:s20+$0xFFFFFFA0]  }
0x365: {  	(erf) = vpow2.f32 v1;
	v1 =	vshll.u32 v22, $0x10;
	v21 =	vand.u32 $0xFFFF0000, v22;
	v54 =	vld [tilespmem:s3+$0x20]  }
0x366: {  	(erf) = vpow2.f32 v28;
	v22 =	vshll.u32 v29, $0x10;
	v28 =	vand.u32 $0xFFFF0000, v29;
	v34 =	vld [tilespmem:s3+$0x60]  }
0x367: {  	v29 =	vshll.u32 v12, $0x10;
	v57 =	vld [tilespmem:s11+$0x20];
	(erf) = vpow2.f32 v53;
	v23 =	vadd.f32 v22, v23  }
0x368: {  	v1 =	vadd.f32 v28, v1;
	v55 =	vshll.u32 v31, $0x10;
	v22 =	vand.u32 $0xFFFF0000, v31;
	v31 =	vld [tilespmem:s20+$0x20];
	v33 =	vpop (erf)  }
0x369: {  	v20 =	vand.u32 $0xFFFF0000, v52;
	v12 =	vand.u32 $0xFFFF0000, v12;
	v35 =	vadd.f32 v29, v23;
	v23 =	vld [tilespmem:s11+$0xFFFFFFA0];
	v28 =	vpop (erf)  }
0x36a: {  	v29 =	vshll.u32 v25, $0x10;
	v36 =	vadd.f32 v12, v1;
	v58 =	vmul.f32 v26, v28;
	v28 =	vpop (erf)  }
0x36b: {  	s2 =	sadd.s32 $0x4, s2;
	s23 =	rddreg [dreg:$0xa];
	s9 =	smov.u32 s6;
	v56 =	vshll.u32 v30, $0x10;
	v30 =	vand.u32 $0xFFFF0000, v30;
	v60 =	vmul.f32 v27, v28  }
0x36c: {  	p3 =	slt.u32 s2, $0x1C;
	[dreg:$0xb] =	wrdreg s9;
	v59 =	vshll.u32 v54, $0x10;
	v32 =	vadd.f32 v56, v55;
	v61 =	vadd.f32 v30, v29;
	[tilespmem:s31+$0xA0] =	vst v58  }
.Ltmp6:
0x36d: {  	[dreg:$0xa] =	wrdreg s26;
	v30 =	vshll.u32 v34, $0x10;
	v37 =	vand.u32 $0xFFFF0000, v57;
	v28 =	vpop (erf);
	v1 =	vshll.u32 v31, $0x10;
	[tilespmem:s31+$0xE0] =	vst v60;
	(pc) =	sbr.rel @p3 .LBB2_6-.Ltmp6, $4  }
0x36e: {  	p2 =	por !p2, !p2;
	s28 =	smov.u32 s20;
	s9 =	rddreg [dreg:$0x1d];
	v26 =	vpop (erf);
	v12 =	vand.u32 $0xFFFF0000, v31;
	v62 =	vshll.u32 v23, $0x10;
	v1 =	vadd.f32 v1, v59;
	v31 =	vld [tilespmem:s13+$0x30]  }
0x36f: {  	s26 =	smov.u32 s9;
	s9 =	rddreg [dreg:$0x1f];
	s17 =	smov.u32 s23;
	v27 =	vpop (erf);
	v63 =	vadd.f32 v12, v30;
	v12 =	vand.u32 $0xFFFF0000, v23;
	v23 =	vshll.u32 v57, $0x10;
	v39 =	vld [tilespmem:s20+$0xB0]  }
0x370: {  	s23 =	smov.u32 s7;
	s7 =	rddreg [dreg:$0xd];
	s8 =	smov.u32 s5;
	v29 =	vpop (erf);
	v42 =	vadd.f32 v62, v32;
	v32 =	vld [tilespmem:s13+$0x70];
	v38 =	vadd.f32 v12, v61;
	v12 =	vand.u32 $0xFFFF0000, v25  }
0x371: {  	[dreg:$0xd] =	wrdreg s8;
	s19 =	smov.u32 s7;
	s29 =	smov.u32 s11;
	v40 =	vld [tilespmem:s11+$0xB0];
	v30 =	vpop (erf);
	v41 =	vadd.f32 v23, v1;
	v37 =	vadd.f32 v37, v63;
	v23 =	vand.u32 $0xFFFF0000, v54  }
0x372: {  	_ =	sdelay $0x1  }
0x373: {  	v1 =	vshll.u32 v31, $0x10;
	v25 =	vshll.u32 v39, $0x10  }
0x374: {  	v44 =	vand.u32 $0xFFFF0000, v39;
	v1 =	vadd.f32 v25, v1;
	v43 =	vshll.u32 v32, $0x10  }
0x375: {  	v35 =	vsub.f32 $0.0e+00, v35;
	v25 =	vadd.f32 v44, v43;
	v45 =	vshll.u32 v40, $0x10  }
0x376: {  	v36 =	vsub.f32 $0.0e+00, v36;
	v46 =	vand.u32 $0xFFFF0000, v40;
	v1 =	vadd.f32 v45, v1  }
0x377: {  	v47 =	vsub.f32 $0.0e+00, v42;
	v35 =	vmul.f32 $1.442695020e+00, v35;
	v25 =	vadd.f32 v46, v25  }
0x378: {  	v36 =	vmul.f32 $1.442695020e+00, v36;
	v1 =	vsub.f32 $0.0e+00, v1  }
0x379: {  	v48 =	vmul.f32 $1.442695020e+00, v47;
	(erf) = vpow2.f32 v35;
	v25 =	vsub.f32 $0.0e+00, v25  }
0x37a: {  	(erf) = vpow2.f32 v36;
	v1 =	vmul.f32 $1.442695020e+00, v1  }
0x37b: {  	(erf) = vpow2.f32 v48;
	v25 =	vmul.f32 $1.442695020e+00, v25  }
0x37c: {  	(erf) = vpow2.f32 v1  }
0x37d: {  	(erf) = vpow2.f32 v25;
	_ =	sdelay $0x4  }
0x37e: {  	v1 =	vpop (erf)  }
0x37f: {  	v49 =	vsub.f32 $0.0e+00, v38;
	v50 =	vpop (erf)  }
0x380: {  	v51 =	vpop (erf)  }
0x381: {  	v25 =	vmul.f32 $1.442695020e+00, v49;
	v52 =	vpop (erf)  }
0x382: {  	v53 =	vsub.f32 $0.0e+00, v41;
	v38 =	vadd.f32 $1.000000000e+00, v52;
	v54 =	vpop (erf)  }
0x383: {  	v37 =	vsub.f32 $0.0e+00, v37;
	(erf) = vpow2.f32 v25;
	v55 =	vadd.f32 $1.000000000e+00, v54  }
0x384: {  	v39 =	vmul.f32 $1.442695020e+00, v53;
	(erf) = vrcp.f32 v38  }
0x385: {  	v37 =	vmul.f32 $1.442695020e+00, v37;
	(erf) = vrcp.f32 v55  }
0x386: {  	(erf) = vpow2.f32 v39  }
0x387: {  	(erf) = vpow2.f32 v37;
	_ =	sdelay $0x1  }
0x388: {  	v1 =	vadd.f32 $1.000000000e+00, v1  }
0x389: {  	v56 =	vadd.f32 $1.000000000e+00, v33;
	_ =	sdelay $0x1  }
0x38a: {  	v57 =	vadd.f32 $1.000000000e+00, v50;
	v58 =	vpop (erf);
	(erf) = vrcp.f32 v56  }
0x38b: {  	(erf) = vrcp.f32 v1;
	v1 =	vpop (erf)  }
0x38c: {  	v59 =	vadd.f32 $1.000000000e+00, v51;
	(erf) = vrcp.f32 v57;
	v36 =	vpop (erf)  }
0x38d: {  	v33 =	vadd.f32 $1.000000000e+00, v58;
	v60 =	vpop (erf)  }
0x38e: {  	(erf) = vrcp.f32 v59;
	v61 =	vpop (erf)  }
0x38f: {  	(erf) = vrcp.f32 v33;
	v33 =	vadd.f32 $1.000000000e+00, v61  }
0x390: {  	v25 =	vadd.f32 $1.000000000e+00, v60;
	_ =	sdelay $0x1  }
0x391: {  	(erf) = vrcp.f32 v25  }
0x392: {  	(erf) = vrcp.f32 v33;
	v33 =	vpop (erf)  }
0x393: {  	v62 =	vpop (erf)  }
0x394: {  	v63 =	vpop (erf);
	v20 =	vmul.f32 v20, v62  }
0x395: {  	s2 =	rddreg [dreg:$0x11];
	v21 =	vmul.f32 v21, v63  }
0x396: {  	[tilespmem:s2+$0xFFFFFF20] =	vst v20  }
0x397: {  	v37 =	vpop (erf);
	[tilespmem:s2+$0xFFFFFF60] =	vst v21  }
0x398: {  	v38 =	vpop (erf);
	v39 =	vmul.f32 v22, v37;
	v22 =	vld [tilespmem:s4+$0x30]  }
0x399: {  	v12 =	vmul.f32 v12, v38;
	v20 =	vld [tilespmem:s4+$0x70]  }
0x39a: {  	v28 =	vadd.f32 $1.000000000e+00, v28;
	[tilespmem:s2+$0xFFFFFFA0] =	vst v39;
	v43 =	vld [tilespmem:s28+$0xFFFFFF30]  }
0x39b: {  	v26 =	vadd.f32 $1.000000000e+00, v26;
	v41 =	vand.u32 $0xFFFF0000, v34;
	v40 =	vpop (erf);
	v49 =	vld [tilespmem:s29+$0xFFFFFF30];
	[tilespmem:s2+$0xFFFFFFE0] =	vst v12  }
0x39c: {  	v45 =	vadd.f32 $1.000000000e+00, v27;
	(erf) = vrcp.f32 v28;
	v23 =	vmul.f32 v23, v40;
	v42 =	vpop (erf);
	v21 =	vld [tilespmem:s10+$0x30]  }
0x39d: {  	v46 =	vadd.f32 $1.000000000e+00, v29;
	(erf) = vrcp.f32 v26;
	v12 =	vld [tilespmem:s10+$0x70];
	v25 =	vmul.f32 v41, v42  }
0x39e: {  	v47 =	vadd.f32 $1.000000000e+00, v30;
	(erf) = vrcp.f32 v45;
	v44 =	vld [tilespmem:s28+$0xFFFFFFB0];
	[tilespmem:s2+$0x20] =	vst v23  }
0x39f: {  	(erf) = vrcp.f32 v46;
	v54 =	vld [tilespmem:s29+$0xFFFFFFB0];
	[tilespmem:s2+$0x60] =	vst v25  }
0x3a0: {  	(erf) = vrcp.f32 v47;
	v23 =	vld [tilespmem:s3+$0x30]  }
0x3a1: {  	v48 =	vld [tilespmem:s28+$0x30];
	v50 =	vshll.u32 v22, $0x10;
	v51 =	vshll.u32 v20, $0x10;
	v52 =	vshll.u32 v43, $0x10  }
0x3a2: {  	v25 =	vld [tilespmem:s3+$0x70];
	v34 =	vand.u32 $0xFFFF0000, v43;
	v61 =	vshll.u32 v49, $0x10;
	v29 =	vand.u32 $0xFFFF0000, v49  }
0x3a3: {  	v27 =	vadd.f32 v52, v50;
	v53 =	vadd.f32 v34, v51;
	v55 =	vshll.u32 v21, $0x10  }
0x3a4: {  	v58 =	vld [tilespmem:s29+$0x30];
	v56 =	vshll.u32 v44, $0x10;
	v57 =	vshll.u32 v12, $0x10;
	v35 =	vand.u32 $0xFFFF0000, v44  }
0x3a5: {  	v63 =	vshll.u32 v54, $0x10;
	v37 =	vadd.f32 v56, v55;
	v35 =	vadd.f32 v35, v57  }
0x3a6: {  	v34 =	vand.u32 $0xFFFF0000, v54;
	v27 =	vadd.f32 v61, v27;
	v29 =	vadd.f32 v29, v53  }
0x3a7: {  	v59 =	vshll.u32 v23, $0x10;
	v60 =	vshll.u32 v48, $0x10;
	v62 =	vshll.u32 v25, $0x10  }
0x3a8: {  	v26 =	vand.u32 $0xFFFF0000, v48;
	v42 =	vadd.f32 v63, v37;
	v34 =	vadd.f32 v34, v35  }
0x3a9: {  	v43 =	vshll.u32 v58, $0x10;
	v27 =	vsub.f32 $0.0e+00, v27;
	v38 =	vadd.f32 v60, v59  }
0x3aa: {  	v44 =	vand.u32 $0xFFFF0000, v58;
	v29 =	vsub.f32 $0.0e+00, v29;
	v26 =	vadd.f32 v26, v62  }
0x3ab: {  	v30 =	vsub.f32 $0.0e+00, v42;
	v27 =	vmul.f32 $1.442695020e+00, v27;
	v37 =	vadd.f32 v43, v38  }
0x3ac: {  	v45 =	vsub.f32 $0.0e+00, v34;
	v29 =	vmul.f32 $1.442695020e+00, v29;
	v26 =	vadd.f32 v44, v26  }
0x3ad: {  	v30 =	vmul.f32 $1.442695020e+00, v30;
	(erf) = vpow2.f32 v27;
	v46 =	vsub.f32 $0.0e+00, v37  }
0x3ae: {  	v47 =	vmul.f32 $1.442695020e+00, v45;
	v26 =	vsub.f32 $0.0e+00, v26;
	(erf) = vpow2.f32 v29  }
0x3af: {  	(erf) = vpow2.f32 v30;
	v48 =	vmul.f32 $1.442695020e+00, v46  }
0x3b0: {  	v26 =	vmul.f32 $1.442695020e+00, v26;
	(erf) = vpow2.f32 v47  }
0x3b1: {  	v49 =	vpop (erf);
	(erf) = vpow2.f32 v48  }
0x3b2: {  	v50 =	vpop (erf);
	(erf) = vpow2.f32 v26  }
0x3b3: {  	v51 =	vpop (erf)  }
0x3b4: {  	v52 =	vpop (erf)  }
0x3b5: {  	v4 =	vmul.f32 v4, v15;
	v54 =	vand.u32 $0xFFFF0000, v31;
	v53 =	vpop (erf)  }
0x3b6: {  	v1 =	vmul.f32 v54, v1;
	v55 =	vand.u32 $0xFFFF0000, v32;
	v56 =	vpop (erf)  }
0x3b7: {  	[tilespmem:s16+$0xFFFFFF70] =	vst v4;
	v4 =	vmul.f32 v55, v36;
	v57 =	vpop (erf);
	v31 =	vadd.f32 $1.000000000e+00, v56  }
0x3b8: {  	[tilespmem:s31+$0xB0] =	vst v1;
	v1 =	vmul.f32 v6, v9;
	v58 =	vpop (erf);
	v59 =	vadd.f32 $1.000000000e+00, v57  }
0x3b9: {  	s0 =	sadd.s32 $0x4, s22;
	s1 =	rddreg [dreg:$0x18];
	[tilespmem:s31+$0xF0] =	vst v4;
	v4 =	vmul.f32 v5, v11;
	v5 =	vpop (erf);
	(erf) = vrcp.f32 v31;
	v6 =	vadd.f32 $1.000000000e+00, v58  }
0x3ba: {  	s0 =	sand.u32 $0x7, s0;
	[tilespmem:s16+$0xFFFFFFB0] =	vst v1;
	v1 =	vmul.f32 v8, v10;
	v5 =	vadd.f32 $1.000000000e+00, v5;
	v60 =	vpop (erf);
	(erf) = vrcp.f32 v59  }
0x3bb: {  	s0 =	sshll.u32 s0, $0x7;
	s10 =	rddreg [dreg:$0x13];
	[tilespmem:s16+$0xFFFFFFF0] =	vst v4;
	v4 =	vmul.f32 v7, v19;
	v62 =	vpop (erf);
	v8 =	vadd.f32 $1.000000000e+00, v60;
	(erf) = vrcp.f32 v6  }
0x3bc: {  	s0 =	sadd.s32 s0, s1;
	v40 =	vld [tilespmem:s28+$0xC0];
	v19 =	vmul.f32 v16, v33;
	[tilespmem:s16+$0x30] =	vst v1;
	v1 =	vadd.f32 $1.000000000e+00, v62;
	(erf) = vrcp.f32 v5  }
0x3bd: {  	s1 =	sadd.s32 $0x180, s0;
	v61 =	vld [tilespmem:s10+$0xA00];
	s11 =	rddreg [dreg:$0x15];
	[tilespmem:s16+$0x70] =	vst v4;
	v4 =	vmul.f32 v24, v49;
	(erf) = vrcp.f32 v8  }
0x3be: {  	s1 =	sor.u32 $0x400, s1;
	v27 =	vmul.f32 v17, v50;
	v28 =	vld [tilespmem:s14+$0xFFFFFFC0];
	s12 =	rddreg [dreg:$0xe];
	[tilespmem:s30+$0xFFFFFF30] =	vst v19;
	(erf) = vrcp.f32 v1  }
0x3bf: {  	v63 =	vld [tilespmem:s1+$0xA00];
	[tilespmem:s30+$0xFFFFFF70] =	vst v4;
	v4 =	vmul.f32 v18, v51  }
0x3c0: {  	v29 =	vmul.f32 v14, v52;
	[tilespmem:s30+$0xFFFFFFB0] =	vst v27;
	v24 =	vld [tilespmem:s12+$0xA00]  }
0x3c1: {  	v43 =	vld [tilespmem:s18+$0xFFFFFF40];
	[tilespmem:s30+$0xFFFFFFF0] =	vst v4;
	v4 =	vmul.f32 v13, v53  }
0x3c2: {  	v33 =	vand.u32 $0xFFFF0000, v22;
	s13 =	rddreg [dreg:$0xf];
	[tilespmem:s30+$0x30] =	vst v29;
	v31 =	vld [tilespmem:s14+$0x40];
	v34 =	vpop (erf)  }
0x3c3: {  	v1 =	vld [tilespmem:s14+$0xFFFFFF40];
	s14 =	rddreg [dreg:$0x14];
	[tilespmem:s30+$0x70] =	vst v4;
	v4 =	vand.u32 $0xFFFF0000, v20;
	v14 =	vmul.f32 v33, v34;
	v36 =	vpop (erf)  }
0x3c4: {  	v38 =	vand.u32 $0xFFFF0000, v21;
	v46 =	vld [tilespmem:s18+$0xFFFFFFC0];
	v39 =	vpop (erf);
	v4 =	vmul.f32 v4, v36  }
0x3c5: {  	v12 =	vand.u32 $0xFFFF0000, v12;
	v32 =	vld [tilespmem:s13+$0xA00];
	s15 =	rddreg [dreg:$0xb];
	[tilespmem:s2+$0xFFFFFF30] =	vst v14;
	v41 =	vpop (erf);
	v17 =	vmul.f32 v38, v39  }
0x3c6: {  	v42 =	vand.u32 $0xFFFF0000, v23;
	v5 =	vld [tilespmem:s11+$0xA00];
	v44 =	vpop (erf);
	[tilespmem:s2+$0xFFFFFF70] =	vst v4;
	v4 =	vmul.f32 v12, v41  }
0x3c7: {  	v45 =	vand.u32 $0xFFFF0000, v25;
	v35 =	vld [tilespmem:s14+$0xA00];
	v47 =	vpop (erf);
	[tilespmem:s2+$0xFFFFFFB0] =	vst v17;
	v48 =	vmul.f32 v42, v44  }
0x3c8: {  	s16 =	sadd.s32 $0x100, s21;
	v49 =	vld [tilespmem:s18+$0x40];
	[tilespmem:s2+$0xFFFFFFF0] =	vst v4;
	v4 =	vmul.f32 v45, v47  }
0x3c9: {  	s0 =	sadd.s32 $0x80, s0;
	s1 =	sand.u32 $0x600, s16;
	v37 =	vld [tilespmem:s15+$0xA00];
	[tilespmem:s2+$0x30] =	vst v48  }
0x3ca: {  	s20 =	sadd.s32 $0x40, s24;
	s0 =	sor.u32 $0x400, s0;
	v52 =	vshll.u32 v40, $0x10;
	s18 =	sshrl.u32 s1, $0x2;
	v50 =	vld [tilespmem:s9+$0xA00];
	[tilespmem:s2+$0x70] =	vst v4;
	v4 =	vshll.u32 v63, $0x10  }
0x3cb: {  	s21 =	sand.u32 $0x70, s20;
	v10 =	vshll.u32 v28, $0x10;
	v5 =	vshll.u32 v5, $0x10;
	v51 =	vld [tilespmem:s0+$0xA00];
	s0 =	sor.u32 $0xAA00, s18;
	v4 =	vadd.f32 v52, v4;
	s2 =	rddreg [dreg:$0xc]  }
0x3cc: {  	v9 =	vshll.u32 v61, $0x10;
	v5 =	vadd.f32 v10, v5;
	v1 =	vshll.u32 v1, $0x10;
	v53 =	vld [tilespmem:s2+$0xA00];
	s2 =	sor.u32 s21, s0  }
0x3cd: {  	v55 =	vshll.u32 v31, $0x10;
	v1 =	vadd.f32 v1, v9;
	v54 =	vld [tilespmem:s28+$0xFFFFFF40];
	[tilespmem:s2+$0x0] =	vst v4;
	v4 =	vshll.u32 v24, $0x10  }
0x3ce: {  	v59 =	vshll.u32 v46, $0x10;
	v56 =	vld [tilespmem:s28+$0xFFFFFFC0];
	[tilespmem:s26+$0x0] =	vst v5;
	v5 =	vshll.u32 v35, $0x10;
	v4 =	vadd.f32 v55, v4  }
0x3cf: {  	v57 =	vshll.u32 v32, $0x10;
	v58 =	vshll.u32 v43, $0x10;
	[tilespmem:s17+$0x0] =	vst v1;
	v1 =	vld [tilespmem:s28+$0x40];
	v5 =	vadd.f32 v59, v5  }
0x3d0: {  	v7 =	vadd.f32 v58, v57;
	[tilespmem:s19+$0x0] =	vst v4  }
0x3d1: {  	v60 =	vshll.u32 v49, $0x10;
	v4 =	vshll.u32 v37, $0x10;
	s2 =	rddreg [dreg:$0xa];
	[tilespmem:s23+$0x0] =	vst v5  }
0x3d2: {  	s22 =	sadd.s32 $0xFFFFFFD0, s20;
	v61 =	vshll.u32 v50, $0x10;
	v62 =	vshll.u32 v54, $0x10;
	v4 =	vadd.f32 v60, v4;
	[tilespmem:s2+$0x0] =	vst v7  }
0x3d3: {  	v63 =	vshll.u32 v56, $0x10;
	s23 =	sadd.s32 $0xFFFFFFE0, s20;
	v5 =	vshll.u32 v51, $0x10;
	s2 =	sand.u32 $0x40, s22;
	v7 =	vadd.f32 v62, v61;
	s24 =	rddreg [dreg:$0xd]  }
0x3d4: {  	s1 =	sadd.s32 $0xFFFFFFF0, s20;
	v1 =	vshll.u32 v1, $0x10;
	s3 =	sand.u32 $0x50, s23;
	v5 =	vadd.f32 v63, v5;
	s2 =	sor.u32 s2, s0;
	[tilespmem:s24+$0x0] =	vst v4;
	v4 =	vshll.u32 v53, $0x10  }
0x3d5: {  	s1 =	sand.u32 $0x60, s1;
	s25 =	sor.u32 s3, s0;
	[tilespmem:s2+$0x0] =	vst v7;
	v1 =	vadd.f32 v1, v4  }
0x3d6: {  	s29 =	simm.s32 $0x20;
	s31 =	simm.s32 $0x8;
	s0 =	sor.u32 s1, s0;
	[tilespmem:s25+$0x0] =	vst v5  }
0x3d7: {  	s30 =	simm.s32 $0x900;
	s26 =	rddreg [dreg:$0x2];
	s28 =	simm.s32 $0x8A00;
	[tilespmem:s0+$0x0] =	vst v1  }
0x3d8: {  	[spmem:s26] =	stream.indirect.scatter.add.f32 [tilespmem:s28], [sflag:$0x8], $0x80, s30, s29, $0xb8;
	[tilespmem:$0x1E680] =	vst v63  }
0x3d9: {  	_ =	swait.ge [sflag:s31], $0x1000  }
0x3da: {  	s7 =	sld [smem:$0x7FC]  }
0x3db: {  	[sflag:s31] =	ssyncset.done $0x0;
	s5 =	sld [smem:$0x7D7]  }
0x3dc: {  	s6 =	sld [smem:$0x7D8];
	[sflag:s31] =	ssyncadd.s32 $0xFFFFF000  }
.LBB2_8:
0x3dd: {  	_ = 	snop  }
0x3de: {  	s5 =	sadd.s32 $0x1, s5  }
0x3df: {  	p2 =	sge.u32 s5, s7  }
0x3e0: {  	s0 =	sshll.u32 @!p2 s5, $0x6  }
0x3e1: {  	s0 =	sand.u32 @!p2 $0x3C0, s0  }
0x3e2: {  	v1 =	vld @!p2 [tilespmem:s0+$0x0];
	_ =	sdelay $0x4  }
0x3e3: {  	[tilespmem:$0x800] =	vst @!p2 v1  }
0x3e4: {  	v1 =	vld @!p2 [tilespmem:s0+$0x400];
	_ =	sdelay $0x2  }
0x3e5: {  	v4 =	vld @!p2 [tilespmem:$0x800];
	_ =	sdelay $0x1  }
0x3e6: {  	[tilespmem:$0x900] =	vst @!p2 v1  }
0x3e7: {  	v1 =	vld @!p2 [tilespmem:s0+$0x10];
	_ =	sdelay $0x1  }
0x3e8: {  	v5 =	vshll.u32 @!p2 v4, $0x1  }
0x3e9: {  	v6 =	vlaneseq.u32 @!p2;
	v4 =	vand.u32 @!p2 $0x7, v4;
	v5 =	vand.u32 @!p2 $0xFFFFFFF0, v5  }
0x3ea: {  	v7 =	vshrl.u32 @!p2 v6, $0x3;
	v4 =	vor.u32 @!p2 v4, v5;
	v5 =	vand.u32 @!p2 $0x7, v6  }
0x3eb: {  	v7 =	vmul.u32 @!p2 $0x8, v7;
	[tilespmem:$0x810] =	vst @!p2 v1;
	v1 =	vperm.xlane @!p2 v4, v5  }
0x3ec: {  	v6 =	vor.u32 @!p2 $0x8, v6;
	v8 =	vld @!p2 [tilespmem:s0+$0x410]  }
0x3ed: {  	v4 =	vperm.xlane @!p2 v4, v6;
	v1 =	vadd.s32 @!p2 v7, v1;
	_ =	sdelay $0x1  }
0x3ee: {  	s2 =	sld [smem:$0x7DA];
	v4 =	vadd.s32 @!p2 v7, v4;
	_ =	sdelay $0x1  }
0x3ef: {  	vm1 =	vmmov @!p2 $0xffff;
	s1 =	simm.s32 @!p2 $0xA00;
	s0 =	simm.s32 @!p2 $0x0;
	[tilespmem:$0x910] =	vst @!p2 v8  }
0x3f0: {  	[tilespmem:s1], [sflag:$0x1] =	stream.indirect_vreg.gather @!p2 [hbm4b:s2+s0], $0x80, v1, vm1, $0xb8;
	[tilespmem:$0x1E680] =	vst v63  }
0x3f1: {  	s1 =	simm.s32 @!p2 $0x1200  }
0x3f2: {  	[tilespmem:s1], [sflag:$0x1] =	stream.indirect_vreg.gather @!p2 [hbm4b:s2+s0], $0x80, v4, vm1, $0xb8;
	[tilespmem:$0x1E680] =	vst v63  }
0x3f3: {  	v1 =	vld @!p2 [tilespmem:$0x810];
	_ =	sdelay $0x4  }
0x3f4: {  	v4 =	vshll.u32 @!p2 v1, $0x1  }
0x3f5: {  	v1 =	vand.u32 @!p2 $0x7, v1;
	v4 =	vand.u32 @!p2 $0xFFFFFFF0, v4  }
0x3f6: {  	v1 =	vor.u32 @!p2 v1, v4  }
0x3f7: {  	v4 =	vperm.xlane @!p2 v1, v5;
	_ =	sdelay $0x1  }
0x3f8: {  	v1 =	vperm.xlane @!p2 v1, v6;
	v4 =	vadd.s32 @!p2 v7, v4;
	_ =	sdelay $0x1  }
0x3f9: {  	v1 =	vadd.s32 @!p2 v7, v1;
	_ =	sdelay $0x1  }
0x3fa: {  	s1 =	simm.s32 @!p2 $0x1A00  }
0x3fb: {  	[tilespmem:s1], [sflag:$0x1] =	stream.indirect_vreg.gather @!p2 [hbm4b:s2+s0], $0x80, v4, vm1, $0xb8;
	[tilespmem:$0x1E680] =	vst v63  }
0x3fc: {  	s4 =	rddreg [dreg:$0x1];
	s1 =	simm.s32 @!p2 $0x2200  }
0x3fd: {  	[tilespmem:s1], [sflag:$0x1] =	stream.indirect_vreg.gather @!p2 [hbm4b:s2+s0], $0x80, v1, vm1, $0xb8;
	[tilespmem:$0x1E680] =	vst v63  }
0x3fe: {  	s3 =	simm.s32 @!p2 $0x4A00;
	s1 =	simm.s32 @!p2 $0x20;
	s2 =	simm.s32 @!p2 $0x900  }
0x3ff: {  	[tilespmem:s3], [sflag:$0x3] =	stream.indirect.gather @!p2 [hbm4b:s4+s1], $0x80, s2, s1, $0xb8;
	[tilespmem:$0x1E680] =	vst v63  }
.Ltmp7:
0x400: {  	s2 =	sld [smem:$0x7E7];
	(pc) =	sbr.rel @p1 .LBB2_12-.Ltmp7, $4  }
0x401: {  	_ = 	snop  }
0x402: {  	s1 =	sshll.u32 @!p2 s6, $0xA  }
0x403: {  	s1 =	sadd.s32 @!p2 s1, s2;
	s2 =	simm.s32 @!p2 $0x6A00  }
0x404: {  	[tilespmem:s2], [sflag:$0x5] =	stream.linear.gather @!p2 [hbm4b:s1+s0], $0x1000, $0x38;
	[tilespmem:$0x1E680] =	vst v63  }
0x405: {  	[smem:$0x7D7] =	sst s5;
	s0 =	simm.s32 $0x2  }
0x406: {  	_ =	swait.ge [sflag:s0], $0x2000  }
0x407: {  	[sflag:s0] =	ssyncset.done $0x0  }
0x408: {  	s26 =	simm.s32 $0x4;
	[sflag:s0] =	ssyncadd.s32 $0xFFFFE000  }
0x409: {  	_ =	swait.ge [sflag:s26], $0x1000  }
0x40a: {  	[sflag:s26] =	ssyncset.done $0x0  }
0x40b: {  	s1 =	simm.s32 $0x6;
	[sflag:s26] =	ssyncadd.s32 $0xFFFFF000  }
0x40c: {  	s12 =	simm.s32 $0x0;
	s2 =	simm.s32 $0x180;
	_ =	swait.ge [sflag:s1], $0x1000  }
0x40d: {  	s24 =	simm.s32 $0x5BC0;
	s6 =	sand.u32 $0x1800, s12;
	[sflag:s1] =	ssyncset.done $0x0  }
0x40e: {  	s20 =	sand.u32 $0x380, s2;
	[sflag:s1] =	ssyncadd.s32 $0xFFFFF000;
	s1 =	sadd.s32 $0xA00, s6  }
0x40f: {  	s0 =	sadd.s32 s20, s1;
	v1 =	vld [tilespmem:s24+$0xFFFFFFC0]  }
0x410: {  	v5 =	vld [tilespmem:s0+$0x2000]  }
0x411: {  	s2 =	simm.s32 $0x7BB0;
	v6 =	vld [tilespmem:s0+$0x2040]  }
0x412: {  	v4 =	vld [tilespmem:s2+$0xFFFFFFD0];
	_ =	sdelay $0x2  }
0x413: {  	v7 =	vshll.u32 v1, $0x10;
	v8 =	vshll.u32 v5, $0x10  }
0x414: {  	v1 =	vand.u32 $0xFFFF0000, v1;
	v7 =	vadd.f32 v7, v8;
	v8 =	vshll.u32 v6, $0x10  }
0x415: {  	s3 =	simm.s32 $0x80;
	v9 =	vshll.u32 v4, $0x10;
	v1 =	vadd.f32 v1, v8  }
0x416: {  	s22 =	simm.s32 $0x100;
	s13 =	sand.u32 $0x280, s3;
	v4 =	vand.u32 $0xFFFF0000, v4;
	v7 =	vadd.f32 v9, v7  }
0x417: {  	s18 =	sand.u32 $0x300, s22;
	s11 =	sadd.s32 s13, s1;
	v13 =	vld [tilespmem:s24+$0xFFFFFF40];
	v1 =	vadd.f32 v4, v1  }
0x418: {  	s17 =	sand.u32 $0x200, s12;
	s4 =	sadd.s32 s18, s1;
	v10 =	vld [tilespmem:s11+$0x2040];
	v4 =	vsub.f32 $0.0e+00, v7  }
0x419: {  	s15 =	sadd.s32 s17, s1;
	v12 =	vld [tilespmem:s4+$0x2000];
	v1 =	vsub.f32 $0.0e+00, v1  }
0x41a: {  	v8 =	vld [tilespmem:s15+$0x2000];
	v11 =	vmul.f32 $1.442695020e+00, v4  }
0x41b: {  	v9 =	vld [tilespmem:s15+$0x2040];
	v1 =	vmul.f32 $1.442695020e+00, v1  }
0x41c: {  	v7 =	vld [tilespmem:s11+$0x2000];
	(erf) = vpow2.f32 v11  }
0x41d: {  	v4 =	vld [tilespmem:s4+$0x2040];
	(erf) = vpow2.f32 v1  }
0x41e: {  	v11 =	vld [tilespmem:s24+$0xFFFFFE40]  }
0x41f: {  	v1 =	vld [tilespmem:s24+$0xFFFFFEC0]  }
0x420: {  	v24 =	vshll.u32 v13, $0x10;
	v19 =	vshll.u32 v12, $0x10  }
0x421: {  	v21 =	vld [tilespmem:s2+$0xFFFFFED0];
	v13 =	vand.u32 $0xFFFF0000, v13;
	v18 =	vshll.u32 v10, $0x10;
	v19 =	vadd.f32 v24, v19  }
0x422: {  	v17 =	vld [tilespmem:s2+$0xFFFFFE50];
	v14 =	vshll.u32 v8, $0x10;
	v16 =	vshll.u32 v7, $0x10;
	v20 =	vshll.u32 v4, $0x10  }
0x423: {  	v15 =	vshll.u32 v9, $0x10;
	v13 =	vadd.f32 v13, v20;
	v22 =	vshll.u32 v11, $0x10  }
0x424: {  	v11 =	vand.u32 $0xFFFF0000, v11;
	v23 =	vshll.u32 v1, $0x10;
	v14 =	vadd.f32 v22, v14  }
0x425: {  	v1 =	vand.u32 $0xFFFF0000, v1;
	v11 =	vadd.f32 v11, v15;
	v15 =	vadd.f32 v23, v16;
	v16 =	vpop (erf)  }
0x426: {  	v24 =	vshll.u32 v21, $0x10;
	v1 =	vadd.f32 v1, v18;
	v16 =	vadd.f32 $1.000000000e+00, v16;
	v18 =	vpop (erf)  }
0x427: {  	v22 =	vld [tilespmem:s2+$0xFFFFFF50];
	v23 =	vshll.u32 v17, $0x10;
	v17 =	vand.u32 $0xFFFF0000, v17;
	v18 =	vadd.f32 $1.000000000e+00, v18  }
0x428: {  	v14 =	vadd.f32 v23, v14;
	(erf) = vrcp.f32 v16;
	v16 =	vand.u32 $0xFFFF0000, v21  }
0x429: {  	v11 =	vadd.f32 v17, v11;
	(erf) = vrcp.f32 v18;
	v1 =	vadd.f32 v16, v1  }
0x42a: {  	v15 =	vadd.f32 v24, v15;
	v14 =	vsub.f32 $0.0e+00, v14  }
0x42b: {  	v11 =	vsub.f32 $0.0e+00, v11;
	v1 =	vsub.f32 $0.0e+00, v1  }
0x42c: {  	v17 =	vshll.u32 v22, $0x10;
	v15 =	vsub.f32 $0.0e+00, v15;
	v14 =	vmul.f32 $1.442695020e+00, v14  }
0x42d: {  	v11 =	vmul.f32 $1.442695020e+00, v11;
	v16 =	vadd.f32 v17, v19;
	v1 =	vmul.f32 $1.442695020e+00, v1  }
0x42e: {  	v17 =	vand.u32 $0xFFFF0000, v22;
	v15 =	vmul.f32 $1.442695020e+00, v15;
	(erf) = vpow2.f32 v14  }
0x42f: {  	v13 =	vadd.f32 v17, v13;
	(erf) = vpow2.f32 v11  }
0x430: {  	v16 =	vsub.f32 $0.0e+00, v16;
	(erf) = vpow2.f32 v15  }
0x431: {  	v5 =	vand.u32 $0xFFFF0000, v5;
	v13 =	vsub.f32 $0.0e+00, v13;
	(erf) = vpow2.f32 v1;
	v1 =	vpop (erf)  }
0x432: {  	v11 =	vmul.f32 $1.442695020e+00, v16;
	v1 =	vmul.f32 v5, v1;
	v5 =	vand.u32 $0xFFFF0000, v6;
	v6 =	vpop (erf)  }
0x433: {  	v5 =	vmul.f32 v5, v6;
	v6 =	vmul.f32 $1.442695020e+00, v13  }
0x434: {  	s25 =	simm.s32 $0x9BF0  }
0x435: {  	(erf) = vpow2.f32 v11;
	[tilespmem:s25+$0xFFFFFF90] =	vst v1  }
0x436: {  	[tilespmem:s25+$0xFFFFFFD0] =	vst v5;
	(erf) = vpow2.f32 v6  }
0x437: {  	v1 =	vld [tilespmem:s0+$0x2010];
	v6 =	vpop (erf)  }
0x438: {  	v5 =	vld [tilespmem:s24+$0xFFFFFFD0];
	v6 =	vadd.f32 $1.000000000e+00, v6  }
0x439: {  	v14 =	vld [tilespmem:s2+$0xFFFFFFE0];
	v13 =	vpop (erf)  }
0x43a: {  	v11 =	vld [tilespmem:s0+$0x2050];
	v13 =	vadd.f32 $1.000000000e+00, v13;
	v15 =	vpop (erf);
	(erf) = vrcp.f32 v6  }
0x43b: {  	v15 =	vadd.f32 $1.000000000e+00, v15  }
0x43c: {  	(erf) = vrcp.f32 v13  }
0x43d: {  	v16 =	vshll.u32 v1, $0x10;
	v17 =	vshll.u32 v5, $0x10;
	v5 =	vand.u32 $0xFFFF0000, v5;
	v6 =	vpop (erf)  }
0x43e: {  	v18 =	vshll.u32 v14, $0x10;
	v16 =	vadd.f32 v17, v16;
	v6 =	vadd.f32 $1.000000000e+00, v6;
	v13 =	vpop (erf)  }
0x43f: {  	v17 =	vshll.u32 v11, $0x10;
	(erf) = vrcp.f32 v15;
	v13 =	vadd.f32 $1.000000000e+00, v13;
	v15 =	vpop (erf)  }
0x440: {  	v5 =	vadd.f32 v5, v17;
	(erf) = vrcp.f32 v6;
	v6 =	vadd.f32 $1.000000000e+00, v15  }
0x441: {  	v14 =	vand.u32 $0xFFFF0000, v14;
	v16 =	vadd.f32 v18, v16;
	(erf) = vrcp.f32 v13  }
0x442: {  	v5 =	vadd.f32 v14, v5;
	(erf) = vrcp.f32 v6  }
0x443: {  	v14 =	vsub.f32 $0.0e+00, v16;
	v6 =	vand.u32 $0xFFFF0000, v8;
	v13 =	vpop (erf)  }
0x444: {  	v5 =	vsub.f32 $0.0e+00, v5;
	v6 =	vmul.f32 v6, v13  }
0x445: {  	v8 =	vmul.f32 $1.442695020e+00, v14  }
0x446: {  	v5 =	vmul.f32 $1.442695020e+00, v5  }
0x447: {  	v13 =	vpop (erf);
	(erf) = vpow2.f32 v8  }
0x448: {  	(erf) = vpow2.f32 v5;
	v5 =	vand.u32 $0xFFFF0000, v7;
	[tilespmem:s25+$0xFFFFFE10] =	vst v6;
	v6 =	vpop (erf)  }
0x449: {  	v7 =	vand.u32 $0xFFFF0000, v10;
	v5 =	vmul.f32 v5, v6;
	v6 =	vpop (erf)  }
0x44a: {  	v9 =	vand.u32 $0xFFFF0000, v9;
	v6 =	vmul.f32 v7, v6;
	v7 =	vand.u32 $0xFFFF0000, v12;
	v12 =	vpop (erf)  }
0x44b: {  	v4 =	vand.u32 $0xFFFF0000, v4;
	v9 =	vmul.f32 v9, v13;
	v7 =	vmul.f32 v7, v12;
	v12 =	vpop (erf)  }
0x44c: {  	v4 =	vmul.f32 v4, v12  }
0x44d: {  	[tilespmem:s25+$0xFFFFFE50] =	vst v9  }
0x44e: {  	v9 =	vld [tilespmem:s15+$0x2050]  }
0x44f: {  	v10 =	vld [tilespmem:s24+$0xFFFFFE50]  }
0x450: {  	[tilespmem:s25+$0xFFFFFF50] =	vst v4;
	v4 =	vpop (erf)  }
0x451: {  	v8 =	vld [tilespmem:s15+$0x2010];
	[tilespmem:s25+$0xFFFFFE90] =	vst v5;
	v4 =	vadd.f32 $1.000000000e+00, v4;
	v13 =	vpop (erf)  }
0x452: {  	v5 =	vld [tilespmem:s2+$0xFFFFFE60];
	[tilespmem:s25+$0xFFFFFED0] =	vst v6;
	v13 =	vadd.f32 $1.000000000e+00, v13  }
0x453: {  	v6 =	vld [tilespmem:s11+$0x2010];
	v16 =	vshll.u32 v9, $0x10;
	(erf) = vrcp.f32 v4  }
0x454: {  	v12 =	vld [tilespmem:s24+$0xFFFFFED0];
	(erf) = vrcp.f32 v13;
	v13 =	vshll.u32 v10, $0x10;
	v10 =	vand.u32 $0xFFFF0000, v10  }
0x455: {  	v10 =	vadd.f32 v10, v16;
	v16 =	vld [tilespmem:s2+$0xFFFFFEE0]  }
0x456: {  	v4 =	vshll.u32 v8, $0x10  }
0x457: {  	[tilespmem:s25+$0xFFFFFF10] =	vst v7;
	v7 =	vld [tilespmem:s11+$0x2050];
	v4 =	vadd.f32 v13, v4  }
0x458: {  	v13 =	vshll.u32 v5, $0x10  }
0x459: {  	v14 =	vld [tilespmem:s4+$0x2010];
	v18 =	vshll.u32 v12, $0x10;
	v4 =	vadd.f32 v13, v4;
	v13 =	vshll.u32 v6, $0x10  }
0x45a: {  	v15 =	vld [tilespmem:s4+$0x2050];
	v5 =	vand.u32 $0xFFFF0000, v5;
	v13 =	vadd.f32 v18, v13;
	v18 =	vshll.u32 v16, $0x10  }
0x45b: {  	v1 =	vand.u32 $0xFFFF0000, v1;
	v11 =	vand.u32 $0xFFFF0000, v11;
	v17 =	vld [tilespmem:s24+$0xFFFFFF50];
	v5 =	vadd.f32 v5, v10  }
0x45c: {  	v12 =	vand.u32 $0xFFFF0000, v12;
	v10 =	vshll.u32 v7, $0x10;
	v4 =	vsub.f32 $0.0e+00, v4;
	v19 =	vpop (erf)  }
0x45d: {  	v20 =	vld [tilespmem:s2+$0xFFFFFF60];
	v5 =	vsub.f32 $0.0e+00, v5;
	v13 =	vadd.f32 v18, v13;
	v1 =	vmul.f32 v1, v19;
	v18 =	vpop (erf)  }
0x45e: {  	v10 =	vadd.f32 v12, v10;
	v4 =	vmul.f32 $1.442695020e+00, v4;
	v11 =	vmul.f32 v11, v18  }
0x45f: {  	v12 =	vshll.u32 v14, $0x10;
	v5 =	vmul.f32 $1.442695020e+00, v5;
	v19 =	vshll.u32 v15, $0x10;
	[tilespmem:s25+$0xFFFFFFA0] =	vst v1  }
0x460: {  	v13 =	vsub.f32 $0.0e+00, v13;
	(erf) = vpow2.f32 v4;
	v18 =	vshll.u32 v17, $0x10;
	[tilespmem:s25+$0xFFFFFFE0] =	vst v11  }
0x461: {  	v17 =	vand.u32 $0xFFFF0000, v17;
	v1 =	vadd.f32 v18, v12;
	v11 =	vand.u32 $0xFFFF0000, v16;
	v16 =	vld [tilespmem:s0+$0x2020]  }
0x462: {  	v4 =	vshll.u32 v20, $0x10;
	v12 =	vadd.f32 v17, v19;
	v10 =	vadd.f32 v11, v10;
	v11 =	vld [tilespmem:s24+$0xFFFFFFE0]  }
0x463: {  	v13 =	vmul.f32 $1.442695020e+00, v13;
	(erf) = vpow2.f32 v5;
	v5 =	vand.u32 $0xFFFF0000, v20;
	v17 =	vld [tilespmem:s0+$0x2060]  }
0x464: {  	v1 =	vadd.f32 v4, v1;
	v4 =	vadd.f32 v5, v12  }
0x465: {  	(erf) = vpow2.f32 v13;
	v5 =	vsub.f32 $0.0e+00, v10;
	v10 =	vld [tilespmem:s2+$0xFFFFFFF0]  }
0x466: {  	v1 =	vsub.f32 $0.0e+00, v1;
	v4 =	vsub.f32 $0.0e+00, v4  }
0x467: {  	v5 =	vmul.f32 $1.442695020e+00, v5;
	v12 =	vshll.u32 v16, $0x10;
	v13 =	vshll.u32 v11, $0x10  }
0x468: {  	v11 =	vand.u32 $0xFFFF0000, v11;
	v12 =	vadd.f32 v13, v12;
	v13 =	vshll.u32 v17, $0x10  }
0x469: {  	v1 =	vmul.f32 $1.442695020e+00, v1;
	v11 =	vadd.f32 v11, v13  }
0x46a: {  	v4 =	vmul.f32 $1.442695020e+00, v4;
	(erf) = vpow2.f32 v5;
	v5 =	vshll.u32 v10, $0x10  }
0x46b: {  	v10 =	vand.u32 $0xFFFF0000, v10;
	(erf) = vpow2.f32 v1;
	v5 =	vadd.f32 v5, v12  }
0x46c: {  	(erf) = vpow2.f32 v4;
	v13 =	vpop (erf);
	v10 =	vadd.f32 v10, v11  }
0x46d: {  	v1 =	vadd.f32 $1.000000000e+00, v13;
	v5 =	vsub.f32 $0.0e+00, v5;
	v11 =	vpop (erf)  }
0x46e: {  	v10 =	vsub.f32 $0.0e+00, v10;
	v4 =	vadd.f32 $1.000000000e+00, v11;
	v11 =	vpop (erf)  }
0x46f: {  	(erf) = vrcp.f32 v1;
	v5 =	vmul.f32 $1.442695020e+00, v5;
	v1 =	vadd.f32 $1.000000000e+00, v11  }
0x470: {  	(erf) = vrcp.f32 v4;
	v4 =	vmul.f32 $1.442695020e+00, v10  }
0x471: {  	(erf) = vrcp.f32 v1  }
0x472: {  	(erf) = vpow2.f32 v5  }
0x473: {  	(erf) = vpow2.f32 v4;
	v1 =	vpop (erf)  }
0x474: {  	v1 =	vadd.f32 $1.000000000e+00, v1;
	v4 =	vpop (erf)  }
0x475: {  	v4 =	vadd.f32 $1.000000000e+00, v4;
	v5 =	vpop (erf)  }
0x476: {  	(erf) = vrcp.f32 v1;
	v1 =	vadd.f32 $1.000000000e+00, v5;
	_ =	sdelay $0x1  }
0x477: {  	v5 =	vpop (erf)  }
0x478: {  	(erf) = vrcp.f32 v4;
	v4 =	vpop (erf)  }
0x479: {  	v8 =	vand.u32 $0xFFFF0000, v8;
	(erf) = vrcp.f32 v1;
	v1 =	vpop (erf)  }
0x47a: {  	v5 =	vmul.f32 v8, v5;
	v10 =	vpop (erf)  }
0x47b: {  	v9 =	vand.u32 $0xFFFF0000, v9;
	v8 =	vadd.f32 $1.000000000e+00, v10;
	v10 =	vpop (erf)  }
0x47c: {  	v4 =	vmul.f32 v9, v4;
	[tilespmem:s25+$0xFFFFFE20] =	vst v5;
	v5 =	vand.u32 $0xFFFF0000, v6;
	v9 =	vadd.f32 $1.000000000e+00, v10  }
0x47d: {  	(erf) = vrcp.f32 v8  }
0x47e: {  	v1 =	vmul.f32 v5, v1;
	(erf) = vrcp.f32 v9  }
0x47f: {  	[tilespmem:s25+$0xFFFFFE60] =	vst v4;
	v4 =	vand.u32 $0xFFFF0000, v7;
	v5 =	vpop (erf)  }
0x480: {  	v10 =	vld [tilespmem:s24+$0xFFFFFE60];
	v4 =	vmul.f32 v4, v5;
	v5 =	vand.u32 $0xFFFF0000, v14  }
0x481: {  	v11 =	vld [tilespmem:s2+$0xFFFFFE70]  }
0x482: {  	[tilespmem:s25+$0xFFFFFEA0] =	vst v1;
	v8 =	vld [tilespmem:s15+$0x2060];
	v1 =	vpop (erf)  }
0x483: {  	v6 =	vand.u32 $0xFFFF0000, v15;
	v9 =	vld [tilespmem:s15+$0x2020];
	v1 =	vmul.f32 v5, v1;
	[tilespmem:s25+$0xFFFFFEE0] =	vst v4;
	v5 =	vpop (erf)  }
0x484: {  	v4 =	vld [tilespmem:s11+$0x2020];
	v6 =	vmul.f32 v6, v5  }
0x485: {  	[tilespmem:s25+$0xFFFFFF20] =	vst v1;
	v1 =	vld [tilespmem:s24+$0xFFFFFEE0]  }
0x486: {  	v12 =	vand.u32 $0xFFFF0000, v16;
	v5 =	vld [tilespmem:s11+$0x2060];
	[tilespmem:s25+$0xFFFFFF60] =	vst v6;
	v13 =	vpop (erf)  }
0x487: {  	v16 =	vshll.u32 v8, $0x10;
	v6 =	vld [tilespmem:s4+$0x2020];
	v12 =	vmul.f32 v12, v13;
	v13 =	vand.u32 $0xFFFF0000, v17;
	v15 =	vpop (erf)  }
0x488: {  	v14 =	vshll.u32 v9, $0x10;
	v18 =	vld [tilespmem:s24+$0xFFFFFF60];
	v17 =	vshll.u32 v10, $0x10;
	v13 =	vmul.f32 v13, v15  }
0x489: {  	v7 =	vld [tilespmem:s4+$0x2060];
	v10 =	vand.u32 $0xFFFF0000, v10;
	v14 =	vadd.f32 v17, v14;
	v15 =	vshll.u32 v11, $0x10;
	[tilespmem:s25+$0xFFFFFFB0] =	vst v12  }
0x48a: {  	v17 =	vld [tilespmem:s2+$0xFFFFFEF0];
	v10 =	vadd.f32 v10, v16;
	v11 =	vand.u32 $0xFFFF0000, v11;
	v16 =	vshll.u32 v4, $0x10;
	[tilespmem:s25+$0xFFFFFFF0] =	vst v13  }
0x48b: {  	v14 =	vadd.f32 v15, v14;
	v13 =	vshll.u32 v5, $0x10;
	v15 =	vshll.u32 v1, $0x10;
	v12 =	vld [tilespmem:s0+$0x2030]  }
0x48c: {  	v1 =	vand.u32 $0xFFFF0000, v1;
	v10 =	vadd.f32 v11, v10;
	v15 =	vadd.f32 v15, v16;
	v16 =	vld [tilespmem:s24+$0xFFFFFFF0]  }
0x48d: {  	v19 =	vshll.u32 v6, $0x10;
	v1 =	vadd.f32 v1, v13;
	v13 =	vld [tilespmem:s0+$0x2070];
	v11 =	vshll.u32 v18, $0x10  }
0x48e: {  	s3 =	simm.s32 $0x400;
	v20 =	vshll.u32 v7, $0x10;
	v18 =	vand.u32 $0xFFFF0000, v18;
	v11 =	vadd.f32 v11, v19;
	v19 =	vld [tilespmem:s2+$0x0]  }
0x48f: {  	s5 =	simm.s32 $0x380;
	s10 =	sand.u32 $0x1800, s3;
	v20 =	vadd.f32 v18, v20;
	v14 =	vsub.f32 $0.0e+00, v14;
	v21 =	vshll.u32 v17, $0x10  }
0x490: {  	s19 =	sand.u32 $0x380, s5;
	s7 =	sadd.s32 $0xA00, s10;
	s26 =	simm.s32 $0x5DC0;
	v10 =	vsub.f32 $0.0e+00, v10;
	v17 =	vand.u32 $0xFFFF0000, v17;
	v15 =	vadd.f32 v21, v15  }
0x491: {  	s21 =	sadd.s32 s19, s7;
	v22 =	vld [tilespmem:s26+$0xFFFFFFC0];
	v1 =	vadd.f32 v17, v1;
	v17 =	vshll.u32 v12, $0x10;
	v18 =	vshll.u32 v16, $0x10  }
0x492: {  	v21 =	vshll.u32 v13, $0x10;
	v16 =	vand.u32 $0xFFFF0000, v16;
	v17 =	vadd.f32 v18, v17;
	v18 =	vld [tilespmem:s21+$0x2000]  }
0x493: {  	s5 =	simm.s32 $0x7DB0;
	v16 =	vadd.f32 v16, v21;
	v21 =	vshll.u32 v19, $0x10;
	v23 =	vand.u32 $0xFFFF0000, v19;
	v19 =	vld [tilespmem:s21+$0x2040]  }
0x494: {  	v14 =	vmul.f32 $1.442695020e+00, v14;
	v15 =	vsub.f32 $0.0e+00, v15;
	v17 =	vadd.f32 v21, v17;
	v21 =	vld [tilespmem:s5+$0xFFFFFFD0]  }
0x495: {  	v10 =	vmul.f32 $1.442695020e+00, v10;
	v1 =	vsub.f32 $0.0e+00, v1;
	v16 =	vadd.f32 v23, v16  }
0x496: {  	(erf) = vpow2.f32 v14;
	v14 =	vshll.u32 v22, $0x10;
	v22 =	vand.u32 $0xFFFF0000, v22  }
0x497: {  	v17 =	vsub.f32 $0.0e+00, v17;
	v23 =	vsub.f32 $0.0e+00, v16;
	v16 =	vshll.u32 v18, $0x10  }
0x498: {  	v15 =	vmul.f32 $1.442695020e+00, v15;
	v14 =	vadd.f32 v14, v16;
	v16 =	vshll.u32 v19, $0x10  }
0x499: {  	v24 =	vld [tilespmem:s2+$0xFFFFFF70];
	v25 =	vmul.f32 $1.442695020e+00, v17;
	v17 =	vshll.u32 v21, $0x10;
	v22 =	vadd.f32 v22, v16  }
0x49a: {  	s8 =	simm.s32 $0x200;
	(erf) = vpow2.f32 v10;
	v10 =	vadd.f32 v17, v14;
	v14 =	vand.u32 $0xFFFF0000, v21  }
0x49b: {  	s8 =	sand.u32 $0x200, s8;
	(erf) = vpow2.f32 v15;
	v21 =	vmul.f32 $1.442695020e+00, v23;
	v14 =	vadd.f32 v14, v22  }
0x49c: {  	s9 =	simm.s32 $0x280;
	s14 =	simm.s32 $0x300;
	s3 =	sadd.s32 s8, s7;
	v34 =	vld [tilespmem:s5+$0xFFFFFE50];
	(erf) = vpow2.f32 v25;
	v22 =	vsub.f32 $0.0e+00, v10  }
0x49d: {  	s23 =	sand.u32 $0x280, s9;
	s14 =	sand.u32 $0x300, s14;
	v1 =	vmul.f32 $1.442695020e+00, v1;
	v16 =	vld [tilespmem:s3+$0x2000];
	(erf) = vpow2.f32 v21;
	v21 =	vsub.f32 $0.0e+00, v14  }
0x49e: {  	s16 =	sadd.s32 s23, s7;
	s7 =	sadd.s32 s14, s7;
	v15 =	vshll.u32 v24, $0x10;
	v17 =	vld [tilespmem:s3+$0x2040];
	v23 =	vand.u32 $0xFFFF0000, v24;
	v22 =	vmul.f32 $1.442695020e+00, v22  }
0x49f: {  	v24 =	vadd.f32 v15, v11;
	v11 =	vld [tilespmem:s7+$0x2000];
	(erf) = vpow2.f32 v1;
	v1 =	vmul.f32 $1.442695020e+00, v21  }
0x4a0: {  	v15 =	vld [tilespmem:s7+$0x2040];
	(erf) = vpow2.f32 v22  }
0x4a1: {  	v20 =	vadd.f32 v23, v20;
	v10 =	vld [tilespmem:s16+$0x2000];
	(erf) = vpow2.f32 v1  }
0x4a2: {  	v14 =	vld [tilespmem:s16+$0x2040];
	v23 =	vpop (erf)  }
0x4a3: {  	v20 =	vsub.f32 $0.0e+00, v20;
	v25 =	vpop (erf);
	v22 =	vld [tilespmem:s26+$0xFFFFFE40]  }
0x4a4: {  	v51 =	vshll.u32 v34, $0x10;
	v26 =	vshll.u32 v16, $0x10;
	v21 =	vsub.f32 $0.0e+00, v24;
	v29 =	vpop (erf);
	v1 =	vld [tilespmem:s26+$0xFFFFFEC0]  }
0x4a5: {  	v20 =	vmul.f32 $1.442695020e+00, v20;
	v27 =	vshll.u32 v17, $0x10;
	v31 =	vshll.u32 v11, $0x10;
	v33 =	vpop (erf)  }
0x4a6: {  	v32 =	vshll.u32 v15, $0x10;
	v21 =	vmul.f32 $1.442695020e+00, v21;
	v33 =	vadd.f32 $1.000000000e+00, v33;
	v36 =	vpop (erf)  }
0x4a7: {  	v28 =	vshll.u32 v10, $0x10;
	v30 =	vshll.u32 v14, $0x10;
	v36 =	vadd.f32 $1.000000000e+00, v36  }
0x4a8: {  	v49 =	vld [tilespmem:s5+$0xFFFFFED0];
	v35 =	vshll.u32 v22, $0x10;
	v22 =	vand.u32 $0xFFFF0000, v22;
	v39 =	vpop (erf);
	(erf) = vrcp.f32 v33  }
0x4a9: {  	v24 =	vld [tilespmem:s26+$0xFFFFFF40];
	v37 =	vshll.u32 v1, $0x10;
	v22 =	vadd.f32 v22, v27;
	(erf) = vrcp.f32 v36;
	v27 =	vpop (erf)  }
0x4aa: {  	v26 =	vadd.f32 v35, v26;
	(erf) = vpow2.f32 v21;
	v21 =	vadd.f32 $1.000000000e+00, v27;
	v27 =	vpop (erf)  }
0x4ab: {  	v28 =	vadd.f32 v37, v28;
	(erf) = vpow2.f32 v20;
	v20 =	vadd.f32 $1.000000000e+00, v27  }
0x4ac: {  	v26 =	vadd.f32 v51, v26;
	(erf) = vrcp.f32 v21;
	v21 =	vand.u32 $0xFFFF0000, v34  }
0x4ad: {  	v50 =	vld [tilespmem:s5+$0xFFFFFF50];
	(erf) = vrcp.f32 v20;
	v20 =	vshll.u32 v49, $0x10;
	v21 =	vadd.f32 v21, v22  }
0x4ae: {  	v38 =	vshll.u32 v24, $0x10;
	v22 =	vsub.f32 $0.0e+00, v26;
	v20 =	vadd.f32 v20, v28  }
0x4af: {  	v24 =	vand.u32 $0xFFFF0000, v24;
	v27 =	vadd.f32 v38, v31;
	v21 =	vsub.f32 $0.0e+00, v21  }
0x4b0: {  	v1 =	vand.u32 $0xFFFF0000, v1;
	v22 =	vmul.f32 $1.442695020e+00, v22;
	v20 =	vsub.f32 $0.0e+00, v20  }
0x4b1: {  	v24 =	vadd.f32 v24, v32;
	v1 =	vadd.f32 v1, v30;
	v21 =	vmul.f32 $1.442695020e+00, v21  }
0x4b2: {  	v26 =	vand.u32 $0xFFFF0000, v49;
	v28 =	vshll.u32 v50, $0x10;
	v31 =	vpop (erf);
	v20 =	vmul.f32 $1.442695020e+00, v20  }
0x4b3: {  	v1 =	vadd.f32 v26, v1;
	v26 =	vadd.f32 v28, v27;
	v27 =	vpop (erf)  }
0x4b4: {  	v18 =	vand.u32 $0xFFFF0000, v18;
	v30 =	vand.u32 $0xFFFF0000, v50;
	(erf) = vpow2.f32 v22;
	v22 =	vpop (erf)  }
0x4b5: {  	v24 =	vadd.f32 v30, v24;
	v1 =	vsub.f32 $0.0e+00, v1;
	(erf) = vpow2.f32 v21;
	v21 =	vpop (erf)  }
0x4b6: {  	v19 =	vand.u32 $0xFFFF0000, v19;
	v26 =	vsub.f32 $0.0e+00, v26;
	(erf) = vpow2.f32 v20;
	v20 =	vpop (erf)  }
0x4b7: {  	v24 =	vsub.f32 $0.0e+00, v24;
	v1 =	vmul.f32 $1.442695020e+00, v1;
	v18 =	vmul.f32 v18, v20;
	v20 =	vpop (erf)  }
0x4b8: {  	v26 =	vmul.f32 $1.442695020e+00, v26;
	v19 =	vmul.f32 v19, v20  }
0x4b9: {  	s9 =	simm.s32 $0x9DF0;
	(erf) = vpow2.f32 v1;
	v20 =	vmul.f32 $1.442695020e+00, v24  }
0x4ba: {  	(erf) = vpow2.f32 v26;
	[tilespmem:s9+$0xFFFFFFD0] =	vst v19;
	v19 =	vadd.f32 $1.000000000e+00, v25  }
0x4bb: {  	[tilespmem:s9+$0xFFFFFF90] =	vst v18;
	v18 =	vadd.f32 $1.000000000e+00, v23;
	(erf) = vpow2.f32 v20;
	v20 =	vadd.f32 $1.000000000e+00, v29  }
0x4bc: {  	v1 =	vand.u32 $0xFFFF0000, v9;
	v24 =	vadd.f32 $1.000000000e+00, v39;
	v9 =	vld [tilespmem:s21+$0x2010]  }
0x4bd: {  	(erf) = vrcp.f32 v18;
	v18 =	vld [tilespmem:s26+$0xFFFFFFD0]  }
0x4be: {  	v23 =	vand.u32 $0xFFFF0000, v13;
	v13 =	vld [tilespmem:s21+$0x2050];
	(erf) = vrcp.f32 v19;
	v19 =	vpop (erf)  }
0x4bf: {  	v22 =	vadd.f32 $1.000000000e+00, v22;
	v25 =	vld [tilespmem:s5+$0xFFFFFFE0];
	(erf) = vrcp.f32 v20;
	v20 =	vpop (erf)  }
0x4c0: {  	(erf) = vrcp.f32 v24;
	v19 =	vadd.f32 $1.000000000e+00, v19;
	v24 =	vpop (erf)  }
0x4c1: {  	(erf) = vrcp.f32 v22;
	v20 =	vadd.f32 $1.000000000e+00, v20;
	v22 =	vadd.f32 $1.000000000e+00, v24  }
0x4c2: {  	(erf) = vrcp.f32 v19;
	v19 =	vshll.u32 v9, $0x10;
	v24 =	vshll.u32 v18, $0x10  }
0x4c3: {  	v18 =	vand.u32 $0xFFFF0000, v18;
	v19 =	vadd.f32 v24, v19;
	v24 =	vshll.u32 v13, $0x10  }
0x4c4: {  	v26 =	vpop (erf);
	(erf) = vrcp.f32 v20;
	v20 =	vshll.u32 v25, $0x10;
	v18 =	vadd.f32 v18, v24  }
0x4c5: {  	v24 =	vadd.f32 $1.000000000e+00, v26;
	v26 =	vpop (erf);
	v19 =	vadd.f32 v20, v19;
	v20 =	vand.u32 $0xFFFF0000, v25  }
0x4c6: {  	v25 =	vadd.f32 $1.000000000e+00, v26;
	v26 =	vpop (erf);
	v18 =	vadd.f32 v20, v18  }
0x4c7: {  	v20 =	vadd.f32 $1.000000000e+00, v26  }
0x4c8: {  	(erf) = vrcp.f32 v22;
	v22 =	vpop (erf);
	v18 =	vsub.f32 $0.0e+00, v18  }
0x4c9: {  	v12 =	vand.u32 $0xFFFF0000, v12;
	(erf) = vrcp.f32 v24;
	v1 =	vmul.f32 v1, v22;
	v24 =	vpop (erf)  }
0x4ca: {  	v12 =	vmul.f32 v12, v31;
	v19 =	vsub.f32 $0.0e+00, v19;
	(erf) = vrcp.f32 v25;
	v22 =	vpop (erf)  }
0x4cb: {  	v21 =	vadd.f32 $1.000000000e+00, v21;
	(erf) = vrcp.f32 v20;
	v20 =	vpop (erf)  }
0x4cc: {  	v16 =	vand.u32 $0xFFFF0000, v16;
	[tilespmem:s25+$0xFFFFFFC0] =	vst v12;
	v19 =	vmul.f32 $1.442695020e+00, v19;
	v12 =	vmul.f32 $1.442695020e+00, v18;
	v18 =	vpop (erf)  }
0x4cd: {  	v23 =	vmul.f32 v23, v27;
	[tilespmem:s25+$0xFFFFFE30] =	vst v1;
	(erf) = vrcp.f32 v21;
	v1 =	vpop (erf)  }
0x4ce: {  	v8 =	vand.u32 $0xFFFF0000, v8;
	(erf) = vpow2.f32 v19;
	v1 =	vmul.f32 v16, v1  }
0x4cf: {  	s6 =	sadd.s32 $0x2E00, s6;
	v8 =	vmul.f32 v8, v24;
	(erf) = vpow2.f32 v12;
	v12 =	vand.u32 $0xFFFF0000, v17;
	v16 =	vpop (erf)  }
0x4d0: {  	s20 =	sadd.s32 s20, s6;
	[tilespmem:s25+$0x0] =	vst v23;
	v12 =	vmul.f32 v12, v16  }
0x4d1: {  	v19 =	vld [tilespmem:s20+$0x0];
	[tilespmem:s25+$0xFFFFFE70] =	vst v8  }
0x4d2: {  	v21 =	vand.u32 $0xFFFF0000, v7;
	v7 =	vand.u32 $0xFFFF0000, v10;
	v17 =	vld [tilespmem:s24+$0x0];
	[tilespmem:s9+$0xFFFFFE10] =	vst v1;
	v1 =	vpop (erf)  }
0x4d3: {  	v8 =	vld [tilespmem:s15+$0x2030];
	v1 =	vmul.f32 v7, v1  }
0x4d4: {  	v5 =	vand.u32 $0xFFFF0000, v5;
	v10 =	vand.u32 $0xFFFF0000, v14;
	v14 =	vld [tilespmem:s24+$0xFFFFFE70];
	[tilespmem:s9+$0xFFFFFE50] =	vst v12;
	v12 =	vpop (erf)  }
0x4d5: {  	v6 =	vand.u32 $0xFFFF0000, v6;
	v11 =	vand.u32 $0xFFFF0000, v11;
	v16 =	vand.u32 $0xFFFF0000, v4;
	v4 =	vld [tilespmem:s15+$0x2070];
	v7 =	vpop (erf)  }
0x4d6: {  	v15 =	vand.u32 $0xFFFF0000, v15;
	v9 =	vand.u32 $0xFFFF0000, v9;
	v18 =	vmul.f32 v6, v18;
	v23 =	vld [tilespmem:s3+$0x2010];
	v25 =	vpop (erf)  }
0x4d7: {  	v19 =	vshll.u32 v19, $0x10;
	v17 =	vshll.u32 v17, $0x10;
	v24 =	vld [tilespmem:s3+$0x2050];
	v10 =	vmul.f32 v10, v12;
	[tilespmem:s9+$0xFFFFFE90] =	vst v1;
	v1 =	vpop (erf)  }
0x4d8: {  	v16 =	vmul.f32 v16, v22;
	v12 =	vadd.f32 v17, v19;
	v19 =	vld [tilespmem:s26+$0xFFFFFE50];
	v6 =	vmul.f32 v11, v7;
	v7 =	vpop (erf)  }
0x4d9: {  	v17 =	vmul.f32 v5, v20;
	v5 =	vshll.u32 v8, $0x10;
	v20 =	vld [tilespmem:s5+$0xFFFFFE60];
	[tilespmem:s9+$0xFFFFFED0] =	vst v10;
	v22 =	vadd.f32 $1.000000000e+00, v7;
	v7 =	vpop (erf)  }
0x4da: {  	v10 =	vshll.u32 v4, $0x10;
	v11 =	vmul.f32 v15, v25;
	v15 =	vld [tilespmem:s16+$0x2010];
	[tilespmem:s9+$0xFFFFFF10] =	vst v6;
	v6 =	vadd.f32 $1.000000000e+00, v7  }
0x4db: {  	v25 =	vshll.u32 v14, $0x10;
	v14 =	vand.u32 $0xFFFF0000, v14;
	v26 =	vld [tilespmem:s16+$0x2050];
	(erf) = vrcp.f32 v22  }
0x4dc: {  	[tilespmem:s9+$0xFFFFFF50] =	vst v11;
	v11 =	vshll.u32 v23, $0x10;
	v1 =	vmul.f32 v21, v1;
	v21 =	vld [tilespmem:s5+$0xFFFFFEE0];
	(erf) = vrcp.f32 v6  }
0x4dd: {  	v7 =	vadd.f32 v25, v5;
	v5 =	vadd.f32 v14, v10;
	v10 =	vld [tilespmem:s26+$0xFFFFFED0];
	v14 =	vshll.u32 v19, $0x10  }
0x4de: {  	v25 =	vshll.u32 v24, $0x10;
	v19 =	vand.u32 $0xFFFF0000, v19;
	v11 =	vadd.f32 v14, v11  }
0x4df: {  	v22 =	vld [tilespmem:s7+$0x2010];
	v19 =	vadd.f32 v19, v25;
	v6 =	vand.u32 $0xFFFF0000, v23;
	v23 =	vshll.u32 v20, $0x10  }
0x4e0: {  	v13 =	vand.u32 $0xFFFF0000, v13;
	v14 =	vld [tilespmem:s7+$0x2050];
	v20 =	vand.u32 $0xFFFF0000, v20;
	v11 =	vadd.f32 v23, v11  }
0x4e1: {  	v25 =	vld [tilespmem:s26+$0xFFFFFF50];
	v23 =	vshll.u32 v15, $0x10;
	v19 =	vadd.f32 v20, v19;
	v20 =	vshll.u32 v26, $0x10  }
0x4e2: {  	v30 =	vshll.u32 v21, $0x10;
	v21 =	vand.u32 $0xFFFF0000, v21;
	v27 =	vshll.u32 v10, $0x10  }
0x4e3: {  	v11 =	vsub.f32 $0.0e+00, v11;
	v10 =	vand.u32 $0xFFFF0000, v10;
	v23 =	vadd.f32 v27, v23  }
0x4e4: {  	v19 =	vsub.f32 $0.0e+00, v19;
	v10 =	vadd.f32 v10, v20;
	v20 =	vshll.u32 v22, $0x10;
	v27 =	vld [tilespmem:s5+$0xFFFFFF60];
	v31 =	vpop (erf)  }
0x4e5: {  	v28 =	vshll.u32 v14, $0x10;
	v23 =	vadd.f32 v30, v23;
	v9 =	vmul.f32 v9, v31;
	v30 =	vpop (erf)  }
0x4e6: {  	v29 =	vshll.u32 v25, $0x10;
	v25 =	vand.u32 $0xFFFF0000, v25;
	v13 =	vmul.f32 v13, v30  }
0x4e7: {  	v11 =	vmul.f32 $1.442695020e+00, v11;
	v20 =	vadd.f32 v29, v20;
	v23 =	vsub.f32 $0.0e+00, v23;
	[tilespmem:s9+$0xFFFFFFA0] =	vst v9  }
0x4e8: {  	v25 =	vadd.f32 v25, v28;
	v19 =	vmul.f32 $1.442695020e+00, v19;
	v10 =	vadd.f32 v21, v10;
	[tilespmem:s9+$0xFFFFFFE0] =	vst v13  }
0x4e9: {  	v21 =	vmul.f32 $1.442695020e+00, v23;
	v9 =	vshll.u32 v27, $0x10;
	v27 =	vand.u32 $0xFFFF0000, v27;
	v23 =	vld [tilespmem:s26+$0xFFFFFFE0]  }
0x4ea: {  	(erf) = vpow2.f32 v11;
	v9 =	vadd.f32 v9, v20;
	v20 =	vadd.f32 v27, v25;
	v13 =	vld [tilespmem:s21+$0x2060]  }
0x4eb: {  	(erf) = vpow2.f32 v19;
	v10 =	vsub.f32 $0.0e+00, v10;
	v11 =	vld [tilespmem:s21+$0x2020]  }
0x4ec: {  	v29 =	vld [tilespmem:s2+$0xFFFFFE80];
	(erf) = vpow2.f32 v21;
	v9 =	vsub.f32 $0.0e+00, v9;
	v20 =	vsub.f32 $0.0e+00, v20  }
0x4ed: {  	[tilespmem:s25+$0xFFFFFEB0] =	vst v16;
	v16 =	vand.u32 $0xFFFF0000, v26;
	v19 =	vand.u32 $0xFFFF0000, v24;
	v10 =	vmul.f32 $1.442695020e+00, v10;
	v24 =	vld [tilespmem:s5+$0xFFFFFFF0]  }
0x4ee: {  	[tilespmem:s25+$0xFFFFFEF0] =	vst v17;
	v17 =	vand.u32 $0xFFFF0000, v22;
	v9 =	vmul.f32 $1.442695020e+00, v9;
	v20 =	vmul.f32 $1.442695020e+00, v20  }
0x4ef: {  	[tilespmem:s25+$0xFFFFFF30] =	vst v18;
	v26 =	vld [tilespmem:s11+$0x2070];
	v25 =	vshll.u32 v23, $0x10;
	v18 =	vshll.u32 v13, $0x10;
	v23 =	vand.u32 $0xFFFF0000, v23  }
0x4f0: {  	v22 =	vld [tilespmem:s11+$0x2030];
	(erf) = vpow2.f32 v10;
	v10 =	vshll.u32 v11, $0x10;
	v18 =	vadd.f32 v23, v18  }
0x4f1: {  	v21 =	vshll.u32 v29, $0x10;
	(erf) = vpow2.f32 v9;
	v10 =	vadd.f32 v25, v10  }
0x4f2: {  	[tilespmem:s25+$0xFFFFFF70] =	vst v1;
	v7 =	vadd.f32 v21, v7;
	v9 =	vshll.u32 v24, $0x10  }
0x4f3: {  	(erf) = vpow2.f32 v20;
	v25 =	vld [tilespmem:s24+$0xFFFFFF70];
	v20 =	vpop (erf);
	v9 =	vadd.f32 v9, v10;
	v10 =	vand.u32 $0xFFFF0000, v24  }
0x4f4: {  	v1 =	vld [tilespmem:s24+$0xFFFFFEF0];
	v30 =	vshll.u32 v26, $0x10;
	v20 =	vadd.f32 $1.000000000e+00, v20;
	v10 =	vadd.f32 v10, v18;
	v18 =	vpop (erf)  }
0x4f5: {  	v27 =	vshll.u32 v22, $0x10;
	v9 =	vsub.f32 $0.0e+00, v9;
	v18 =	vadd.f32 $1.000000000e+00, v18;
	v28 =	vpop (erf)  }
0x4f6: {  	v24 =	vld [tilespmem:s4+$0x2070];
	(erf) = vrcp.f32 v20;
	v10 =	vsub.f32 $0.0e+00, v10;
	v20 =	vadd.f32 $1.000000000e+00, v28  }
0x4f7: {  	v7 =	vsub.f32 $0.0e+00, v7;
	v23 =	vld [tilespmem:s4+$0x2030];
	v9 =	vmul.f32 $1.442695020e+00, v9;
	(erf) = vrcp.f32 v18  }
0x4f8: {  	v31 =	vshll.u32 v25, $0x10;
	v10 =	vmul.f32 $1.442695020e+00, v10;
	(erf) = vrcp.f32 v20  }
0x4f9: {  	v28 =	vshll.u32 v1, $0x10;
	v1 =	vand.u32 $0xFFFF0000, v1;
	v53 =	vpop (erf);
	v18 =	vld [tilespmem:s2+$0xFFFFFF00];
	(erf) = vpow2.f32 v9  }
0x4fa: {  	(erf) = vpow2.f32 v10;
	v10 =	vand.u32 $0xFFFF0000, v25;
	v25 =	vadd.f32 v28, v27;
	v27 =	vpop (erf)  }
0x4fb: {  	v52 =	vshll.u32 v24, $0x10;
	v1 =	vadd.f32 v1, v30;
	v27 =	vadd.f32 $1.000000000e+00, v27  }
0x4fc: {  	v20 =	vshll.u32 v23, $0x10;
	v9 =	vld [tilespmem:s2+$0xFFFFFF80];
	v28 =	vand.u32 $0xFFFF0000, v29;
	v29 =	vadd.f32 $1.000000000e+00, v53  }
0x4fd: {  	v20 =	vadd.f32 v31, v20;
	v10 =	vadd.f32 v10, v52  }
0x4fe: {  	v30 =	vpop (erf);
	v31 =	vshll.u32 v18, $0x10;
	(erf) = vrcp.f32 v29;
	v18 =	vand.u32 $0xFFFF0000, v18  }
0x4ff: {  	v5 =	vadd.f32 v28, v5;
	v30 =	vadd.f32 $1.000000000e+00, v30;
	(erf) = vrcp.f32 v27;
	v27 =	vpop (erf)  }
0x500: {  	v7 =	vmul.f32 $1.442695020e+00, v7;
	v25 =	vadd.f32 v31, v25;
	v1 =	vadd.f32 v18, v1;
	v28 =	vpop (erf)  }
0x501: {  	v21 =	vshll.u32 v9, $0x10;
	(erf) = vrcp.f32 v30;
	v9 =	vand.u32 $0xFFFF0000, v9;
	v18 =	vpop (erf)  }
0x502: {  	v15 =	vand.u32 $0xFFFF0000, v15;
	v9 =	vadd.f32 v9, v10;
	v6 =	vmul.f32 v6, v27;
	v10 =	vpop (erf)  }
0x503: {  	(erf) = vpow2.f32 v7;
	v7 =	vsub.f32 $0.0e+00, v25;
	v10 =	vadd.f32 $1.000000000e+00, v10  }
0x504: {  	v5 =	vsub.f32 $0.0e+00, v5;
	v20 =	vadd.f32 v21, v20;
	v19 =	vmul.f32 v19, v28;
	v21 =	vpop (erf)  }
0x505: {  	v1 =	vsub.f32 $0.0e+00, v1;
	[tilespmem:s9+$0xFFFFFE20] =	vst v6;
	v21 =	vadd.f32 $1.000000000e+00, v21;
	(erf) = vrcp.f32 v10  }
0x506: {  	[tilespmem:s9+$0xFFFFFE60] =	vst v19;
	v10 =	vmul.f32 $1.442695020e+00, v5;
	v5 =	vsub.f32 $0.0e+00, v9;
	v9 =	vmul.f32 v15, v18  }
0x507: {  	v6 =	vsub.f32 $0.0e+00, v20;
	v19 =	vld [tilespmem:s3+$0x2020];
	v15 =	vmul.f32 $1.442695020e+00, v7;
	v7 =	vpop (erf);
	(erf) = vrcp.f32 v21  }
0x508: {  	v14 =	vand.u32 $0xFFFF0000, v14;
	v29 =	vld [tilespmem:s26+$0xFFFFFE60];
	v7 =	vmul.f32 v16, v7  }
0x509: {  	v13 =	vand.u32 $0xFFFF0000, v13;
	v1 =	vmul.f32 $1.442695020e+00, v1;
	v25 =	vmul.f32 $1.442695020e+00, v6;
	v21 =	vld [tilespmem:s3+$0x2060];
	v16 =	vpop (erf);
	[tilespmem:s9+$0xFFFFFEA0] =	vst v9  }
0x50a: {  	v18 =	vand.u32 $0xFFFF0000, v4;
	v28 =	vmul.f32 $1.442695020e+00, v5;
	v4 =	vpop (erf);
	v6 =	vmul.f32 v17, v16;
	v16 =	vld [tilespmem:s5+$0xFFFFFE70];
	[tilespmem:s9+$0xFFFFFEE0] =	vst v7  }
0x50b: {  	v5 =	vand.u32 $0xFFFF0000, v22;
	(erf) = vpow2.f32 v10;
	v14 =	vmul.f32 v14, v4;
	v17 =	vld [tilespmem:s16+$0x2020]  }
0x50c: {  	v4 =	vand.u32 $0xFFFF0000, v26;
	v7 =	vand.u32 $0xFFFF0000, v23;
	(erf) = vpow2.f32 v15;
	[tilespmem:s9+$0xFFFFFF20] =	vst v6;
	v20 =	vld [tilespmem:s16+$0x2060]  }
0x50d: {  	v6 =	vand.u32 $0xFFFF0000, v24;
	v15 =	vshll.u32 v19, $0x10;
	v9 =	vand.u32 $0xFFFF0000, v19;
	[tilespmem:s9+$0xFFFFFF60] =	vst v14;
	v14 =	vld [tilespmem:s26+$0xFFFFFEE0]  }
0x50e: {  	(erf) = vpow2.f32 v1;
	v19 =	vand.u32 $0xFFFF0000, v11;
	v22 =	vshll.u32 v29, $0x10;
	v27 =	vpop (erf);
	v54 =	vld [tilespmem:s7+$0x2020]  }
0x50f: {  	v23 =	vand.u32 $0xFFFF0000, v29;
	v1 =	vshll.u32 v21, $0x10;
	v10 =	vand.u32 $0xFFFF0000, v21;
	v11 =	vld [tilespmem:s7+$0x2060];
	v21 =	vpop (erf)  }
0x510: {  	(erf) = vpow2.f32 v25;
	v15 =	vadd.f32 v22, v15;
	v24 =	vld [tilespmem:s26+$0xFFFFFF60];
	v19 =	vmul.f32 v19, v21;
	v21 =	vpop (erf)  }
0x511: {  	(erf) = vpow2.f32 v28;
	v1 =	vadd.f32 v23, v1;
	v23 =	vld [tilespmem:s5+$0xFFFFFEF0];
	v13 =	vmul.f32 v13, v21  }
0x512: {  	v22 =	vshll.u32 v20, $0x10;
	v25 =	vshll.u32 v14, $0x10;
	v21 =	vshll.u32 v16, $0x10;
	[tilespmem:s9+$0xFFFFFFB0] =	vst v19  }
0x513: {  	v14 =	vand.u32 $0xFFFF0000, v14;
	v16 =	vand.u32 $0xFFFF0000, v16;
	v15 =	vadd.f32 v21, v15;
	v21 =	vld [tilespmem:s5+$0xFFFFFF70];
	[tilespmem:s9+$0xFFFFFFF0] =	vst v13  }
0x514: {  	v26 =	vshll.u32 v54, $0x10;
	v14 =	vadd.f32 v14, v22;
	v19 =	vshll.u32 v17, $0x10;
	v13 =	vld [tilespmem:s21+$0x2030]  }
0x515: {  	v28 =	vshll.u32 v11, $0x10;
	v1 =	vadd.f32 v16, v1;
	v19 =	vadd.f32 v25, v19;
	v25 =	vld [tilespmem:s26+$0xFFFFFFF0]  }
0x516: {  	v16 =	vshll.u32 v24, $0x10;
	v24 =	vand.u32 $0xFFFF0000, v24;
	v29 =	vshll.u32 v23, $0x10;
	v22 =	vld [tilespmem:s21+$0x2070]  }
0x517: {  	v23 =	vand.u32 $0xFFFF0000, v23;
	v16 =	vadd.f32 v16, v26;
	v24 =	vadd.f32 v24, v28;
	v26 =	vld [tilespmem:s5+$0x0]  }
0x518: {  	s25 =	simm.s32 $0x580;
	v14 =	vadd.f32 v23, v14;
	v15 =	vsub.f32 $0.0e+00, v15  }
0x519: {  	s0 =	sand.u32 $0x380, s25;
	s21 =	simm.s32 $0x800;
	v1 =	vsub.f32 $0.0e+00, v1;
	v19 =	vadd.f32 v29, v19;
	v28 =	vshll.u32 v21, $0x10  }
0x51a: {  	[dreg:$0x9] =	wrdreg s0;
	s24 =	sand.u32 $0x1800, s21;
	v16 =	vadd.f32 v28, v16;
	v23 =	vshll.u32 v13, $0x10;
	v28 =	vshll.u32 v25, $0x10  }
0x51b: {  	s15 =	simm.s32 $0x5FC0;
	[dreg:$0x8] =	wrdreg s24;
	s1 =	sadd.s32 $0xA00, s24;
	v25 =	vand.u32 $0xFFFF0000, v25;
	v23 =	vadd.f32 v28, v23;
	v28 =	vshll.u32 v22, $0x10  }
0x51c: {  	v15 =	vmul.f32 $1.442695020e+00, v15;
	s4 =	sadd.s32 s0, s1;
	v30 =	vld [tilespmem:s15+$0xFFFFFFC0];
	v29 =	vshll.u32 v26, $0x10;
	v28 =	vadd.f32 v25, v28  }
0x51d: {  	v19 =	vsub.f32 $0.0e+00, v19;
	v25 =	vld [tilespmem:s4+$0x2000];
	v29 =	vadd.f32 v29, v23;
	v23 =	vand.u32 $0xFFFF0000, v26  }
0x51e: {  	s24 =	simm.s32 $0x7FB0;
	v1 =	vmul.f32 $1.442695020e+00, v1;
	v26 =	vadd.f32 v23, v28;
	v23 =	vld [tilespmem:s4+$0x2040]  }
0x51f: {  	v21 =	vand.u32 $0xFFFF0000, v21;
	v31 =	vld [tilespmem:s24+$0xFFFFFFD0];
	(erf) = vpow2.f32 v15;
	v19 =	vmul.f32 $1.442695020e+00, v19  }
0x520: {  	s2 =	simm.s32 $0x400;
	v21 =	vadd.f32 v21, v24;
	(erf) = vpow2.f32 v1;
	v24 =	vsub.f32 $0.0e+00, v29  }
0x521: {  	s11 =	sand.u32 $0x200, s2;
	(erf) = vpow2.f32 v19;
	v1 =	vshll.u32 v30, $0x10;
	v26 =	vsub.f32 $0.0e+00, v26  }
0x522: {  	s20 =	simm.s32 $0x480;
	s31 =	sadd.s32 s11, s1;
	[dreg:$0x6] =	wrdreg s11;
	v15 =	vmul.f32 $1.442695020e+00, v24;
	v19 =	vshll.u32 v25, $0x10;
	v24 =	vand.u32 $0xFFFF0000, v30  }
0x523: {  	s25 =	simm.s32 $0x500;
	s21 =	sand.u32 $0x280, s20;
	v29 =	vld [tilespmem:s31+$0x2000];
	v55 =	vmul.f32 $1.442695020e+00, v26;
	v1 =	vadd.f32 v1, v19;
	v19 =	vshll.u32 v23, $0x10  }
0x524: {  	s28 =	sadd.s32 s21, s1;
	s0 =	sand.u32 $0x300, s25;
	v26 =	vld [tilespmem:s31+$0x2040];
	[dreg:$0x5] =	wrdreg s21;
	(erf) = vpow2.f32 v15;
	v15 =	vshll.u32 v31, $0x10;
	v19 =	vadd.f32 v24, v19  }
0x525: {  	v56 =	vsub.f32 $0.0e+00, v14;
	v28 =	vld [tilespmem:s28+$0x2000];
	[dreg:$0x7] =	wrdreg s0;
	v1 =	vadd.f32 v15, v1;
	v15 =	vand.u32 $0xFFFF0000, v31  }
0x526: {  	s11 =	sadd.s32 s0, s1;
	v24 =	vpop (erf);
	v30 =	vld [tilespmem:s28+$0x2040];
	(erf) = vpow2.f32 v55;
	v58 =	vadd.f32 v15, v19  }
0x527: {  	v34 =	vmul.f32 $1.442695020e+00, v56;
	v31 =	vld [tilespmem:s11+$0x2000];
	v14 =	vpop (erf);
	v1 =	vsub.f32 $0.0e+00, v1  }
0x528: {  	v27 =	vadd.f32 $1.000000000e+00, v27;
	v13 =	vand.u32 $0xFFFF0000, v13;
	v32 =	vld [tilespmem:s11+$0x2040];
	v19 =	vpop (erf);
	v36 =	vsub.f32 $0.0e+00, v58  }
0x529: {  	v57 =	vsub.f32 $0.0e+00, v16;
	v59 =	vsub.f32 $0.0e+00, v21;
	v60 =	vld [tilespmem:s15+$0xFFFFFE40];
	v1 =	vmul.f32 $1.442695020e+00, v1;
	v16 =	vpop (erf)  }
0x52a: {  	v61 =	vld [tilespmem:s15+$0xFFFFFEC0];
	v15 =	vand.u32 $0xFFFF0000, v17;
	(erf) = vpow2.f32 v34;
	v17 =	vpop (erf);
	v36 =	vmul.f32 $1.442695020e+00, v36  }
0x52b: {  	v21 =	vand.u32 $0xFFFF0000, v20;
	v35 =	vmul.f32 $1.442695020e+00, v57;
	v62 =	vld [tilespmem:s15+$0xFFFFFF40];
	(erf) = vpow2.f32 v1;
	v34 =	vpop (erf)  }
0x52c: {  	v20 =	vand.u32 $0xFFFF0000, v54;
	v37 =	vmul.f32 $1.442695020e+00, v59;
	v44 =	vld [tilespmem:s24+$0xFFFFFE50];
	v41 =	vpop (erf);
	(erf) = vpow2.f32 v36  }
0x52d: {  	v40 =	vshll.u32 v29, $0x10;
	v48 =	vld [tilespmem:s24+$0xFFFFFED0];
	v42 =	vshll.u32 v28, $0x10;
	v63 =	vshll.u32 v30, $0x10;
	v43 =	vpop (erf)  }
0x52e: {  	v45 =	vshll.u32 v31, $0x10;
	v46 =	vshll.u32 v32, $0x10;
	v49 =	vshll.u32 v60, $0x10;
	v47 =	vpop (erf)  }
0x52f: {  	v38 =	vand.u32 $0xFFFF0000, v60;
	v39 =	vand.u32 $0xFFFF0000, v61;
	v47 =	vadd.f32 $1.000000000e+00, v47;
	v51 =	vpop (erf)  }
0x530: {  	v52 =	vshll.u32 v62, $0x10;
	v33 =	vand.u32 $0xFFFF0000, v62;
	v51 =	vadd.f32 $1.000000000e+00, v51  }
0x531: {  	v57 =	vshll.u32 v44, $0x10;
	v44 =	vand.u32 $0xFFFF0000, v44;
	(erf) = vrcp.f32 v47  }
0x532: {  	v58 =	vshll.u32 v48, $0x10;
	v1 =	vshll.u32 v26, $0x10;
	(erf) = vrcp.f32 v51  }
0x533: {  	v40 =	vadd.f32 v49, v40;
	v36 =	vadd.f32 v39, v63;
	v39 =	vpop (erf);
	(erf) = vpow2.f32 v35  }
0x534: {  	v53 =	vld [tilespmem:s24+$0xFFFFFF50];
	v59 =	vand.u32 $0xFFFF0000, v48;
	v1 =	vadd.f32 v38, v1;
	v60 =	vpop (erf);
	(erf) = vpow2.f32 v37  }
0x535: {  	v48 =	vadd.f32 $1.000000000e+00, v60;
	v62 =	vpop (erf);
	(erf) = vrcp.f32 v27;
	v27 =	vadd.f32 v57, v40  }
0x536: {  	v50 =	vshll.u32 v61, $0x10;
	v1 =	vadd.f32 v44, v1;
	v49 =	vadd.f32 $1.000000000e+00, v62  }
0x537: {  	v56 =	vadd.f32 v50, v42;
	(erf) = vrcp.f32 v48;
	v27 =	vsub.f32 $0.0e+00, v27  }
0x538: {  	v33 =	vadd.f32 v33, v46;
	v1 =	vsub.f32 $0.0e+00, v1;
	(erf) = vrcp.f32 v49  }
0x539: {  	v63 =	vand.u32 $0xFFFF0000, v53;
	v38 =	vadd.f32 v58, v56;
	v27 =	vmul.f32 $1.442695020e+00, v27  }
0x53a: {  	v45 =	vadd.f32 v52, v45;
	v33 =	vadd.f32 v63, v33;
	v1 =	vmul.f32 $1.442695020e+00, v1  }
0x53b: {  	v61 =	vshll.u32 v53, $0x10;
	v36 =	vadd.f32 v59, v36;
	v38 =	vsub.f32 $0.0e+00, v38;
	v51 =	vpop (erf)  }
0x53c: {  	v25 =	vand.u32 $0xFFFF0000, v25;
	v33 =	vsub.f32 $0.0e+00, v33;
	v35 =	vadd.f32 v61, v45;
	v52 =	vpop (erf)  }
0x53d: {  	v36 =	vsub.f32 $0.0e+00, v36;
	v53 =	vmul.f32 $1.442695020e+00, v38;
	(erf) = vpow2.f32 v27;
	v27 =	vpop (erf)  }
0x53e: {  	v33 =	vmul.f32 $1.442695020e+00, v33;
	v35 =	vsub.f32 $0.0e+00, v35;
	(erf) = vpow2.f32 v1;
	v1 =	vpop (erf)  }
0x53f: {  	v22 =	vand.u32 $0xFFFF0000, v22;
	v36 =	vmul.f32 $1.442695020e+00, v36;
	v13 =	vmul.f32 v13, v51;
	v54 =	vpop (erf)  }
0x540: {  	v35 =	vmul.f32 $1.442695020e+00, v35;
	v22 =	vmul.f32 v22, v52;
	v55 =	vpop (erf)  }
0x541: {  	v23 =	vand.u32 $0xFFFF0000, v23;
	(erf) = vpow2.f32 v53;
	[tilespmem:s9+$0xFFFFFFC0] =	vst v13;
	v13 =	vmul.f32 v25, v55;
	v25 =	vpop (erf)  }
0x542: {  	(erf) = vpow2.f32 v36;
	v23 =	vmul.f32 v23, v25  }
0x543: {  	s2 =	simm.s32 $0x9FF0;
	[tilespmem:s9+$0x0] =	vst v22;
	v22 =	vadd.f32 $1.000000000e+00, v34;
	(erf) = vpow2.f32 v35  }
0x544: {  	(erf) = vpow2.f32 v33;
	v25 =	vand.u32 $0xFFFF0000, v26;
	v26 =	vadd.f32 $1.000000000e+00, v41;
	[tilespmem:s2+$0xFFFFFF90] =	vst v13  }
0x545: {  	v56 =	vand.u32 $0xFFFF0000, v29;
	v29 =	vadd.f32 $1.000000000e+00, v43;
	(erf) = vrcp.f32 v22;
	[tilespmem:s2+$0xFFFFFFD0] =	vst v23  }
0x546: {  	v57 =	vand.u32 $0xFFFF0000, v30;
	v30 =	vadd.f32 $1.000000000e+00, v39;
	(erf) = vrcp.f32 v26;
	v22 =	vld [tilespmem:s4+$0x2010];
	v23 =	vpop (erf)  }
0x547: {  	v27 =	vadd.f32 $1.000000000e+00, v27;
	v26 =	vand.u32 $0xFFFF0000, v31;
	v31 =	vld [tilespmem:s15+$0xFFFFFFD0];
	(erf) = vrcp.f32 v29;
	v58 =	vpop (erf)  }
0x548: {  	v59 =	vld [tilespmem:s24+$0xFFFFFFE0];
	(erf) = vrcp.f32 v30;
	v30 =	vadd.f32 $1.000000000e+00, v58  }
0x549: {  	v29 =	vadd.f32 $1.000000000e+00, v23;
	v23 =	vld [tilespmem:s4+$0x2050]  }
0x54a: {  	v8 =	vand.u32 $0xFFFF0000, v8;
	v24 =	vadd.f32 $1.000000000e+00, v24;
	v60 =	vpop (erf);
	(erf) = vrcp.f32 v27  }
0x54b: {  	v52 =	vadd.f32 $1.000000000e+00, v14;
	v1 =	vadd.f32 $1.000000000e+00, v1;
	(erf) = vrcp.f32 v29;
	v27 =	vpop (erf)  }
0x54c: {  	v29 =	vadd.f32 $1.000000000e+00, v60;
	v27 =	vadd.f32 $1.000000000e+00, v27;
	(erf) = vrcp.f32 v30;
	v30 =	vpop (erf)  }
0x54d: {  	s10 =	sadd.s32 $0x2E00, s10;
	v61 =	vshll.u32 v22, $0x10;
	v62 =	vshll.u32 v31, $0x10;
	v31 =	vand.u32 $0xFFFF0000, v31;
	v44 =	vpop (erf)  }
0x54e: {  	s1 =	sadd.s32 s19, s10;
	v46 =	vshll.u32 v59, $0x10;
	v36 =	vadd.f32 v62, v61;
	v63 =	vshll.u32 v23, $0x10;
	v47 =	vpop (erf)  }
0x54f: {  	v13 =	vld [tilespmem:s1+$0x0];
	v34 =	vand.u32 $0xFFFF0000, v59;
	v31 =	vadd.f32 v31, v63;
	v9 =	vmul.f32 v9, v47  }
0x550: {  	v45 =	vld [tilespmem:s26+$0x0];
	v30 =	vadd.f32 $1.000000000e+00, v30;
	v36 =	vadd.f32 v46, v36;
	(erf) = vrcp.f32 v29;
	v29 =	vpop (erf)  }
0x551: {  	v39 =	vadd.f32 $1.000000000e+00, v44;
	(erf) = vrcp.f32 v27;
	v31 =	vadd.f32 v34, v31;
	v27 =	vpop (erf)  }
0x552: {  	v48 =	vsub.f32 $0.0e+00, v36;
	(erf) = vrcp.f32 v30;
	v30 =	vmul.f32 v8, v54;
	v49 =	vpop (erf)  }
0x553: {  	v10 =	vmul.f32 v10, v29;
	(erf) = vrcp.f32 v39;
	v8 =	vsub.f32 $0.0e+00, v31;
	[tilespmem:s9+$0xFFFFFE30] =	vst v9;
	v9 =	vpop (erf)  }
0x554: {  	v13 =	vshll.u32 v13, $0x10;
	v31 =	vmul.f32 $1.442695020e+00, v48;
	(erf) = vrcp.f32 v1;
	v50 =	vpop (erf)  }
0x555: {  	v29 =	vshll.u32 v45, $0x10;
	[tilespmem:s9+$0xFFFFFE70] =	vst v10;
	v10 =	vmul.f32 $1.442695020e+00, v8;
	v1 =	vmul.f32 v56, v50;
	v51 =	vpop (erf)  }
0x556: {  	v29 =	vadd.f32 v29, v13;
	v13 =	vld [tilespmem:s3+$0x2030];
	(erf) = vpow2.f32 v31;
	v14 =	vmul.f32 v25, v51  }
0x557: {  	v19 =	vadd.f32 $1.000000000e+00, v19;
	(erf) = vpow2.f32 v10;
	[tilespmem:s2+$0xFFFFFE10] =	vst v1;
	v1 =	vld [tilespmem:s26+$0xFFFFFE70]  }
0x558: {  	v28 =	vand.u32 $0xFFFF0000, v28;
	v8 =	vld [tilespmem:s3+$0x2070];
	v25 =	vmul.f32 v15, v27;
	(erf) = vrcp.f32 v24;
	[tilespmem:s2+$0xFFFFFE50] =	vst v14  }
0x559: {  	v10 =	vadd.f32 $1.000000000e+00, v16;
	v24 =	vmul.f32 v20, v9;
	v15 =	vpop (erf);
	(erf) = vrcp.f32 v52;
	v9 =	vld [tilespmem:s31+$0x2010]  }
0x55a: {  	v15 =	vmul.f32 v28, v15;
	v16 =	vpop (erf);
	(erf) = vrcp.f32 v19;
	v20 =	vld [tilespmem:s31+$0x2050]  }
0x55b: {  	v11 =	vand.u32 $0xFFFF0000, v11;
	v19 =	vpop (erf);
	v27 =	vld [tilespmem:s15+$0xFFFFFE50];
	(erf) = vrcp.f32 v10  }
0x55c: {  	v10 =	vld [tilespmem:s24+$0xFFFFFE60];
	[tilespmem:s2+$0xFFFFFE90] =	vst v15;
	v15 =	vmul.f32 v26, v19;
	v26 =	vshll.u32 v1, $0x10;
	v1 =	vand.u32 $0xFFFF0000, v1  }
0x55d: {  	v32 =	vand.u32 $0xFFFF0000, v32;
	v14 =	vadd.f32 $1.000000000e+00, v17;
	v16 =	vmul.f32 v57, v16;
	v19 =	vpop (erf)  }
0x55e: {  	v17 =	vshll.u32 v13, $0x10;
	v28 =	vshll.u32 v8, $0x10;
	v32 =	vmul.f32 v32, v19  }
0x55f: {  	[tilespmem:s2+$0xFFFFFED0] =	vst v16;
	v19 =	vadd.f32 v26, v17;
	v17 =	vadd.f32 v1, v28;
	v26 =	vshll.u32 v9, $0x10;
	v1 =	vpop (erf)  }
0x560: {  	[tilespmem:s2+$0xFFFFFF10] =	vst v15;
	v16 =	vand.u32 $0xFFFF0000, v9;
	v9 =	vld [tilespmem:s28+$0x2010];
	v15 =	vand.u32 $0xFFFF0000, v20;
	v54 =	vshll.u32 v27, $0x10;
	v53 =	vpop (erf)  }
0x561: {  	v55 =	vld [tilespmem:s15+$0xFFFFFED0];
	v57 =	vshll.u32 v10, $0x10;
	v26 =	vadd.f32 v54, v26;
	v33 =	vadd.f32 $1.000000000e+00, v53;
	v56 =	vpop (erf)  }
0x562: {  	[tilespmem:s2+$0xFFFFFF50] =	vst v32;
	v1 =	vmul.f32 v11, v1;
	v11 =	vshll.u32 v20, $0x10;
	v20 =	vld [tilespmem:s28+$0x2050];
	v35 =	vadd.f32 $1.000000000e+00, v56  }
0x563: {  	v59 =	vld [tilespmem:s11+$0x2050];
	v27 =	vand.u32 $0xFFFF0000, v27;
	v26 =	vadd.f32 v57, v26;
	(erf) = vrcp.f32 v33  }
0x564: {  	v62 =	vld [tilespmem:s24+$0xFFFFFEE0];
	v10 =	vand.u32 $0xFFFF0000, v10;
	v11 =	vadd.f32 v27, v11;
	(erf) = vrcp.f32 v35  }
0x565: {  	v61 =	vld [tilespmem:s15+$0xFFFFFF50];
	v60 =	vshll.u32 v9, $0x10;
	v27 =	vand.u32 $0xFFFF0000, v9;
	v9 =	vsub.f32 $0.0e+00, v26  }
0x566: {  	v58 =	vld [tilespmem:s11+$0x2010];
	v10 =	vadd.f32 v10, v11  }
0x567: {  	v22 =	vand.u32 $0xFFFF0000, v22;
	v31 =	vmul.f32 v21, v49;
	v63 =	vld [tilespmem:s24+$0xFFFFFF60];
	v11 =	vshll.u32 v20, $0x10  }
0x568: {  	v34 =	vand.u32 $0xFFFF0000, v55;
	v32 =	vpop (erf);
	v48 =	vsub.f32 $0.0e+00, v10;
	v10 =	vshll.u32 v59, $0x10  }
0x569: {  	[tilespmem:s9+$0xFFFFFEF0] =	vst v31;
	v31 =	vshll.u32 v62, $0x10;
	v26 =	vshll.u32 v55, $0x10;
	v47 =	vmul.f32 $1.442695020e+00, v9;
	v9 =	vpop (erf)  }
0x56a: {  	[tilespmem:s9+$0xFFFFFEB0] =	vst v25;
	v25 =	vand.u32 $0xFFFF0000, v61;
	v45 =	vadd.f32 v26, v60;
	v34 =	vadd.f32 v34, v11;
	v11 =	vpop (erf)  }
0x56b: {  	v23 =	vand.u32 $0xFFFF0000, v23;
	v46 =	vshll.u32 v58, $0x10;
	v50 =	vadd.f32 v25, v10;
	v10 =	vpop (erf)  }
0x56c: {  	[tilespmem:s9+$0xFFFFFF30] =	vst v24;
	v51 =	vshll.u32 v63, $0x10;
	v38 =	vand.u32 $0xFFFF0000, v63;
	v24 =	vadd.f32 v31, v45;
	v31 =	vpop (erf)  }
0x56d: {  	v21 =	vld [tilespmem:s5+$0xFFFFFE80];
	v26 =	vand.u32 $0xFFFF0000, v20;
	v20 =	vshll.u32 v61, $0x10;
	v52 =	vmul.f32 v22, v31;
	v31 =	vpop (erf)  }
0x56e: {  	[tilespmem:s9+$0xFFFFFF70] =	vst v1;
	v35 =	vand.u32 $0xFFFF0000, v62;
	v49 =	vadd.f32 v20, v46;
	v20 =	vld [tilespmem:s16+$0x2030];
	v23 =	vmul.f32 v23, v31  }
0x56f: {  	v25 =	vld [tilespmem:s16+$0x2070];
	s16 =	simm.s32 $0x5DC0;
	v53 =	vmul.f32 $1.442695020e+00, v48;
	v24 =	vsub.f32 $0.0e+00, v24;
	v38 =	vadd.f32 v38, v50;
	[tilespmem:s2+$0xFFFFFFA0] =	vst v52  }
0x570: {  	v54 =	vld [tilespmem:s16+$0xFFFFFF70];
	(erf) = vpow2.f32 v47;
	v34 =	vadd.f32 v35, v34;
	v33 =	vadd.f32 v51, v49;
	[tilespmem:s2+$0xFFFFFFE0] =	vst v23  }
0x571: {  	(erf) = vpow2.f32 v53;
	v55 =	vmul.f32 $1.442695020e+00, v24;
	v24 =	vsub.f32 $0.0e+00, v38;
	v23 =	vld [tilespmem:s4+$0x2020]  }
0x572: {  	v34 =	vsub.f32 $0.0e+00, v34;
	v56 =	vld [tilespmem:s15+$0xFFFFFFE0]  }
0x573: {  	v33 =	vsub.f32 $0.0e+00, v33;
	v38 =	vmul.f32 $1.442695020e+00, v24;
	v24 =	vld [tilespmem:s4+$0x2060]  }
0x574: {  	v37 =	vand.u32 $0xFFFF0000, v59;
	v34 =	vmul.f32 $1.442695020e+00, v34;
	(erf) = vpow2.f32 v55;
	v59 =	vld [tilespmem:s24+$0xFFFFFFF0]  }
0x575: {  	v28 =	vshll.u32 v21, $0x10;
	v57 =	vshll.u32 v20, $0x10;
	v33 =	vmul.f32 $1.442695020e+00, v33  }
0x576: {  	v62 =	vshll.u32 v54, $0x10;
	v35 =	vand.u32 $0xFFFF0000, v54;
	(erf) = vpow2.f32 v34  }
0x577: {  	v1 =	vld [tilespmem:s16+$0xFFFFFEF0];
	(erf) = vpow2.f32 v33;
	v48 =	vshll.u32 v23, $0x10;
	v49 =	vshll.u32 v56, $0x10  }
0x578: {  	v51 =	vshll.u32 v24, $0x10;
	v41 =	vand.u32 $0xFFFF0000, v56;
	v44 =	vadd.f32 v49, v48  }
0x579: {  	(erf) = vpow2.f32 v38;
	v53 =	vpop (erf);
	v52 =	vshll.u32 v59, $0x10;
	v41 =	vadd.f32 v41, v51  }
0x57a: {  	v22 =	vld [tilespmem:s7+$0x2030];
	v54 =	vadd.f32 $1.000000000e+00, v53;
	v55 =	vpop (erf);
	v42 =	vand.u32 $0xFFFF0000, v59;
	v44 =	vadd.f32 v52, v44  }
0x57b: {  	v36 =	vand.u32 $0xFFFF0000, v58;
	v41 =	vadd.f32 v42, v41;
	v42 =	vadd.f32 $1.000000000e+00, v55  }
0x57c: {  	v60 =	vshll.u32 v25, $0x10;
	v58 =	vshll.u32 v1, $0x10;
	(erf) = vrcp.f32 v54  }
0x57d: {  	v39 =	vadd.f32 v58, v57;
	v57 =	vpop (erf);
	v44 =	vsub.f32 $0.0e+00, v44;
	(erf) = vrcp.f32 v42  }
0x57e: {  	v21 =	vand.u32 $0xFFFF0000, v21;
	v34 =	vadd.f32 $1.000000000e+00, v57;
	v41 =	vsub.f32 $0.0e+00, v41  }
0x57f: {  	v1 =	vand.u32 $0xFFFF0000, v1;
	v61 =	vshll.u32 v22, $0x10;
	v58 =	vpop (erf);
	v44 =	vmul.f32 $1.442695020e+00, v44  }
0x580: {  	v1 =	vadd.f32 v1, v60;
	v60 =	vpop (erf);
	(erf) = vrcp.f32 v34;
	v41 =	vmul.f32 $1.442695020e+00, v41  }
0x581: {  	v45 =	vadd.f32 $1.000000000e+00, v58;
	v42 =	vadd.f32 $1.000000000e+00, v60;
	(erf) = vpow2.f32 v44  }
0x582: {  	v17 =	vadd.f32 v21, v17;
	v31 =	vld [tilespmem:s7+$0x2070];
	v33 =	vadd.f32 v62, v61;
	v61 =	vpop (erf);
	(erf) = vpow2.f32 v41  }
0x583: {  	v19 =	vadd.f32 v28, v19;
	v50 =	vld [tilespmem:s5+$0xFFFFFF00];
	v34 =	vadd.f32 $1.000000000e+00, v61;
	(erf) = vrcp.f32 v45  }
0x584: {  	v56 =	vld [tilespmem:s5+$0xFFFFFF80];
	(erf) = vrcp.f32 v42  }
0x585: {  	v19 =	vsub.f32 $0.0e+00, v19;
	v42 =	vpop (erf);
	(erf) = vrcp.f32 v34  }
0x586: {  	(erf) = vrcp.f32 v14;
	v14 =	vmul.f32 v16, v42;
	v16 =	vsub.f32 $0.0e+00, v17;
	v17 =	vpop (erf)  }
0x587: {  	v63 =	vshll.u32 v31, $0x10;
	v15 =	vmul.f32 v15, v17  }
0x588: {  	v19 =	vmul.f32 $1.442695020e+00, v19;
	v62 =	vand.u32 $0xFFFF0000, v50;
	v35 =	vadd.f32 v35, v63  }
0x589: {  	v1 =	vadd.f32 v62, v1;
	v59 =	vshll.u32 v50, $0x10;
	v28 =	vand.u32 $0xFFFF0000, v56;
	v17 =	vpop (erf)  }
0x58a: {  	v21 =	vadd.f32 v59, v39;
	v28 =	vadd.f32 v28, v35;
	[tilespmem:s2+$0xFFFFFE20] =	vst v14;
	v14 =	vmul.f32 v27, v17;
	v27 =	vpop (erf)  }
0x58b: {  	v63 =	vshll.u32 v56, $0x10;
	v17 =	vand.u32 $0xFFFF0000, v13;
	[tilespmem:s2+$0xFFFFFE60] =	vst v15;
	v13 =	vadd.f32 $1.000000000e+00, v27;
	v15 =	vpop (erf)  }
0x58c: {  	v43 =	vmul.f32 $1.442695020e+00, v16;
	v16 =	vsub.f32 $0.0e+00, v28;
	v44 =	vpop (erf);
	(erf) = vpow2.f32 v19  }
0x58d: {  	v33 =	vadd.f32 v63, v33;
	v15 =	vadd.f32 $1.000000000e+00, v15;
	(erf) = vrcp.f32 v13  }
0x58e: {  	v1 =	vsub.f32 $0.0e+00, v1;
	v21 =	vsub.f32 $0.0e+00, v21;
	v28 =	vld [tilespmem:s31+$0x2020];
	v45 =	vmul.f32 $1.442695020e+00, v16  }
0x58f: {  	v33 =	vsub.f32 $0.0e+00, v33;
	v19 =	vld [tilespmem:s31+$0x2060];
	v16 =	vmul.f32 v26, v44;
	v26 =	vpop (erf);
	(erf) = vrcp.f32 v15  }
0x590: {  	v8 =	vand.u32 $0xFFFF0000, v8;
	v23 =	vand.u32 $0xFFFF0000, v23;
	v1 =	vmul.f32 $1.442695020e+00, v1;
	[tilespmem:s2+$0xFFFFFEA0] =	vst v14;
	v46 =	vld [tilespmem:s15+$0xFFFFFE60]  }
0x591: {  	v21 =	vmul.f32 $1.442695020e+00, v21;
	v14 =	vand.u32 $0xFFFF0000, v22;
	v27 =	vmul.f32 $1.442695020e+00, v33;
	[tilespmem:s2+$0xFFFFFEE0] =	vst v16  }
0x592: {  	v26 =	vmul.f32 v36, v26;
	v13 =	vpop (erf);
	v16 =	vand.u32 $0xFFFF0000, v25;
	(erf) = vpow2.f32 v43;
	v25 =	vld [tilespmem:s28+$0x2020]  }
0x593: {  	v47 =	vld [tilespmem:s24+$0xFFFFFE70];
	v37 =	vmul.f32 v37, v13;
	v13 =	vand.u32 $0xFFFF0000, v31;
	(erf) = vpow2.f32 v21  }
0x594: {  	s30 =	simm.s32 $0x7FB0;
	s29 =	sadd.s32 s17, s6;
	s20 =	sand.u32 $0x600, s22;
	[tilespmem:s2+$0xFFFFFF20] =	vst v26;
	v31 =	vld [tilespmem:s28+$0x2060];
	(erf) = vpow2.f32 v1;
	v1 =	vshll.u32 v19, $0x10;
	v21 =	vand.u32 $0xFFFF0000, v19;
	v19 =	vpop (erf)  }
0x595: {  	s17 =	simm.s32 $0x20;
	s22 =	sshrl.u32 s20, $0x2;
	s20 =	simm.s32 $0x50;
	v22 =	vshll.u32 v28, $0x10;
	v26 =	vld [tilespmem:s15+$0xFFFFFEE0];
	[tilespmem:s2+$0xFFFFFF60] =	vst v37;
	(erf) = vpow2.f32 v27;
	v27 =	vshll.u32 v46, $0x10;
	v33 =	vpop (erf)  }
0x596: {  	s25 =	sadd.s32 s8, s10;
	s8 =	sadd.s32 s23, s10;
	s23 =	simm.s32 $0x9FF0;
	v24 =	vand.u32 $0xFFFF0000, v24;
	v15 =	vand.u32 $0xFFFF0000, v20;
	v27 =	vadd.f32 v27, v22;
	v49 =	vld [tilespmem:s11+$0x2060];
	v53 =	vpop (erf)  }
0x597: {  	s19 =	simm.s32 $0x100;
	s3 =	sand.u32 $0x600, s12;
	s7 =	sadd.s32 s13, s6;
	v50 =	vshll.u32 v25, $0x10;
	v22 =	vand.u32 $0xFFFF0000, v25;
	v25 =	vld [tilespmem:s15+$0xFFFFFF60];
	v23 =	vmul.f32 v23, v53  }
0x598: {  	s12 =	simm.s32 $0x0;
	s0 =	sshrl.u32 s3, $0x2;
	v20 =	vand.u32 $0xFFFF0000, v28;
	v28 =	vand.u32 $0xFFFF0000, v46;
	v48 =	vshll.u32 v47, $0x10;
	v37 =	vld [tilespmem:s11+$0x2020];
	[dreg:$0x10] =	wrdreg s7;
	v56 =	vpop (erf)  }
0x599: {  	s21 =	sadd.s32 s18, s6;
	s3 =	sand.u32 $0x40, s12;
	s0 =	sor.u32 $0xAC00, s0;
	v1 =	vadd.f32 v28, v1;
	v51 =	vadd.f32 v48, v27;
	v27 =	vld [tilespmem:s24+$0xFFFFFEF0];
	v24 =	vmul.f32 v24, v56;
	[tilespmem:s2+$0xFFFFFFB0] =	vst v23  }
0x59a: {  	s13 =	simm.s32 $0x10;
	s6 =	sand.u32 $0x60, s17;
	v52 =	vshll.u32 v31, $0x10;
	v54 =	vshll.u32 v26, $0x10;
	v26 =	vand.u32 $0xFFFF0000, v26;
	v55 =	vld [tilespmem:s24+$0xFFFFFF70];
	[dreg:$0x4] =	wrdreg s19  }
0x59b: {  	s17 =	sadd.s32 s14, s10;
	s6 =	sor.u32 s6, s0;
	s5 =	simm.s32 $0x30;
	v28 =	vand.u32 $0xFFFF0000, v47;
	(erf) = vpow2.f32 v45;
	v34 =	vadd.f32 v26, v52;
	[tilespmem:s2+$0xFFFFFFF0] =	vst v24  }
0x59c: {  	s1 =	sand.u32 $0x70, s5;
	s5 =	sand.u32 $0x50, s13;
	v26 =	vshll.u32 v49, $0x10;
	v23 =	vshll.u32 v25, $0x10;
	v25 =	vand.u32 $0xFFFF0000, v25;
	[dreg:$0x19] =	wrdreg s25  }
0x59d: {  	v32 =	vmul.f32 v18, v32;
	s13 =	sor.u32 s3, s0;
	s1 =	sor.u32 s1, s0;
	v1 =	vadd.f32 v28, v1;
	v60 =	vadd.f32 v25, v26;
	v26 =	vld [tilespmem:s4+$0x2030];
	[dreg:$0x16] =	wrdreg s8  }
0x59e: {  	s12 =	sor.u32 s5, s0;
	s7 =	simm.s32 $0x70;
	v58 =	vadd.f32 v54, v50;
	v57 =	vshll.u32 v37, $0x10;
	v24 =	vshll.u32 v27, $0x10;
	[dreg:$0x12] =	wrdreg s17  }
0x59f: {  	s0 =	sor.u32 $0xAC00, s22;
	s22 =	simm.s32 $0x60;
	s26 =	sand.u32 $0x70, s7;
	v59 =	vadd.f32 v23, v57;
	v23 =	vand.u32 $0xFFFF0000, v27;
	v27 =	vshll.u32 v55, $0x10;
	v36 =	vld [tilespmem:s15+$0xFFFFFFF0]  }
0x5a0: {  	s18 =	simm.s32 $0x5BC0;
	s10 =	sand.u32 $0x60, s22;
	v39 =	vsub.f32 $0.0e+00, v1;
	s3 =	sor.u32 s26, s0;
	v38 =	vsub.f32 $0.0e+00, v51;
	v28 =	vpop (erf);
	v41 =	vand.u32 $0xFFFF0000, v55  }
0x5a1: {  	s26 =	simm.s32 $0x5FC0;
	s19 =	simm.s32 $0x40;
	v61 =	vadd.f32 v24, v58;
	v62 =	vadd.f32 v23, v34;
	v23 =	vand.u32 $0xFFFF0000, v31;
	s8 =	sand.u32 $0x50, s20;
	v25 =	vpop (erf);
	[tilespmem:s1+$0x0] =	vst v12  }
0x5a2: {  	s5 =	sand.u32 $0x40, s19;
	v24 =	vand.u32 $0xFFFF0000, v37;
	v63 =	vadd.f32 v27, v59;
	v34 =	vadd.f32 v41, v60;
	s14 =	sor.u32 s8, s0;
	s8 =	simm.s32 $0x9BF0;
	v27 =	vpop (erf);
	[tilespmem:s3+$0x0] =	vst v29  }
0x5a3: {  	s19 =	sor.u32 s5, s0;
	s5 =	sor.u32 s10, s0;
	s25 =	simm.s32 $0xC00;
	v12 =	vand.u32 $0xFFFF0000, v49;
	v31 =	vld [tilespmem:s4+$0x2070];
	v40 =	vsub.f32 $0.0e+00, v61;
	v35 =	vsub.f32 $0.0e+00, v62;
	v29 =	vpop (erf);
	[tilespmem:s8+$0xFFFFFE40] =	vst v30  }
0x5a4: {  	s4 =	simm.s32 $0x8;
	s3 =	simm.s32 $0x600;
	v41 =	vld [tilespmem:s24+$0x0];
	v30 =	vsub.f32 $0.0e+00, v63;
	v18 =	vpop (erf);
	[dreg:$0x17] =	wrdreg s23;
	v37 =	vshll.u32 v26, $0x10;
	v42 =	vshll.u32 v36, $0x10  }
.LBB2_10:
0x5a5: {  	_ =	sdelay $0x1  }
0x5a6: {  	[dreg:$0x1a] =	wrdreg s5;
	s5 =	sand.u32 $0x1800, s25;
	s1 =	sadd.s32 $0x180, s3  }
0x5a7: {  	v1 =	vadd.f32 v42, v37;
	v36 =	vand.u32 $0xFFFF0000, v36;
	s15 =	sadd.s32 $0x200, s15;
	s22 =	sadd.s32 $0xA00, s5;
	s1 =	sand.u32 $0x380, s1;
	v62 =	vshll.u32 v31, $0x10  }
0x5a8: {  	v63 =	vsub.f32 $0.0e+00, v34;
	v49 =	vld [tilespmem:s15+$0xFFFFFFC0];
	s10 =	sadd.s32 s1, s22;
	v48 =	vshll.u32 v41, $0x10;
	v36 =	vadd.f32 v36, v62  }
0x5a9: {  	v43 =	vmul.f32 $1.442695020e+00, v38;
	v38 =	vld [tilespmem:s10+$0x2000];
	v50 =	vand.u32 $0xFFFF0000, v41;
	v1 =	vadd.f32 v48, v1  }
0x5aa: {  	v51 =	vmul.f32 $1.442695020e+00, v39;
	v40 =	vmul.f32 $1.442695020e+00, v40;
	v39 =	vld [tilespmem:s10+$0x2040];
	v34 =	vadd.f32 v50, v36  }
0x5ab: {  	s24 =	sadd.s32 $0x200, s24;
	v35 =	vmul.f32 $1.442695020e+00, v35;
	(erf) = vpow2.f32 v43;
	v1 =	vsub.f32 $0.0e+00, v1  }
0x5ac: {  	[smem:$0x7D3] =	sst s13;
	s0 =	sadd.s32 $0x80, s3;
	s13 =	sand.u32 $0x200, s3;
	[tilespmem:s8+$0xFFFFFE80] =	vst v32;
	v44 =	vmul.f32 $1.442695020e+00, v30;
	v30 =	vld [tilespmem:s24+$0xFFFFFFD0];
	(erf) = vpow2.f32 v51;
	v52 =	vsub.f32 $0.0e+00, v34  }
0x5ad: {  	[dreg:$0x1c] =	wrdreg s12;
	s12 =	sand.u32 $0x280, s0;
	v37 =	vld [tilespmem:s29+$0x0];
	s0 =	sadd.s32 s13, s22;
	(erf) = vpow2.f32 v40;
	v1 =	vmul.f32 $1.442695020e+00, v1  }
0x5ae: {  	s23 =	sadd.s32 $0x100, s3;
	v53 =	vld [tilespmem:s0+$0x2000];
	v55 =	vshll.u32 v49, $0x10;
	v42 =	vand.u32 $0xFFFF0000, v49;
	v32 =	vmul.f32 $1.442695020e+00, v52  }
0x5af: {  	s17 =	sand.u32 $0x300, s23;
	s29 =	sadd.s32 s12, s22;
	v54 =	vld [tilespmem:s0+$0x2040];
	v57 =	vshll.u32 v38, $0x10;
	v58 =	vshll.u32 v39, $0x10;
	(erf) = vpow2.f32 v1  }
0x5b0: {  	s22 =	sadd.s32 s17, s22;
	v56 =	vld [tilespmem:s29+$0x2000];
	v36 =	vadd.f32 v55, v57;
	v42 =	vadd.f32 v42, v58;
	(erf) = vpow2.f32 v32  }
0x5b1: {  	v26 =	vand.u32 $0xFFFF0000, v26;
	v46 =	vld [tilespmem:s22+$0x2000];
	v59 =	vshll.u32 v30, $0x10;
	v30 =	vand.u32 $0xFFFF0000, v30  }
0x5b2: {  	v1 =	vld [tilespmem:s29+$0x2040];
	v30 =	vadd.f32 v30, v42;
	v32 =	vadd.f32 v59, v36;
	(erf) = vpow2.f32 v35  }
0x5b3: {  	v45 =	vmul.f32 $1.442695020e+00, v63;
	v47 =	vld [tilespmem:s22+$0x2040];
	v41 =	vadd.f32 $1.000000000e+00, v33;
	v43 =	vshll.u32 v53, $0x10  }
0x5b4: {  	v48 =	vshll.u32 v54, $0x10;
	v52 =	vld [tilespmem:s15+$0xFFFFFF40];
	v40 =	vsub.f32 $0.0e+00, v30;
	v50 =	vsub.f32 $0.0e+00, v32  }
0x5b5: {  	v49 =	vshll.u32 v56, $0x10;
	v33 =	vand.u32 $0xFFFF0000, v56;
	v35 =	vand.u32 $0xFFFF0000, v53;
	v53 =	vpop (erf)  }
0x5b6: {  	v36 =	vld [tilespmem:s15+$0xFFFFFE40];
	v30 =	vand.u32 $0xFFFF0000, v46;
	v55 =	vpop (erf);
	v40 =	vmul.f32 $1.442695020e+00, v40;
	v60 =	vmul.f32 $1.442695020e+00, v50  }
0x5b7: {  	v42 =	vld [tilespmem:s15+$0xFFFFFEC0];
	v51 =	vshll.u32 v1, $0x10;
	v32 =	vand.u32 $0xFFFF0000, v1;
	v1 =	vshll.u32 v46, $0x10;
	v46 =	vpop (erf)  }
0x5b8: {  	v56 =	vld [tilespmem:s24+$0xFFFFFED0];
	v34 =	vand.u32 $0xFFFF0000, v54;
	v57 =	vshll.u32 v47, $0x10;
	(erf) = vpow2.f32 v60;
	v50 =	vpop (erf)  }
0x5b9: {  	v59 =	vld [tilespmem:s24+$0xFFFFFF50];
	v62 =	vshll.u32 v52, $0x10;
	(erf) = vpow2.f32 v40;
	v50 =	vadd.f32 $1.000000000e+00, v50;
	v61 =	vpop (erf)  }
0x5ba: {  	v54 =	vld [tilespmem:s24+$0xFFFFFE50];
	v52 =	vand.u32 $0xFFFF0000, v52;
	v1 =	vadd.f32 v62, v1;
	v61 =	vadd.f32 $1.000000000e+00, v61  }
0x5bb: {  	v52 =	vadd.f32 v52, v57;
	v58 =	vshll.u32 v36, $0x10;
	v63 =	vpop (erf);
	(erf) = vrcp.f32 v50  }
0x5bc: {  	v36 =	vand.u32 $0xFFFF0000, v36;
	v60 =	vshll.u32 v42, $0x10;
	(erf) = vrcp.f32 v61  }
0x5bd: {  	v42 =	vand.u32 $0xFFFF0000, v42;
	v43 =	vadd.f32 v58, v43;
	v36 =	vadd.f32 v36, v48  }
0x5be: {  	v62 =	vand.u32 $0xFFFF0000, v59;
	v48 =	vadd.f32 v60, v49;
	v42 =	vadd.f32 v42, v51  }
0x5bf: {  	[dreg:$0x1e] =	wrdreg s14;
	v49 =	vshll.u32 v54, $0x10;
	v51 =	vshll.u32 v56, $0x10;
	v60 =	vand.u32 $0xFFFF0000, v56  }
0x5c0: {  	s14 =	rddreg [dreg:$0x19];
	v43 =	vadd.f32 v49, v43;
	v42 =	vadd.f32 v60, v42;
	v50 =	vand.u32 $0xFFFF0000, v54  }
0x5c1: {  	s20 =	smov.u32 s21;
	s23 =	smov.u32 s14;
	v49 =	vadd.f32 v50, v36;
	v36 =	vand.u32 $0xFFFF0000, v47;
	v58 =	vpop (erf);
	(erf) = vpow2.f32 v44  }
0x5c2: {  	s21 =	smov.u32 s8;
	s14 =	smov.u32 s19;
	[dreg:$0x1b] =	wrdreg s23;
	v61 =	vshll.u32 v59, $0x10;
	v59 =	vadd.f32 $1.000000000e+00, v58;
	v60 =	vpop (erf);
	(erf) = vpow2.f32 v45  }
0x5c3: {  	s19 =	smov.u32 s16;
	s23 =	smov.u32 s6;
	s6 =	rddreg [dreg:$0x6];
	v47 =	vadd.f32 v51, v48;
	v48 =	vadd.f32 $1.000000000e+00, v60;
	(erf) = vrcp.f32 v41  }
0x5c4: {  	s16 =	smov.u32 s18;
	s8 =	smov.u32 s5;
	v31 =	vand.u32 $0xFFFF0000, v31;
	v40 =	vld [tilespmem:s18+$0xFFFFFE80];
	s18 =	rddreg [dreg:$0x8];
	v1 =	vadd.f32 v61, v1;
	(erf) = vrcp.f32 v59;
	v50 =	vpop (erf)  }
0x5c5: {  	[dreg:$0x8] =	wrdreg s8;
	v61 =	vadd.f32 v62, v52;
	(erf) = vrcp.f32 v48;
	v26 =	vmul.f32 v26, v50;
	v51 =	vpop (erf)  }
0x5c6: {  	s8 =	rddreg [dreg:$0x5];
	s18 =	sadd.s32 $0x2E00, s18;
	v62 =	vsub.f32 $0.0e+00, v43;
	v52 =	vsub.f32 $0.0e+00, v49;
	v31 =	vmul.f32 v31, v51  }
0x5c7: {  	s5 =	sadd.s32 s6, s18;
	s6 =	rddreg [dreg:$0x9];
	v42 =	vsub.f32 $0.0e+00, v42;
	v47 =	vsub.f32 $0.0e+00, v47;
	[tilespmem:s2+$0xFFFFFFC0] =	vst v26  }
0x5c8: {  	[dreg:$0x19] =	wrdreg s5;
	s5 =	sadd.s32 s6, s18;
	v54 =	vmul.f32 $1.442695020e+00, v62;
	v1 =	vsub.f32 $0.0e+00, v1;
	v56 =	vmul.f32 $1.442695020e+00, v52;
	[tilespmem:s2+$0x0] =	vst v31  }
0x5c9: {  	v38 =	vand.u32 $0xFFFF0000, v38;
	s6 =	rddreg [dreg:$0x7];
	v57 =	vmul.f32 $1.442695020e+00, v47;
	v31 =	vmul.f32 $1.442695020e+00, v42;
	v60 =	vld [tilespmem:s5+$0x0]  }
0x5ca: {  	s8 =	sadd.s32 s8, s18;
	s18 =	sadd.s32 s6, s18;
	s6 =	smov.u32 s1;
	v58 =	vsub.f32 $0.0e+00, v61;
	v1 =	vmul.f32 $1.442695020e+00, v1;
	(erf) = vpow2.f32 v54;
	v52 =	vpop (erf);
	v62 =	vld [tilespmem:s26+$0x0]  }
0x5cb: {  	v46 =	vadd.f32 $1.000000000e+00, v46;
	[dreg:$0x9] =	wrdreg s6;
	v61 =	vadd.f32 $1.000000000e+00, v55;
	(erf) = vpow2.f32 v56;
	v26 =	vpop (erf)  }
0x5cc: {  	s6 =	smov.u32 s12;
	s12 =	rddreg [dreg:$0x4];
	v59 =	vadd.f32 $1.000000000e+00, v53;
	v44 =	vmul.f32 $1.442695020e+00, v58;
	(erf) = vpow2.f32 v57;
	v56 =	vpop (erf)  }
0x5cd: {  	s1 =	sadd.s32 $0x100, s12;
	v55 =	vadd.f32 $1.000000000e+00, v26;
	(erf) = vpow2.f32 v31;
	v26 =	vadd.f32 $1.000000000e+00, v28;
	v31 =	vpop (erf)  }
0x5ce: {  	[dreg:$0x4] =	wrdreg s1;
	s1 =	sand.u32 $0x600, s1;
	(erf) = vpow2.f32 v1;
	v28 =	vmul.f32 v38, v31;
	v31 =	vand.u32 $0xFFFF0000, v39;
	v1 =	vpop (erf)  }
0x5cf: {  	s7 =	sadd.s32 $0x40, s7;
	s1 =	sshrl.u32 s1, $0x2;
	s2 =	sadd.s32 $0x200, s2;
	v1 =	vmul.f32 v31, v1;
	v31 =	vshll.u32 v60, $0x10;
	v57 =	vshll.u32 v62, $0x10  }
0x5d0: {  	s1 =	sor.u32 $0xAC00, s1;
	v53 =	vadd.f32 $1.000000000e+00, v63;
	s5 =	smov.u32 s13;
	s13 =	sand.u32 $0x70, s7;
	(erf) = vpow2.f32 v44;
	[tilespmem:s2+$0xFFFFFF90] =	vst v28;
	v38 =	vadd.f32 v57, v31  }
0x5d1: {  	v54 =	vadd.f32 $1.000000000e+00, v52;
	s12 =	sor.u32 s13, s1;
	(erf) = vrcp.f32 v59;
	v31 =	vadd.f32 $1.000000000e+00, v25;
	[tilespmem:s2+$0xFFFFFFD0] =	vst v1  }
0x5d2: {  	v28 =	vadd.f32 $1.000000000e+00, v27;
	v27 =	vadd.f32 $1.000000000e+00, v29;
	(erf) = vrcp.f32 v61;
	v25 =	vld [tilespmem:s10+$0x2010];
	[tilespmem:s12+$0x0] =	vst v38  }
0x5d3: {  	v1 =	vmul.f32 v17, v56;
	v17 =	vadd.f32 $1.000000000e+00, v18;
	v18 =	vpop (erf);
	(erf) = vrcp.f32 v46;
	v29 =	vld [tilespmem:s15+$0xFFFFFFD0]  }
0x5d4: {  	v5 =	vmul.f32 v5, v9;
	v58 =	vadd.f32 $1.000000000e+00, v18;
	v59 =	vpop (erf);
	(erf) = vrcp.f32 v53;
	v18 =	vld [tilespmem:s10+$0x2050]  }
0x5d5: {  	[dreg:$0x5] =	wrdreg s6;
	s6 =	smov.u32 s17;
	[tilespmem:s9+$0xFFFFFE40] =	vst v1;
	v1 =	vmul.f32 v4, v11;
	v60 =	vadd.f32 $1.000000000e+00, v59;
	v11 =	vld [tilespmem:s24+$0xFFFFFFE0];
	v61 =	vpop (erf);
	(erf) = vrcp.f32 v54  }
0x5d6: {  	[dreg:$0x7] =	wrdreg s6;
	v62 =	vmul.f32 v7, v10;
	(erf) = vrcp.f32 v58;
	v9 =	vpop (erf)  }
0x5d7: {  	s17 =	sadd.s32 $0xFFFFFFE0, s7;
	[dreg:$0x6] =	wrdreg s5;
	s5 =	sadd.s32 $0xFFFFFFD0, s7;
	v7 =	vadd.f32 $1.000000000e+00, v61;
	[tilespmem:s21+$0xFFFFFF00] =	vst v1;
	v1 =	vmul.f32 v6, v19;
	(erf) = vrcp.f32 v60;
	v4 =	vpop (erf)  }
0x5d8: {  	[tilespmem:s21+$0xFFFFFEC0] =	vst v5;
	v5 =	vmovc v15;
	s6 =	sadd.s32 $0xFFFFFFF0, s7;
	s13 =	sand.u32 $0x50, s17;
	s5 =	sand.u32 $0x40, s5;
	v6 =	vadd.f32 $1.000000000e+00, v9;
	v19 =	vadd.f32 $1.000000000e+00, v4;
	v63 =	vshll.u32 v25, $0x10  }
0x5d9: {  	s17 =	sand.u32 $0x60, s6;
	s6 =	rddreg [dreg:$0x16];
	s12 =	sor.u32 s5, s1;
	v44 =	vshll.u32 v29, $0x10;
	v15 =	vshll.u32 v18, $0x10;
	v46 =	vand.u32 $0xFFFF0000, v29;
	v29 =	vpop (erf)  }
0x5da: {  	s5 =	sor.u32 s13, s1;
	s1 =	sor.u32 s17, s1;
	s17 =	rddreg [dreg:$0x10];
	[tilespmem:s21+$0xFFFFFF80] =	vst v1;
	v4 =	vmov v16;
	v48 =	vshll.u32 v11, $0x10;
	v1 =	vadd.f32 v44, v63;
	v16 =	vpop (erf)  }
0x5db: {  	v10 =	vld [tilespmem:s17+$0x0];
	s17 =	smov.u32 s6;
	v11 =	vand.u32 $0xFFFF0000, v11;
	v49 =	vadd.f32 v46, v15;
	(erf) = vrcp.f32 v7;
	v7 =	vpop (erf)  }
0x5dc: {  	[dreg:$0x10] =	wrdreg s17;
	v29 =	vadd.f32 $1.000000000e+00, v29;
	(erf) = vrcp.f32 v6;
	v1 =	vadd.f32 v48, v1;
	v15 =	vpop (erf)  }
0x5dd: {  	[tilespmem:s21+$0xFFFFFF40] =	vst v62;
	s21 =	rddreg [dreg:$0x17];
	v6 =	vmul.f32 v20, v16;
	v11 =	vadd.f32 v11, v49;
	(erf) = vrcp.f32 v19;
	v19 =	vpop (erf)  }
0x5de: {  	s17 =	smov.u32 s8;
	s8 =	smov.u32 s9;
	s9 =	smov.u32 s21;
	v50 =	vld [tilespmem:s16+$0xFFFFFF80];
	v16 =	vmul.f32 v21, v7;
	(erf) = vrcp.f32 v29;
	v1 =	vsub.f32 $0.0e+00, v1;
	v20 =	vpop (erf)  }
0x5df: {  	v45 =	vld [tilespmem:s16+$0xFFFFFF00];
	[tilespmem:s9+$0xFFFFFE30] =	vst v6;
	v51 =	vmul.f32 v22, v15;
	v11 =	vsub.f32 $0.0e+00, v11;
	v15 =	vpop (erf);
	(erf) = vrcp.f32 v55  }
0x5e0: {  	v37 =	vshll.u32 v37, $0x10;
	v47 =	vld [tilespmem:s20+$0x0];
	[tilespmem:s9+$0xFFFFFE70] =	vst v16;
	v1 =	vmul.f32 $1.442695020e+00, v1;
	v21 =	vmul.f32 v35, v15;
	v7 =	vpop (erf)  }
0x5e1: {  	v9 =	vshll.u32 v40, $0x10;
	v16 =	vld [tilespmem:s31+$0x2030];
	v11 =	vmul.f32 $1.442695020e+00, v11;
	v29 =	vmul.f32 v34, v7  }
0x5e2: {  	s13 =	smov.u32 s2;
	v9 =	vadd.f32 v9, v37;
	s16 =	smov.u32 s26;
	v15 =	vld [tilespmem:s31+$0x2070];
	(erf) = vpow2.f32 v1;
	[tilespmem:s2+$0xFFFFFE10] =	vst v21  }
0x5e3: {  	[dreg:$0x17] =	wrdreg s13;
	v6 =	vmovc v13;
	v13 =	vmul.f32 v23, v19;
	v7 =	vmovc v14;
	v14 =	vshll.u32 v50, $0x10;
	(erf) = vpow2.f32 v11;
	v11 =	vld [tilespmem:s16+$0xFFFFFE70];
	[tilespmem:s2+$0xFFFFFE50] =	vst v29  }
0x5e4: {  	s13 =	sld [smem:$0x7D3];
	v25 =	vand.u32 $0xFFFF0000, v25;
	v10 =	vshll.u32 v10, $0x10;
	[tilespmem:s9+$0xFFFFFEB0] =	vst v51;
	s31 =	smov.u32 s0;
	v29 =	vmul.f32 v24, v20;
	v19 =	vld [tilespmem:s30+$0xFFFFFE80]  }
0x5e5: {  	v22 =	vshll.u32 v45, $0x10;
	[tilespmem:s9+$0xFFFFFEF0] =	vst v13;
	v1 =	vshll.u32 v47, $0x10;
	v23 =	vpop (erf);
	(erf) = vrcp.f32 v26;
	v21 =	vld [tilespmem:s31+$0x2010]  }
0x5e6: {  	v1 =	vadd.f32 v14, v1;
	v24 =	vld [tilespmem:s31+$0x2050];
	v14 =	vpop (erf);
	(erf) = vrcp.f32 v31;
	v31 =	vmul.f32 v33, v23;
	[tilespmem:s9+$0xFFFFFF30] =	vst v29  }
0x5e7: {  	v10 =	vadd.f32 v22, v10;
	v23 =	vld [tilespmem:s15+$0xFFFFFE50];
	v14 =	vmul.f32 v32, v14;
	[tilespmem:s13+$0x0] =	vst v9;
	(erf) = vrcp.f32 v28  }
0x5e8: {  	v22 =	vshll.u32 v16, $0x10;
	v20 =	vpop (erf);
	v26 =	vshll.u32 v15, $0x10;
	(erf) = vrcp.f32 v27;
	[tilespmem:s2+$0xFFFFFE90] =	vst v31  }
0x5e9: {  	v9 =	vld [tilespmem:s24+$0xFFFFFE60];
	v13 =	vpop (erf);
	v27 =	vmul.f32 v30, v20;
	[tilespmem:s2+$0xFFFFFED0] =	vst v14;
	v20 =	vshll.u32 v11, $0x10;
	v29 =	vand.u32 $0xFFFF0000, v11  }
0x5ea: {  	[dreg:$0x16] =	wrdreg s17;
	v30 =	vmul.f32 v36, v13;
	v13 =	vld [tilespmem:s28+$0x2030];
	v11 =	vpop (erf);
	v22 =	vadd.f32 v20, v22;
	v20 =	vadd.f32 v29, v26  }
0x5eb: {  	s17 =	rddreg [dreg:$0x12];
	v29 =	vshll.u32 v21, $0x10;
	v14 =	vand.u32 $0xFFFF0000, v21;
	v21 =	vld [tilespmem:s29+$0x2010];
	[tilespmem:s2+$0xFFFFFF10] =	vst v27;
	v11 =	vmul.f32 v12, v11;
	v28 =	vpop (erf)  }
0x5ec: {  	s21 =	smov.u32 s17;
	s17 =	rddreg [dreg:$0x1c];
	v27 =	vshll.u32 v24, $0x10;
	v12 =	vand.u32 $0xFFFF0000, v24;
	v24 =	vld [tilespmem:s29+$0x2050];
	[tilespmem:s2+$0xFFFFFF50] =	vst v30;
	v28 =	vadd.f32 $1.000000000e+00, v28;
	v53 =	vpop (erf)  }
0x5ed: {  	v31 =	vld [tilespmem:s15+$0xFFFFFED0];
	[tilespmem:s17+$0x0] =	vst v10;
	v52 =	vshll.u32 v23, $0x10;
	v23 =	vand.u32 $0xFFFF0000, v23;
	v32 =	vadd.f32 $1.000000000e+00, v53  }
0x5ee: {  	v58 =	vld [tilespmem:s24+$0xFFFFFEE0];
	[tilespmem:s9+$0xFFFFFF70] =	vst v11;
	v54 =	vadd.f32 v52, v29;
	v56 =	vadd.f32 v23, v27;
	v30 =	vpop (erf);
	(erf) = vrcp.f32 v28  }
0x5ef: {  	v29 =	vshll.u32 v9, $0x10;
	v23 =	vand.u32 $0xFFFF0000, v9;
	v55 =	vld [tilespmem:s22+$0x2010];
	v9 =	vpop (erf);
	(erf) = vrcp.f32 v32  }
0x5f0: {  	v18 =	vand.u32 $0xFFFF0000, v18;
	v57 =	vld [tilespmem:s22+$0x2050];
	[tilespmem:s23+$0x0] =	vst v1;
	v1 =	vadd.f32 v29, v54;
	v23 =	vadd.f32 v23, v56  }
0x5f1: {  	v29 =	vld [tilespmem:s15+$0xFFFFFF50];
	v28 =	vshll.u32 v21, $0x10;
	v59 =	vshll.u32 v24, $0x10;
	v27 =	vand.u32 $0xFFFF0000, v21  }
0x5f2: {  	v60 =	vld [tilespmem:s24+$0xFFFFFF60];
	v21 =	vshll.u32 v31, $0x10;
	v31 =	vand.u32 $0xFFFF0000, v31;
	v1 =	vsub.f32 $0.0e+00, v1  }
0x5f3: {  	v26 =	vshll.u32 v19, $0x10;
	v61 =	vadd.f32 v21, v28;
	v31 =	vadd.f32 v31, v59  }
0x5f4: {  	v63 =	vsub.f32 $0.0e+00, v23;
	v28 =	vand.u32 $0xFFFF0000, v24;
	v47 =	vshll.u32 v58, $0x10  }
0x5f5: {  	v11 =	vpop (erf);
	v48 =	vand.u32 $0xFFFF0000, v58;
	v62 =	vshll.u32 v55, $0x10;
	v1 =	vmul.f32 $1.442695020e+00, v1  }
0x5f6: {  	v10 =	vpop (erf);
	v45 =	vshll.u32 v57, $0x10;
	v37 =	vadd.f32 v47, v61;
	v31 =	vadd.f32 v48, v31  }
0x5f7: {  	v24 =	vshll.u32 v29, $0x10;
	v29 =	vand.u32 $0xFFFF0000, v29;
	v49 =	vshll.u32 v60, $0x10;
	v51 =	vpop (erf)  }
0x5f8: {  	v35 =	vadd.f32 v24, v62;
	v29 =	vadd.f32 v29, v45;
	v25 =	vmul.f32 v25, v51;
	v52 =	vpop (erf)  }
0x5f9: {  	v36 =	vand.u32 $0xFFFF0000, v60;
	v37 =	vsub.f32 $0.0e+00, v37;
	v18 =	vmul.f32 v18, v52  }
0x5fa: {  	v19 =	vand.u32 $0xFFFF0000, v19;
	v46 =	vld [tilespmem:s16+$0xFFFFFEF0];
	v35 =	vadd.f32 v49, v35;
	v29 =	vadd.f32 v36, v29;
	[tilespmem:s2+$0xFFFFFFA0] =	vst v25  }
0x5fb: {  	v50 =	vld [tilespmem:s16+$0xFFFFFF70];
	v53 =	vmul.f32 $1.442695020e+00, v63;
	v31 =	vsub.f32 $0.0e+00, v31;
	(erf) = vpow2.f32 v1;
	[tilespmem:s2+$0xFFFFFFE0] =	vst v18  }
0x5fc: {  	v54 =	vmul.f32 $1.442695020e+00, v37;
	v35 =	vsub.f32 $0.0e+00, v35;
	v25 =	vsub.f32 $0.0e+00, v29;
	v18 =	vld [tilespmem:s10+$0x2020]  }
0x5fd: {  	v1 =	vmul.f32 $1.442695020e+00, v31;
	(erf) = vpow2.f32 v53;
	v29 =	vand.u32 $0xFFFF0000, v57;
	v57 =	vld [tilespmem:s15+$0xFFFFFFE0]  }
0x5fe: {  	v22 =	vadd.f32 v26, v22;
	(erf) = vpow2.f32 v54;
	v56 =	vmul.f32 $1.442695020e+00, v25;
	v25 =	vld [tilespmem:s10+$0x2060]  }
0x5ff: {  	v19 =	vadd.f32 v19, v20;
	v31 =	vand.u32 $0xFFFF0000, v55;
	v55 =	vmul.f32 $1.442695020e+00, v35;
	v60 =	vld [tilespmem:s24+$0xFFFFFFF0]  }
0x600: {  	v22 =	vsub.f32 $0.0e+00, v22;
	v58 =	vshll.u32 v13, $0x10;
	(erf) = vpow2.f32 v1  }
0x601: {  	v23 =	vld [tilespmem:s11+$0x2030];
	v63 =	vshll.u32 v50, $0x10;
	v42 =	vand.u32 $0xFFFF0000, v50;
	(erf) = vpow2.f32 v55  }
0x602: {  	(erf) = vpow2.f32 v56;
	v48 =	vshll.u32 v18, $0x10;
	v49 =	vshll.u32 v57, $0x10  }
0x603: {  	v51 =	vshll.u32 v25, $0x10;
	v35 =	vand.u32 $0xFFFF0000, v57;
	v50 =	vadd.f32 v49, v48  }
0x604: {  	v59 =	vshll.u32 v46, $0x10;
	v52 =	vshll.u32 v60, $0x10;
	v53 =	vpop (erf);
	v35 =	vadd.f32 v35, v51  }
0x605: {  	v55 =	vand.u32 $0xFFFF0000, v60;
	v54 =	vadd.f32 $1.000000000e+00, v53;
	v36 =	vadd.f32 v52, v50  }
0x606: {  	v21 =	vld [tilespmem:s28+$0x2070];
	v32 =	vadd.f32 v59, v58;
	v62 =	vshll.u32 v23, $0x10;
	v56 =	vpop (erf);
	v35 =	vadd.f32 v55, v35  }
0x607: {  	v39 =	vld [tilespmem:s30+$0xFFFFFF80];
	v57 =	vadd.f32 $1.000000000e+00, v56;
	v58 =	vpop (erf);
	(erf) = vrcp.f32 v54;
	v36 =	vsub.f32 $0.0e+00, v36  }
0x608: {  	v41 =	vld [tilespmem:s30+$0xFFFFFF00];
	v59 =	vadd.f32 $1.000000000e+00, v58;
	v35 =	vsub.f32 $0.0e+00, v35  }
0x609: {  	v61 =	vand.u32 $0xFFFF0000, v46;
	v24 =	vld [tilespmem:s11+$0x2070];
	v60 =	vpop (erf);
	(erf) = vrcp.f32 v57;
	v36 =	vmul.f32 $1.442695020e+00, v36  }
0x60a: {  	v33 =	vadd.f32 v63, v62;
	v62 =	vpop (erf);
	(erf) = vrcp.f32 v59;
	v35 =	vmul.f32 $1.442695020e+00, v35  }
0x60b: {  	v1 =	vshll.u32 v21, $0x10;
	v40 =	vadd.f32 $1.000000000e+00, v60;
	v63 =	vpop (erf);
	(erf) = vpow2.f32 v36  }
0x60c: {  	v26 =	vand.u32 $0xFFFF0000, v39;
	v1 =	vadd.f32 v61, v1;
	(erf) = vpow2.f32 v35  }
0x60d: {  	v61 =	vshll.u32 v41, $0x10;
	v37 =	vadd.f32 $1.000000000e+00, v62;
	(erf) = vrcp.f32 v40  }
0x60e: {  	v34 =	vshll.u32 v24, $0x10;
	v20 =	vadd.f32 v61, v32;
	v38 =	vadd.f32 $1.000000000e+00, v63  }
0x60f: {  	v34 =	vadd.f32 v42, v34;
	v42 =	vshll.u32 v39, $0x10;
	(erf) = vrcp.f32 v37  }
0x610: {  	v43 =	vadd.f32 v42, v33;
	v41 =	vand.u32 $0xFFFF0000, v41;
	v44 =	vpop (erf);
	(erf) = vrcp.f32 v38  }
0x611: {  	v26 =	vadd.f32 v26, v34;
	v1 =	vadd.f32 v41, v1;
	v33 =	vmul.f32 v14, v44  }
0x612: {  	(erf) = vrcp.f32 v17;
	v17 =	vsub.f32 $0.0e+00, v19;
	v19 =	vsub.f32 $0.0e+00, v20;
	v20 =	vpop (erf)  }
0x613: {  	v22 =	vmul.f32 $1.442695020e+00, v22;
	v26 =	vsub.f32 $0.0e+00, v26;
	v12 =	vmul.f32 v12, v20;
	v14 =	vpop (erf)  }
0x614: {  	v32 =	vsub.f32 $0.0e+00, v43;
	v1 =	vsub.f32 $0.0e+00, v1;
	[tilespmem:s2+$0xFFFFFE20] =	vst v33;
	v14 =	vmul.f32 v27, v14;
	v27 =	vpop (erf)  }
0x615: {  	v26 =	vmul.f32 $1.442695020e+00, v26;
	v20 =	vmul.f32 $1.442695020e+00, v17;
	v17 =	vand.u32 $0xFFFF0000, v16;
	[tilespmem:s2+$0xFFFFFE60] =	vst v12;
	v16 =	vpop (erf)  }
0x616: {  	v1 =	vmul.f32 $1.442695020e+00, v1;
	v46 =	vld [tilespmem:s31+$0x2020];
	[tilespmem:s2+$0xFFFFFEA0] =	vst v14;
	v12 =	vadd.f32 $1.000000000e+00, v27;
	v14 =	vadd.f32 $1.000000000e+00, v16;
	v16 =	vpop (erf)  }
0x617: {  	v18 =	vand.u32 $0xFFFF0000, v18;
	(erf) = vpow2.f32 v22;
	v22 =	vld [tilespmem:s31+$0x2060];
	v16 =	vmul.f32 v28, v16  }
0x618: {  	v52 =	vand.u32 $0xFFFF0000, v25;
	v45 =	vmul.f32 $1.442695020e+00, v19;
	v19 =	vpop (erf);
	(erf) = vrcp.f32 v12;
	v12 =	vld [tilespmem:s15+$0xFFFFFE60]  }
0x619: {  	s28 =	smov.u32 s29;
	v37 =	vand.u32 $0xFFFF0000, v15;
	v28 =	vmul.f32 v31, v19;
	v19 =	vpop (erf);
	(erf) = vrcp.f32 v14;
	v31 =	vld [tilespmem:s24+$0xFFFFFE70];
	[tilespmem:s2+$0xFFFFFEE0] =	vst v16  }
0x61a: {  	v15 =	vand.u32 $0xFFFF0000, v13;
	v13 =	vand.u32 $0xFFFF0000, v24;
	v29 =	vmul.f32 v29, v19;
	v47 =	vld [tilespmem:s28+$0x2020]  }
0x61b: {  	v27 =	vmul.f32 $1.442695020e+00, v32;
	v14 =	vand.u32 $0xFFFF0000, v23;
	(erf) = vpow2.f32 v20;
	[tilespmem:s2+$0xFFFFFF20] =	vst v28;
	v24 =	vld [tilespmem:s28+$0x2060]  }
0x61c: {  	s11 =	smov.u32 s22;
	v16 =	vand.u32 $0xFFFF0000, v21;
	v19 =	vpop (erf);
	v23 =	vshll.u32 v46, $0x10;
	(erf) = vpow2.f32 v45;
	v28 =	vld [tilespmem:s15+$0xFFFFFEE0];
	[tilespmem:s2+$0xFFFFFF60] =	vst v29  }
0x61d: {  	v20 =	vand.u32 $0xFFFF0000, v46;
	(erf) = vpow2.f32 v1;
	v1 =	vshll.u32 v22, $0x10;
	v32 =	vld [tilespmem:s11+$0x2020]  }
0x61e: {  	v21 =	vand.u32 $0xFFFF0000, v22;
	v22 =	vshll.u32 v12, $0x10;
	v12 =	vand.u32 $0xFFFF0000, v12;
	v51 =	vld [tilespmem:s24+$0xFFFFFF70]  }
0x61f: {  	(erf) = vpow2.f32 v27;
	v23 =	vadd.f32 v22, v23;
	v1 =	vadd.f32 v12, v1;
	v12 =	vld [tilespmem:s11+$0x2060]  }
0x620: {  	(erf) = vpow2.f32 v26;
	v26 =	vshll.u32 v31, $0x10;
	v27 =	vand.u32 $0xFFFF0000, v31;
	v31 =	vld [tilespmem:s15+$0xFFFFFF60];
	v33 =	vpop (erf)  }
0x621: {  	v29 =	vshll.u32 v47, $0x10;
	v22 =	vand.u32 $0xFFFF0000, v47;
	v48 =	vadd.f32 v26, v23;
	v49 =	vpop (erf)  }
0x622: {  	v23 =	vld [tilespmem:s24+$0xFFFFFEF0];
	v26 =	vshll.u32 v24, $0x10;
	v50 =	vshll.u32 v28, $0x10;
	v18 =	vmul.f32 v18, v49;
	v53 =	vpop (erf)  }
0x623: {  	v54 =	vand.u32 $0xFFFF0000, v28;
	v1 =	vadd.f32 v27, v1;
	v34 =	vmul.f32 v52, v53  }
0x624: {  	v56 =	vadd.f32 v50, v29;
	v39 =	vadd.f32 v54, v26;
	v55 =	vshll.u32 v32, $0x10;
	[tilespmem:s2+$0xFFFFFFB0] =	vst v18  }
0x625: {  	v61 =	vshll.u32 v51, $0x10;
	v26 =	vshll.u32 v12, $0x10;
	v58 =	vand.u32 $0xFFFF0000, v31;
	[tilespmem:s2+$0xFFFFFFF0] =	vst v34  }
0x626: {  	s4 =	sadd.s32 $0x4, s4;
	v38 =	vand.u32 $0xFFFF0000, v51;
	v57 =	vshll.u32 v31, $0x10;
	v60 =	vadd.f32 v58, v26;
	v26 =	vld [tilespmem:s10+$0x2030]  }
0x627: {  	s25 =	sadd.s32 $0x400, s25;
	p1 =	slt.u32 s4, $0x1C;
	s20 =	smov.u32 s18;
	v28 =	vpop (erf);
	v59 =	vadd.f32 v57, v55;
	v31 =	vshll.u32 v23, $0x10;
	v23 =	vand.u32 $0xFFFF0000, v23;
	v36 =	vld [tilespmem:s15+$0xFFFFFFF0]  }
.Ltmp8:
0x628: {  	s3 =	sadd.s32 $0x200, s3;
	[dreg:$0x12] =	wrdreg s20;
	v12 =	vand.u32 $0xFFFF0000, v12;
	v25 =	vpop (erf);
	v62 =	vadd.f32 v31, v56;
	v63 =	vadd.f32 v23, v39;
	(pc) =	sbr.rel @p1 .LBB2_10-.Ltmp8, $4  }
0x629: {  	s18 =	smov.u32 s19;
	s26 =	smov.u32 s15;
	s20 =	rddreg [dreg:$0x1e];
	v27 =	vpop (erf);
	v23 =	vand.u32 $0xFFFF0000, v24;
	v42 =	vadd.f32 v61, v59;
	v34 =	vadd.f32 v38, v60  }
0x62a: {  	s19 =	smov.u32 s12;
	s12 =	smov.u32 s20;
	s13 =	smov.u32 s14;
	v29 =	vpop (erf);
	v24 =	vand.u32 $0xFFFF0000, v32;
	v38 =	vsub.f32 $0.0e+00, v48;
	v39 =	vsub.f32 $0.0e+00, v1  }
0x62b: {  	s14 =	smov.u32 s5;
	s5 =	smov.u32 s1;
	s23 =	rddreg [dreg:$0x1a];
	v31 =	vld [tilespmem:s10+$0x2070];
	v32 =	vmul.f32 v8, v30;
	v8 =	vmovc v37;
	v40 =	vsub.f32 $0.0e+00, v62;
	v35 =	vsub.f32 $0.0e+00, v63  }
0x62c: {  	s6 =	smov.u32 s23;
	s30 =	smov.u32 s24;
	s29 =	rddreg [dreg:$0x1b];
	v41 =	vld [tilespmem:s24+$0x0];
	v18 =	vpop (erf);
	v30 =	vsub.f32 $0.0e+00, v42;
	v37 =	vshll.u32 v26, $0x10;
	v42 =	vshll.u32 v36, $0x10  }
0x62d: {  	_ =	sdelay $0x2  }
0x62e: {  	v1 =	vadd.f32 v42, v37;
	v36 =	vand.u32 $0xFFFF0000, v36;
	v51 =	vshll.u32 v31, $0x10  }
0x62f: {  	v36 =	vadd.f32 v36, v51;
	v52 =	vshll.u32 v41, $0x10  }
0x630: {  	v53 =	vand.u32 $0xFFFF0000, v41;
	v1 =	vadd.f32 v52, v1  }
0x631: {  	v38 =	vmul.f32 $1.442695020e+00, v38;
	v36 =	vadd.f32 v53, v36  }
0x632: {  	v54 =	vmul.f32 $1.442695020e+00, v39;
	v1 =	vsub.f32 $0.0e+00, v1  }
0x633: {  	v55 =	vmul.f32 $1.442695020e+00, v40;
	(erf) = vpow2.f32 v38;
	v36 =	vsub.f32 $0.0e+00, v36  }
0x634: {  	(erf) = vpow2.f32 v54;
	v1 =	vmul.f32 $1.442695020e+00, v1  }
0x635: {  	(erf) = vpow2.f32 v55;
	v36 =	vmul.f32 $1.442695020e+00, v36  }
0x636: {  	(erf) = vpow2.f32 v1  }
0x637: {  	(erf) = vpow2.f32 v36;
	_ =	sdelay $0x4  }
0x638: {  	v1 =	vpop (erf)  }
0x639: {  	v35 =	vmul.f32 $1.442695020e+00, v35;
	v56 =	vpop (erf)  }
0x63a: {  	v57 =	vpop (erf)  }
0x63b: {  	(erf) = vpow2.f32 v35;
	v58 =	vpop (erf)  }
0x63c: {  	v59 =	vadd.f32 $1.000000000e+00, v58;
	v60 =	vpop (erf)  }
0x63d: {  	v38 =	vadd.f32 $1.000000000e+00, v60  }
0x63e: {  	v30 =	vmul.f32 $1.442695020e+00, v30;
	(erf) = vrcp.f32 v59  }
0x63f: {  	v34 =	vsub.f32 $0.0e+00, v34;
	(erf) = vrcp.f32 v38  }
0x640: {  	(erf) = vpow2.f32 v30  }
0x641: {  	v34 =	vmul.f32 $1.442695020e+00, v34  }
0x642: {  	v61 =	vadd.f32 $1.000000000e+00, v33  }
0x643: {  	v1 =	vadd.f32 $1.000000000e+00, v1;
	(erf) = vpow2.f32 v34  }
0x644: {  	v63 =	vpop (erf);
	(erf) = vrcp.f32 v61  }
0x645: {  	v62 =	vadd.f32 $1.000000000e+00, v56;
	(erf) = vrcp.f32 v1;
	v1 =	vadd.f32 $1.000000000e+00, v63  }
0x646: {  	v36 =	vadd.f32 $1.000000000e+00, v57  }
0x647: {  	(erf) = vrcp.f32 v62;
	v30 =	vpop (erf)  }
0x648: {  	(erf) = vrcp.f32 v36;
	v33 =	vpop (erf)  }
0x649: {  	(erf) = vrcp.f32 v1;
	v1 =	vpop (erf)  }
0x64a: {  	v1 =	vadd.f32 $1.000000000e+00, v1;
	_ =	sdelay $0x2  }
0x64b: {  	v37 =	vpop (erf)  }
0x64c: {  	v34 =	vadd.f32 $1.000000000e+00, v37;
	(erf) = vrcp.f32 v1;
	v1 =	vpop (erf)  }
0x64d: {  	v38 =	vpop (erf)  }
0x64e: {  	(erf) = vrcp.f32 v34;
	v39 =	vpop (erf);
	v20 =	vmul.f32 v20, v38  }
0x64f: {  	s4 =	rddreg [dreg:$0x17];
	v21 =	vmul.f32 v21, v39  }
0x650: {  	v40 =	vpop (erf);
	[tilespmem:s4+$0xFFFFFE30] =	vst v20  }
0x651: {  	v41 =	vpop (erf);
	[tilespmem:s4+$0xFFFFFE70] =	vst v21  }
0x652: {  	v42 =	vmul.f32 v22, v40;
	v43 =	vmul.f32 v23, v41;
	v23 =	vld [tilespmem:s31+$0x2030]  }
0x653: {  	v22 =	vld [tilespmem:s31+$0x2070]  }
0x654: {  	v28 =	vadd.f32 $1.000000000e+00, v28;
	[tilespmem:s4+$0xFFFFFEB0] =	vst v42;
	v46 =	vld [tilespmem:s26+$0xFFFFFE70]  }
0x655: {  	v25 =	vadd.f32 $1.000000000e+00, v25;
	v47 =	vld [tilespmem:s30+$0xFFFFFE80];
	[tilespmem:s4+$0xFFFFFEF0] =	vst v43  }
0x656: {  	v27 =	vadd.f32 $1.000000000e+00, v27;
	(erf) = vrcp.f32 v28;
	v44 =	vpop (erf);
	v21 =	vld [tilespmem:s28+$0x2030]  }
0x657: {  	v49 =	vadd.f32 $1.000000000e+00, v29;
	(erf) = vrcp.f32 v25;
	v24 =	vmul.f32 v24, v44;
	v45 =	vpop (erf);
	v48 =	vld [tilespmem:s26+$0xFFFFFEF0]  }
0x658: {  	(erf) = vrcp.f32 v27;
	v20 =	vld [tilespmem:s28+$0x2070];
	v12 =	vmul.f32 v12, v45  }
0x659: {  	v18 =	vadd.f32 $1.000000000e+00, v18;
	(erf) = vrcp.f32 v49;
	v55 =	vld [tilespmem:s30+$0xFFFFFF00];
	[tilespmem:s4+$0xFFFFFF30] =	vst v24;
	v50 =	vshll.u32 v23, $0x10  }
0x65a: {  	[tilespmem:s4+$0xFFFFFF70] =	vst v12;
	v51 =	vshll.u32 v22, $0x10;
	v53 =	vshll.u32 v46, $0x10;
	v35 =	vand.u32 $0xFFFF0000, v46  }
0x65b: {  	v54 =	vshll.u32 v47, $0x10;
	v34 =	vand.u32 $0xFFFF0000, v47;
	v24 =	vld [tilespmem:s11+$0x2030];
	v25 =	vadd.f32 v53, v50  }
0x65c: {  	v52 =	vld [tilespmem:s26+$0xFFFFFF70];
	v27 =	vadd.f32 v35, v51;
	v56 =	vshll.u32 v21, $0x10;
	v57 =	vshll.u32 v48, $0x10  }
0x65d: {  	v12 =	vld [tilespmem:s11+$0x2070];
	v58 =	vshll.u32 v20, $0x10;
	v36 =	vand.u32 $0xFFFF0000, v48;
	v37 =	vadd.f32 v57, v56  }
0x65e: {  	v59 =	vld [tilespmem:s30+$0xFFFFFF80];
	v63 =	vshll.u32 v55, $0x10;
	v36 =	vadd.f32 v36, v58;
	v25 =	vadd.f32 v54, v25  }
0x65f: {  	v43 =	vand.u32 $0xFFFF0000, v55;
	v27 =	vadd.f32 v34, v27;
	v44 =	vadd.f32 v63, v37  }
0x660: {  	(erf) = vrcp.f32 v18;
	v28 =	vadd.f32 v43, v36;
	v25 =	vsub.f32 $0.0e+00, v25  }
0x661: {  	v27 =	vsub.f32 $0.0e+00, v27;
	v60 =	vshll.u32 v24, $0x10;
	v61 =	vshll.u32 v52, $0x10  }
0x662: {  	v62 =	vshll.u32 v12, $0x10;
	v29 =	vand.u32 $0xFFFF0000, v52;
	v38 =	vadd.f32 v61, v60  }
0x663: {  	v45 =	vshll.u32 v59, $0x10;
	v46 =	vand.u32 $0xFFFF0000, v59;
	v29 =	vadd.f32 v29, v62  }
0x664: {  	v34 =	vsub.f32 $0.0e+00, v44;
	v25 =	vmul.f32 $1.442695020e+00, v25;
	v35 =	vadd.f32 v45, v38  }
0x665: {  	v47 =	vsub.f32 $0.0e+00, v28;
	v27 =	vmul.f32 $1.442695020e+00, v27;
	v29 =	vadd.f32 v46, v29  }
0x666: {  	v34 =	vmul.f32 $1.442695020e+00, v34;
	(erf) = vpow2.f32 v25;
	v48 =	vsub.f32 $0.0e+00, v35  }
0x667: {  	v18 =	vmul.f32 $1.442695020e+00, v47;
	(erf) = vpow2.f32 v27;
	v49 =	vsub.f32 $0.0e+00, v29  }
0x668: {  	(erf) = vpow2.f32 v34;
	v50 =	vmul.f32 $1.442695020e+00, v48  }
0x669: {  	(erf) = vpow2.f32 v18;
	v25 =	vmul.f32 $1.442695020e+00, v49  }
0x66a: {  	v51 =	vpop (erf);
	(erf) = vpow2.f32 v50  }
0x66b: {  	v52 =	vpop (erf);
	(erf) = vpow2.f32 v25  }
0x66c: {  	v53 =	vpop (erf)  }
0x66d: {  	v54 =	vpop (erf)  }
0x66e: {  	v26 =	vand.u32 $0xFFFF0000, v26;
	v55 =	vpop (erf)  }
0x66f: {  	v26 =	vmul.f32 v26, v30;
	v56 =	vand.u32 $0xFFFF0000, v31;
	v57 =	vpop (erf)  }
0x670: {  	[tilespmem:s8+$0xFFFFFE80] =	vst v32;
	v30 =	vmul.f32 v56, v33;
	v58 =	vpop (erf);
	v31 =	vadd.f32 $1.000000000e+00, v57  }
0x671: {  	v5 =	vmul.f32 v5, v9;
	[tilespmem:s2+$0xFFFFFFC0] =	vst v26;
	v59 =	vpop (erf);
	v26 =	vadd.f32 $1.000000000e+00, v58  }
0x672: {  	v4 =	vmul.f32 v4, v11;
	[tilespmem:s2+$0x0] =	vst v30;
	v60 =	vpop (erf);
	(erf) = vrcp.f32 v31;
	v9 =	vadd.f32 $1.000000000e+00, v59  }
0x673: {  	s0 =	rddreg [dreg:$0x8];
	[tilespmem:s8+$0xFFFFFEC0] =	vst v5;
	v5 =	vmul.f32 v7, v10;
	v61 =	vpop (erf);
	(erf) = vrcp.f32 v26  }
0x674: {  	s1 =	rddreg [dreg:$0x9];
	[tilespmem:s8+$0xFFFFFF00] =	vst v4;
	v4 =	vmul.f32 v6, v19;
	v62 =	vadd.f32 $1.000000000e+00, v60;
	v19 =	vpop (erf);
	(erf) = vrcp.f32 v9  }
0x675: {  	v1 =	vmul.f32 v17, v1;
	v63 =	vld [tilespmem:s29+$0x0];
	[tilespmem:s8+$0xFFFFFF40] =	vst v5;
	v7 =	vadd.f32 $1.000000000e+00, v61  }
0x676: {  	v41 =	vld [tilespmem:s26+$0x0];
	s31 =	rddreg [dreg:$0x10];
	[tilespmem:s8+$0xFFFFFF80] =	vst v4;
	v4 =	vmul.f32 v8, v51;
	v5 =	vadd.f32 $1.000000000e+00, v19;
	(erf) = vrcp.f32 v62  }
0x677: {  	v32 =	vld [tilespmem:s18+$0xFFFFFF00];
	[tilespmem:s9+$0xFFFFFE40] =	vst v1;
	v1 =	vmul.f32 v15, v52;
	(erf) = vrcp.f32 v7  }
0x678: {  	v30 =	vld [tilespmem:s31+$0x0];
	[tilespmem:s9+$0xFFFFFE80] =	vst v4;
	v4 =	vmul.f32 v16, v53;
	(erf) = vrcp.f32 v5  }
0x679: {  	v33 =	vld [tilespmem:s18+$0xFFFFFF80];
	[tilespmem:s9+$0xFFFFFEC0] =	vst v1;
	v1 =	vmul.f32 v14, v54  }
0x67a: {  	v45 =	vld [tilespmem:s16+$0xFFFFFE80];
	[tilespmem:s9+$0xFFFFFF00] =	vst v4;
	v4 =	vmul.f32 v13, v55  }
0x67b: {  	v35 =	vand.u32 $0xFFFF0000, v23;
	s2 =	rddreg [dreg:$0x19];
	[tilespmem:s9+$0xFFFFFF40] =	vst v1;
	v47 =	vld [tilespmem:s16+$0xFFFFFF00];
	v36 =	vpop (erf)  }
0x67c: {  	v34 =	vld [tilespmem:s2+$0x0];
	s3 =	rddreg [dreg:$0x16];
	[tilespmem:s9+$0xFFFFFF80] =	vst v4;
	v4 =	vand.u32 $0xFFFF0000, v22;
	v14 =	vmul.f32 v35, v36;
	v37 =	vpop (erf)  }
0x67d: {  	v39 =	vand.u32 $0xFFFF0000, v21;
	s0 =	sadd.s32 $0x2E00, s0;
	v1 =	vld [tilespmem:s3+$0x0];
	v40 =	vpop (erf);
	v4 =	vmul.f32 v4, v37  }
0x67e: {  	s1 =	sadd.s32 s1, s0;
	s8 =	rddreg [dreg:$0x12];
	v50 =	vld [tilespmem:s16+$0xFFFFFF80];
	[tilespmem:s4+$0xFFFFFE40] =	vst v14;
	v17 =	vmul.f32 v39, v40  }
0x67f: {  	v42 =	vand.u32 $0xFFFF0000, v20;
	v26 =	vld [tilespmem:s1+$0x0];
	v43 =	vpop (erf);
	[tilespmem:s4+$0xFFFFFE80] =	vst v4  }
0x680: {  	v44 =	vand.u32 $0xFFFF0000, v24;
	v5 =	vld [tilespmem:s18+$0xFFFFFE80];
	v46 =	vpop (erf);
	v4 =	vmul.f32 v42, v43;
	[tilespmem:s4+$0xFFFFFEC0] =	vst v17  }
0x681: {  	v12 =	vand.u32 $0xFFFF0000, v12;
	v38 =	vld [tilespmem:s8+$0x0];
	v48 =	vpop (erf);
	v49 =	vmul.f32 v44, v46;
	s2 =	rddreg [dreg:$0x4]  }
0x682: {  	s15 =	sadd.s32 $0x40, s7;
	v31 =	vld [tilespmem:s21+$0x0];
	s9 =	rddreg [dreg:$0x6];
	[tilespmem:s4+$0xFFFFFF00] =	vst v4;
	v4 =	vmul.f32 v12, v48;
	s2 =	sadd.s32 $0x100, s2  }
0x683: {  	v55 =	vld [tilespmem:s26+$0xFFFFFE80];
	s1 =	sadd.s32 s9, s0;
	s10 =	rddreg [dreg:$0x5];
	[tilespmem:s4+$0xFFFFFF40] =	vst v49;
	s2 =	sand.u32 $0x600, s2  }
0x684: {  	v53 =	vshll.u32 v41, $0x10;
	v51 =	vld [tilespmem:s1+$0x0];
	s1 =	sadd.s32 s10, s0;
	s3 =	rddreg [dreg:$0x7];
	[tilespmem:s4+$0xFFFFFF80] =	vst v4;
	v4 =	vshll.u32 v26, $0x10;
	s11 =	sshrl.u32 s2, $0x2  }
0x685: {  	v11 =	vshll.u32 v63, $0x10;
	s16 =	sand.u32 $0x70, s15;
	v5 =	vshll.u32 v5, $0x10;
	s0 =	sadd.s32 s3, s0;
	v52 =	vld [tilespmem:s1+$0x0];
	v4 =	vadd.f32 v53, v4;
	s1 =	sor.u32 $0xAC00, s11  }
0x686: {  	v8 =	vshll.u32 v32, $0x10;
	v6 =	vshll.u32 v30, $0x10;
	v5 =	vadd.f32 v5, v11;
	v54 =	vld [tilespmem:s0+$0x0];
	s0 =	sor.u32 s16, s1  }
0x687: {  	v56 =	vshll.u32 v33, $0x10;
	v6 =	vadd.f32 v8, v6;
	v57 =	vld [tilespmem:s26+$0xFFFFFF00];
	[tilespmem:s0+$0x0] =	vst v4;
	v4 =	vshll.u32 v31, $0x10  }
0x688: {  	v58 =	vshll.u32 v34, $0x10;
	v59 =	vshll.u32 v45, $0x10;
	[tilespmem:s13+$0x0] =	vst v5;
	v5 =	vld [tilespmem:s26+$0xFFFFFF80];
	v4 =	vadd.f32 v56, v4  }
0x689: {  	v1 =	vshll.u32 v1, $0x10;
	v60 =	vshll.u32 v47, $0x10;
	v7 =	vadd.f32 v59, v58;
	[tilespmem:s12+$0x0] =	vst v6  }
0x68a: {  	v1 =	vadd.f32 v60, v1;
	v61 =	vshll.u32 v50, $0x10;
	[tilespmem:s6+$0x0] =	vst v4;
	v4 =	vshll.u32 v38, $0x10  }
0x68b: {  	s17 =	sadd.s32 $0xFFFFFFD0, s15;
	[tilespmem:s19+$0x0] =	vst v7;
	v63 =	vshll.u32 v55, $0x10;
	v62 =	vshll.u32 v51, $0x10;
	v4 =	vadd.f32 v61, v4  }
0x68c: {  	s18 =	sadd.s32 $0xFFFFFFE0, s15;
	[tilespmem:s14+$0x0] =	vst v1;
	s0 =	sand.u32 $0x40, s17;
	v8 =	vshll.u32 v57, $0x10;
	v1 =	vshll.u32 v52, $0x10;
	v6 =	vadd.f32 v63, v62  }
0x68d: {  	s2 =	sadd.s32 $0xFFFFFFF0, s15;
	s3 =	sand.u32 $0x50, s18;
	s0 =	sor.u32 s0, s1;
	v5 =	vshll.u32 v5, $0x10;
	v1 =	vadd.f32 v8, v1;
	[tilespmem:s5+$0x0] =	vst v4;
	v4 =	vshll.u32 v54, $0x10  }
0x68e: {  	s19 =	sand.u32 $0x60, s2;
	s20 =	sor.u32 s3, s1;
	[tilespmem:s0+$0x0] =	vst v6;
	v4 =	vadd.f32 v5, v4  }
0x68f: {  	s22 =	simm.s32 $0x20;
	s23 =	simm.s32 $0x980;
	s0 =	sor.u32 s19, s1;
	[tilespmem:s20+$0x0] =	vst v1  }
0x690: {  	s24 =	simm.s32 $0x9A00;
	s25 =	simm.s32 $0x8;
	s21 =	rddreg [dreg:$0x2];
	[tilespmem:s0+$0x0] =	vst v4  }
0x691: {  	[spmem:s21] =	stream.indirect.scatter.add.f32 [tilespmem:s24], [sflag:$0x8], $0x80, s23, s22, $0xb8;
	[tilespmem:$0x1E680] =	vst v63  }
0x692: {  	_ =	swait.ge [sflag:s25], $0x1000  }
0x693: {  	s26 =	sld [smem:$0x7D8];
	_ =	sdelay $0x1  }
0x694: {  	s28 =	sld [smem:$0x7DB]  }
0x695: {  	s0 =	sshll.u32 s26, $0x7  }
0x696: {  	s30 =	simm.s32 $0xAA00;
	[sflag:s25] =	ssyncset.done $0x0;
	s0 =	sand.u32 $0x1FFFFF80, s0  }
0x697: {  	s29 =	simm.s32 $0x0;
	[sflag:s25] =	ssyncadd.s32 $0xFFFFF000;
	s0 =	sadd.s32 s28, s0  }
0x698: {  	[hbm4b:s0+s29] =	stream.linear.scatter [tilespmem:s30], [sflag:$0x7], $0x400, $0x38;
	[tilespmem:$0x1E680] =	vst v63  }
.Ltmp9:
0x699: {  	s31 =	simm.s32 $0x7;
	(pc) =	sbr.rel .LBB2_12-.Ltmp9, $4  }
0x69a: {  	_ =	swait.ge [sflag:s31], $0x400  }
0x69b: {  	s5 =	sld [smem:$0x7D7]  }
0x69c: {  	[sflag:s31] =	ssyncset.done $0x0  }
0x69d: {  	s7 =	sld [smem:$0x7FC];
	[sflag:s31] =	ssyncadd.s32 $0xFFFFFC00  }
.LBB2_14:
0x69e: {  	_ =	sfence.sel $0x180000  }
0x69f: {  	[bflag:$0x0] =	sbarrier.arrive $0xFFFF  }
0x6a0: {  	_ =	strace $0x90000047  }
0x6a1: {  	[bflag:$0x2] =	sbarrier.arrive $0xFFFF  }
0x6a2: {  	s0 =	rddreg [dreg:$0x3]  }
0x6a3: {  	s0 =	sadd.s32 @!p0 $0x100000, s0  }
0x6a4: {  	[sflag:s0] =	ssyncadd.tile.s32 @!p0 $0x1;
	_ =	shalt  }
.Lfunc_end2:
_tile_overlayer_lowered:
.L_overlay_start_2:
0x6a5: {  	(tag) =	ssettag $0x2  }
0x6a6: {  	s0 =	rddreg [dreg:$0x0];
	s2 =	stileid.u32  }
0x6a7: {  	s1 =	rddreg [dreg:$0x1];
	p0 =	sne.s32 s2, $0x0  }
0x6a8: {  	s3 =	rddreg [dreg:$0x2];
	[bflag:$0x3] =	sbarrier.arrive $0xFFFF;
	s2 =	simm.s32 @!p0 $0x1C07  }
0x6a9: {  	[timem:s3], [sflag:s2] =	dma.local @!p0 [hbm:s0], s1  }
0x6aa: {  	s0 =	simm.s32 @!p0 $0x7  }
0x6ab: {  	_ =	swait.ge @!p0 [sflag:s0], s1  }
0x6ac: {  	s1 =	ssub.s32 @!p0 $0x0, s1;
	[sflag:s0] =	ssyncset.done @!p0 $0x0  }
0x6ad: {  	[sflag:s0] =	ssyncadd.s32 @!p0 s1  }
0x6ae: {  	[bflag:$0x3] =	sbarrier.arrive $0xFFFF  }
0x6af: {  	_ =	shalt  }

</sc_bundles>
